<compile_context>
chip_gen: v7x
topology: tpu7x:2x2x1
jax: 0.10.2.dev20260603
libtpu: 0.0.44.dev20260713+nightly
codegen_flags: <defaults>
</compile_context>

<pallas_src>
import functools

import jax
import jax.numpy as jnp
from jax import lax
from jax.experimental import pallas as pl
from jax.experimental.pallas import tpu as pltpu
from jax.experimental.pallas import tpu_sc as plsc

N = 10000
E = 320000
CH = 128
EROWS = E // CH
NW = 32
ROWS_PER_W = 78
SB = 13
SUPERS = ROWS_PER_W // SB
D_HID = 16
NPT = N // 16
NF = N // 8

_mesh = plsc.VectorSubcoreMesh(core_axis_name="c", subcore_axis_name="s")
_sc_params = pltpu.CompilerParams(
    needs_layout_passes=False, use_tc_tiling_on_sc=False
)


@functools.partial(
    pl.kernel,
    mesh=_mesh,
    out_type=jax.ShapeDtypeStruct((NW, N), jnp.int32),
    compiler_params=_sc_params,
    scratch_types=[
        pltpu.VMEM((N,), jnp.int32),
        pltpu.VMEM((SB, CH), jnp.int32),
    ],
)
def _hist_sc(dstM, out, hist, dbuf):
    c = lax.axis_index("c")
    s = lax.axis_index("s")
    w = s * 2 + c
    zero16 = jnp.zeros((16,), jnp.int32)

    def zbody(i, carry):
        hist[pl.ds(i * 16, 16)] = zero16
        return carry

    lax.fori_loop(0, N // 16, zbody, 0)

    ones16 = jnp.ones((16,), jnp.int32)

    def count_row(row):
        for k in range(CH // 16):
            d = row[pl.ds(k * 16, 16)]
            plsc.addupdate_scatter(hist, [d], ones16)

    def rbody(i, carry):
        r0 = w * ROWS_PER_W + i * SB
        pltpu.sync_copy(dstM.at[pl.ds(r0, SB)], dbuf)

        def jbody(j, carry2):
            count_row(dbuf.at[j])
            return carry2

        lax.fori_loop(0, SB, jbody, 0)
        return carry

    lax.fori_loop(0, SUPERS, rbody, 0)

    @pl.when(w < EROWS - NW * ROWS_PER_W)
    def _tail():
        pltpu.sync_copy(dstM.at[pl.ds(NW * ROWS_PER_W + w, 1)], dbuf.at[pl.ds(0, 1)])
        count_row(dbuf.at[0])

    pltpu.sync_copy(hist, out.at[w])


@functools.partial(
    pl.kernel,
    mesh=_mesh,
    out_type=jax.ShapeDtypeStruct((2, N, D_HID), jnp.float32),
    compiler_params=_sc_params,
    scratch_types=[
        pltpu.VMEM_SHARED((N, D_HID), jnp.float32),
        pltpu.VMEM_SHARED((N, D_HID), jnp.float32),
        pltpu.VMEM((SB, CH), jnp.int32),
        pltpu.VMEM((SB, CH), jnp.int32),
        pltpu.VMEM((SB, CH, D_HID), jnp.float32),
        pltpu.SemaphoreType.DMA,
        pltpu.SemaphoreType.DMA,
    ],
)
def _prop_sc(g, srcM, dstM, zeros, out, acc, gtab, sbuf, dbuf, rows, gsem, ssem):
    c = lax.axis_index("c")
    s = lax.axis_index("s")
    w = s * 2 + c
    pltpu.sync_copy(g.at[pl.ds(s * NPT, NPT)], gtab.at[pl.ds(s * NPT, NPT)])
    pltpu.sync_copy(zeros.at[pl.ds(s * NPT, NPT)], acc.at[pl.ds(s * NPT, NPT)])
    plsc.subcore_barrier()

    def rbody(i, carry):
        r0 = w * ROWS_PER_W + i * SB
        pltpu.sync_copy(srcM.at[pl.ds(r0, SB)], sbuf)
        pltpu.sync_copy(dstM.at[pl.ds(r0, SB)], dbuf)
        gds = [
            pltpu.async_copy(gtab.at[sbuf.at[j]], rows.at[j], gsem)
            for j in range(SB)
        ]
        for d in gds:
            d.wait()
        sds = [
            pltpu.async_copy(rows.at[j], acc.at[dbuf.at[j]], ssem, add=True)
            for j in range(SB)
        ]
        for d in sds:
            d.wait()
        return carry

    lax.fori_loop(0, SUPERS, rbody, 0)

    @pl.when(w < EROWS - NW * ROWS_PER_W)
    def _tail():
        r = NW * ROWS_PER_W + w
        pltpu.sync_copy(srcM.at[pl.ds(r, 1)], sbuf.at[pl.ds(0, 1)])
        pltpu.sync_copy(dstM.at[pl.ds(r, 1)], dbuf.at[pl.ds(0, 1)])
        pltpu.async_copy(gtab.at[sbuf.at[0]], rows.at[0], gsem).wait()
        pltpu.async_copy(rows.at[0], acc.at[dbuf.at[0]], ssem, add=True).wait()

    plsc.subcore_barrier()
    pltpu.sync_copy(
        acc.at[pl.ds(s * NPT, NPT)],
        out.at[c, pl.ds(s * NPT, NPT)],
    )




def _dis_body(hist_ref, dis_ref):
    deg = jnp.sum(hist_ref[...], axis=0, keepdims=True).astype(jnp.float32) + 1.0
    dis_ref[...] = lax.rsqrt(deg)


def _mm1_body(x_ref, w_ref, d8_ref, sel_ref, g_ref, dis_ref):
    dis = jnp.dot(d8_ref[...], sel_ref[...], preferred_element_type=jnp.float32,
                  precision=lax.Precision.HIGHEST)
    dis_ref[...] = dis
    h = jnp.dot(x_ref[...], w_ref[...], preferred_element_type=jnp.float32,
                precision=lax.Precision.HIGHEST)
    g_ref[...] = h * dis


def _act_body(a_ref, g_ref, dis_ref, b_ref, o_ref):
    dis = dis_ref[...]
    acc = a_ref[0] + a_ref[1] + g_ref[...]
    o_ref[...] = jnp.maximum(acc * dis + b_ref[...], 0.0) * dis


def _mm2_body(a_ref, g_ref, dis_ref, w_ref, b_ref, o_ref):
    p = (a_ref[0] + a_ref[1] + g_ref[...]) * dis_ref[...]
    o_ref[...] = (
        jnp.dot(p, w_ref[...], preferred_element_type=jnp.float32,
                precision=lax.Precision.HIGHEST)
        + b_ref[...]
    )


def _dis_row(hist):
    return pl.pallas_call(
        _dis_body,
        out_shape=jax.ShapeDtypeStruct((1, N), jnp.float32),
    )(hist)


def _mm1(x_r, W1_big, d8, sel):
    return pl.pallas_call(
        _mm1_body,
        out_shape=[
            jax.ShapeDtypeStruct((NF, 128), jnp.float32),
            jax.ShapeDtypeStruct((NF, 128), jnp.float32),
        ],
    )(x_r, W1_big, d8, sel)


def _act(acc, g1, dis, b1_flat):
    return pl.pallas_call(
        _act_body,
        out_shape=jax.ShapeDtypeStruct((NF, 128), jnp.float32),
    )(acc, g1, dis, b1_flat)


def _mm2(acc, g2, dis, W2_big, b2_big):
    return pl.pallas_call(
        _mm2_body,
        out_shape=jax.ShapeDtypeStruct((NF, 1024), jnp.float32),
    )(acc, g2, dis, W2_big, b2_big)


def kernel(x, edge_index, W1, b1, W2, b2):
    ei = edge_index.astype(jnp.int32)
    srcM = ei[0].reshape(EROWS, CH)
    dstM = ei[1].reshape(EROWS, CH)

    x_r = x.reshape(NF, 1024)
    eye8 = jnp.eye(8, dtype=jnp.float32)
    W1_big = jnp.kron(eye8, W1)
    W2_big = jnp.kron(eye8, W2)
    b1_flat = jnp.tile(b1, 8).reshape(1, 128)
    b2_big = jnp.tile(b2, 8).reshape(1, 1024)
    zeros = jnp.zeros((N, D_HID), jnp.float32)

    sel = jnp.kron(eye8, jnp.ones((1, 16), jnp.float32))
    hist = _hist_sc(dstM)
    d8 = _dis_row(hist).reshape(NF, 8)

    g1, dis = _mm1(x_r, W1_big, d8, sel)
    acc1 = _prop_sc(g1.reshape(N, D_HID), srcM, dstM, zeros)
    g2 = _act(acc1.reshape(2, NF, 128), g1, dis, b1_flat)
    acc2 = _prop_sc(g2.reshape(N, D_HID), srcM, dstM, zeros)
    out = _mm2(acc2.reshape(2, NF, 128), g2, dis, W2_big, b2_big)
    return out.reshape(N, 128)

# --- scband reference (transcript-rebuilt; emitter-appended) ---
"""Pipeline reference for scband-gcn-21062519619906 (READ-ONLY COPY).

The authoritative reference and input builder live on the scoring server;
editing this copy changes nothing except your own understanding.
"""

import jax, jax.numpy as jnp
import numpy as np


def _add_self_loops(edge_index, num_nodes):
    loop = jnp.arange(num_nodes, dtype=edge_index.dtype)
    loops = jnp.stack([loop, loop], axis=0)
    return jnp.concatenate([edge_index, loops], axis=1)


def _gcn_conv(x, edge_index, W, b):
    # GCNConv: out = D^{-1/2} A_hat D^{-1/2} (X W) + b, edges already include self-loops
    N = x.shape[0]
    src = edge_index[0]
    dst = edge_index[1]
    h = x @ W
    ones = jnp.ones(src.shape[0], dtype=h.dtype)
    deg = jax.ops.segment_sum(ones, dst, num_segments=N)
    deg_inv_sqrt = jnp.where(deg > 0, jax.lax.rsqrt(jnp.maximum(deg, 1e-12)), 0.0)
    norm = deg_inv_sqrt[src] * deg_inv_sqrt[dst]
    msg = h[src] * norm[:, None]
    out = jax.ops.segment_sum(msg, dst, num_segments=N)
    return out + b


def setup_inputs(seed: int = 0) -> dict:
    key = jax.random.key(seed)
    k1, k2, k3, k4, k5, k6 = jax.random.split(key, 6)
    N, E, d_in, d_hid, d_out = 10000, 320000, 128, 16, 128
    x = jax.random.normal(k1, (N, d_in), dtype=jnp.float32)
    edge_index = jax.random.randint(k2, (2, E), 0, N, dtype=jnp.int64)
    W1 = jax.random.normal(k3, (d_in, d_hid), dtype=jnp.float32) * (1.0 / np.sqrt(d_in))
    b1 = jnp.zeros((d_hid,), dtype=jnp.float32)
    W2 = jax.random.normal(k4, (d_hid, d_out), dtype=jnp.float32) * (1.0 / np.sqrt(d_hid))
    b2 = jnp.zeros((d_out,), dtype=jnp.float32)
    return {"x": x, "edge_index": edge_index, "W1": W1, "b1": b1, "W2": W2, "b2": b2}


def reference(x, edge_index, W1, b1, W2, b2):
    N = x.shape[0]
    ei = _add_self_loops(edge_index, N)
    h = _gcn_conv(x, ei, W1, b1)
    h = jax.nn.relu(h)
    ei2 = _add_self_loops(edge_index, N)
    out = _gcn_conv(h, ei2, W2, b2)
    return out

if __name__ == "__main__":
    import jax
    _d = setup_inputs()
    print(jax.jit(kernel)(*tuple(_d.values())))

</pallas_src>

<mosaic_0001>
#map = affine_map<(d0, d1) -> (0, 0)>
#map1 = affine_map<(d0, d1) -> (0, 0, 0)>
module attributes {stable_mosaic.version = 14 : i64} {
  func.func @_prop_sc(%arg0: i32, %arg1: i32, %arg2: memref<10000x16xf32, #tpu.memory_space<hbm>>, %arg3: memref<2500x128xi32, #tpu.memory_space<hbm>>, %arg4: memref<2500x128xi32, #tpu.memory_space<hbm>>, %arg5: memref<10000x16xf32, #tpu.memory_space<hbm>>, %arg6: memref<2x10000x16xf32, #tpu.memory_space<hbm>>, %arg7: memref<10000x16xf32, #tpu.memory_space<vmem_shared>>, %arg8: memref<10000x16xf32, #tpu.memory_space<vmem_shared>>, %arg9: memref<13x128xi32, #tpu.memory_space<vmem>>, %arg10: memref<13x128xi32, #tpu.memory_space<vmem>>, %arg11: memref<13x128x16xf32, #tpu.memory_space<vmem>>, %arg12: memref<!tpu.dma_semaphore, #tpu.memory_space<semaphore_mem>>, %arg13: memref<!tpu.dma_semaphore, #tpu.memory_space<semaphore_mem>>) attributes {dimension_semantics = [#tpu.dimension_semantics<core_parallel>, #tpu.dimension_semantics<subcore_parallel>], iteration_bounds = array<i64: 2, 16>, scalar_prefetch = 0 : i64, scratch_operands = 7 : i64, tpu.core_type = #tpu.core_type<sc_vector_subcore>, window_params = [{transform_indices = #map}, {transform_indices = #map}, {transform_indices = #map}, {transform_indices = #map}, {transform_indices = #map1}]} {
    %mul3A = arith.constant 2 : i32
    %mul3A_0 = arith.muli %arg1, %mul3A : i32
    %add3A = arith.addi %mul3A_0, %arg0 : i32
    %mul3A_1 = arith.constant 625 : i32
    %mul3A_2 = arith.muli %arg1, %mul3A_1 : i32
    %mul3A_3 = arith.constant 625 : i32
    %mul3A_4 = arith.muli %arg1, %mul3A_3 : i32
    "tpu.region"() ({
      %run_scoped3A = tpu.sem_alloc : memref<!tpu.dma_semaphore, #tpu.memory_space<semaphore_mem>>
      %dma_start3A = arith.constant 0 : i32
      %dma_start3A_21 = tpu.memref_slice %arg8[%mul3A_4, %dma_start3A] : memref<10000x16xf32, #tpu.memory_space<vmem_shared>> -> memref<625x16xf32, #tpu.memory_space<vmem_shared>>
      %dma_start3A_22 = arith.constant 0 : i32
      %dma_start3A_23 = tpu.memref_slice %arg2[%mul3A_2, %dma_start3A_22] : memref<10000x16xf32, #tpu.memory_space<hbm>> -> memref<625x16xf32, #tpu.memory_space<hbm>>
      tpu.enqueue_dma source(%dma_start3A_23 : memref<625x16xf32, #tpu.memory_space<hbm>>) target(%dma_start3A_21 : memref<625x16xf32, #tpu.memory_space<vmem_shared>>) target_semaphore(%run_scoped3A : memref<!tpu.dma_semaphore, #tpu.memory_space<semaphore_mem>>)
      %dma_wait3A = arith.constant 0 : i32
      %dma_wait3A_24 = tpu.memref_slice %arg8[%mul3A_4, %dma_wait3A] : memref<10000x16xf32, #tpu.memory_space<vmem_shared>> -> memref<625x16xf32, #tpu.memory_space<vmem_shared>>
      %dma_wait3A_25 = arith.constant 0 : i32
      %dma_wait3A_26 = tpu.memref_slice %arg2[%mul3A_2, %dma_wait3A_25] : memref<10000x16xf32, #tpu.memory_space<hbm>> -> memref<625x16xf32, #tpu.memory_space<hbm>>
      tpu.wait_dma2 semaphore(%run_scoped3A : memref<!tpu.dma_semaphore, #tpu.memory_space<semaphore_mem>>) src(%dma_wait3A_26 : memref<625x16xf32, #tpu.memory_space<hbm>>) dst(%dma_wait3A_24 : memref<625x16xf32, #tpu.memory_space<vmem_shared>>)
      tpu.yield
    }) : () -> ()
    %mul3A_5 = arith.constant 625 : i32
    %mul3A_6 = arith.muli %arg1, %mul3A_5 : i32
    %mul3A_7 = arith.constant 625 : i32
    %mul3A_8 = arith.muli %arg1, %mul3A_7 : i32
    "tpu.region"() ({
      %run_scoped3A = tpu.sem_alloc : memref<!tpu.dma_semaphore, #tpu.memory_space<semaphore_mem>>
      %dma_start3A = arith.constant 0 : i32
      %dma_start3A_21 = tpu.memref_slice %arg7[%mul3A_8, %dma_start3A] : memref<10000x16xf32, #tpu.memory_space<vmem_shared>> -> memref<625x16xf32, #tpu.memory_space<vmem_shared>>
      %dma_start3A_22 = arith.constant 0 : i32
      %dma_start3A_23 = tpu.memref_slice %arg5[%mul3A_6, %dma_start3A_22] : memref<10000x16xf32, #tpu.memory_space<hbm>> -> memref<625x16xf32, #tpu.memory_space<hbm>>
      tpu.enqueue_dma source(%dma_start3A_23 : memref<625x16xf32, #tpu.memory_space<hbm>>) target(%dma_start3A_21 : memref<625x16xf32, #tpu.memory_space<vmem_shared>>) target_semaphore(%run_scoped3A : memref<!tpu.dma_semaphore, #tpu.memory_space<semaphore_mem>>)
      %dma_wait3A = arith.constant 0 : i32
      %dma_wait3A_24 = tpu.memref_slice %arg7[%mul3A_8, %dma_wait3A] : memref<10000x16xf32, #tpu.memory_space<vmem_shared>> -> memref<625x16xf32, #tpu.memory_space<vmem_shared>>
      %dma_wait3A_25 = arith.constant 0 : i32
      %dma_wait3A_26 = tpu.memref_slice %arg5[%mul3A_6, %dma_wait3A_25] : memref<10000x16xf32, #tpu.memory_space<hbm>> -> memref<625x16xf32, #tpu.memory_space<hbm>>
      tpu.wait_dma2 semaphore(%run_scoped3A : memref<!tpu.dma_semaphore, #tpu.memory_space<semaphore_mem>>) src(%dma_wait3A_26 : memref<625x16xf32, #tpu.memory_space<hbm>>) dst(%dma_wait3A_24 : memref<625x16xf32, #tpu.memory_space<vmem_shared>>)
      tpu.yield
    }) : () -> ()
    %barrier3A = arith.constant 0 : index
    tpu.barrier barrier_id(%barrier3A)
    %scan3A = arith.constant 0 : i32
    %scan3A_9 = arith.constant 0 : i32
    %scan3A_10 = arith.constant 6 : i32
    %scan3A_11 = arith.addi %scan3A_9, %scan3A_10 : i32
    %scan3A_12 = arith.constant 1 : i32
    scf.for %scan3A_21 = %scan3A_9 to %scan3A_11 step %scan3A_12  : i32 {
      %mul3A_22 = arith.constant 78 : i32
      %mul3A_23 = arith.muli %add3A, %mul3A_22 : i32
      %mul3A_24 = arith.constant 13 : i32
      %mul3A_25 = arith.muli %scan3A_21, %mul3A_24 : i32
      %add3A_26 = arith.addi %mul3A_23, %mul3A_25 : i32
      "tpu.region"() ({
        %run_scoped3A = tpu.sem_alloc : memref<!tpu.dma_semaphore, #tpu.memory_space<semaphore_mem>>
        %dma_start3A_649 = arith.constant 0 : i32
        %dma_start3A_650 = tpu.memref_slice %arg3[%add3A_26, %dma_start3A_649] : memref<2500x128xi32, #tpu.memory_space<hbm>> -> memref<13x128xi32, #tpu.memory_space<hbm>>
        %dma_start3A_651 = arith.constant 0 : i32
        %dma_start3A_652 = tpu.memref_slice %arg3[%add3A_26, %dma_start3A_651] : memref<2500x128xi32, #tpu.memory_space<hbm>> -> memref<13x128xi32, #tpu.memory_space<hbm>>
        tpu.enqueue_dma source(%dma_start3A_652 : memref<13x128xi32, #tpu.memory_space<hbm>>) target(%arg9 : memref<13x128xi32, #tpu.memory_space<vmem>>) target_semaphore(%run_scoped3A : memref<!tpu.dma_semaphore, #tpu.memory_space<semaphore_mem>>)
        %dma_wait3A_653 = arith.constant 0 : i32
        %dma_wait3A_654 = tpu.memref_slice %arg3[%add3A_26, %dma_wait3A_653] : memref<2500x128xi32, #tpu.memory_space<hbm>> -> memref<13x128xi32, #tpu.memory_space<hbm>>
        %dma_wait3A_655 = arith.constant 0 : i32
        %dma_wait3A_656 = tpu.memref_slice %arg3[%add3A_26, %dma_wait3A_655] : memref<2500x128xi32, #tpu.memory_space<hbm>> -> memref<13x128xi32, #tpu.memory_space<hbm>>
        tpu.wait_dma2 semaphore(%run_scoped3A : memref<!tpu.dma_semaphore, #tpu.memory_space<semaphore_mem>>) src(%dma_wait3A_656 : memref<13x128xi32, #tpu.memory_space<hbm>>) dst(%arg9 : memref<13x128xi32, #tpu.memory_space<vmem>>)
        tpu.yield
      }) : () -> ()
      "tpu.region"() ({
        %run_scoped3A = tpu.sem_alloc : memref<!tpu.dma_semaphore, #tpu.memory_space<semaphore_mem>>
        %dma_start3A_649 = arith.constant 0 : i32
        %dma_start3A_650 = tpu.memref_slice %arg4[%add3A_26, %dma_start3A_649] : memref<2500x128xi32, #tpu.memory_space<hbm>> -> memref<13x128xi32, #tpu.memory_space<hbm>>
        %dma_start3A_651 = arith.constant 0 : i32
        %dma_start3A_652 = tpu.memref_slice %arg4[%add3A_26, %dma_start3A_651] : memref<2500x128xi32, #tpu.memory_space<hbm>> -> memref<13x128xi32, #tpu.memory_space<hbm>>
        tpu.enqueue_dma source(%dma_start3A_652 : memref<13x128xi32, #tpu.memory_space<hbm>>) target(%arg10 : memref<13x128xi32, #tpu.memory_space<vmem>>) target_semaphore(%run_scoped3A : memref<!tpu.dma_semaphore, #tpu.memory_space<semaphore_mem>>)
        %dma_wait3A_653 = arith.constant 0 : i32
        %dma_wait3A_654 = tpu.memref_slice %arg4[%add3A_26, %dma_wait3A_653] : memref<2500x128xi32, #tpu.memory_space<hbm>> -> memref<13x128xi32, #tpu.memory_space<hbm>>
        %dma_wait3A_655 = arith.constant 0 : i32
        %dma_wait3A_656 = tpu.memref_slice %arg4[%add3A_26, %dma_wait3A_655] : memref<2500x128xi32, #tpu.memory_space<hbm>> -> memref<13x128xi32, #tpu.memory_space<hbm>>
        tpu.wait_dma2 semaphore(%run_scoped3A : memref<!tpu.dma_semaphore, #tpu.memory_space<semaphore_mem>>) src(%dma_wait3A_656 : memref<13x128xi32, #tpu.memory_space<hbm>>) dst(%arg10 : memref<13x128xi32, #tpu.memory_space<vmem>>)
        tpu.yield
      }) : () -> ()
      %dma_start3A = arith.constant 0 : i32
      %dma_start3A_27 = arith.constant 0 : i32
      %dma_start3A_28 = arith.constant 0 : i32
      %dma_start3A_29 = arith.constant 0 : i32
      %dma_start3A_30 = tpu.memref_slice %arg11[%dma_start3A_27, %dma_start3A_28, %dma_start3A_29] : memref<13x128x16xf32, #tpu.memory_space<vmem>> -> memref<1x128x16xf32, #tpu.memory_space<vmem>>
      %dma_start3A_31 = tpu.memref_squeeze %dma_start3A_30 : memref<1x128x16xf32, #tpu.memory_space<vmem>> -> memref<128x16xf32, #tpu.memory_space<vmem>>
      %dma_start3A_32 = arith.constant 0 : i32
      %dma_start3A_33 = tpu.memref_slice %arg9[%dma_start3A, %dma_start3A_32] : memref<13x128xi32, #tpu.memory_space<vmem>> -> memref<1x128xi32, #tpu.memory_space<vmem>>
      %dma_start3A_34 = tpu.memref_squeeze %dma_start3A_33 : memref<1x128xi32, #tpu.memory_space<vmem>> -> memref<128xi32, #tpu.memory_space<vmem>>
      %dma_start3A_35 = arith.constant 0 : i32
      %dma_start3A_36 = arith.constant 0 : i32
      %dma_start3A_37 = tpu.memref_slice %arg8[%dma_start3A_35, %dma_start3A_36] : memref<10000x16xf32, #tpu.memory_space<vmem_shared>> -> memref<10000x16xf32, #tpu.memory_space<vmem_shared>>
      tpu.enqueue_indirect_dma source(%dma_start3A_37 : memref<10000x16xf32, #tpu.memory_space<vmem_shared>>) target(%dma_start3A_31 : memref<128x16xf32, #tpu.memory_space<vmem>>) offsets(%dma_start3A_34 : memref<128xi32, #tpu.memory_space<vmem>>) semaphore(%arg12 : memref<!tpu.dma_semaphore, #tpu.memory_space<semaphore_mem>>)
      %dma_start3A_38 = arith.constant 1 : i32
      %dma_start3A_39 = arith.constant 1 : i32
      %dma_start3A_40 = arith.constant 0 : i32
      %dma_start3A_41 = arith.constant 0 : i32
      %dma_start3A_42 = tpu.memref_slice %arg11[%dma_start3A_39, %dma_start3A_40, %dma_start3A_41] : memref<13x128x16xf32, #tpu.memory_space<vmem>> -> memref<1x128x16xf32, #tpu.memory_space<vmem>>
      %dma_start3A_43 = tpu.memref_squeeze %dma_start3A_42 : memref<1x128x16xf32, #tpu.memory_space<vmem>> -> memref<128x16xf32, #tpu.memory_space<vmem>>
      %dma_start3A_44 = arith.constant 0 : i32
      %dma_start3A_45 = tpu.memref_slice %arg9[%dma_start3A_38, %dma_start3A_44] : memref<13x128xi32, #tpu.memory_space<vmem>> -> memref<1x128xi32, #tpu.memory_space<vmem>>
      %dma_start3A_46 = tpu.memref_squeeze %dma_start3A_45 : memref<1x128xi32, #tpu.memory_space<vmem>> -> memref<128xi32, #tpu.memory_space<vmem>>
      %dma_start3A_47 = arith.constant 0 : i32
      %dma_start3A_48 = arith.constant 0 : i32
      %dma_start3A_49 = tpu.memref_slice %arg8[%dma_start3A_47, %dma_start3A_48] : memref<10000x16xf32, #tpu.memory_space<vmem_shared>> -> memref<10000x16xf32, #tpu.memory_space<vmem_shared>>
      tpu.enqueue_indirect_dma source(%dma_start3A_49 : memref<10000x16xf32, #tpu.memory_space<vmem_shared>>) target(%dma_start3A_43 : memref<128x16xf32, #tpu.memory_space<vmem>>) offsets(%dma_start3A_46 : memref<128xi32, #tpu.memory_space<vmem>>) semaphore(%arg12 : memref<!tpu.dma_semaphore, #tpu.memory_space<semaphore_mem>>)
      %dma_start3A_50 = arith.constant 2 : i32
      %dma_start3A_51 = arith.constant 2 : i32
      %dma_start3A_52 = arith.constant 0 : i32
      %dma_start3A_53 = arith.constant 0 : i32
      %dma_start3A_54 = tpu.memref_slice %arg11[%dma_start3A_51, %dma_start3A_52, %dma_start3A_53] : memref<13x128x16xf32, #tpu.memory_space<vmem>> -> memref<1x128x16xf32, #tpu.memory_space<vmem>>
      %dma_start3A_55 = tpu.memref_squeeze %dma_start3A_54 : memref<1x128x16xf32, #tpu.memory_space<vmem>> -> memref<128x16xf32, #tpu.memory_space<vmem>>
      %dma_start3A_56 = arith.constant 0 : i32
      %dma_start3A_57 = tpu.memref_slice %arg9[%dma_start3A_50, %dma_start3A_56] : memref<13x128xi32, #tpu.memory_space<vmem>> -> memref<1x128xi32, #tpu.memory_space<vmem>>
      %dma_start3A_58 = tpu.memref_squeeze %dma_start3A_57 : memref<1x128xi32, #tpu.memory_space<vmem>> -> memref<128xi32, #tpu.memory_space<vmem>>
      %dma_start3A_59 = arith.constant 0 : i32
      %dma_start3A_60 = arith.constant 0 : i32
      %dma_start3A_61 = tpu.memref_slice %arg8[%dma_start3A_59, %dma_start3A_60] : memref<10000x16xf32, #tpu.memory_space<vmem_shared>> -> memref<10000x16xf32, #tpu.memory_space<vmem_shared>>
      tpu.enqueue_indirect_dma source(%dma_start3A_61 : memref<10000x16xf32, #tpu.memory_space<vmem_shared>>) target(%dma_start3A_55 : memref<128x16xf32, #tpu.memory_space<vmem>>) offsets(%dma_start3A_58 : memref<128xi32, #tpu.memory_space<vmem>>) semaphore(%arg12 : memref<!tpu.dma_semaphore, #tpu.memory_space<semaphore_mem>>)
      %dma_start3A_62 = arith.constant 3 : i32
      %dma_start3A_63 = arith.constant 3 : i32
      %dma_start3A_64 = arith.constant 0 : i32
      %dma_start3A_65 = arith.constant 0 : i32
      %dma_start3A_66 = tpu.memref_slice %arg11[%dma_start3A_63, %dma_start3A_64, %dma_start3A_65] : memref<13x128x16xf32, #tpu.memory_space<vmem>> -> memref<1x128x16xf32, #tpu.memory_space<vmem>>
      %dma_start3A_67 = tpu.memref_squeeze %dma_start3A_66 : memref<1x128x16xf32, #tpu.memory_space<vmem>> -> memref<128x16xf32, #tpu.memory_space<vmem>>
      %dma_start3A_68 = arith.constant 0 : i32
      %dma_start3A_69 = tpu.memref_slice %arg9[%dma_start3A_62, %dma_start3A_68] : memref<13x128xi32, #tpu.memory_space<vmem>> -> memref<1x128xi32, #tpu.memory_space<vmem>>
      %dma_start3A_70 = tpu.memref_squeeze %dma_start3A_69 : memref<1x128xi32, #tpu.memory_space<vmem>> -> memref<128xi32, #tpu.memory_space<vmem>>
      %dma_start3A_71 = arith.constant 0 : i32
      %dma_start3A_72 = arith.constant 0 : i32
      %dma_start3A_73 = tpu.memref_slice %arg8[%dma_start3A_71, %dma_start3A_72] : memref<10000x16xf32, #tpu.memory_space<vmem_shared>> -> memref<10000x16xf32, #tpu.memory_space<vmem_shared>>
      tpu.enqueue_indirect_dma source(%dma_start3A_73 : memref<10000x16xf32, #tpu.memory_space<vmem_shared>>) target(%dma_start3A_67 : memref<128x16xf32, #tpu.memory_space<vmem>>) offsets(%dma_start3A_70 : memref<128xi32, #tpu.memory_space<vmem>>) semaphore(%arg12 : memref<!tpu.dma_semaphore, #tpu.memory_space<semaphore_mem>>)
      %dma_start3A_74 = arith.constant 4 : i32
      %dma_start3A_75 = arith.constant 4 : i32
      %dma_start3A_76 = arith.constant 0 : i32
      %dma_start3A_77 = arith.constant 0 : i32
      %dma_start3A_78 = tpu.memref_slice %arg11[%dma_start3A_75, %dma_start3A_76, %dma_start3A_77] : memref<13x128x16xf32, #tpu.memory_space<vmem>> -> memref<1x128x16xf32, #tpu.memory_space<vmem>>
      %dma_start3A_79 = tpu.memref_squeeze %dma_start3A_78 : memref<1x128x16xf32, #tpu.memory_space<vmem>> -> memref<128x16xf32, #tpu.memory_space<vmem>>
      %dma_start3A_80 = arith.constant 0 : i32
      %dma_start3A_81 = tpu.memref_slice %arg9[%dma_start3A_74, %dma_start3A_80] : memref<13x128xi32, #tpu.memory_space<vmem>> -> memref<1x128xi32, #tpu.memory_space<vmem>>
      %dma_start3A_82 = tpu.memref_squeeze %dma_start3A_81 : memref<1x128xi32, #tpu.memory_space<vmem>> -> memref<128xi32, #tpu.memory_space<vmem>>
      %dma_start3A_83 = arith.constant 0 : i32
      %dma_start3A_84 = arith.constant 0 : i32
      %dma_start3A_85 = tpu.memref_slice %arg8[%dma_start3A_83, %dma_start3A_84] : memref<10000x16xf32, #tpu.memory_space<vmem_shared>> -> memref<10000x16xf32, #tpu.memory_space<vmem_shared>>
      tpu.enqueue_indirect_dma source(%dma_start3A_85 : memref<10000x16xf32, #tpu.memory_space<vmem_shared>>) target(%dma_start3A_79 : memref<128x16xf32, #tpu.memory_space<vmem>>) offsets(%dma_start3A_82 : memref<128xi32, #tpu.memory_space<vmem>>) semaphore(%arg12 : memref<!tpu.dma_semaphore, #tpu.memory_space<semaphore_mem>>)
      %dma_start3A_86 = arith.constant 5 : i32
      %dma_start3A_87 = arith.constant 5 : i32
      %dma_start3A_88 = arith.constant 0 : i32
      %dma_start3A_89 = arith.constant 0 : i32
      %dma_start3A_90 = tpu.memref_slice %arg11[%dma_start3A_87, %dma_start3A_88, %dma_start3A_89] : memref<13x128x16xf32, #tpu.memory_space<vmem>> -> memref<1x128x16xf32, #tpu.memory_space<vmem>>
      %dma_start3A_91 = tpu.memref_squeeze %dma_start3A_90 : memref<1x128x16xf32, #tpu.memory_space<vmem>> -> memref<128x16xf32, #tpu.memory_space<vmem>>
      %dma_start3A_92 = arith.constant 0 : i32
      %dma_start3A_93 = tpu.memref_slice %arg9[%dma_start3A_86, %dma_start3A_92] : memref<13x128xi32, #tpu.memory_space<vmem>> -> memref<1x128xi32, #tpu.memory_space<vmem>>
      %dma_start3A_94 = tpu.memref_squeeze %dma_start3A_93 : memref<1x128xi32, #tpu.memory_space<vmem>> -> memref<128xi32, #tpu.memory_space<vmem>>
      %dma_start3A_95 = arith.constant 0 : i32
      %dma_start3A_96 = arith.constant 0 : i32
      %dma_start3A_97 = tpu.memref_slice %arg8[%dma_start3A_95, %dma_start3A_96] : memref<10000x16xf32, #tpu.memory_space<vmem_shared>> -> memref<10000x16xf32, #tpu.memory_space<vmem_shared>>
      tpu.enqueue_indirect_dma source(%dma_start3A_97 : memref<10000x16xf32, #tpu.memory_space<vmem_shared>>) target(%dma_start3A_91 : memref<128x16xf32, #tpu.memory_space<vmem>>) offsets(%dma_start3A_94 : memref<128xi32, #tpu.memory_space<vmem>>) semaphore(%arg12 : memref<!tpu.dma_semaphore, #tpu.memory_space<semaphore_mem>>)
      %dma_start3A_98 = arith.constant 6 : i32
      %dma_start3A_99 = arith.constant 6 : i32
      %dma_start3A_100 = arith.constant 0 : i32
      %dma_start3A_101 = arith.constant 0 : i32
      %dma_start3A_102 = tpu.memref_slice %arg11[%dma_start3A_99, %dma_start3A_100, %dma_start3A_101] : memref<13x128x16xf32, #tpu.memory_space<vmem>> -> memref<1x128x16xf32, #tpu.memory_space<vmem>>
      %dma_start3A_103 = tpu.memref_squeeze %dma_start3A_102 : memref<1x128x16xf32, #tpu.memory_space<vmem>> -> memref<128x16xf32, #tpu.memory_space<vmem>>
      %dma_start3A_104 = arith.constant 0 : i32
      %dma_start3A_105 = tpu.memref_slice %arg9[%dma_start3A_98, %dma_start3A_104] : memref<13x128xi32, #tpu.memory_space<vmem>> -> memref<1x128xi32, #tpu.memory_space<vmem>>
      %dma_start3A_106 = tpu.memref_squeeze %dma_start3A_105 : memref<1x128xi32, #tpu.memory_space<vmem>> -> memref<128xi32, #tpu.memory_space<vmem>>
      %dma_start3A_107 = arith.constant 0 : i32
      %dma_start3A_108 = arith.constant 0 : i32
      %dma_start3A_109 = tpu.memref_slice %arg8[%dma_start3A_107, %dma_start3A_108] : memref<10000x16xf32, #tpu.memory_space<vmem_shared>> -> memref<10000x16xf32, #tpu.memory_space<vmem_shared>>
      tpu.enqueue_indirect_dma source(%dma_start3A_109 : memref<10000x16xf32, #tpu.memory_space<vmem_shared>>) target(%dma_start3A_103 : memref<128x16xf32, #tpu.memory_space<vmem>>) offsets(%dma_start3A_106 : memref<128xi32, #tpu.memory_space<vmem>>) semaphore(%arg12 : memref<!tpu.dma_semaphore, #tpu.memory_space<semaphore_mem>>)
      %dma_start3A_110 = arith.constant 7 : i32
      %dma_start3A_111 = arith.constant 7 : i32
      %dma_start3A_112 = arith.constant 0 : i32
      %dma_start3A_113 = arith.constant 0 : i32
      %dma_start3A_114 = tpu.memref_slice %arg11[%dma_start3A_111, %dma_start3A_112, %dma_start3A_113] : memref<13x128x16xf32, #tpu.memory_space<vmem>> -> memref<1x128x16xf32, #tpu.memory_space<vmem>>
      %dma_start3A_115 = tpu.memref_squeeze %dma_start3A_114 : memref<1x128x16xf32, #tpu.memory_space<vmem>> -> memref<128x16xf32, #tpu.memory_space<vmem>>
      %dma_start3A_116 = arith.constant 0 : i32
      %dma_start3A_117 = tpu.memref_slice %arg9[%dma_start3A_110, %dma_start3A_116] : memref<13x128xi32, #tpu.memory_space<vmem>> -> memref<1x128xi32, #tpu.memory_space<vmem>>
      %dma_start3A_118 = tpu.memref_squeeze %dma_start3A_117 : memref<1x128xi32, #tpu.memory_space<vmem>> -> memref<128xi32, #tpu.memory_space<vmem>>
      %dma_start3A_119 = arith.constant 0 : i32
      %dma_start3A_120 = arith.constant 0 : i32
      %dma_start3A_121 = tpu.memref_slice %arg8[%dma_start3A_119, %dma_start3A_120] : memref<10000x16xf32, #tpu.memory_space<vmem_shared>> -> memref<10000x16xf32, #tpu.memory_space<vmem_shared>>
      tpu.enqueue_indirect_dma source(%dma_start3A_121 : memref<10000x16xf32, #tpu.memory_space<vmem_shared>>) target(%dma_start3A_115 : memref<128x16xf32, #tpu.memory_space<vmem>>) offsets(%dma_start3A_118 : memref<128xi32, #tpu.memory_space<vmem>>) semaphore(%arg12 : memref<!tpu.dma_semaphore, #tpu.memory_space<semaphore_mem>>)
      %dma_start3A_122 = arith.constant 8 : i32
      %dma_start3A_123 = arith.constant 8 : i32
      %dma_start3A_124 = arith.constant 0 : i32
      %dma_start3A_125 = arith.constant 0 : i32
      %dma_start3A_126 = tpu.memref_slice %arg11[%dma_start3A_123, %dma_start3A_124, %dma_start3A_125] : memref<13x128x16xf32, #tpu.memory_space<vmem>> -> memref<1x128x16xf32, #tpu.memory_space<vmem>>
      %dma_start3A_127 = tpu.memref_squeeze %dma_start3A_126 : memref<1x128x16xf32, #tpu.memory_space<vmem>> -> memref<128x16xf32, #tpu.memory_space<vmem>>
      %dma_start3A_128 = arith.constant 0 : i32
      %dma_start3A_129 = tpu.memref_slice %arg9[%dma_start3A_122, %dma_start3A_128] : memref<13x128xi32, #tpu.memory_space<vmem>> -> memref<1x128xi32, #tpu.memory_space<vmem>>
      %dma_start3A_130 = tpu.memref_squeeze %dma_start3A_129 : memref<1x128xi32, #tpu.memory_space<vmem>> -> memref<128xi32, #tpu.memory_space<vmem>>
      %dma_start3A_131 = arith.constant 0 : i32
      %dma_start3A_132 = arith.constant 0 : i32
      %dma_start3A_133 = tpu.memref_slice %arg8[%dma_start3A_131, %dma_start3A_132] : memref<10000x16xf32, #tpu.memory_space<vmem_shared>> -> memref<10000x16xf32, #tpu.memory_space<vmem_shared>>
      tpu.enqueue_indirect_dma source(%dma_start3A_133 : memref<10000x16xf32, #tpu.memory_space<vmem_shared>>) target(%dma_start3A_127 : memref<128x16xf32, #tpu.memory_space<vmem>>) offsets(%dma_start3A_130 : memref<128xi32, #tpu.memory_space<vmem>>) semaphore(%arg12 : memref<!tpu.dma_semaphore, #tpu.memory_space<semaphore_mem>>)
      %dma_start3A_134 = arith.constant 9 : i32
      %dma_start3A_135 = arith.constant 9 : i32
      %dma_start3A_136 = arith.constant 0 : i32
      %dma_start3A_137 = arith.constant 0 : i32
      %dma_start3A_138 = tpu.memref_slice %arg11[%dma_start3A_135, %dma_start3A_136, %dma_start3A_137] : memref<13x128x16xf32, #tpu.memory_space<vmem>> -> memref<1x128x16xf32, #tpu.memory_space<vmem>>
      %dma_start3A_139 = tpu.memref_squeeze %dma_start3A_138 : memref<1x128x16xf32, #tpu.memory_space<vmem>> -> memref<128x16xf32, #tpu.memory_space<vmem>>
      %dma_start3A_140 = arith.constant 0 : i32
      %dma_start3A_141 = tpu.memref_slice %arg9[%dma_start3A_134, %dma_start3A_140] : memref<13x128xi32, #tpu.memory_space<vmem>> -> memref<1x128xi32, #tpu.memory_space<vmem>>
      %dma_start3A_142 = tpu.memref_squeeze %dma_start3A_141 : memref<1x128xi32, #tpu.memory_space<vmem>> -> memref<128xi32, #tpu.memory_space<vmem>>
      %dma_start3A_143 = arith.constant 0 : i32
      %dma_start3A_144 = arith.constant 0 : i32
      %dma_start3A_145 = tpu.memref_slice %arg8[%dma_start3A_143, %dma_start3A_144] : memref<10000x16xf32, #tpu.memory_space<vmem_shared>> -> memref<10000x16xf32, #tpu.memory_space<vmem_shared>>
      tpu.enqueue_indirect_dma source(%dma_start3A_145 : memref<10000x16xf32, #tpu.memory_space<vmem_shared>>) target(%dma_start3A_139 : memref<128x16xf32, #tpu.memory_space<vmem>>) offsets(%dma_start3A_142 : memref<128xi32, #tpu.memory_space<vmem>>) semaphore(%arg12 : memref<!tpu.dma_semaphore, #tpu.memory_space<semaphore_mem>>)
      %dma_start3A_146 = arith.constant 10 : i32
      %dma_start3A_147 = arith.constant 10 : i32
      %dma_start3A_148 = arith.constant 0 : i32
      %dma_start3A_149 = arith.constant 0 : i32
      %dma_start3A_150 = tpu.memref_slice %arg11[%dma_start3A_147, %dma_start3A_148, %dma_start3A_149] : memref<13x128x16xf32, #tpu.memory_space<vmem>> -> memref<1x128x16xf32, #tpu.memory_space<vmem>>
      %dma_start3A_151 = tpu.memref_squeeze %dma_start3A_150 : memref<1x128x16xf32, #tpu.memory_space<vmem>> -> memref<128x16xf32, #tpu.memory_space<vmem>>
      %dma_start3A_152 = arith.constant 0 : i32
      %dma_start3A_153 = tpu.memref_slice %arg9[%dma_start3A_146, %dma_start3A_152] : memref<13x128xi32, #tpu.memory_space<vmem>> -> memref<1x128xi32, #tpu.memory_space<vmem>>
      %dma_start3A_154 = tpu.memref_squeeze %dma_start3A_153 : memref<1x128xi32, #tpu.memory_space<vmem>> -> memref<128xi32, #tpu.memory_space<vmem>>
      %dma_start3A_155 = arith.constant 0 : i32
      %dma_start3A_156 = arith.constant 0 : i32
      %dma_start3A_157 = tpu.memref_slice %arg8[%dma_start3A_155, %dma_start3A_156] : memref<10000x16xf32, #tpu.memory_space<vmem_shared>> -> memref<10000x16xf32, #tpu.memory_space<vmem_shared>>
      tpu.enqueue_indirect_dma source(%dma_start3A_157 : memref<10000x16xf32, #tpu.memory_space<vmem_shared>>) target(%dma_start3A_151 : memref<128x16xf32, #tpu.memory_space<vmem>>) offsets(%dma_start3A_154 : memref<128xi32, #tpu.memory_space<vmem>>) semaphore(%arg12 : memref<!tpu.dma_semaphore, #tpu.memory_space<semaphore_mem>>)
      %dma_start3A_158 = arith.constant 11 : i32
      %dma_start3A_159 = arith.constant 11 : i32
      %dma_start3A_160 = arith.constant 0 : i32
      %dma_start3A_161 = arith.constant 0 : i32
      %dma_start3A_162 = tpu.memref_slice %arg11[%dma_start3A_159, %dma_start3A_160, %dma_start3A_161] : memref<13x128x16xf32, #tpu.memory_space<vmem>> -> memref<1x128x16xf32, #tpu.memory_space<vmem>>
      %dma_start3A_163 = tpu.memref_squeeze %dma_start3A_162 : memref<1x128x16xf32, #tpu.memory_space<vmem>> -> memref<128x16xf32, #tpu.memory_space<vmem>>
      %dma_start3A_164 = arith.constant 0 : i32
      %dma_start3A_165 = tpu.memref_slice %arg9[%dma_start3A_158, %dma_start3A_164] : memref<13x128xi32, #tpu.memory_space<vmem>> -> memref<1x128xi32, #tpu.memory_space<vmem>>
      %dma_start3A_166 = tpu.memref_squeeze %dma_start3A_165 : memref<1x128xi32, #tpu.memory_space<vmem>> -> memref<128xi32, #tpu.memory_space<vmem>>
      %dma_start3A_167 = arith.constant 0 : i32
      %dma_start3A_168 = arith.constant 0 : i32
      %dma_start3A_169 = tpu.memref_slice %arg8[%dma_start3A_167, %dma_start3A_168] : memref<10000x16xf32, #tpu.memory_space<vmem_shared>> -> memref<10000x16xf32, #tpu.memory_space<vmem_shared>>
      tpu.enqueue_indirect_dma source(%dma_start3A_169 : memref<10000x16xf32, #tpu.memory_space<vmem_shared>>) target(%dma_start3A_163 : memref<128x16xf32, #tpu.memory_space<vmem>>) offsets(%dma_start3A_166 : memref<128xi32, #tpu.memory_space<vmem>>) semaphore(%arg12 : memref<!tpu.dma_semaphore, #tpu.memory_space<semaphore_mem>>)
      %dma_start3A_170 = arith.constant 12 : i32
      %dma_start3A_171 = arith.constant 12 : i32
      %dma_start3A_172 = arith.constant 0 : i32
      %dma_start3A_173 = arith.constant 0 : i32
      %dma_start3A_174 = tpu.memref_slice %arg11[%dma_start3A_171, %dma_start3A_172, %dma_start3A_173] : memref<13x128x16xf32, #tpu.memory_space<vmem>> -> memref<1x128x16xf32, #tpu.memory_space<vmem>>
      %dma_start3A_175 = tpu.memref_squeeze %dma_start3A_174 : memref<1x128x16xf32, #tpu.memory_space<vmem>> -> memref<128x16xf32, #tpu.memory_space<vmem>>
      %dma_start3A_176 = arith.constant 0 : i32
      %dma_start3A_177 = tpu.memref_slice %arg9[%dma_start3A_170, %dma_start3A_176] : memref<13x128xi32, #tpu.memory_space<vmem>> -> memref<1x128xi32, #tpu.memory_space<vmem>>
      %dma_start3A_178 = tpu.memref_squeeze %dma_start3A_177 : memref<1x128xi32, #tpu.memory_space<vmem>> -> memref<128xi32, #tpu.memory_space<vmem>>
      %dma_start3A_179 = arith.constant 0 : i32
      %dma_start3A_180 = arith.constant 0 : i32
      %dma_start3A_181 = tpu.memref_slice %arg8[%dma_start3A_179, %dma_start3A_180] : memref<10000x16xf32, #tpu.memory_space<vmem_shared>> -> memref<10000x16xf32, #tpu.memory_space<vmem_shared>>
      tpu.enqueue_indirect_dma source(%dma_start3A_181 : memref<10000x16xf32, #tpu.memory_space<vmem_shared>>) target(%dma_start3A_175 : memref<128x16xf32, #tpu.memory_space<vmem>>) offsets(%dma_start3A_178 : memref<128xi32, #tpu.memory_space<vmem>>) semaphore(%arg12 : memref<!tpu.dma_semaphore, #tpu.memory_space<semaphore_mem>>)
      %dma_wait3A = arith.constant 0 : i32
      %dma_wait3A_182 = arith.constant 0 : i32
      %dma_wait3A_183 = arith.constant 0 : i32
      %dma_wait3A_184 = arith.constant 0 : i32
      %dma_wait3A_185 = tpu.memref_slice %arg11[%dma_wait3A_182, %dma_wait3A_183, %dma_wait3A_184] : memref<13x128x16xf32, #tpu.memory_space<vmem>> -> memref<1x128x16xf32, #tpu.memory_space<vmem>>
      %dma_wait3A_186 = tpu.memref_squeeze %dma_wait3A_185 : memref<1x128x16xf32, #tpu.memory_space<vmem>> -> memref<128x16xf32, #tpu.memory_space<vmem>>
      %dma_wait3A_187 = arith.constant 0 : i32
      %dma_wait3A_188 = tpu.memref_slice %arg9[%dma_wait3A, %dma_wait3A_187] : memref<13x128xi32, #tpu.memory_space<vmem>> -> memref<1x128xi32, #tpu.memory_space<vmem>>
      %dma_wait3A_189 = tpu.memref_squeeze %dma_wait3A_188 : memref<1x128xi32, #tpu.memory_space<vmem>> -> memref<128xi32, #tpu.memory_space<vmem>>
      %dma_wait3A_190 = arith.constant 0 : i32
      %dma_wait3A_191 = arith.constant 0 : i32
      %dma_wait3A_192 = tpu.memref_slice %arg8[%dma_wait3A_190, %dma_wait3A_191] : memref<10000x16xf32, #tpu.memory_space<vmem_shared>> -> memref<10000x16xf32, #tpu.memory_space<vmem_shared>>
      tpu.wait_indirect_dma semaphore(%arg12 : memref<!tpu.dma_semaphore, #tpu.memory_space<semaphore_mem>>) src(%dma_wait3A_192 : memref<10000x16xf32, #tpu.memory_space<vmem_shared>>) dst(%dma_wait3A_186 : memref<128x16xf32, #tpu.memory_space<vmem>>)
      %dma_wait3A_193 = arith.constant 1 : i32
      %dma_wait3A_194 = arith.constant 1 : i32
      %dma_wait3A_195 = arith.constant 0 : i32
      %dma_wait3A_196 = arith.constant 0 : i32
      %dma_wait3A_197 = tpu.memref_slice %arg11[%dma_wait3A_194, %dma_wait3A_195, %dma_wait3A_196] : memref<13x128x16xf32, #tpu.memory_space<vmem>> -> memref<1x128x16xf32, #tpu.memory_space<vmem>>
      %dma_wait3A_198 = tpu.memref_squeeze %dma_wait3A_197 : memref<1x128x16xf32, #tpu.memory_space<vmem>> -> memref<128x16xf32, #tpu.memory_space<vmem>>
      %dma_wait3A_199 = arith.constant 0 : i32
      %dma_wait3A_200 = tpu.memref_slice %arg9[%dma_wait3A_193, %dma_wait3A_199] : memref<13x128xi32, #tpu.memory_space<vmem>> -> memref<1x128xi32, #tpu.memory_space<vmem>>
      %dma_wait3A_201 = tpu.memref_squeeze %dma_wait3A_200 : memref<1x128xi32, #tpu.memory_space<vmem>> -> memref<128xi32, #tpu.memory_space<vmem>>
      %dma_wait3A_202 = arith.constant 0 : i32
      %dma_wait3A_203 = arith.constant 0 : i32
      %dma_wait3A_204 = tpu.memref_slice %arg8[%dma_wait3A_202, %dma_wait3A_203] : memref<10000x16xf32, #tpu.memory_space<vmem_shared>> -> memref<10000x16xf32, #tpu.memory_space<vmem_shared>>
      tpu.wait_indirect_dma semaphore(%arg12 : memref<!tpu.dma_semaphore, #tpu.memory_space<semaphore_mem>>) src(%dma_wait3A_204 : memref<10000x16xf32, #tpu.memory_space<vmem_shared>>) dst(%dma_wait3A_198 : memref<128x16xf32, #tpu.memory_space<vmem>>)
      %dma_wait3A_205 = arith.constant 2 : i32
      %dma_wait3A_206 = arith.constant 2 : i32
      %dma_wait3A_207 = arith.constant 0 : i32
      %dma_wait3A_208 = arith.constant 0 : i32
      %dma_wait3A_209 = tpu.memref_slice %arg11[%dma_wait3A_206, %dma_wait3A_207, %dma_wait3A_208] : memref<13x128x16xf32, #tpu.memory_space<vmem>> -> memref<1x128x16xf32, #tpu.memory_space<vmem>>
      %dma_wait3A_210 = tpu.memref_squeeze %dma_wait3A_209 : memref<1x128x16xf32, #tpu.memory_space<vmem>> -> memref<128x16xf32, #tpu.memory_space<vmem>>
      %dma_wait3A_211 = arith.constant 0 : i32
      %dma_wait3A_212 = tpu.memref_slice %arg9[%dma_wait3A_205, %dma_wait3A_211] : memref<13x128xi32, #tpu.memory_space<vmem>> -> memref<1x128xi32, #tpu.memory_space<vmem>>
      %dma_wait3A_213 = tpu.memref_squeeze %dma_wait3A_212 : memref<1x128xi32, #tpu.memory_space<vmem>> -> memref<128xi32, #tpu.memory_space<vmem>>
      %dma_wait3A_214 = arith.constant 0 : i32
      %dma_wait3A_215 = arith.constant 0 : i32
      %dma_wait3A_216 = tpu.memref_slice %arg8[%dma_wait3A_214, %dma_wait3A_215] : memref<10000x16xf32, #tpu.memory_space<vmem_shared>> -> memref<10000x16xf32, #tpu.memory_space<vmem_shared>>
      tpu.wait_indirect_dma semaphore(%arg12 : memref<!tpu.dma_semaphore, #tpu.memory_space<semaphore_mem>>) src(%dma_wait3A_216 : memref<10000x16xf32, #tpu.memory_space<vmem_shared>>) dst(%dma_wait3A_210 : memref<128x16xf32, #tpu.memory_space<vmem>>)
      %dma_wait3A_217 = arith.constant 3 : i32
      %dma_wait3A_218 = arith.constant 3 : i32
      %dma_wait3A_219 = arith.constant 0 : i32
      %dma_wait3A_220 = arith.constant 0 : i32
      %dma_wait3A_221 = tpu.memref_slice %arg11[%dma_wait3A_218, %dma_wait3A_219, %dma_wait3A_220] : memref<13x128x16xf32, #tpu.memory_space<vmem>> -> memref<1x128x16xf32, #tpu.memory_space<vmem>>
      %dma_wait3A_222 = tpu.memref_squeeze %dma_wait3A_221 : memref<1x128x16xf32, #tpu.memory_space<vmem>> -> memref<128x16xf32, #tpu.memory_space<vmem>>
      %dma_wait3A_223 = arith.constant 0 : i32
      %dma_wait3A_224 = tpu.memref_slice %arg9[%dma_wait3A_217, %dma_wait3A_223] : memref<13x128xi32, #tpu.memory_space<vmem>> -> memref<1x128xi32, #tpu.memory_space<vmem>>
      %dma_wait3A_225 = tpu.memref_squeeze %dma_wait3A_224 : memref<1x128xi32, #tpu.memory_space<vmem>> -> memref<128xi32, #tpu.memory_space<vmem>>
      %dma_wait3A_226 = arith.constant 0 : i32
      %dma_wait3A_227 = arith.constant 0 : i32
      %dma_wait3A_228 = tpu.memref_slice %arg8[%dma_wait3A_226, %dma_wait3A_227] : memref<10000x16xf32, #tpu.memory_space<vmem_shared>> -> memref<10000x16xf32, #tpu.memory_space<vmem_shared>>
      tpu.wait_indirect_dma semaphore(%arg12 : memref<!tpu.dma_semaphore, #tpu.memory_space<semaphore_mem>>) src(%dma_wait3A_228 : memref<10000x16xf32, #tpu.memory_space<vmem_shared>>) dst(%dma_wait3A_222 : memref<128x16xf32, #tpu.memory_space<vmem>>)
      %dma_wait3A_229 = arith.constant 4 : i32
      %dma_wait3A_230 = arith.constant 4 : i32
      %dma_wait3A_231 = arith.constant 0 : i32
      %dma_wait3A_232 = arith.constant 0 : i32
      %dma_wait3A_233 = tpu.memref_slice %arg11[%dma_wait3A_230, %dma_wait3A_231, %dma_wait3A_232] : memref<13x128x16xf32, #tpu.memory_space<vmem>> -> memref<1x128x16xf32, #tpu.memory_space<vmem>>
      %dma_wait3A_234 = tpu.memref_squeeze %dma_wait3A_233 : memref<1x128x16xf32, #tpu.memory_space<vmem>> -> memref<128x16xf32, #tpu.memory_space<vmem>>
      %dma_wait3A_235 = arith.constant 0 : i32
      %dma_wait3A_236 = tpu.memref_slice %arg9[%dma_wait3A_229, %dma_wait3A_235] : memref<13x128xi32, #tpu.memory_space<vmem>> -> memref<1x128xi32, #tpu.memory_space<vmem>>
      %dma_wait3A_237 = tpu.memref_squeeze %dma_wait3A_236 : memref<1x128xi32, #tpu.memory_space<vmem>> -> memref<128xi32, #tpu.memory_space<vmem>>
      %dma_wait3A_238 = arith.constant 0 : i32
      %dma_wait3A_239 = arith.constant 0 : i32
      %dma_wait3A_240 = tpu.memref_slice %arg8[%dma_wait3A_238, %dma_wait3A_239] : memref<10000x16xf32, #tpu.memory_space<vmem_shared>> -> memref<10000x16xf32, #tpu.memory_space<vmem_shared>>
      tpu.wait_indirect_dma semaphore(%arg12 : memref<!tpu.dma_semaphore, #tpu.memory_space<semaphore_mem>>) src(%dma_wait3A_240 : memref<10000x16xf32, #tpu.memory_space<vmem_shared>>) dst(%dma_wait3A_234 : memref<128x16xf32, #tpu.memory_space<vmem>>)
      %dma_wait3A_241 = arith.constant 5 : i32
      %dma_wait3A_242 = arith.constant 5 : i32
      %dma_wait3A_243 = arith.constant 0 : i32
      %dma_wait3A_244 = arith.constant 0 : i32
      %dma_wait3A_245 = tpu.memref_slice %arg11[%dma_wait3A_242, %dma_wait3A_243, %dma_wait3A_244] : memref<13x128x16xf32, #tpu.memory_space<vmem>> -> memref<1x128x16xf32, #tpu.memory_space<vmem>>
      %dma_wait3A_246 = tpu.memref_squeeze %dma_wait3A_245 : memref<1x128x16xf32, #tpu.memory_space<vmem>> -> memref<128x16xf32, #tpu.memory_space<vmem>>
      %dma_wait3A_247 = arith.constant 0 : i32
      %dma_wait3A_248 = tpu.memref_slice %arg9[%dma_wait3A_241, %dma_wait3A_247] : memref<13x128xi32, #tpu.memory_space<vmem>> -> memref<1x128xi32, #tpu.memory_space<vmem>>
      %dma_wait3A_249 = tpu.memref_squeeze %dma_wait3A_248 : memref<1x128xi32, #tpu.memory_space<vmem>> -> memref<128xi32, #tpu.memory_space<vmem>>
      %dma_wait3A_250 = arith.constant 0 : i32
      %dma_wait3A_251 = arith.constant 0 : i32
      %dma_wait3A_252 = tpu.memref_slice %arg8[%dma_wait3A_250, %dma_wait3A_251] : memref<10000x16xf32, #tpu.memory_space<vmem_shared>> -> memref<10000x16xf32, #tpu.memory_space<vmem_shared>>
      tpu.wait_indirect_dma semaphore(%arg12 : memref<!tpu.dma_semaphore, #tpu.memory_space<semaphore_mem>>) src(%dma_wait3A_252 : memref<10000x16xf32, #tpu.memory_space<vmem_shared>>) dst(%dma_wait3A_246 : memref<128x16xf32, #tpu.memory_space<vmem>>)
      %dma_wait3A_253 = arith.constant 6 : i32
      %dma_wait3A_254 = arith.constant 6 : i32
      %dma_wait3A_255 = arith.constant 0 : i32
      %dma_wait3A_256 = arith.constant 0 : i32
      %dma_wait3A_257 = tpu.memref_slice %arg11[%dma_wait3A_254, %dma_wait3A_255, %dma_wait3A_256] : memref<13x128x16xf32, #tpu.memory_space<vmem>> -> memref<1x128x16xf32, #tpu.memory_space<vmem>>
      %dma_wait3A_258 = tpu.memref_squeeze %dma_wait3A_257 : memref<1x128x16xf32, #tpu.memory_space<vmem>> -> memref<128x16xf32, #tpu.memory_space<vmem>>
      %dma_wait3A_259 = arith.constant 0 : i32
      %dma_wait3A_260 = tpu.memref_slice %arg9[%dma_wait3A_253, %dma_wait3A_259] : memref<13x128xi32, #tpu.memory_space<vmem>> -> memref<1x128xi32, #tpu.memory_space<vmem>>
      %dma_wait3A_261 = tpu.memref_squeeze %dma_wait3A_260 : memref<1x128xi32, #tpu.memory_space<vmem>> -> memref<128xi32, #tpu.memory_space<vmem>>
      %dma_wait3A_262 = arith.constant 0 : i32
      %dma_wait3A_263 = arith.constant 0 : i32
      %dma_wait3A_264 = tpu.memref_slice %arg8[%dma_wait3A_262, %dma_wait3A_263] : memref<10000x16xf32, #tpu.memory_space<vmem_shared>> -> memref<10000x16xf32, #tpu.memory_space<vmem_shared>>
      tpu.wait_indirect_dma semaphore(%arg12 : memref<!tpu.dma_semaphore, #tpu.memory_space<semaphore_mem>>) src(%dma_wait3A_264 : memref<10000x16xf32, #tpu.memory_space<vmem_shared>>) dst(%dma_wait3A_258 : memref<128x16xf32, #tpu.memory_space<vmem>>)
      %dma_wait3A_265 = arith.constant 7 : i32
      %dma_wait3A_266 = arith.constant 7 : i32
      %dma_wait3A_267 = arith.constant 0 : i32
      %dma_wait3A_268 = arith.constant 0 : i32
      %dma_wait3A_269 = tpu.memref_slice %arg11[%dma_wait3A_266, %dma_wait3A_267, %dma_wait3A_268] : memref<13x128x16xf32, #tpu.memory_space<vmem>> -> memref<1x128x16xf32, #tpu.memory_space<vmem>>
      %dma_wait3A_270 = tpu.memref_squeeze %dma_wait3A_269 : memref<1x128x16xf32, #tpu.memory_space<vmem>> -> memref<128x16xf32, #tpu.memory_space<vmem>>
      %dma_wait3A_271 = arith.constant 0 : i32
      %dma_wait3A_272 = tpu.memref_slice %arg9[%dma_wait3A_265, %dma_wait3A_271] : memref<13x128xi32, #tpu.memory_space<vmem>> -> memref<1x128xi32, #tpu.memory_space<vmem>>
      %dma_wait3A_273 = tpu.memref_squeeze %dma_wait3A_272 : memref<1x128xi32, #tpu.memory_space<vmem>> -> memref<128xi32, #tpu.memory_space<vmem>>
      %dma_wait3A_274 = arith.constant 0 : i32
      %dma_wait3A_275 = arith.constant 0 : i32
      %dma_wait3A_276 = tpu.memref_slice %arg8[%dma_wait3A_274, %dma_wait3A_275] : memref<10000x16xf32, #tpu.memory_space<vmem_shared>> -> memref<10000x16xf32, #tpu.memory_space<vmem_shared>>
      tpu.wait_indirect_dma semaphore(%arg12 : memref<!tpu.dma_semaphore, #tpu.memory_space<semaphore_mem>>) src(%dma_wait3A_276 : memref<10000x16xf32, #tpu.memory_space<vmem_shared>>) dst(%dma_wait3A_270 : memref<128x16xf32, #tpu.memory_space<vmem>>)
      %dma_wait3A_277 = arith.constant 8 : i32
      %dma_wait3A_278 = arith.constant 8 : i32
      %dma_wait3A_279 = arith.constant 0 : i32
      %dma_wait3A_280 = arith.constant 0 : i32
      %dma_wait3A_281 = tpu.memref_slice %arg11[%dma_wait3A_278, %dma_wait3A_279, %dma_wait3A_280] : memref<13x128x16xf32, #tpu.memory_space<vmem>> -> memref<1x128x16xf32, #tpu.memory_space<vmem>>
      %dma_wait3A_282 = tpu.memref_squeeze %dma_wait3A_281 : memref<1x128x16xf32, #tpu.memory_space<vmem>> -> memref<128x16xf32, #tpu.memory_space<vmem>>
      %dma_wait3A_283 = arith.constant 0 : i32
      %dma_wait3A_284 = tpu.memref_slice %arg9[%dma_wait3A_277, %dma_wait3A_283] : memref<13x128xi32, #tpu.memory_space<vmem>> -> memref<1x128xi32, #tpu.memory_space<vmem>>
      %dma_wait3A_285 = tpu.memref_squeeze %dma_wait3A_284 : memref<1x128xi32, #tpu.memory_space<vmem>> -> memref<128xi32, #tpu.memory_space<vmem>>
      %dma_wait3A_286 = arith.constant 0 : i32
      %dma_wait3A_287 = arith.constant 0 : i32
      %dma_wait3A_288 = tpu.memref_slice %arg8[%dma_wait3A_286, %dma_wait3A_287] : memref<10000x16xf32, #tpu.memory_space<vmem_shared>> -> memref<10000x16xf32, #tpu.memory_space<vmem_shared>>
      tpu.wait_indirect_dma semaphore(%arg12 : memref<!tpu.dma_semaphore, #tpu.memory_space<semaphore_mem>>) src(%dma_wait3A_288 : memref<10000x16xf32, #tpu.memory_space<vmem_shared>>) dst(%dma_wait3A_282 : memref<128x16xf32, #tpu.memory_space<vmem>>)
      %dma_wait3A_289 = arith.constant 9 : i32
      %dma_wait3A_290 = arith.constant 9 : i32
      %dma_wait3A_291 = arith.constant 0 : i32
      %dma_wait3A_292 = arith.constant 0 : i32
      %dma_wait3A_293 = tpu.memref_slice %arg11[%dma_wait3A_290, %dma_wait3A_291, %dma_wait3A_292] : memref<13x128x16xf32, #tpu.memory_space<vmem>> -> memref<1x128x16xf32, #tpu.memory_space<vmem>>
      %dma_wait3A_294 = tpu.memref_squeeze %dma_wait3A_293 : memref<1x128x16xf32, #tpu.memory_space<vmem>> -> memref<128x16xf32, #tpu.memory_space<vmem>>
      %dma_wait3A_295 = arith.constant 0 : i32
      %dma_wait3A_296 = tpu.memref_slice %arg9[%dma_wait3A_289, %dma_wait3A_295] : memref<13x128xi32, #tpu.memory_space<vmem>> -> memref<1x128xi32, #tpu.memory_space<vmem>>
      %dma_wait3A_297 = tpu.memref_squeeze %dma_wait3A_296 : memref<1x128xi32, #tpu.memory_space<vmem>> -> memref<128xi32, #tpu.memory_space<vmem>>
      %dma_wait3A_298 = arith.constant 0 : i32
      %dma_wait3A_299 = arith.constant 0 : i32
      %dma_wait3A_300 = tpu.memref_slice %arg8[%dma_wait3A_298, %dma_wait3A_299] : memref<10000x16xf32, #tpu.memory_space<vmem_shared>> -> memref<10000x16xf32, #tpu.memory_space<vmem_shared>>
      tpu.wait_indirect_dma semaphore(%arg12 : memref<!tpu.dma_semaphore, #tpu.memory_space<semaphore_mem>>) src(%dma_wait3A_300 : memref<10000x16xf32, #tpu.memory_space<vmem_shared>>) dst(%dma_wait3A_294 : memref<128x16xf32, #tpu.memory_space<vmem>>)
      %dma_wait3A_301 = arith.constant 10 : i32
      %dma_wait3A_302 = arith.constant 10 : i32
      %dma_wait3A_303 = arith.constant 0 : i32
      %dma_wait3A_304 = arith.constant 0 : i32
      %dma_wait3A_305 = tpu.memref_slice %arg11[%dma_wait3A_302, %dma_wait3A_303, %dma_wait3A_304] : memref<13x128x16xf32, #tpu.memory_space<vmem>> -> memref<1x128x16xf32, #tpu.memory_space<vmem>>
      %dma_wait3A_306 = tpu.memref_squeeze %dma_wait3A_305 : memref<1x128x16xf32, #tpu.memory_space<vmem>> -> memref<128x16xf32, #tpu.memory_space<vmem>>
      %dma_wait3A_307 = arith.constant 0 : i32
      %dma_wait3A_308 = tpu.memref_slice %arg9[%dma_wait3A_301, %dma_wait3A_307] : memref<13x128xi32, #tpu.memory_space<vmem>> -> memref<1x128xi32, #tpu.memory_space<vmem>>
      %dma_wait3A_309 = tpu.memref_squeeze %dma_wait3A_308 : memref<1x128xi32, #tpu.memory_space<vmem>> -> memref<128xi32, #tpu.memory_space<vmem>>
      %dma_wait3A_310 = arith.constant 0 : i32
      %dma_wait3A_311 = arith.constant 0 : i32
      %dma_wait3A_312 = tpu.memref_slice %arg8[%dma_wait3A_310, %dma_wait3A_311] : memref<10000x16xf32, #tpu.memory_space<vmem_shared>> -> memref<10000x16xf32, #tpu.memory_space<vmem_shared>>
      tpu.wait_indirect_dma semaphore(%arg12 : memref<!tpu.dma_semaphore, #tpu.memory_space<semaphore_mem>>) src(%dma_wait3A_312 : memref<10000x16xf32, #tpu.memory_space<vmem_shared>>) dst(%dma_wait3A_306 : memref<128x16xf32, #tpu.memory_space<vmem>>)
      %dma_wait3A_313 = arith.constant 11 : i32
      %dma_wait3A_314 = arith.constant 11 : i32
      %dma_wait3A_315 = arith.constant 0 : i32
      %dma_wait3A_316 = arith.constant 0 : i32
      %dma_wait3A_317 = tpu.memref_slice %arg11[%dma_wait3A_314, %dma_wait3A_315, %dma_wait3A_316] : memref<13x128x16xf32, #tpu.memory_space<vmem>> -> memref<1x128x16xf32, #tpu.memory_space<vmem>>
      %dma_wait3A_318 = tpu.memref_squeeze %dma_wait3A_317 : memref<1x128x16xf32, #tpu.memory_space<vmem>> -> memref<128x16xf32, #tpu.memory_space<vmem>>
      %dma_wait3A_319 = arith.constant 0 : i32
      %dma_wait3A_320 = tpu.memref_slice %arg9[%dma_wait3A_313, %dma_wait3A_319] : memref<13x128xi32, #tpu.memory_space<vmem>> -> memref<1x128xi32, #tpu.memory_space<vmem>>
      %dma_wait3A_321 = tpu.memref_squeeze %dma_wait3A_320 : memref<1x128xi32, #tpu.memory_space<vmem>> -> memref<128xi32, #tpu.memory_space<vmem>>
      %dma_wait3A_322 = arith.constant 0 : i32
      %dma_wait3A_323 = arith.constant 0 : i32
      %dma_wait3A_324 = tpu.memref_slice %arg8[%dma_wait3A_322, %dma_wait3A_323] : memref<10000x16xf32, #tpu.memory_space<vmem_shared>> -> memref<10000x16xf32, #tpu.memory_space<vmem_shared>>
      tpu.wait_indirect_dma semaphore(%arg12 : memref<!tpu.dma_semaphore, #tpu.memory_space<semaphore_mem>>) src(%dma_wait3A_324 : memref<10000x16xf32, #tpu.memory_space<vmem_shared>>) dst(%dma_wait3A_318 : memref<128x16xf32, #tpu.memory_space<vmem>>)
      %dma_wait3A_325 = arith.constant 12 : i32
      %dma_wait3A_326 = arith.constant 12 : i32
      %dma_wait3A_327 = arith.constant 0 : i32
      %dma_wait3A_328 = arith.constant 0 : i32
      %dma_wait3A_329 = tpu.memref_slice %arg11[%dma_wait3A_326, %dma_wait3A_327, %dma_wait3A_328] : memref<13x128x16xf32, #tpu.memory_space<vmem>> -> memref<1x128x16xf32, #tpu.memory_space<vmem>>
      %dma_wait3A_330 = tpu.memref_squeeze %dma_wait3A_329 : memref<1x128x16xf32, #tpu.memory_space<vmem>> -> memref<128x16xf32, #tpu.memory_space<vmem>>
      %dma_wait3A_331 = arith.constant 0 : i32
      %dma_wait3A_332 = tpu.memref_slice %arg9[%dma_wait3A_325, %dma_wait3A_331] : memref<13x128xi32, #tpu.memory_space<vmem>> -> memref<1x128xi32, #tpu.memory_space<vmem>>
      %dma_wait3A_333 = tpu.memref_squeeze %dma_wait3A_332 : memref<1x128xi32, #tpu.memory_space<vmem>> -> memref<128xi32, #tpu.memory_space<vmem>>
      %dma_wait3A_334 = arith.constant 0 : i32
      %dma_wait3A_335 = arith.constant 0 : i32
      %dma_wait3A_336 = tpu.memref_slice %arg8[%dma_wait3A_334, %dma_wait3A_335] : memref<10000x16xf32, #tpu.memory_space<vmem_shared>> -> memref<10000x16xf32, #tpu.memory_space<vmem_shared>>
      tpu.wait_indirect_dma semaphore(%arg12 : memref<!tpu.dma_semaphore, #tpu.memory_space<semaphore_mem>>) src(%dma_wait3A_336 : memref<10000x16xf32, #tpu.memory_space<vmem_shared>>) dst(%dma_wait3A_330 : memref<128x16xf32, #tpu.memory_space<vmem>>)
      %dma_start3A_337 = arith.constant 0 : i32
      %dma_start3A_338 = arith.constant 0 : i32
      %dma_start3A_339 = arith.constant 0 : i32
      %dma_start3A_340 = arith.constant 0 : i32
      %dma_start3A_341 = tpu.memref_slice %arg11[%dma_start3A_337, %dma_start3A_339, %dma_start3A_340] : memref<13x128x16xf32, #tpu.memory_space<vmem>> -> memref<1x128x16xf32, #tpu.memory_space<vmem>>
      %dma_start3A_342 = tpu.memref_squeeze %dma_start3A_341 : memref<1x128x16xf32, #tpu.memory_space<vmem>> -> memref<128x16xf32, #tpu.memory_space<vmem>>
      %dma_start3A_343 = arith.constant 0 : i32
      %dma_start3A_344 = tpu.memref_slice %arg10[%dma_start3A_338, %dma_start3A_343] : memref<13x128xi32, #tpu.memory_space<vmem>> -> memref<1x128xi32, #tpu.memory_space<vmem>>
      %dma_start3A_345 = tpu.memref_squeeze %dma_start3A_344 : memref<1x128xi32, #tpu.memory_space<vmem>> -> memref<128xi32, #tpu.memory_space<vmem>>
      %dma_start3A_346 = arith.constant 0 : i32
      %dma_start3A_347 = arith.constant 0 : i32
      %dma_start3A_348 = tpu.memref_slice %arg7[%dma_start3A_346, %dma_start3A_347] : memref<10000x16xf32, #tpu.memory_space<vmem_shared>> -> memref<10000x16xf32, #tpu.memory_space<vmem_shared>>
      tpu.enqueue_indirect_dma source(%dma_start3A_342 : memref<128x16xf32, #tpu.memory_space<vmem>>) target(%dma_start3A_348 : memref<10000x16xf32, #tpu.memory_space<vmem_shared>>) offsets(%dma_start3A_345 : memref<128xi32, #tpu.memory_space<vmem>>) semaphore(%arg13 : memref<!tpu.dma_semaphore, #tpu.memory_space<semaphore_mem>>) {add = true}
      %dma_start3A_349 = arith.constant 1 : i32
      %dma_start3A_350 = arith.constant 1 : i32
      %dma_start3A_351 = arith.constant 0 : i32
      %dma_start3A_352 = arith.constant 0 : i32
      %dma_start3A_353 = tpu.memref_slice %arg11[%dma_start3A_349, %dma_start3A_351, %dma_start3A_352] : memref<13x128x16xf32, #tpu.memory_space<vmem>> -> memref<1x128x16xf32, #tpu.memory_space<vmem>>
      %dma_start3A_354 = tpu.memref_squeeze %dma_start3A_353 : memref<1x128x16xf32, #tpu.memory_space<vmem>> -> memref<128x16xf32, #tpu.memory_space<vmem>>
      %dma_start3A_355 = arith.constant 0 : i32
      %dma_start3A_356 = tpu.memref_slice %arg10[%dma_start3A_350, %dma_start3A_355] : memref<13x128xi32, #tpu.memory_space<vmem>> -> memref<1x128xi32, #tpu.memory_space<vmem>>
      %dma_start3A_357 = tpu.memref_squeeze %dma_start3A_356 : memref<1x128xi32, #tpu.memory_space<vmem>> -> memref<128xi32, #tpu.memory_space<vmem>>
      %dma_start3A_358 = arith.constant 0 : i32
      %dma_start3A_359 = arith.constant 0 : i32
      %dma_start3A_360 = tpu.memref_slice %arg7[%dma_start3A_358, %dma_start3A_359] : memref<10000x16xf32, #tpu.memory_space<vmem_shared>> -> memref<10000x16xf32, #tpu.memory_space<vmem_shared>>
      tpu.enqueue_indirect_dma source(%dma_start3A_354 : memref<128x16xf32, #tpu.memory_space<vmem>>) target(%dma_start3A_360 : memref<10000x16xf32, #tpu.memory_space<vmem_shared>>) offsets(%dma_start3A_357 : memref<128xi32, #tpu.memory_space<vmem>>) semaphore(%arg13 : memref<!tpu.dma_semaphore, #tpu.memory_space<semaphore_mem>>) {add = true}
      %dma_start3A_361 = arith.constant 2 : i32
      %dma_start3A_362 = arith.constant 2 : i32
      %dma_start3A_363 = arith.constant 0 : i32
      %dma_start3A_364 = arith.constant 0 : i32
      %dma_start3A_365 = tpu.memref_slice %arg11[%dma_start3A_361, %dma_start3A_363, %dma_start3A_364] : memref<13x128x16xf32, #tpu.memory_space<vmem>> -> memref<1x128x16xf32, #tpu.memory_space<vmem>>
      %dma_start3A_366 = tpu.memref_squeeze %dma_start3A_365 : memref<1x128x16xf32, #tpu.memory_space<vmem>> -> memref<128x16xf32, #tpu.memory_space<vmem>>
      %dma_start3A_367 = arith.constant 0 : i32
      %dma_start3A_368 = tpu.memref_slice %arg10[%dma_start3A_362, %dma_start3A_367] : memref<13x128xi32, #tpu.memory_space<vmem>> -> memref<1x128xi32, #tpu.memory_space<vmem>>
      %dma_start3A_369 = tpu.memref_squeeze %dma_start3A_368 : memref<1x128xi32, #tpu.memory_space<vmem>> -> memref<128xi32, #tpu.memory_space<vmem>>
      %dma_start3A_370 = arith.constant 0 : i32
      %dma_start3A_371 = arith.constant 0 : i32
      %dma_start3A_372 = tpu.memref_slice %arg7[%dma_start3A_370, %dma_start3A_371] : memref<10000x16xf32, #tpu.memory_space<vmem_shared>> -> memref<10000x16xf32, #tpu.memory_space<vmem_shared>>
      tpu.enqueue_indirect_dma source(%dma_start3A_366 : memref<128x16xf32, #tpu.memory_space<vmem>>) target(%dma_start3A_372 : memref<10000x16xf32, #tpu.memory_space<vmem_shared>>) offsets(%dma_start3A_369 : memref<128xi32, #tpu.memory_space<vmem>>) semaphore(%arg13 : memref<!tpu.dma_semaphore, #tpu.memory_space<semaphore_mem>>) {add = true}
      %dma_start3A_373 = arith.constant 3 : i32
      %dma_start3A_374 = arith.constant 3 : i32
      %dma_start3A_375 = arith.constant 0 : i32
      %dma_start3A_376 = arith.constant 0 : i32
      %dma_start3A_377 = tpu.memref_slice %arg11[%dma_start3A_373, %dma_start3A_375, %dma_start3A_376] : memref<13x128x16xf32, #tpu.memory_space<vmem>> -> memref<1x128x16xf32, #tpu.memory_space<vmem>>
      %dma_start3A_378 = tpu.memref_squeeze %dma_start3A_377 : memref<1x128x16xf32, #tpu.memory_space<vmem>> -> memref<128x16xf32, #tpu.memory_space<vmem>>
      %dma_start3A_379 = arith.constant 0 : i32
      %dma_start3A_380 = tpu.memref_slice %arg10[%dma_start3A_374, %dma_start3A_379] : memref<13x128xi32, #tpu.memory_space<vmem>> -> memref<1x128xi32, #tpu.memory_space<vmem>>
      %dma_start3A_381 = tpu.memref_squeeze %dma_start3A_380 : memref<1x128xi32, #tpu.memory_space<vmem>> -> memref<128xi32, #tpu.memory_space<vmem>>
      %dma_start3A_382 = arith.constant 0 : i32
      %dma_start3A_383 = arith.constant 0 : i32
      %dma_start3A_384 = tpu.memref_slice %arg7[%dma_start3A_382, %dma_start3A_383] : memref<10000x16xf32, #tpu.memory_space<vmem_shared>> -> memref<10000x16xf32, #tpu.memory_space<vmem_shared>>
      tpu.enqueue_indirect_dma source(%dma_start3A_378 : memref<128x16xf32, #tpu.memory_space<vmem>>) target(%dma_start3A_384 : memref<10000x16xf32, #tpu.memory_space<vmem_shared>>) offsets(%dma_start3A_381 : memref<128xi32, #tpu.memory_space<vmem>>) semaphore(%arg13 : memref<!tpu.dma_semaphore, #tpu.memory_space<semaphore_mem>>) {add = true}
      %dma_start3A_385 = arith.constant 4 : i32
      %dma_start3A_386 = arith.constant 4 : i32
      %dma_start3A_387 = arith.constant 0 : i32
      %dma_start3A_388 = arith.constant 0 : i32
      %dma_start3A_389 = tpu.memref_slice %arg11[%dma_start3A_385, %dma_start3A_387, %dma_start3A_388] : memref<13x128x16xf32, #tpu.memory_space<vmem>> -> memref<1x128x16xf32, #tpu.memory_space<vmem>>
      %dma_start3A_390 = tpu.memref_squeeze %dma_start3A_389 : memref<1x128x16xf32, #tpu.memory_space<vmem>> -> memref<128x16xf32, #tpu.memory_space<vmem>>
      %dma_start3A_391 = arith.constant 0 : i32
      %dma_start3A_392 = tpu.memref_slice %arg10[%dma_start3A_386, %dma_start3A_391] : memref<13x128xi32, #tpu.memory_space<vmem>> -> memref<1x128xi32, #tpu.memory_space<vmem>>
      %dma_start3A_393 = tpu.memref_squeeze %dma_start3A_392 : memref<1x128xi32, #tpu.memory_space<vmem>> -> memref<128xi32, #tpu.memory_space<vmem>>
      %dma_start3A_394 = arith.constant 0 : i32
      %dma_start3A_395 = arith.constant 0 : i32
      %dma_start3A_396 = tpu.memref_slice %arg7[%dma_start3A_394, %dma_start3A_395] : memref<10000x16xf32, #tpu.memory_space<vmem_shared>> -> memref<10000x16xf32, #tpu.memory_space<vmem_shared>>
      tpu.enqueue_indirect_dma source(%dma_start3A_390 : memref<128x16xf32, #tpu.memory_space<vmem>>) target(%dma_start3A_396 : memref<10000x16xf32, #tpu.memory_space<vmem_shared>>) offsets(%dma_start3A_393 : memref<128xi32, #tpu.memory_space<vmem>>) semaphore(%arg13 : memref<!tpu.dma_semaphore, #tpu.memory_space<semaphore_mem>>) {add = true}
      %dma_start3A_397 = arith.constant 5 : i32
      %dma_start3A_398 = arith.constant 5 : i32
      %dma_start3A_399 = arith.constant 0 : i32
      %dma_start3A_400 = arith.constant 0 : i32
      %dma_start3A_401 = tpu.memref_slice %arg11[%dma_start3A_397, %dma_start3A_399, %dma_start3A_400] : memref<13x128x16xf32, #tpu.memory_space<vmem>> -> memref<1x128x16xf32, #tpu.memory_space<vmem>>
      %dma_start3A_402 = tpu.memref_squeeze %dma_start3A_401 : memref<1x128x16xf32, #tpu.memory_space<vmem>> -> memref<128x16xf32, #tpu.memory_space<vmem>>
      %dma_start3A_403 = arith.constant 0 : i32
      %dma_start3A_404 = tpu.memref_slice %arg10[%dma_start3A_398, %dma_start3A_403] : memref<13x128xi32, #tpu.memory_space<vmem>> -> memref<1x128xi32, #tpu.memory_space<vmem>>
      %dma_start3A_405 = tpu.memref_squeeze %dma_start3A_404 : memref<1x128xi32, #tpu.memory_space<vmem>> -> memref<128xi32, #tpu.memory_space<vmem>>
      %dma_start3A_406 = arith.constant 0 : i32
      %dma_start3A_407 = arith.constant 0 : i32
      %dma_start3A_408 = tpu.memref_slice %arg7[%dma_start3A_406, %dma_start3A_407] : memref<10000x16xf32, #tpu.memory_space<vmem_shared>> -> memref<10000x16xf32, #tpu.memory_space<vmem_shared>>
      tpu.enqueue_indirect_dma source(%dma_start3A_402 : memref<128x16xf32, #tpu.memory_space<vmem>>) target(%dma_start3A_408 : memref<10000x16xf32, #tpu.memory_space<vmem_shared>>) offsets(%dma_start3A_405 : memref<128xi32, #tpu.memory_space<vmem>>) semaphore(%arg13 : memref<!tpu.dma_semaphore, #tpu.memory_space<semaphore_mem>>) {add = true}
      %dma_start3A_409 = arith.constant 6 : i32
      %dma_start3A_410 = arith.constant 6 : i32
      %dma_start3A_411 = arith.constant 0 : i32
      %dma_start3A_412 = arith.constant 0 : i32
      %dma_start3A_413 = tpu.memref_slice %arg11[%dma_start3A_409, %dma_start3A_411, %dma_start3A_412] : memref<13x128x16xf32, #tpu.memory_space<vmem>> -> memref<1x128x16xf32, #tpu.memory_space<vmem>>
      %dma_start3A_414 = tpu.memref_squeeze %dma_start3A_413 : memref<1x128x16xf32, #tpu.memory_space<vmem>> -> memref<128x16xf32, #tpu.memory_space<vmem>>
      %dma_start3A_415 = arith.constant 0 : i32
      %dma_start3A_416 = tpu.memref_slice %arg10[%dma_start3A_410, %dma_start3A_415] : memref<13x128xi32, #tpu.memory_space<vmem>> -> memref<1x128xi32, #tpu.memory_space<vmem>>
      %dma_start3A_417 = tpu.memref_squeeze %dma_start3A_416 : memref<1x128xi32, #tpu.memory_space<vmem>> -> memref<128xi32, #tpu.memory_space<vmem>>
      %dma_start3A_418 = arith.constant 0 : i32
      %dma_start3A_419 = arith.constant 0 : i32
      %dma_start3A_420 = tpu.memref_slice %arg7[%dma_start3A_418, %dma_start3A_419] : memref<10000x16xf32, #tpu.memory_space<vmem_shared>> -> memref<10000x16xf32, #tpu.memory_space<vmem_shared>>
      tpu.enqueue_indirect_dma source(%dma_start3A_414 : memref<128x16xf32, #tpu.memory_space<vmem>>) target(%dma_start3A_420 : memref<10000x16xf32, #tpu.memory_space<vmem_shared>>) offsets(%dma_start3A_417 : memref<128xi32, #tpu.memory_space<vmem>>) semaphore(%arg13 : memref<!tpu.dma_semaphore, #tpu.memory_space<semaphore_mem>>) {add = true}
      %dma_start3A_421 = arith.constant 7 : i32
      %dma_start3A_422 = arith.constant 7 : i32
      %dma_start3A_423 = arith.constant 0 : i32
      %dma_start3A_424 = arith.constant 0 : i32
      %dma_start3A_425 = tpu.memref_slice %arg11[%dma_start3A_421, %dma_start3A_423, %dma_start3A_424] : memref<13x128x16xf32, #tpu.memory_space<vmem>> -> memref<1x128x16xf32, #tpu.memory_space<vmem>>
      %dma_start3A_426 = tpu.memref_squeeze %dma_start3A_425 : memref<1x128x16xf32, #tpu.memory_space<vmem>> -> memref<128x16xf32, #tpu.memory_space<vmem>>
      %dma_start3A_427 = arith.constant 0 : i32
      %dma_start3A_428 = tpu.memref_slice %arg10[%dma_start3A_422, %dma_start3A_427] : memref<13x128xi32, #tpu.memory_space<vmem>> -> memref<1x128xi32, #tpu.memory_space<vmem>>
      %dma_start3A_429 = tpu.memref_squeeze %dma_start3A_428 : memref<1x128xi32, #tpu.memory_space<vmem>> -> memref<128xi32, #tpu.memory_space<vmem>>
      %dma_start3A_430 = arith.constant 0 : i32
      %dma_start3A_431 = arith.constant 0 : i32
      %dma_start3A_432 = tpu.memref_slice %arg7[%dma_start3A_430, %dma_start3A_431] : memref<10000x16xf32, #tpu.memory_space<vmem_shared>> -> memref<10000x16xf32, #tpu.memory_space<vmem_shared>>
      tpu.enqueue_indirect_dma source(%dma_start3A_426 : memref<128x16xf32, #tpu.memory_space<vmem>>) target(%dma_start3A_432 : memref<10000x16xf32, #tpu.memory_space<vmem_shared>>) offsets(%dma_start3A_429 : memref<128xi32, #tpu.memory_space<vmem>>) semaphore(%arg13 : memref<!tpu.dma_semaphore, #tpu.memory_space<semaphore_mem>>) {add = true}
      %dma_start3A_433 = arith.constant 8 : i32
      %dma_start3A_434 = arith.constant 8 : i32
      %dma_start3A_435 = arith.constant 0 : i32
      %dma_start3A_436 = arith.constant 0 : i32
      %dma_start3A_437 = tpu.memref_slice %arg11[%dma_start3A_433, %dma_start3A_435, %dma_start3A_436] : memref<13x128x16xf32, #tpu.memory_space<vmem>> -> memref<1x128x16xf32, #tpu.memory_space<vmem>>
      %dma_start3A_438 = tpu.memref_squeeze %dma_start3A_437 : memref<1x128x16xf32, #tpu.memory_space<vmem>> -> memref<128x16xf32, #tpu.memory_space<vmem>>
      %dma_start3A_439 = arith.constant 0 : i32
      %dma_start3A_440 = tpu.memref_slice %arg10[%dma_start3A_434, %dma_start3A_439] : memref<13x128xi32, #tpu.memory_space<vmem>> -> memref<1x128xi32, #tpu.memory_space<vmem>>
      %dma_start3A_441 = tpu.memref_squeeze %dma_start3A_440 : memref<1x128xi32, #tpu.memory_space<vmem>> -> memref<128xi32, #tpu.memory_space<vmem>>
      %dma_start3A_442 = arith.constant 0 : i32
      %dma_start3A_443 = arith.constant 0 : i32
      %dma_start3A_444 = tpu.memref_slice %arg7[%dma_start3A_442, %dma_start3A_443] : memref<10000x16xf32, #tpu.memory_space<vmem_shared>> -> memref<10000x16xf32, #tpu.memory_space<vmem_shared>>
      tpu.enqueue_indirect_dma source(%dma_start3A_438 : memref<128x16xf32, #tpu.memory_space<vmem>>) target(%dma_start3A_444 : memref<10000x16xf32, #tpu.memory_space<vmem_shared>>) offsets(%dma_start3A_441 : memref<128xi32, #tpu.memory_space<vmem>>) semaphore(%arg13 : memref<!tpu.dma_semaphore, #tpu.memory_space<semaphore_mem>>) {add = true}
      %dma_start3A_445 = arith.constant 9 : i32
      %dma_start3A_446 = arith.constant 9 : i32
      %dma_start3A_447 = arith.constant 0 : i32
      %dma_start3A_448 = arith.constant 0 : i32
      %dma_start3A_449 = tpu.memref_slice %arg11[%dma_start3A_445, %dma_start3A_447, %dma_start3A_448] : memref<13x128x16xf32, #tpu.memory_space<vmem>> -> memref<1x128x16xf32, #tpu.memory_space<vmem>>
      %dma_start3A_450 = tpu.memref_squeeze %dma_start3A_449 : memref<1x128x16xf32, #tpu.memory_space<vmem>> -> memref<128x16xf32, #tpu.memory_space<vmem>>
      %dma_start3A_451 = arith.constant 0 : i32
      %dma_start3A_452 = tpu.memref_slice %arg10[%dma_start3A_446, %dma_start3A_451] : memref<13x128xi32, #tpu.memory_space<vmem>> -> memref<1x128xi32, #tpu.memory_space<vmem>>
      %dma_start3A_453 = tpu.memref_squeeze %dma_start3A_452 : memref<1x128xi32, #tpu.memory_space<vmem>> -> memref<128xi32, #tpu.memory_space<vmem>>
      %dma_start3A_454 = arith.constant 0 : i32
      %dma_start3A_455 = arith.constant 0 : i32
      %dma_start3A_456 = tpu.memref_slice %arg7[%dma_start3A_454, %dma_start3A_455] : memref<10000x16xf32, #tpu.memory_space<vmem_shared>> -> memref<10000x16xf32, #tpu.memory_space<vmem_shared>>
      tpu.enqueue_indirect_dma source(%dma_start3A_450 : memref<128x16xf32, #tpu.memory_space<vmem>>) target(%dma_start3A_456 : memref<10000x16xf32, #tpu.memory_space<vmem_shared>>) offsets(%dma_start3A_453 : memref<128xi32, #tpu.memory_space<vmem>>) semaphore(%arg13 : memref<!tpu.dma_semaphore, #tpu.memory_space<semaphore_mem>>) {add = true}
      %dma_start3A_457 = arith.constant 10 : i32
      %dma_start3A_458 = arith.constant 10 : i32
      %dma_start3A_459 = arith.constant 0 : i32
      %dma_start3A_460 = arith.constant 0 : i32
      %dma_start3A_461 = tpu.memref_slice %arg11[%dma_start3A_457, %dma_start3A_459, %dma_start3A_460] : memref<13x128x16xf32, #tpu.memory_space<vmem>> -> memref<1x128x16xf32, #tpu.memory_space<vmem>>
      %dma_start3A_462 = tpu.memref_squeeze %dma_start3A_461 : memref<1x128x16xf32, #tpu.memory_space<vmem>> -> memref<128x16xf32, #tpu.memory_space<vmem>>
      %dma_start3A_463 = arith.constant 0 : i32
      %dma_start3A_464 = tpu.memref_slice %arg10[%dma_start3A_458, %dma_start3A_463] : memref<13x128xi32, #tpu.memory_space<vmem>> -> memref<1x128xi32, #tpu.memory_space<vmem>>
      %dma_start3A_465 = tpu.memref_squeeze %dma_start3A_464 : memref<1x128xi32, #tpu.memory_space<vmem>> -> memref<128xi32, #tpu.memory_space<vmem>>
      %dma_start3A_466 = arith.constant 0 : i32
      %dma_start3A_467 = arith.constant 0 : i32
      %dma_start3A_468 = tpu.memref_slice %arg7[%dma_start3A_466, %dma_start3A_467] : memref<10000x16xf32, #tpu.memory_space<vmem_shared>> -> memref<10000x16xf32, #tpu.memory_space<vmem_shared>>
      tpu.enqueue_indirect_dma source(%dma_start3A_462 : memref<128x16xf32, #tpu.memory_space<vmem>>) target(%dma_start3A_468 : memref<10000x16xf32, #tpu.memory_space<vmem_shared>>) offsets(%dma_start3A_465 : memref<128xi32, #tpu.memory_space<vmem>>) semaphore(%arg13 : memref<!tpu.dma_semaphore, #tpu.memory_space<semaphore_mem>>) {add = true}
      %dma_start3A_469 = arith.constant 11 : i32
      %dma_start3A_470 = arith.constant 11 : i32
      %dma_start3A_471 = arith.constant 0 : i32
      %dma_start3A_472 = arith.constant 0 : i32
      %dma_start3A_473 = tpu.memref_slice %arg11[%dma_start3A_469, %dma_start3A_471, %dma_start3A_472] : memref<13x128x16xf32, #tpu.memory_space<vmem>> -> memref<1x128x16xf32, #tpu.memory_space<vmem>>
      %dma_start3A_474 = tpu.memref_squeeze %dma_start3A_473 : memref<1x128x16xf32, #tpu.memory_space<vmem>> -> memref<128x16xf32, #tpu.memory_space<vmem>>
      %dma_start3A_475 = arith.constant 0 : i32
      %dma_start3A_476 = tpu.memref_slice %arg10[%dma_start3A_470, %dma_start3A_475] : memref<13x128xi32, #tpu.memory_space<vmem>> -> memref<1x128xi32, #tpu.memory_space<vmem>>
      %dma_start3A_477 = tpu.memref_squeeze %dma_start3A_476 : memref<1x128xi32, #tpu.memory_space<vmem>> -> memref<128xi32, #tpu.memory_space<vmem>>
      %dma_start3A_478 = arith.constant 0 : i32
      %dma_start3A_479 = arith.constant 0 : i32
      %dma_start3A_480 = tpu.memref_slice %arg7[%dma_start3A_478, %dma_start3A_479] : memref<10000x16xf32, #tpu.memory_space<vmem_shared>> -> memref<10000x16xf32, #tpu.memory_space<vmem_shared>>
      tpu.enqueue_indirect_dma source(%dma_start3A_474 : memref<128x16xf32, #tpu.memory_space<vmem>>) target(%dma_start3A_480 : memref<10000x16xf32, #tpu.memory_space<vmem_shared>>) offsets(%dma_start3A_477 : memref<128xi32, #tpu.memory_space<vmem>>) semaphore(%arg13 : memref<!tpu.dma_semaphore, #tpu.memory_space<semaphore_mem>>) {add = true}
      %dma_start3A_481 = arith.constant 12 : i32
      %dma_start3A_482 = arith.constant 12 : i32
      %dma_start3A_483 = arith.constant 0 : i32
      %dma_start3A_484 = arith.constant 0 : i32
      %dma_start3A_485 = tpu.memref_slice %arg11[%dma_start3A_481, %dma_start3A_483, %dma_start3A_484] : memref<13x128x16xf32, #tpu.memory_space<vmem>> -> memref<1x128x16xf32, #tpu.memory_space<vmem>>
      %dma_start3A_486 = tpu.memref_squeeze %dma_start3A_485 : memref<1x128x16xf32, #tpu.memory_space<vmem>> -> memref<128x16xf32, #tpu.memory_space<vmem>>
      %dma_start3A_487 = arith.constant 0 : i32
      %dma_start3A_488 = tpu.memref_slice %arg10[%dma_start3A_482, %dma_start3A_487] : memref<13x128xi32, #tpu.memory_space<vmem>> -> memref<1x128xi32, #tpu.memory_space<vmem>>
      %dma_start3A_489 = tpu.memref_squeeze %dma_start3A_488 : memref<1x128xi32, #tpu.memory_space<vmem>> -> memref<128xi32, #tpu.memory_space<vmem>>
      %dma_start3A_490 = arith.constant 0 : i32
      %dma_start3A_491 = arith.constant 0 : i32
      %dma_start3A_492 = tpu.memref_slice %arg7[%dma_start3A_490, %dma_start3A_491] : memref<10000x16xf32, #tpu.memory_space<vmem_shared>> -> memref<10000x16xf32, #tpu.memory_space<vmem_shared>>
      tpu.enqueue_indirect_dma source(%dma_start3A_486 : memref<128x16xf32, #tpu.memory_space<vmem>>) target(%dma_start3A_492 : memref<10000x16xf32, #tpu.memory_space<vmem_shared>>) offsets(%dma_start3A_489 : memref<128xi32, #tpu.memory_space<vmem>>) semaphore(%arg13 : memref<!tpu.dma_semaphore, #tpu.memory_space<semaphore_mem>>) {add = true}
      %dma_wait3A_493 = arith.constant 0 : i32
      %dma_wait3A_494 = arith.constant 0 : i32
      %dma_wait3A_495 = arith.constant 0 : i32
      %dma_wait3A_496 = arith.constant 0 : i32
      %dma_wait3A_497 = tpu.memref_slice %arg11[%dma_wait3A_493, %dma_wait3A_495, %dma_wait3A_496] : memref<13x128x16xf32, #tpu.memory_space<vmem>> -> memref<1x128x16xf32, #tpu.memory_space<vmem>>
      %dma_wait3A_498 = tpu.memref_squeeze %dma_wait3A_497 : memref<1x128x16xf32, #tpu.memory_space<vmem>> -> memref<128x16xf32, #tpu.memory_space<vmem>>
      %dma_wait3A_499 = arith.constant 0 : i32
      %dma_wait3A_500 = tpu.memref_slice %arg10[%dma_wait3A_494, %dma_wait3A_499] : memref<13x128xi32, #tpu.memory_space<vmem>> -> memref<1x128xi32, #tpu.memory_space<vmem>>
      %dma_wait3A_501 = tpu.memref_squeeze %dma_wait3A_500 : memref<1x128xi32, #tpu.memory_space<vmem>> -> memref<128xi32, #tpu.memory_space<vmem>>
      %dma_wait3A_502 = arith.constant 0 : i32
      %dma_wait3A_503 = arith.constant 0 : i32
      %dma_wait3A_504 = tpu.memref_slice %arg7[%dma_wait3A_502, %dma_wait3A_503] : memref<10000x16xf32, #tpu.memory_space<vmem_shared>> -> memref<10000x16xf32, #tpu.memory_space<vmem_shared>>
      tpu.wait_indirect_dma semaphore(%arg13 : memref<!tpu.dma_semaphore, #tpu.memory_space<semaphore_mem>>) src(%dma_wait3A_498 : memref<128x16xf32, #tpu.memory_space<vmem>>) dst(%dma_wait3A_504 : memref<10000x16xf32, #tpu.memory_space<vmem_shared>>)
      %dma_wait3A_505 = arith.constant 1 : i32
      %dma_wait3A_506 = arith.constant 1 : i32
      %dma_wait3A_507 = arith.constant 0 : i32
      %dma_wait3A_508 = arith.constant 0 : i32
      %dma_wait3A_509 = tpu.memref_slice %arg11[%dma_wait3A_505, %dma_wait3A_507, %dma_wait3A_508] : memref<13x128x16xf32, #tpu.memory_space<vmem>> -> memref<1x128x16xf32, #tpu.memory_space<vmem>>
      %dma_wait3A_510 = tpu.memref_squeeze %dma_wait3A_509 : memref<1x128x16xf32, #tpu.memory_space<vmem>> -> memref<128x16xf32, #tpu.memory_space<vmem>>
      %dma_wait3A_511 = arith.constant 0 : i32
      %dma_wait3A_512 = tpu.memref_slice %arg10[%dma_wait3A_506, %dma_wait3A_511] : memref<13x128xi32, #tpu.memory_space<vmem>> -> memref<1x128xi32, #tpu.memory_space<vmem>>
      %dma_wait3A_513 = tpu.memref_squeeze %dma_wait3A_512 : memref<1x128xi32, #tpu.memory_space<vmem>> -> memref<128xi32, #tpu.memory_space<vmem>>
      %dma_wait3A_514 = arith.constant 0 : i32
      %dma_wait3A_515 = arith.constant 0 : i32
      %dma_wait3A_516 = tpu.memref_slice %arg7[%dma_wait3A_514, %dma_wait3A_515] : memref<10000x16xf32, #tpu.memory_space<vmem_shared>> -> memref<10000x16xf32, #tpu.memory_space<vmem_shared>>
      tpu.wait_indirect_dma semaphore(%arg13 : memref<!tpu.dma_semaphore, #tpu.memory_space<semaphore_mem>>) src(%dma_wait3A_510 : memref<128x16xf32, #tpu.memory_space<vmem>>) dst(%dma_wait3A_516 : memref<10000x16xf32, #tpu.memory_space<vmem_shared>>)
      %dma_wait3A_517 = arith.constant 2 : i32
      %dma_wait3A_518 = arith.constant 2 : i32
      %dma_wait3A_519 = arith.constant 0 : i32
      %dma_wait3A_520 = arith.constant 0 : i32
      %dma_wait3A_521 = tpu.memref_slice %arg11[%dma_wait3A_517, %dma_wait3A_519, %dma_wait3A_520] : memref<13x128x16xf32, #tpu.memory_space<vmem>> -> memref<1x128x16xf32, #tpu.memory_space<vmem>>
      %dma_wait3A_522 = tpu.memref_squeeze %dma_wait3A_521 : memref<1x128x16xf32, #tpu.memory_space<vmem>> -> memref<128x16xf32, #tpu.memory_space<vmem>>
      %dma_wait3A_523 = arith.constant 0 : i32
      %dma_wait3A_524 = tpu.memref_slice %arg10[%dma_wait3A_518, %dma_wait3A_523] : memref<13x128xi32, #tpu.memory_space<vmem>> -> memref<1x128xi32, #tpu.memory_space<vmem>>
      %dma_wait3A_525 = tpu.memref_squeeze %dma_wait3A_524 : memref<1x128xi32, #tpu.memory_space<vmem>> -> memref<128xi32, #tpu.memory_space<vmem>>
      %dma_wait3A_526 = arith.constant 0 : i32
      %dma_wait3A_527 = arith.constant 0 : i32
      %dma_wait3A_528 = tpu.memref_slice %arg7[%dma_wait3A_526, %dma_wait3A_527] : memref<10000x16xf32, #tpu.memory_space<vmem_shared>> -> memref<10000x16xf32, #tpu.memory_space<vmem_shared>>
      tpu.wait_indirect_dma semaphore(%arg13 : memref<!tpu.dma_semaphore, #tpu.memory_space<semaphore_mem>>) src(%dma_wait3A_522 : memref<128x16xf32, #tpu.memory_space<vmem>>) dst(%dma_wait3A_528 : memref<10000x16xf32, #tpu.memory_space<vmem_shared>>)
      %dma_wait3A_529 = arith.constant 3 : i32
      %dma_wait3A_530 = arith.constant 3 : i32
      %dma_wait3A_531 = arith.constant 0 : i32
      %dma_wait3A_532 = arith.constant 0 : i32
      %dma_wait3A_533 = tpu.memref_slice %arg11[%dma_wait3A_529, %dma_wait3A_531, %dma_wait3A_532] : memref<13x128x16xf32, #tpu.memory_space<vmem>> -> memref<1x128x16xf32, #tpu.memory_space<vmem>>
      %dma_wait3A_534 = tpu.memref_squeeze %dma_wait3A_533 : memref<1x128x16xf32, #tpu.memory_space<vmem>> -> memref<128x16xf32, #tpu.memory_space<vmem>>
      %dma_wait3A_535 = arith.constant 0 : i32
      %dma_wait3A_536 = tpu.memref_slice %arg10[%dma_wait3A_530, %dma_wait3A_535] : memref<13x128xi32, #tpu.memory_space<vmem>> -> memref<1x128xi32, #tpu.memory_space<vmem>>
      %dma_wait3A_537 = tpu.memref_squeeze %dma_wait3A_536 : memref<1x128xi32, #tpu.memory_space<vmem>> -> memref<128xi32, #tpu.memory_space<vmem>>
      %dma_wait3A_538 = arith.constant 0 : i32
      %dma_wait3A_539 = arith.constant 0 : i32
      %dma_wait3A_540 = tpu.memref_slice %arg7[%dma_wait3A_538, %dma_wait3A_539] : memref<10000x16xf32, #tpu.memory_space<vmem_shared>> -> memref<10000x16xf32, #tpu.memory_space<vmem_shared>>
      tpu.wait_indirect_dma semaphore(%arg13 : memref<!tpu.dma_semaphore, #tpu.memory_space<semaphore_mem>>) src(%dma_wait3A_534 : memref<128x16xf32, #tpu.memory_space<vmem>>) dst(%dma_wait3A_540 : memref<10000x16xf32, #tpu.memory_space<vmem_shared>>)
      %dma_wait3A_541 = arith.constant 4 : i32
      %dma_wait3A_542 = arith.constant 4 : i32
      %dma_wait3A_543 = arith.constant 0 : i32
      %dma_wait3A_544 = arith.constant 0 : i32
      %dma_wait3A_545 = tpu.memref_slice %arg11[%dma_wait3A_541, %dma_wait3A_543, %dma_wait3A_544] : memref<13x128x16xf32, #tpu.memory_space<vmem>> -> memref<1x128x16xf32, #tpu.memory_space<vmem>>
      %dma_wait3A_546 = tpu.memref_squeeze %dma_wait3A_545 : memref<1x128x16xf32, #tpu.memory_space<vmem>> -> memref<128x16xf32, #tpu.memory_space<vmem>>
      %dma_wait3A_547 = arith.constant 0 : i32
      %dma_wait3A_548 = tpu.memref_slice %arg10[%dma_wait3A_542, %dma_wait3A_547] : memref<13x128xi32, #tpu.memory_space<vmem>> -> memref<1x128xi32, #tpu.memory_space<vmem>>
      %dma_wait3A_549 = tpu.memref_squeeze %dma_wait3A_548 : memref<1x128xi32, #tpu.memory_space<vmem>> -> memref<128xi32, #tpu.memory_space<vmem>>
      %dma_wait3A_550 = arith.constant 0 : i32
      %dma_wait3A_551 = arith.constant 0 : i32
      %dma_wait3A_552 = tpu.memref_slice %arg7[%dma_wait3A_550, %dma_wait3A_551] : memref<10000x16xf32, #tpu.memory_space<vmem_shared>> -> memref<10000x16xf32, #tpu.memory_space<vmem_shared>>
      tpu.wait_indirect_dma semaphore(%arg13 : memref<!tpu.dma_semaphore, #tpu.memory_space<semaphore_mem>>) src(%dma_wait3A_546 : memref<128x16xf32, #tpu.memory_space<vmem>>) dst(%dma_wait3A_552 : memref<10000x16xf32, #tpu.memory_space<vmem_shared>>)
      %dma_wait3A_553 = arith.constant 5 : i32
      %dma_wait3A_554 = arith.constant 5 : i32
      %dma_wait3A_555 = arith.constant 0 : i32
      %dma_wait3A_556 = arith.constant 0 : i32
      %dma_wait3A_557 = tpu.memref_slice %arg11[%dma_wait3A_553, %dma_wait3A_555, %dma_wait3A_556] : memref<13x128x16xf32, #tpu.memory_space<vmem>> -> memref<1x128x16xf32, #tpu.memory_space<vmem>>
      %dma_wait3A_558 = tpu.memref_squeeze %dma_wait3A_557 : memref<1x128x16xf32, #tpu.memory_space<vmem>> -> memref<128x16xf32, #tpu.memory_space<vmem>>
      %dma_wait3A_559 = arith.constant 0 : i32
      %dma_wait3A_560 = tpu.memref_slice %arg10[%dma_wait3A_554, %dma_wait3A_559] : memref<13x128xi32, #tpu.memory_space<vmem>> -> memref<1x128xi32, #tpu.memory_space<vmem>>
      %dma_wait3A_561 = tpu.memref_squeeze %dma_wait3A_560 : memref<1x128xi32, #tpu.memory_space<vmem>> -> memref<128xi32, #tpu.memory_space<vmem>>
      %dma_wait3A_562 = arith.constant 0 : i32
      %dma_wait3A_563 = arith.constant 0 : i32
      %dma_wait3A_564 = tpu.memref_slice %arg7[%dma_wait3A_562, %dma_wait3A_563] : memref<10000x16xf32, #tpu.memory_space<vmem_shared>> -> memref<10000x16xf32, #tpu.memory_space<vmem_shared>>
      tpu.wait_indirect_dma semaphore(%arg13 : memref<!tpu.dma_semaphore, #tpu.memory_space<semaphore_mem>>) src(%dma_wait3A_558 : memref<128x16xf32, #tpu.memory_space<vmem>>) dst(%dma_wait3A_564 : memref<10000x16xf32, #tpu.memory_space<vmem_shared>>)
      %dma_wait3A_565 = arith.constant 6 : i32
      %dma_wait3A_566 = arith.constant 6 : i32
      %dma_wait3A_567 = arith.constant 0 : i32
      %dma_wait3A_568 = arith.constant 0 : i32
      %dma_wait3A_569 = tpu.memref_slice %arg11[%dma_wait3A_565, %dma_wait3A_567, %dma_wait3A_568] : memref<13x128x16xf32, #tpu.memory_space<vmem>> -> memref<1x128x16xf32, #tpu.memory_space<vmem>>
      %dma_wait3A_570 = tpu.memref_squeeze %dma_wait3A_569 : memref<1x128x16xf32, #tpu.memory_space<vmem>> -> memref<128x16xf32, #tpu.memory_space<vmem>>
      %dma_wait3A_571 = arith.constant 0 : i32
      %dma_wait3A_572 = tpu.memref_slice %arg10[%dma_wait3A_566, %dma_wait3A_571] : memref<13x128xi32, #tpu.memory_space<vmem>> -> memref<1x128xi32, #tpu.memory_space<vmem>>
      %dma_wait3A_573 = tpu.memref_squeeze %dma_wait3A_572 : memref<1x128xi32, #tpu.memory_space<vmem>> -> memref<128xi32, #tpu.memory_space<vmem>>
      %dma_wait3A_574 = arith.constant 0 : i32
      %dma_wait3A_575 = arith.constant 0 : i32
      %dma_wait3A_576 = tpu.memref_slice %arg7[%dma_wait3A_574, %dma_wait3A_575] : memref<10000x16xf32, #tpu.memory_space<vmem_shared>> -> memref<10000x16xf32, #tpu.memory_space<vmem_shared>>
      tpu.wait_indirect_dma semaphore(%arg13 : memref<!tpu.dma_semaphore, #tpu.memory_space<semaphore_mem>>) src(%dma_wait3A_570 : memref<128x16xf32, #tpu.memory_space<vmem>>) dst(%dma_wait3A_576 : memref<10000x16xf32, #tpu.memory_space<vmem_shared>>)
      %dma_wait3A_577 = arith.constant 7 : i32
      %dma_wait3A_578 = arith.constant 7 : i32
      %dma_wait3A_579 = arith.constant 0 : i32
      %dma_wait3A_580 = arith.constant 0 : i32
      %dma_wait3A_581 = tpu.memref_slice %arg11[%dma_wait3A_577, %dma_wait3A_579, %dma_wait3A_580] : memref<13x128x16xf32, #tpu.memory_space<vmem>> -> memref<1x128x16xf32, #tpu.memory_space<vmem>>
      %dma_wait3A_582 = tpu.memref_squeeze %dma_wait3A_581 : memref<1x128x16xf32, #tpu.memory_space<vmem>> -> memref<128x16xf32, #tpu.memory_space<vmem>>
      %dma_wait3A_583 = arith.constant 0 : i32
      %dma_wait3A_584 = tpu.memref_slice %arg10[%dma_wait3A_578, %dma_wait3A_583] : memref<13x128xi32, #tpu.memory_space<vmem>> -> memref<1x128xi32, #tpu.memory_space<vmem>>
      %dma_wait3A_585 = tpu.memref_squeeze %dma_wait3A_584 : memref<1x128xi32, #tpu.memory_space<vmem>> -> memref<128xi32, #tpu.memory_space<vmem>>
      %dma_wait3A_586 = arith.constant 0 : i32
      %dma_wait3A_587 = arith.constant 0 : i32
      %dma_wait3A_588 = tpu.memref_slice %arg7[%dma_wait3A_586, %dma_wait3A_587] : memref<10000x16xf32, #tpu.memory_space<vmem_shared>> -> memref<10000x16xf32, #tpu.memory_space<vmem_shared>>
      tpu.wait_indirect_dma semaphore(%arg13 : memref<!tpu.dma_semaphore, #tpu.memory_space<semaphore_mem>>) src(%dma_wait3A_582 : memref<128x16xf32, #tpu.memory_space<vmem>>) dst(%dma_wait3A_588 : memref<10000x16xf32, #tpu.memory_space<vmem_shared>>)
      %dma_wait3A_589 = arith.constant 8 : i32
      %dma_wait3A_590 = arith.constant 8 : i32
      %dma_wait3A_591 = arith.constant 0 : i32
      %dma_wait3A_592 = arith.constant 0 : i32
      %dma_wait3A_593 = tpu.memref_slice %arg11[%dma_wait3A_589, %dma_wait3A_591, %dma_wait3A_592] : memref<13x128x16xf32, #tpu.memory_space<vmem>> -> memref<1x128x16xf32, #tpu.memory_space<vmem>>
      %dma_wait3A_594 = tpu.memref_squeeze %dma_wait3A_593 : memref<1x128x16xf32, #tpu.memory_space<vmem>> -> memref<128x16xf32, #tpu.memory_space<vmem>>
      %dma_wait3A_595 = arith.constant 0 : i32
      %dma_wait3A_596 = tpu.memref_slice %arg10[%dma_wait3A_590, %dma_wait3A_595] : memref<13x128xi32, #tpu.memory_space<vmem>> -> memref<1x128xi32, #tpu.memory_space<vmem>>
      %dma_wait3A_597 = tpu.memref_squeeze %dma_wait3A_596 : memref<1x128xi32, #tpu.memory_space<vmem>> -> memref<128xi32, #tpu.memory_space<vmem>>
      %dma_wait3A_598 = arith.constant 0 : i32
      %dma_wait3A_599 = arith.constant 0 : i32
      %dma_wait3A_600 = tpu.memref_slice %arg7[%dma_wait3A_598, %dma_wait3A_599] : memref<10000x16xf32, #tpu.memory_space<vmem_shared>> -> memref<10000x16xf32, #tpu.memory_space<vmem_shared>>
      tpu.wait_indirect_dma semaphore(%arg13 : memref<!tpu.dma_semaphore, #tpu.memory_space<semaphore_mem>>) src(%dma_wait3A_594 : memref<128x16xf32, #tpu.memory_space<vmem>>) dst(%dma_wait3A_600 : memref<10000x16xf32, #tpu.memory_space<vmem_shared>>)
      %dma_wait3A_601 = arith.constant 9 : i32
      %dma_wait3A_602 = arith.constant 9 : i32
      %dma_wait3A_603 = arith.constant 0 : i32
      %dma_wait3A_604 = arith.constant 0 : i32
      %dma_wait3A_605 = tpu.memref_slice %arg11[%dma_wait3A_601, %dma_wait3A_603, %dma_wait3A_604] : memref<13x128x16xf32, #tpu.memory_space<vmem>> -> memref<1x128x16xf32, #tpu.memory_space<vmem>>
      %dma_wait3A_606 = tpu.memref_squeeze %dma_wait3A_605 : memref<1x128x16xf32, #tpu.memory_space<vmem>> -> memref<128x16xf32, #tpu.memory_space<vmem>>
      %dma_wait3A_607 = arith.constant 0 : i32
      %dma_wait3A_608 = tpu.memref_slice %arg10[%dma_wait3A_602, %dma_wait3A_607] : memref<13x128xi32, #tpu.memory_space<vmem>> -> memref<1x128xi32, #tpu.memory_space<vmem>>
      %dma_wait3A_609 = tpu.memref_squeeze %dma_wait3A_608 : memref<1x128xi32, #tpu.memory_space<vmem>> -> memref<128xi32, #tpu.memory_space<vmem>>
      %dma_wait3A_610 = arith.constant 0 : i32
      %dma_wait3A_611 = arith.constant 0 : i32
      %dma_wait3A_612 = tpu.memref_slice %arg7[%dma_wait3A_610, %dma_wait3A_611] : memref<10000x16xf32, #tpu.memory_space<vmem_shared>> -> memref<10000x16xf32, #tpu.memory_space<vmem_shared>>
      tpu.wait_indirect_dma semaphore(%arg13 : memref<!tpu.dma_semaphore, #tpu.memory_space<semaphore_mem>>) src(%dma_wait3A_606 : memref<128x16xf32, #tpu.memory_space<vmem>>) dst(%dma_wait3A_612 : memref<10000x16xf32, #tpu.memory_space<vmem_shared>>)
      %dma_wait3A_613 = arith.constant 10 : i32
      %dma_wait3A_614 = arith.constant 10 : i32
      %dma_wait3A_615 = arith.constant 0 : i32
      %dma_wait3A_616 = arith.constant 0 : i32
      %dma_wait3A_617 = tpu.memref_slice %arg11[%dma_wait3A_613, %dma_wait3A_615, %dma_wait3A_616] : memref<13x128x16xf32, #tpu.memory_space<vmem>> -> memref<1x128x16xf32, #tpu.memory_space<vmem>>
      %dma_wait3A_618 = tpu.memref_squeeze %dma_wait3A_617 : memref<1x128x16xf32, #tpu.memory_space<vmem>> -> memref<128x16xf32, #tpu.memory_space<vmem>>
      %dma_wait3A_619 = arith.constant 0 : i32
      %dma_wait3A_620 = tpu.memref_slice %arg10[%dma_wait3A_614, %dma_wait3A_619] : memref<13x128xi32, #tpu.memory_space<vmem>> -> memref<1x128xi32, #tpu.memory_space<vmem>>
      %dma_wait3A_621 = tpu.memref_squeeze %dma_wait3A_620 : memref<1x128xi32, #tpu.memory_space<vmem>> -> memref<128xi32, #tpu.memory_space<vmem>>
      %dma_wait3A_622 = arith.constant 0 : i32
      %dma_wait3A_623 = arith.constant 0 : i32
      %dma_wait3A_624 = tpu.memref_slice %arg7[%dma_wait3A_622, %dma_wait3A_623] : memref<10000x16xf32, #tpu.memory_space<vmem_shared>> -> memref<10000x16xf32, #tpu.memory_space<vmem_shared>>
      tpu.wait_indirect_dma semaphore(%arg13 : memref<!tpu.dma_semaphore, #tpu.memory_space<semaphore_mem>>) src(%dma_wait3A_618 : memref<128x16xf32, #tpu.memory_space<vmem>>) dst(%dma_wait3A_624 : memref<10000x16xf32, #tpu.memory_space<vmem_shared>>)
      %dma_wait3A_625 = arith.constant 11 : i32
      %dma_wait3A_626 = arith.constant 11 : i32
      %dma_wait3A_627 = arith.constant 0 : i32
      %dma_wait3A_628 = arith.constant 0 : i32
      %dma_wait3A_629 = tpu.memref_slice %arg11[%dma_wait3A_625, %dma_wait3A_627, %dma_wait3A_628] : memref<13x128x16xf32, #tpu.memory_space<vmem>> -> memref<1x128x16xf32, #tpu.memory_space<vmem>>
      %dma_wait3A_630 = tpu.memref_squeeze %dma_wait3A_629 : memref<1x128x16xf32, #tpu.memory_space<vmem>> -> memref<128x16xf32, #tpu.memory_space<vmem>>
      %dma_wait3A_631 = arith.constant 0 : i32
      %dma_wait3A_632 = tpu.memref_slice %arg10[%dma_wait3A_626, %dma_wait3A_631] : memref<13x128xi32, #tpu.memory_space<vmem>> -> memref<1x128xi32, #tpu.memory_space<vmem>>
      %dma_wait3A_633 = tpu.memref_squeeze %dma_wait3A_632 : memref<1x128xi32, #tpu.memory_space<vmem>> -> memref<128xi32, #tpu.memory_space<vmem>>
      %dma_wait3A_634 = arith.constant 0 : i32
      %dma_wait3A_635 = arith.constant 0 : i32
      %dma_wait3A_636 = tpu.memref_slice %arg7[%dma_wait3A_634, %dma_wait3A_635] : memref<10000x16xf32, #tpu.memory_space<vmem_shared>> -> memref<10000x16xf32, #tpu.memory_space<vmem_shared>>
      tpu.wait_indirect_dma semaphore(%arg13 : memref<!tpu.dma_semaphore, #tpu.memory_space<semaphore_mem>>) src(%dma_wait3A_630 : memref<128x16xf32, #tpu.memory_space<vmem>>) dst(%dma_wait3A_636 : memref<10000x16xf32, #tpu.memory_space<vmem_shared>>)
      %dma_wait3A_637 = arith.constant 12 : i32
      %dma_wait3A_638 = arith.constant 12 : i32
      %dma_wait3A_639 = arith.constant 0 : i32
      %dma_wait3A_640 = arith.constant 0 : i32
      %dma_wait3A_641 = tpu.memref_slice %arg11[%dma_wait3A_637, %dma_wait3A_639, %dma_wait3A_640] : memref<13x128x16xf32, #tpu.memory_space<vmem>> -> memref<1x128x16xf32, #tpu.memory_space<vmem>>
      %dma_wait3A_642 = tpu.memref_squeeze %dma_wait3A_641 : memref<1x128x16xf32, #tpu.memory_space<vmem>> -> memref<128x16xf32, #tpu.memory_space<vmem>>
      %dma_wait3A_643 = arith.constant 0 : i32
      %dma_wait3A_644 = tpu.memref_slice %arg10[%dma_wait3A_638, %dma_wait3A_643] : memref<13x128xi32, #tpu.memory_space<vmem>> -> memref<1x128xi32, #tpu.memory_space<vmem>>
      %dma_wait3A_645 = tpu.memref_squeeze %dma_wait3A_644 : memref<1x128xi32, #tpu.memory_space<vmem>> -> memref<128xi32, #tpu.memory_space<vmem>>
      %dma_wait3A_646 = arith.constant 0 : i32
      %dma_wait3A_647 = arith.constant 0 : i32
      %dma_wait3A_648 = tpu.memref_slice %arg7[%dma_wait3A_646, %dma_wait3A_647] : memref<10000x16xf32, #tpu.memory_space<vmem_shared>> -> memref<10000x16xf32, #tpu.memory_space<vmem_shared>>
      tpu.wait_indirect_dma semaphore(%arg13 : memref<!tpu.dma_semaphore, #tpu.memory_space<semaphore_mem>>) src(%dma_wait3A_642 : memref<128x16xf32, #tpu.memory_space<vmem>>) dst(%dma_wait3A_648 : memref<10000x16xf32, #tpu.memory_space<vmem_shared>>)
    }
    %scan3A_13 = arith.constant 6 : i32
    %lt3A = arith.constant 4 : i32
    %lt3A_14 = arith.cmpi slt, %add3A, %lt3A : i32
    %convert_element_type3A = arith.extui %lt3A_14 : i1 to i32
    %cond3A = arith.constant 0 : i32
    %cond3A_15 = arith.cmpi ne, %convert_element_type3A, %cond3A : i32
    scf.if %cond3A_15 {
      %add3A_21 = arith.constant 2496 : i32
      %add3A_22 = arith.addi %add3A_21, %add3A : i32
      "tpu.region"() ({
        %run_scoped3A = tpu.sem_alloc : memref<!tpu.dma_semaphore, #tpu.memory_space<semaphore_mem>>
        %dma_start3A_69 = arith.constant 0 : i32
        %dma_start3A_70 = arith.constant 0 : i32
        %dma_start3A_71 = tpu.memref_slice %arg9[%dma_start3A_69, %dma_start3A_70] : memref<13x128xi32, #tpu.memory_space<vmem>> -> memref<1x128xi32, #tpu.memory_space<vmem>>
        %dma_start3A_72 = arith.constant 0 : i32
        %dma_start3A_73 = tpu.memref_slice %arg3[%add3A_22, %dma_start3A_72] : memref<2500x128xi32, #tpu.memory_space<hbm>> -> memref<1x128xi32, #tpu.memory_space<hbm>>
        %dma_start3A_74 = arith.constant 0 : i32
        %dma_start3A_75 = arith.constant 0 : i32
        %dma_start3A_76 = tpu.memref_slice %arg9[%dma_start3A_74, %dma_start3A_75] : memref<13x128xi32, #tpu.memory_space<vmem>> -> memref<1x128xi32, #tpu.memory_space<vmem>>
        %dma_start3A_77 = arith.constant 0 : i32
        %dma_start3A_78 = tpu.memref_slice %arg3[%add3A_22, %dma_start3A_77] : memref<2500x128xi32, #tpu.memory_space<hbm>> -> memref<1x128xi32, #tpu.memory_space<hbm>>
        tpu.enqueue_dma source(%dma_start3A_78 : memref<1x128xi32, #tpu.memory_space<hbm>>) target(%dma_start3A_76 : memref<1x128xi32, #tpu.memory_space<vmem>>) target_semaphore(%run_scoped3A : memref<!tpu.dma_semaphore, #tpu.memory_space<semaphore_mem>>)
        %dma_wait3A_79 = arith.constant 0 : i32
        %dma_wait3A_80 = arith.constant 0 : i32
        %dma_wait3A_81 = tpu.memref_slice %arg9[%dma_wait3A_79, %dma_wait3A_80] : memref<13x128xi32, #tpu.memory_space<vmem>> -> memref<1x128xi32, #tpu.memory_space<vmem>>
        %dma_wait3A_82 = arith.constant 0 : i32
        %dma_wait3A_83 = tpu.memref_slice %arg3[%add3A_22, %dma_wait3A_82] : memref<2500x128xi32, #tpu.memory_space<hbm>> -> memref<1x128xi32, #tpu.memory_space<hbm>>
        %dma_wait3A_84 = arith.constant 0 : i32
        %dma_wait3A_85 = arith.constant 0 : i32
        %dma_wait3A_86 = tpu.memref_slice %arg9[%dma_wait3A_84, %dma_wait3A_85] : memref<13x128xi32, #tpu.memory_space<vmem>> -> memref<1x128xi32, #tpu.memory_space<vmem>>
        %dma_wait3A_87 = arith.constant 0 : i32
        %dma_wait3A_88 = tpu.memref_slice %arg3[%add3A_22, %dma_wait3A_87] : memref<2500x128xi32, #tpu.memory_space<hbm>> -> memref<1x128xi32, #tpu.memory_space<hbm>>
        tpu.wait_dma2 semaphore(%run_scoped3A : memref<!tpu.dma_semaphore, #tpu.memory_space<semaphore_mem>>) src(%dma_wait3A_88 : memref<1x128xi32, #tpu.memory_space<hbm>>) dst(%dma_wait3A_86 : memref<1x128xi32, #tpu.memory_space<vmem>>)
        tpu.yield
      }) : () -> ()
      "tpu.region"() ({
        %run_scoped3A = tpu.sem_alloc : memref<!tpu.dma_semaphore, #tpu.memory_space<semaphore_mem>>
        %dma_start3A_69 = arith.constant 0 : i32
        %dma_start3A_70 = arith.constant 0 : i32
        %dma_start3A_71 = tpu.memref_slice %arg10[%dma_start3A_69, %dma_start3A_70] : memref<13x128xi32, #tpu.memory_space<vmem>> -> memref<1x128xi32, #tpu.memory_space<vmem>>
        %dma_start3A_72 = arith.constant 0 : i32
        %dma_start3A_73 = tpu.memref_slice %arg4[%add3A_22, %dma_start3A_72] : memref<2500x128xi32, #tpu.memory_space<hbm>> -> memref<1x128xi32, #tpu.memory_space<hbm>>
        %dma_start3A_74 = arith.constant 0 : i32
        %dma_start3A_75 = arith.constant 0 : i32
        %dma_start3A_76 = tpu.memref_slice %arg10[%dma_start3A_74, %dma_start3A_75] : memref<13x128xi32, #tpu.memory_space<vmem>> -> memref<1x128xi32, #tpu.memory_space<vmem>>
        %dma_start3A_77 = arith.constant 0 : i32
        %dma_start3A_78 = tpu.memref_slice %arg4[%add3A_22, %dma_start3A_77] : memref<2500x128xi32, #tpu.memory_space<hbm>> -> memref<1x128xi32, #tpu.memory_space<hbm>>
        tpu.enqueue_dma source(%dma_start3A_78 : memref<1x128xi32, #tpu.memory_space<hbm>>) target(%dma_start3A_76 : memref<1x128xi32, #tpu.memory_space<vmem>>) target_semaphore(%run_scoped3A : memref<!tpu.dma_semaphore, #tpu.memory_space<semaphore_mem>>)
        %dma_wait3A_79 = arith.constant 0 : i32
        %dma_wait3A_80 = arith.constant 0 : i32
        %dma_wait3A_81 = tpu.memref_slice %arg10[%dma_wait3A_79, %dma_wait3A_80] : memref<13x128xi32, #tpu.memory_space<vmem>> -> memref<1x128xi32, #tpu.memory_space<vmem>>
        %dma_wait3A_82 = arith.constant 0 : i32
        %dma_wait3A_83 = tpu.memref_slice %arg4[%add3A_22, %dma_wait3A_82] : memref<2500x128xi32, #tpu.memory_space<hbm>> -> memref<1x128xi32, #tpu.memory_space<hbm>>
        %dma_wait3A_84 = arith.constant 0 : i32
        %dma_wait3A_85 = arith.constant 0 : i32
        %dma_wait3A_86 = tpu.memref_slice %arg10[%dma_wait3A_84, %dma_wait3A_85] : memref<13x128xi32, #tpu.memory_space<vmem>> -> memref<1x128xi32, #tpu.memory_space<vmem>>
        %dma_wait3A_87 = arith.constant 0 : i32
        %dma_wait3A_88 = tpu.memref_slice %arg4[%add3A_22, %dma_wait3A_87] : memref<2500x128xi32, #tpu.memory_space<hbm>> -> memref<1x128xi32, #tpu.memory_space<hbm>>
        tpu.wait_dma2 semaphore(%run_scoped3A : memref<!tpu.dma_semaphore, #tpu.memory_space<semaphore_mem>>) src(%dma_wait3A_88 : memref<1x128xi32, #tpu.memory_space<hbm>>) dst(%dma_wait3A_86 : memref<1x128xi32, #tpu.memory_space<vmem>>)
        tpu.yield
      }) : () -> ()
      %dma_start3A = arith.constant 0 : i32
      %dma_start3A_23 = arith.constant 0 : i32
      %dma_start3A_24 = arith.constant 0 : i32
      %dma_start3A_25 = arith.constant 0 : i32
      %dma_start3A_26 = tpu.memref_slice %arg11[%dma_start3A_23, %dma_start3A_24, %dma_start3A_25] : memref<13x128x16xf32, #tpu.memory_space<vmem>> -> memref<1x128x16xf32, #tpu.memory_space<vmem>>
      %dma_start3A_27 = tpu.memref_squeeze %dma_start3A_26 : memref<1x128x16xf32, #tpu.memory_space<vmem>> -> memref<128x16xf32, #tpu.memory_space<vmem>>
      %dma_start3A_28 = arith.constant 0 : i32
      %dma_start3A_29 = tpu.memref_slice %arg9[%dma_start3A, %dma_start3A_28] : memref<13x128xi32, #tpu.memory_space<vmem>> -> memref<1x128xi32, #tpu.memory_space<vmem>>
      %dma_start3A_30 = tpu.memref_squeeze %dma_start3A_29 : memref<1x128xi32, #tpu.memory_space<vmem>> -> memref<128xi32, #tpu.memory_space<vmem>>
      %dma_start3A_31 = arith.constant 0 : i32
      %dma_start3A_32 = arith.constant 0 : i32
      %dma_start3A_33 = tpu.memref_slice %arg8[%dma_start3A_31, %dma_start3A_32] : memref<10000x16xf32, #tpu.memory_space<vmem_shared>> -> memref<10000x16xf32, #tpu.memory_space<vmem_shared>>
      tpu.enqueue_indirect_dma source(%dma_start3A_33 : memref<10000x16xf32, #tpu.memory_space<vmem_shared>>) target(%dma_start3A_27 : memref<128x16xf32, #tpu.memory_space<vmem>>) offsets(%dma_start3A_30 : memref<128xi32, #tpu.memory_space<vmem>>) semaphore(%arg12 : memref<!tpu.dma_semaphore, #tpu.memory_space<semaphore_mem>>)
      %dma_wait3A = arith.constant 0 : i32
      %dma_wait3A_34 = arith.constant 0 : i32
      %dma_wait3A_35 = arith.constant 0 : i32
      %dma_wait3A_36 = arith.constant 0 : i32
      %dma_wait3A_37 = tpu.memref_slice %arg11[%dma_wait3A_34, %dma_wait3A_35, %dma_wait3A_36] : memref<13x128x16xf32, #tpu.memory_space<vmem>> -> memref<1x128x16xf32, #tpu.memory_space<vmem>>
      %dma_wait3A_38 = tpu.memref_squeeze %dma_wait3A_37 : memref<1x128x16xf32, #tpu.memory_space<vmem>> -> memref<128x16xf32, #tpu.memory_space<vmem>>
      %dma_wait3A_39 = arith.constant 0 : i32
      %dma_wait3A_40 = tpu.memref_slice %arg9[%dma_wait3A, %dma_wait3A_39] : memref<13x128xi32, #tpu.memory_space<vmem>> -> memref<1x128xi32, #tpu.memory_space<vmem>>
      %dma_wait3A_41 = tpu.memref_squeeze %dma_wait3A_40 : memref<1x128xi32, #tpu.memory_space<vmem>> -> memref<128xi32, #tpu.memory_space<vmem>>
      %dma_wait3A_42 = arith.constant 0 : i32
      %dma_wait3A_43 = arith.constant 0 : i32
      %dma_wait3A_44 = tpu.memref_slice %arg8[%dma_wait3A_42, %dma_wait3A_43] : memref<10000x16xf32, #tpu.memory_space<vmem_shared>> -> memref<10000x16xf32, #tpu.memory_space<vmem_shared>>
      tpu.wait_indirect_dma semaphore(%arg12 : memref<!tpu.dma_semaphore, #tpu.memory_space<semaphore_mem>>) src(%dma_wait3A_44 : memref<10000x16xf32, #tpu.memory_space<vmem_shared>>) dst(%dma_wait3A_38 : memref<128x16xf32, #tpu.memory_space<vmem>>)
      %dma_start3A_45 = arith.constant 0 : i32
      %dma_start3A_46 = arith.constant 0 : i32
      %dma_start3A_47 = arith.constant 0 : i32
      %dma_start3A_48 = arith.constant 0 : i32
      %dma_start3A_49 = tpu.memref_slice %arg11[%dma_start3A_45, %dma_start3A_47, %dma_start3A_48] : memref<13x128x16xf32, #tpu.memory_space<vmem>> -> memref<1x128x16xf32, #tpu.memory_space<vmem>>
      %dma_start3A_50 = tpu.memref_squeeze %dma_start3A_49 : memref<1x128x16xf32, #tpu.memory_space<vmem>> -> memref<128x16xf32, #tpu.memory_space<vmem>>
      %dma_start3A_51 = arith.constant 0 : i32
      %dma_start3A_52 = tpu.memref_slice %arg10[%dma_start3A_46, %dma_start3A_51] : memref<13x128xi32, #tpu.memory_space<vmem>> -> memref<1x128xi32, #tpu.memory_space<vmem>>
      %dma_start3A_53 = tpu.memref_squeeze %dma_start3A_52 : memref<1x128xi32, #tpu.memory_space<vmem>> -> memref<128xi32, #tpu.memory_space<vmem>>
      %dma_start3A_54 = arith.constant 0 : i32
      %dma_start3A_55 = arith.constant 0 : i32
      %dma_start3A_56 = tpu.memref_slice %arg7[%dma_start3A_54, %dma_start3A_55] : memref<10000x16xf32, #tpu.memory_space<vmem_shared>> -> memref<10000x16xf32, #tpu.memory_space<vmem_shared>>
      tpu.enqueue_indirect_dma source(%dma_start3A_50 : memref<128x16xf32, #tpu.memory_space<vmem>>) target(%dma_start3A_56 : memref<10000x16xf32, #tpu.memory_space<vmem_shared>>) offsets(%dma_start3A_53 : memref<128xi32, #tpu.memory_space<vmem>>) semaphore(%arg13 : memref<!tpu.dma_semaphore, #tpu.memory_space<semaphore_mem>>) {add = true}
      %dma_wait3A_57 = arith.constant 0 : i32
      %dma_wait3A_58 = arith.constant 0 : i32
      %dma_wait3A_59 = arith.constant 0 : i32
      %dma_wait3A_60 = arith.constant 0 : i32
      %dma_wait3A_61 = tpu.memref_slice %arg11[%dma_wait3A_57, %dma_wait3A_59, %dma_wait3A_60] : memref<13x128x16xf32, #tpu.memory_space<vmem>> -> memref<1x128x16xf32, #tpu.memory_space<vmem>>
      %dma_wait3A_62 = tpu.memref_squeeze %dma_wait3A_61 : memref<1x128x16xf32, #tpu.memory_space<vmem>> -> memref<128x16xf32, #tpu.memory_space<vmem>>
      %dma_wait3A_63 = arith.constant 0 : i32
      %dma_wait3A_64 = tpu.memref_slice %arg10[%dma_wait3A_58, %dma_wait3A_63] : memref<13x128xi32, #tpu.memory_space<vmem>> -> memref<1x128xi32, #tpu.memory_space<vmem>>
      %dma_wait3A_65 = tpu.memref_squeeze %dma_wait3A_64 : memref<1x128xi32, #tpu.memory_space<vmem>> -> memref<128xi32, #tpu.memory_space<vmem>>
      %dma_wait3A_66 = arith.constant 0 : i32
      %dma_wait3A_67 = arith.constant 0 : i32
      %dma_wait3A_68 = tpu.memref_slice %arg7[%dma_wait3A_66, %dma_wait3A_67] : memref<10000x16xf32, #tpu.memory_space<vmem_shared>> -> memref<10000x16xf32, #tpu.memory_space<vmem_shared>>
      tpu.wait_indirect_dma semaphore(%arg13 : memref<!tpu.dma_semaphore, #tpu.memory_space<semaphore_mem>>) src(%dma_wait3A_62 : memref<128x16xf32, #tpu.memory_space<vmem>>) dst(%dma_wait3A_68 : memref<10000x16xf32, #tpu.memory_space<vmem_shared>>)
    } else {
    }
    %barrier3A_16 = arith.constant 0 : index
    tpu.barrier barrier_id(%barrier3A_16)
    %mul3A_17 = arith.constant 625 : i32
    %mul3A_18 = arith.muli %arg1, %mul3A_17 : i32
    %mul3A_19 = arith.constant 625 : i32
    %mul3A_20 = arith.muli %arg1, %mul3A_19 : i32
    "tpu.region"() ({
      %run_scoped3A = tpu.sem_alloc : memref<!tpu.dma_semaphore, #tpu.memory_space<semaphore_mem>>
      %dma_start3A = arith.constant 0 : i32
      %dma_start3A_21 = tpu.memref_slice %arg6[%arg0, %mul3A_20, %dma_start3A] : memref<2x10000x16xf32, #tpu.memory_space<hbm>> -> memref<1x625x16xf32, #tpu.memory_space<hbm>>
      %dma_start3A_22 = tpu.memref_squeeze %dma_start3A_21 : memref<1x625x16xf32, #tpu.memory_space<hbm>> -> memref<625x16xf32, #tpu.memory_space<hbm>>
      %dma_start3A_23 = arith.constant 0 : i32
      %dma_start3A_24 = tpu.memref_slice %arg7[%mul3A_18, %dma_start3A_23] : memref<10000x16xf32, #tpu.memory_space<vmem_shared>> -> memref<625x16xf32, #tpu.memory_space<vmem_shared>>
      tpu.enqueue_dma source(%dma_start3A_24 : memref<625x16xf32, #tpu.memory_space<vmem_shared>>) target(%dma_start3A_22 : memref<625x16xf32, #tpu.memory_space<hbm>>) target_semaphore(%run_scoped3A : memref<!tpu.dma_semaphore, #tpu.memory_space<semaphore_mem>>)
      %dma_wait3A = arith.constant 0 : i32
      %dma_wait3A_25 = tpu.memref_slice %arg6[%arg0, %mul3A_20, %dma_wait3A] : memref<2x10000x16xf32, #tpu.memory_space<hbm>> -> memref<1x625x16xf32, #tpu.memory_space<hbm>>
      %dma_wait3A_26 = tpu.memref_squeeze %dma_wait3A_25 : memref<1x625x16xf32, #tpu.memory_space<hbm>> -> memref<625x16xf32, #tpu.memory_space<hbm>>
      %dma_wait3A_27 = arith.constant 0 : i32
      %dma_wait3A_28 = tpu.memref_slice %arg7[%mul3A_18, %dma_wait3A_27] : memref<10000x16xf32, #tpu.memory_space<vmem_shared>> -> memref<625x16xf32, #tpu.memory_space<vmem_shared>>
      tpu.wait_dma2 semaphore(%run_scoped3A : memref<!tpu.dma_semaphore, #tpu.memory_space<semaphore_mem>>) src(%dma_wait3A_28 : memref<625x16xf32, #tpu.memory_space<vmem_shared>>) dst(%dma_wait3A_26 : memref<625x16xf32, #tpu.memory_space<hbm>>)
      tpu.yield
    }) : () -> ()
    return
  }
}

#map = affine_map<(d0, d1) -> (0, 0)>
module attributes {stable_mosaic.version = 14 : i64} {
  func.func @_hist_sc(%arg0: i32, %arg1: i32, %arg2: memref<2500x128xi32, #tpu.memory_space<hbm>>, %arg3: memref<32x10000xi32, #tpu.memory_space<hbm>>, %arg4: memref<10000xi32, #tpu.memory_space<vmem>>, %arg5: memref<13x128xi32, #tpu.memory_space<vmem>>) attributes {dimension_semantics = [#tpu.dimension_semantics<core_parallel>, #tpu.dimension_semantics<subcore_parallel>], iteration_bounds = array<i64: 2, 16>, scalar_prefetch = 0 : i64, scratch_operands = 2 : i64, tpu.core_type = #tpu.core_type<sc_vector_subcore>, window_params = [{transform_indices = #map}, {transform_indices = #map}]} {
    %mul3A = arith.constant 2 : i32
    %mul3A_0 = arith.muli %arg1, %mul3A : i32
    %add3A = arith.addi %mul3A_0, %arg0 : i32
    %broadcast_in_dim3A = arith.constant 0 : i32
    %broadcast_in_dim3A_1 = vector.broadcast %broadcast_in_dim3A : i32 to vector<16xi32>
    %scan3A = arith.constant 0 : i32
    %scan3A_2 = arith.constant 0 : i32
    %scan3A_3 = arith.constant 625 : i32
    %scan3A_4 = arith.addi %scan3A_2, %scan3A_3 : i32
    %scan3A_5 = arith.constant 1 : i32
    scf.for %scan3A_17 = %scan3A_2 to %scan3A_4 step %scan3A_5  : i32 {
      %mul3A_18 = arith.constant 16 : i32
      %mul3A_19 = arith.muli %scan3A_17, %mul3A_18 : i32
      %swap3A = arith.index_cast %mul3A_19 : i32 to index
      %swap3A_20 = tpu.vector_load %arg4[%swap3A] {strides = array<i32>} : memref<10000xi32, #tpu.memory_space<vmem>>, vector<16xi32>,
      tpu.vector_store %arg4[%swap3A], %broadcast_in_dim3A_1 {strides = array<i32>} : memref<10000xi32, #tpu.memory_space<vmem>>, vector<16xi32>,
    }
    %scan3A_6 = arith.constant 625 : i32
    %broadcast_in_dim3A_7 = arith.constant 1 : i32
    %broadcast_in_dim3A_8 = vector.broadcast %broadcast_in_dim3A_7 : i32 to vector<16xi32>
    %scan3A_9 = arith.constant 0 : i32
    %scan3A_10 = arith.constant 0 : i32
    %scan3A_11 = arith.constant 6 : i32
    %scan3A_12 = arith.addi %scan3A_10, %scan3A_11 : i32
    %scan3A_13 = arith.constant 1 : i32
    scf.for %scan3A_17 = %scan3A_10 to %scan3A_12 step %scan3A_13  : i32 {
      %mul3A_18 = arith.constant 78 : i32
      %mul3A_19 = arith.muli %add3A, %mul3A_18 : i32
      %mul3A_20 = arith.constant 13 : i32
      %mul3A_21 = arith.muli %scan3A_17, %mul3A_20 : i32
      %add3A_22 = arith.addi %mul3A_19, %mul3A_21 : i32
      "tpu.region"() ({
        %run_scoped3A = tpu.sem_alloc : memref<!tpu.dma_semaphore, #tpu.memory_space<semaphore_mem>>
        %dma_start3A = arith.constant 0 : i32
        %dma_start3A_29 = tpu.memref_slice %arg2[%add3A_22, %dma_start3A] : memref<2500x128xi32, #tpu.memory_space<hbm>> -> memref<13x128xi32, #tpu.memory_space<hbm>>
        %dma_start3A_30 = arith.constant 0 : i32
        %dma_start3A_31 = tpu.memref_slice %arg2[%add3A_22, %dma_start3A_30] : memref<2500x128xi32, #tpu.memory_space<hbm>> -> memref<13x128xi32, #tpu.memory_space<hbm>>
        tpu.enqueue_dma source(%dma_start3A_31 : memref<13x128xi32, #tpu.memory_space<hbm>>) target(%arg5 : memref<13x128xi32, #tpu.memory_space<vmem>>) target_semaphore(%run_scoped3A : memref<!tpu.dma_semaphore, #tpu.memory_space<semaphore_mem>>)
        %dma_wait3A = arith.constant 0 : i32
        %dma_wait3A_32 = tpu.memref_slice %arg2[%add3A_22, %dma_wait3A] : memref<2500x128xi32, #tpu.memory_space<hbm>> -> memref<13x128xi32, #tpu.memory_space<hbm>>
        %dma_wait3A_33 = arith.constant 0 : i32
        %dma_wait3A_34 = tpu.memref_slice %arg2[%add3A_22, %dma_wait3A_33] : memref<2500x128xi32, #tpu.memory_space<hbm>> -> memref<13x128xi32, #tpu.memory_space<hbm>>
        tpu.wait_dma2 semaphore(%run_scoped3A : memref<!tpu.dma_semaphore, #tpu.memory_space<semaphore_mem>>) src(%dma_wait3A_34 : memref<13x128xi32, #tpu.memory_space<hbm>>) dst(%arg5 : memref<13x128xi32, #tpu.memory_space<vmem>>)
        tpu.yield
      }) : () -> ()
      %scan3A_23 = arith.constant 0 : i32
      %scan3A_24 = arith.constant 0 : i32
      %scan3A_25 = arith.constant 13 : i32
      %scan3A_26 = arith.addi %scan3A_24, %scan3A_25 : i32
      %scan3A_27 = arith.constant 1 : i32
      scf.for %scan3A_29 = %scan3A_24 to %scan3A_26 step %scan3A_27  : i32 {
        %get3A = arith.constant 0 : i32
        %get3A_30 = tpu.memref_slice %arg5[%scan3A_29, %get3A] : memref<13x128xi32, #tpu.memory_space<vmem>> -> memref<1x128xi32, #tpu.memory_space<vmem>>
        %get3A_31 = tpu.memref_squeeze %get3A_30 : memref<1x128xi32, #tpu.memory_space<vmem>> -> memref<128xi32, #tpu.memory_space<vmem>>
        %get3A_32 = arith.constant 0 : index
        %get3A_33 = tpu.vector_load %get3A_31[%get3A_32] {strides = array<i32>} : memref<128xi32, #tpu.memory_space<vmem>>, vector<16xi32>,
        tpu.vector_store_idx %arg4[%get3A_33], %broadcast_in_dim3A_8 {add = true} : memref<10000xi32, #tpu.memory_space<vmem>>[vector<16xi32>], vector<16xi32>,
        %get3A_34 = arith.constant 0 : i32
        %get3A_35 = tpu.memref_slice %arg5[%scan3A_29, %get3A_34] : memref<13x128xi32, #tpu.memory_space<vmem>> -> memref<1x128xi32, #tpu.memory_space<vmem>>
        %get3A_36 = tpu.memref_squeeze %get3A_35 : memref<1x128xi32, #tpu.memory_space<vmem>> -> memref<128xi32, #tpu.memory_space<vmem>>
        %get3A_37 = arith.constant 16 : index
        %get3A_38 = tpu.vector_load %get3A_36[%get3A_37] {strides = array<i32>} : memref<128xi32, #tpu.memory_space<vmem>>, vector<16xi32>,
        tpu.vector_store_idx %arg4[%get3A_38], %broadcast_in_dim3A_8 {add = true} : memref<10000xi32, #tpu.memory_space<vmem>>[vector<16xi32>], vector<16xi32>,
        %get3A_39 = arith.constant 0 : i32
        %get3A_40 = tpu.memref_slice %arg5[%scan3A_29, %get3A_39] : memref<13x128xi32, #tpu.memory_space<vmem>> -> memref<1x128xi32, #tpu.memory_space<vmem>>
        %get3A_41 = tpu.memref_squeeze %get3A_40 : memref<1x128xi32, #tpu.memory_space<vmem>> -> memref<128xi32, #tpu.memory_space<vmem>>
        %get3A_42 = arith.constant 32 : index
        %get3A_43 = tpu.vector_load %get3A_41[%get3A_42] {strides = array<i32>} : memref<128xi32, #tpu.memory_space<vmem>>, vector<16xi32>,
        tpu.vector_store_idx %arg4[%get3A_43], %broadcast_in_dim3A_8 {add = true} : memref<10000xi32, #tpu.memory_space<vmem>>[vector<16xi32>], vector<16xi32>,
        %get3A_44 = arith.constant 0 : i32
        %get3A_45 = tpu.memref_slice %arg5[%scan3A_29, %get3A_44] : memref<13x128xi32, #tpu.memory_space<vmem>> -> memref<1x128xi32, #tpu.memory_space<vmem>>
        %get3A_46 = tpu.memref_squeeze %get3A_45 : memref<1x128xi32, #tpu.memory_space<vmem>> -> memref<128xi32, #tpu.memory_space<vmem>>
        %get3A_47 = arith.constant 48 : index
        %get3A_48 = tpu.vector_load %get3A_46[%get3A_47] {strides = array<i32>} : memref<128xi32, #tpu.memory_space<vmem>>, vector<16xi32>,
        tpu.vector_store_idx %arg4[%get3A_48], %broadcast_in_dim3A_8 {add = true} : memref<10000xi32, #tpu.memory_space<vmem>>[vector<16xi32>], vector<16xi32>,
        %get3A_49 = arith.constant 0 : i32
        %get3A_50 = tpu.memref_slice %arg5[%scan3A_29, %get3A_49] : memref<13x128xi32, #tpu.memory_space<vmem>> -> memref<1x128xi32, #tpu.memory_space<vmem>>
        %get3A_51 = tpu.memref_squeeze %get3A_50 : memref<1x128xi32, #tpu.memory_space<vmem>> -> memref<128xi32, #tpu.memory_space<vmem>>
        %get3A_52 = arith.constant 64 : index
        %get3A_53 = tpu.vector_load %get3A_51[%get3A_52] {strides = array<i32>} : memref<128xi32, #tpu.memory_space<vmem>>, vector<16xi32>,
        tpu.vector_store_idx %arg4[%get3A_53], %broadcast_in_dim3A_8 {add = true} : memref<10000xi32, #tpu.memory_space<vmem>>[vector<16xi32>], vector<16xi32>,
        %get3A_54 = arith.constant 0 : i32
        %get3A_55 = tpu.memref_slice %arg5[%scan3A_29, %get3A_54] : memref<13x128xi32, #tpu.memory_space<vmem>> -> memref<1x128xi32, #tpu.memory_space<vmem>>
        %get3A_56 = tpu.memref_squeeze %get3A_55 : memref<1x128xi32, #tpu.memory_space<vmem>> -> memref<128xi32, #tpu.memory_space<vmem>>
        %get3A_57 = arith.constant 80 : index
        %get3A_58 = tpu.vector_load %get3A_56[%get3A_57] {strides = array<i32>} : memref<128xi32, #tpu.memory_space<vmem>>, vector<16xi32>,
        tpu.vector_store_idx %arg4[%get3A_58], %broadcast_in_dim3A_8 {add = true} : memref<10000xi32, #tpu.memory_space<vmem>>[vector<16xi32>], vector<16xi32>,
        %get3A_59 = arith.constant 0 : i32
        %get3A_60 = tpu.memref_slice %arg5[%scan3A_29, %get3A_59] : memref<13x128xi32, #tpu.memory_space<vmem>> -> memref<1x128xi32, #tpu.memory_space<vmem>>
        %get3A_61 = tpu.memref_squeeze %get3A_60 : memref<1x128xi32, #tpu.memory_space<vmem>> -> memref<128xi32, #tpu.memory_space<vmem>>
        %get3A_62 = arith.constant 96 : index
        %get3A_63 = tpu.vector_load %get3A_61[%get3A_62] {strides = array<i32>} : memref<128xi32, #tpu.memory_space<vmem>>, vector<16xi32>,
        tpu.vector_store_idx %arg4[%get3A_63], %broadcast_in_dim3A_8 {add = true} : memref<10000xi32, #tpu.memory_space<vmem>>[vector<16xi32>], vector<16xi32>,
        %get3A_64 = arith.constant 0 : i32
        %get3A_65 = tpu.memref_slice %arg5[%scan3A_29, %get3A_64] : memref<13x128xi32, #tpu.memory_space<vmem>> -> memref<1x128xi32, #tpu.memory_space<vmem>>
        %get3A_66 = tpu.memref_squeeze %get3A_65 : memref<1x128xi32, #tpu.memory_space<vmem>> -> memref<128xi32, #tpu.memory_space<vmem>>
        %get3A_67 = arith.constant 112 : index
        %get3A_68 = tpu.vector_load %get3A_66[%get3A_67] {strides = array<i32>} : memref<128xi32, #tpu.memory_space<vmem>>, vector<16xi32>,
        tpu.vector_store_idx %arg4[%get3A_68], %broadcast_in_dim3A_8 {add = true} : memref<10000xi32, #tpu.memory_space<vmem>>[vector<16xi32>], vector<16xi32>,
      }
      %scan3A_28 = arith.constant 13 : i32
    }
    %scan3A_14 = arith.constant 6 : i32
    %lt3A = arith.constant 4 : i32
    %lt3A_15 = arith.cmpi slt, %add3A, %lt3A : i32
    %convert_element_type3A = arith.extui %lt3A_15 : i1 to i32
    %cond3A = arith.constant 0 : i32
    %cond3A_16 = arith.cmpi ne, %convert_element_type3A, %cond3A : i32
    scf.if %cond3A_16 {
      %add3A_17 = arith.constant 2496 : i32
      %add3A_18 = arith.addi %add3A_17, %add3A : i32
      "tpu.region"() ({
        %run_scoped3A = tpu.sem_alloc : memref<!tpu.dma_semaphore, #tpu.memory_space<semaphore_mem>>
        %dma_start3A = arith.constant 0 : i32
        %dma_start3A_66 = arith.constant 0 : i32
        %dma_start3A_67 = tpu.memref_slice %arg5[%dma_start3A, %dma_start3A_66] : memref<13x128xi32, #tpu.memory_space<vmem>> -> memref<1x128xi32, #tpu.memory_space<vmem>>
        %dma_start3A_68 = arith.constant 0 : i32
        %dma_start3A_69 = tpu.memref_slice %arg2[%add3A_18, %dma_start3A_68] : memref<2500x128xi32, #tpu.memory_space<hbm>> -> memref<1x128xi32, #tpu.memory_space<hbm>>
        %dma_start3A_70 = arith.constant 0 : i32
        %dma_start3A_71 = arith.constant 0 : i32
        %dma_start3A_72 = tpu.memref_slice %arg5[%dma_start3A_70, %dma_start3A_71] : memref<13x128xi32, #tpu.memory_space<vmem>> -> memref<1x128xi32, #tpu.memory_space<vmem>>
        %dma_start3A_73 = arith.constant 0 : i32
        %dma_start3A_74 = tpu.memref_slice %arg2[%add3A_18, %dma_start3A_73] : memref<2500x128xi32, #tpu.memory_space<hbm>> -> memref<1x128xi32, #tpu.memory_space<hbm>>
        tpu.enqueue_dma source(%dma_start3A_74 : memref<1x128xi32, #tpu.memory_space<hbm>>) target(%dma_start3A_72 : memref<1x128xi32, #tpu.memory_space<vmem>>) target_semaphore(%run_scoped3A : memref<!tpu.dma_semaphore, #tpu.memory_space<semaphore_mem>>)
        %dma_wait3A = arith.constant 0 : i32
        %dma_wait3A_75 = arith.constant 0 : i32
        %dma_wait3A_76 = tpu.memref_slice %arg5[%dma_wait3A, %dma_wait3A_75] : memref<13x128xi32, #tpu.memory_space<vmem>> -> memref<1x128xi32, #tpu.memory_space<vmem>>
        %dma_wait3A_77 = arith.constant 0 : i32
        %dma_wait3A_78 = tpu.memref_slice %arg2[%add3A_18, %dma_wait3A_77] : memref<2500x128xi32, #tpu.memory_space<hbm>> -> memref<1x128xi32, #tpu.memory_space<hbm>>
        %dma_wait3A_79 = arith.constant 0 : i32
        %dma_wait3A_80 = arith.constant 0 : i32
        %dma_wait3A_81 = tpu.memref_slice %arg5[%dma_wait3A_79, %dma_wait3A_80] : memref<13x128xi32, #tpu.memory_space<vmem>> -> memref<1x128xi32, #tpu.memory_space<vmem>>
        %dma_wait3A_82 = arith.constant 0 : i32
        %dma_wait3A_83 = tpu.memref_slice %arg2[%add3A_18, %dma_wait3A_82] : memref<2500x128xi32, #tpu.memory_space<hbm>> -> memref<1x128xi32, #tpu.memory_space<hbm>>
        tpu.wait_dma2 semaphore(%run_scoped3A : memref<!tpu.dma_semaphore, #tpu.memory_space<semaphore_mem>>) src(%dma_wait3A_83 : memref<1x128xi32, #tpu.memory_space<hbm>>) dst(%dma_wait3A_81 : memref<1x128xi32, #tpu.memory_space<vmem>>)
        tpu.yield
      }) : () -> ()
      %get3A = arith.constant 0 : i32
      %get3A_19 = arith.constant 0 : i32
      %get3A_20 = tpu.memref_slice %arg5[%get3A, %get3A_19] : memref<13x128xi32, #tpu.memory_space<vmem>> -> memref<1x128xi32, #tpu.memory_space<vmem>>
      %get3A_21 = tpu.memref_squeeze %get3A_20 : memref<1x128xi32, #tpu.memory_space<vmem>> -> memref<128xi32, #tpu.memory_space<vmem>>
      %get3A_22 = arith.constant 0 : index
      %get3A_23 = tpu.vector_load %get3A_21[%get3A_22] {strides = array<i32>} : memref<128xi32, #tpu.memory_space<vmem>>, vector<16xi32>,
      tpu.vector_store_idx %arg4[%get3A_23], %broadcast_in_dim3A_8 {add = true} : memref<10000xi32, #tpu.memory_space<vmem>>[vector<16xi32>], vector<16xi32>,
      %get3A_24 = arith.constant 0 : i32
      %get3A_25 = arith.constant 0 : i32
      %get3A_26 = tpu.memref_slice %arg5[%get3A_24, %get3A_25] : memref<13x128xi32, #tpu.memory_space<vmem>> -> memref<1x128xi32, #tpu.memory_space<vmem>>
      %get3A_27 = tpu.memref_squeeze %get3A_26 : memref<1x128xi32, #tpu.memory_space<vmem>> -> memref<128xi32, #tpu.memory_space<vmem>>
      %get3A_28 = arith.constant 16 : index
      %get3A_29 = tpu.vector_load %get3A_27[%get3A_28] {strides = array<i32>} : memref<128xi32, #tpu.memory_space<vmem>>, vector<16xi32>,
      tpu.vector_store_idx %arg4[%get3A_29], %broadcast_in_dim3A_8 {add = true} : memref<10000xi32, #tpu.memory_space<vmem>>[vector<16xi32>], vector<16xi32>,
      %get3A_30 = arith.constant 0 : i32
      %get3A_31 = arith.constant 0 : i32
      %get3A_32 = tpu.memref_slice %arg5[%get3A_30, %get3A_31] : memref<13x128xi32, #tpu.memory_space<vmem>> -> memref<1x128xi32, #tpu.memory_space<vmem>>
      %get3A_33 = tpu.memref_squeeze %get3A_32 : memref<1x128xi32, #tpu.memory_space<vmem>> -> memref<128xi32, #tpu.memory_space<vmem>>
      %get3A_34 = arith.constant 32 : index
      %get3A_35 = tpu.vector_load %get3A_33[%get3A_34] {strides = array<i32>} : memref<128xi32, #tpu.memory_space<vmem>>, vector<16xi32>,
      tpu.vector_store_idx %arg4[%get3A_35], %broadcast_in_dim3A_8 {add = true} : memref<10000xi32, #tpu.memory_space<vmem>>[vector<16xi32>], vector<16xi32>,
      %get3A_36 = arith.constant 0 : i32
      %get3A_37 = arith.constant 0 : i32
      %get3A_38 = tpu.memref_slice %arg5[%get3A_36, %get3A_37] : memref<13x128xi32, #tpu.memory_space<vmem>> -> memref<1x128xi32, #tpu.memory_space<vmem>>
      %get3A_39 = tpu.memref_squeeze %get3A_38 : memref<1x128xi32, #tpu.memory_space<vmem>> -> memref<128xi32, #tpu.memory_space<vmem>>
      %get3A_40 = arith.constant 48 : index
      %get3A_41 = tpu.vector_load %get3A_39[%get3A_40] {strides = array<i32>} : memref<128xi32, #tpu.memory_space<vmem>>, vector<16xi32>,
      tpu.vector_store_idx %arg4[%get3A_41], %broadcast_in_dim3A_8 {add = true} : memref<10000xi32, #tpu.memory_space<vmem>>[vector<16xi32>], vector<16xi32>,
      %get3A_42 = arith.constant 0 : i32
      %get3A_43 = arith.constant 0 : i32
      %get3A_44 = tpu.memref_slice %arg5[%get3A_42, %get3A_43] : memref<13x128xi32, #tpu.memory_space<vmem>> -> memref<1x128xi32, #tpu.memory_space<vmem>>
      %get3A_45 = tpu.memref_squeeze %get3A_44 : memref<1x128xi32, #tpu.memory_space<vmem>> -> memref<128xi32, #tpu.memory_space<vmem>>
      %get3A_46 = arith.constant 64 : index
      %get3A_47 = tpu.vector_load %get3A_45[%get3A_46] {strides = array<i32>} : memref<128xi32, #tpu.memory_space<vmem>>, vector<16xi32>,
      tpu.vector_store_idx %arg4[%get3A_47], %broadcast_in_dim3A_8 {add = true} : memref<10000xi32, #tpu.memory_space<vmem>>[vector<16xi32>], vector<16xi32>,
      %get3A_48 = arith.constant 0 : i32
      %get3A_49 = arith.constant 0 : i32
      %get3A_50 = tpu.memref_slice %arg5[%get3A_48, %get3A_49] : memref<13x128xi32, #tpu.memory_space<vmem>> -> memref<1x128xi32, #tpu.memory_space<vmem>>
      %get3A_51 = tpu.memref_squeeze %get3A_50 : memref<1x128xi32, #tpu.memory_space<vmem>> -> memref<128xi32, #tpu.memory_space<vmem>>
      %get3A_52 = arith.constant 80 : index
      %get3A_53 = tpu.vector_load %get3A_51[%get3A_52] {strides = array<i32>} : memref<128xi32, #tpu.memory_space<vmem>>, vector<16xi32>,
      tpu.vector_store_idx %arg4[%get3A_53], %broadcast_in_dim3A_8 {add = true} : memref<10000xi32, #tpu.memory_space<vmem>>[vector<16xi32>], vector<16xi32>,
      %get3A_54 = arith.constant 0 : i32
      %get3A_55 = arith.constant 0 : i32
      %get3A_56 = tpu.memref_slice %arg5[%get3A_54, %get3A_55] : memref<13x128xi32, #tpu.memory_space<vmem>> -> memref<1x128xi32, #tpu.memory_space<vmem>>
      %get3A_57 = tpu.memref_squeeze %get3A_56 : memref<1x128xi32, #tpu.memory_space<vmem>> -> memref<128xi32, #tpu.memory_space<vmem>>
      %get3A_58 = arith.constant 96 : index
      %get3A_59 = tpu.vector_load %get3A_57[%get3A_58] {strides = array<i32>} : memref<128xi32, #tpu.memory_space<vmem>>, vector<16xi32>,
      tpu.vector_store_idx %arg4[%get3A_59], %broadcast_in_dim3A_8 {add = true} : memref<10000xi32, #tpu.memory_space<vmem>>[vector<16xi32>], vector<16xi32>,
      %get3A_60 = arith.constant 0 : i32
      %get3A_61 = arith.constant 0 : i32
      %get3A_62 = tpu.memref_slice %arg5[%get3A_60, %get3A_61] : memref<13x128xi32, #tpu.memory_space<vmem>> -> memref<1x128xi32, #tpu.memory_space<vmem>>
      %get3A_63 = tpu.memref_squeeze %get3A_62 : memref<1x128xi32, #tpu.memory_space<vmem>> -> memref<128xi32, #tpu.memory_space<vmem>>
      %get3A_64 = arith.constant 112 : index
      %get3A_65 = tpu.vector_load %get3A_63[%get3A_64] {strides = array<i32>} : memref<128xi32, #tpu.memory_space<vmem>>, vector<16xi32>,
      tpu.vector_store_idx %arg4[%get3A_65], %broadcast_in_dim3A_8 {add = true} : memref<10000xi32, #tpu.memory_space<vmem>>[vector<16xi32>], vector<16xi32>,
    } else {
    }
    "tpu.region"() ({
      %run_scoped3A = tpu.sem_alloc : memref<!tpu.dma_semaphore, #tpu.memory_space<semaphore_mem>>
      %dma_start3A = arith.constant 0 : i32
      %dma_start3A_17 = tpu.memref_slice %arg3[%add3A, %dma_start3A] : memref<32x10000xi32, #tpu.memory_space<hbm>> -> memref<1x10000xi32, #tpu.memory_space<hbm>>
      %dma_start3A_18 = tpu.memref_squeeze %dma_start3A_17 : memref<1x10000xi32, #tpu.memory_space<hbm>> -> memref<10000xi32, #tpu.memory_space<hbm>>
      %dma_start3A_19 = arith.constant 0 : i32
      %dma_start3A_20 = tpu.memref_slice %arg3[%add3A, %dma_start3A_19] : memref<32x10000xi32, #tpu.memory_space<hbm>> -> memref<1x10000xi32, #tpu.memory_space<hbm>>
      %dma_start3A_21 = tpu.memref_squeeze %dma_start3A_20 : memref<1x10000xi32, #tpu.memory_space<hbm>> -> memref<10000xi32, #tpu.memory_space<hbm>>
      tpu.enqueue_dma source(%arg4 : memref<10000xi32, #tpu.memory_space<vmem>>) target(%dma_start3A_21 : memref<10000xi32, #tpu.memory_space<hbm>>) target_semaphore(%run_scoped3A : memref<!tpu.dma_semaphore, #tpu.memory_space<semaphore_mem>>)
      %dma_wait3A = arith.constant 0 : i32
      %dma_wait3A_22 = tpu.memref_slice %arg3[%add3A, %dma_wait3A] : memref<32x10000xi32, #tpu.memory_space<hbm>> -> memref<1x10000xi32, #tpu.memory_space<hbm>>
      %dma_wait3A_23 = tpu.memref_squeeze %dma_wait3A_22 : memref<1x10000xi32, #tpu.memory_space<hbm>> -> memref<10000xi32, #tpu.memory_space<hbm>>
      %dma_wait3A_24 = arith.constant 0 : i32
      %dma_wait3A_25 = tpu.memref_slice %arg3[%add3A, %dma_wait3A_24] : memref<32x10000xi32, #tpu.memory_space<hbm>> -> memref<1x10000xi32, #tpu.memory_space<hbm>>
      %dma_wait3A_26 = tpu.memref_squeeze %dma_wait3A_25 : memref<1x10000xi32, #tpu.memory_space<hbm>> -> memref<10000xi32, #tpu.memory_space<hbm>>
      tpu.wait_dma2 semaphore(%run_scoped3A : memref<!tpu.dma_semaphore, #tpu.memory_space<semaphore_mem>>) src(%arg4 : memref<10000xi32, #tpu.memory_space<vmem>>) dst(%dma_wait3A_26 : memref<10000xi32, #tpu.memory_space<hbm>>)
      tpu.yield
    }) : () -> ()
    return
  }
}

#map = affine_map<(d0, d1) -> (0, 0)>
#map1 = affine_map<(d0, d1) -> (0, 0, 0)>
module attributes {stable_mosaic.version = 14 : i64} {
  func.func @_prop_sc(%arg0: i32, %arg1: i32, %arg2: memref<10000x16xf32, #tpu.memory_space<hbm>>, %arg3: memref<2500x128xi32, #tpu.memory_space<hbm>>, %arg4: memref<2500x128xi32, #tpu.memory_space<hbm>>, %arg5: memref<10000x16xf32, #tpu.memory_space<hbm>>, %arg6: memref<2x10000x16xf32, #tpu.memory_space<hbm>>, %arg7: memref<10000x16xf32, #tpu.memory_space<vmem_shared>>, %arg8: memref<10000x16xf32, #tpu.memory_space<vmem_shared>>, %arg9: memref<13x128xi32, #tpu.memory_space<vmem>>, %arg10: memref<13x128xi32, #tpu.memory_space<vmem>>, %arg11: memref<13x128x16xf32, #tpu.memory_space<vmem>>, %arg12: memref<!tpu.dma_semaphore, #tpu.memory_space<semaphore_mem>>, %arg13: memref<!tpu.dma_semaphore, #tpu.memory_space<semaphore_mem>>) attributes {dimension_semantics = [#tpu.dimension_semantics<core_parallel>, #tpu.dimension_semantics<subcore_parallel>], iteration_bounds = array<i64: 2, 16>, scalar_prefetch = 0 : i64, scratch_operands = 7 : i64, tpu.core_type = #tpu.core_type<sc_vector_subcore>, window_params = [{transform_indices = #map}, {transform_indices = #map}, {transform_indices = #map}, {transform_indices = #map}, {transform_indices = #map1}]} {
    %mul3A = arith.constant 2 : i32
    %mul3A_0 = arith.muli %arg1, %mul3A : i32
    %add3A = arith.addi %mul3A_0, %arg0 : i32
    %mul3A_1 = arith.constant 625 : i32
    %mul3A_2 = arith.muli %arg1, %mul3A_1 : i32
    %mul3A_3 = arith.constant 625 : i32
    %mul3A_4 = arith.muli %arg1, %mul3A_3 : i32
    "tpu.region"() ({
      %run_scoped3A = tpu.sem_alloc : memref<!tpu.dma_semaphore, #tpu.memory_space<semaphore_mem>>
      %dma_start3A = arith.constant 0 : i32
      %dma_start3A_21 = tpu.memref_slice %arg8[%mul3A_4, %dma_start3A] : memref<10000x16xf32, #tpu.memory_space<vmem_shared>> -> memref<625x16xf32, #tpu.memory_space<vmem_shared>>
      %dma_start3A_22 = arith.constant 0 : i32
      %dma_start3A_23 = tpu.memref_slice %arg2[%mul3A_2, %dma_start3A_22] : memref<10000x16xf32, #tpu.memory_space<hbm>> -> memref<625x16xf32, #tpu.memory_space<hbm>>
      tpu.enqueue_dma source(%dma_start3A_23 : memref<625x16xf32, #tpu.memory_space<hbm>>) target(%dma_start3A_21 : memref<625x16xf32, #tpu.memory_space<vmem_shared>>) target_semaphore(%run_scoped3A : memref<!tpu.dma_semaphore, #tpu.memory_space<semaphore_mem>>)
      %dma_wait3A = arith.constant 0 : i32
      %dma_wait3A_24 = tpu.memref_slice %arg8[%mul3A_4, %dma_wait3A] : memref<10000x16xf32, #tpu.memory_space<vmem_shared>> -> memref<625x16xf32, #tpu.memory_space<vmem_shared>>
      %dma_wait3A_25 = arith.constant 0 : i32
      %dma_wait3A_26 = tpu.memref_slice %arg2[%mul3A_2, %dma_wait3A_25] : memref<10000x16xf32, #tpu.memory_space<hbm>> -> memref<625x16xf32, #tpu.memory_space<hbm>>
      tpu.wait_dma2 semaphore(%run_scoped3A : memref<!tpu.dma_semaphore, #tpu.memory_space<semaphore_mem>>) src(%dma_wait3A_26 : memref<625x16xf32, #tpu.memory_space<hbm>>) dst(%dma_wait3A_24 : memref<625x16xf32, #tpu.memory_space<vmem_shared>>)
      tpu.yield
    }) : () -> ()
    %mul3A_5 = arith.constant 625 : i32
    %mul3A_6 = arith.muli %arg1, %mul3A_5 : i32
    %mul3A_7 = arith.constant 625 : i32
    %mul3A_8 = arith.muli %arg1, %mul3A_7 : i32
    "tpu.region"() ({
      %run_scoped3A = tpu.sem_alloc : memref<!tpu.dma_semaphore, #tpu.memory_space<semaphore_mem>>
      %dma_start3A = arith.constant 0 : i32
      %dma_start3A_21 = tpu.memref_slice %arg7[%mul3A_8, %dma_start3A] : memref<10000x16xf32, #tpu.memory_space<vmem_shared>> -> memref<625x16xf32, #tpu.memory_space<vmem_shared>>
      %dma_start3A_22 = arith.constant 0 : i32
      %dma_start3A_23 = tpu.memref_slice %arg5[%mul3A_6, %dma_start3A_22] : memref<10000x16xf32, #tpu.memory_space<hbm>> -> memref<625x16xf32, #tpu.memory_space<hbm>>
      tpu.enqueue_dma source(%dma_start3A_23 : memref<625x16xf32, #tpu.memory_space<hbm>>) target(%dma_start3A_21 : memref<625x16xf32, #tpu.memory_space<vmem_shared>>) target_semaphore(%run_scoped3A : memref<!tpu.dma_semaphore, #tpu.memory_space<semaphore_mem>>)
      %dma_wait3A = arith.constant 0 : i32
      %dma_wait3A_24 = tpu.memref_slice %arg7[%mul3A_8, %dma_wait3A] : memref<10000x16xf32, #tpu.memory_space<vmem_shared>> -> memref<625x16xf32, #tpu.memory_space<vmem_shared>>
      %dma_wait3A_25 = arith.constant 0 : i32
      %dma_wait3A_26 = tpu.memref_slice %arg5[%mul3A_6, %dma_wait3A_25] : memref<10000x16xf32, #tpu.memory_space<hbm>> -> memref<625x16xf32, #tpu.memory_space<hbm>>
      tpu.wait_dma2 semaphore(%run_scoped3A : memref<!tpu.dma_semaphore, #tpu.memory_space<semaphore_mem>>) src(%dma_wait3A_26 : memref<625x16xf32, #tpu.memory_space<hbm>>) dst(%dma_wait3A_24 : memref<625x16xf32, #tpu.memory_space<vmem_shared>>)
      tpu.yield
    }) : () -> ()
    %barrier3A = arith.constant 0 : index
    tpu.barrier barrier_id(%barrier3A)
    %scan3A = arith.constant 0 : i32
    %scan3A_9 = arith.constant 0 : i32
    %scan3A_10 = arith.constant 6 : i32
    %scan3A_11 = arith.addi %scan3A_9, %scan3A_10 : i32
    %scan3A_12 = arith.constant 1 : i32
    scf.for %scan3A_21 = %scan3A_9 to %scan3A_11 step %scan3A_12  : i32 {
      %mul3A_22 = arith.constant 78 : i32
      %mul3A_23 = arith.muli %add3A, %mul3A_22 : i32
      %mul3A_24 = arith.constant 13 : i32
      %mul3A_25 = arith.muli %scan3A_21, %mul3A_24 : i32
      %add3A_26 = arith.addi %mul3A_23, %mul3A_25 : i32
      "tpu.region"() ({
        %run_scoped3A = tpu.sem_alloc : memref<!tpu.dma_semaphore, #tpu.memory_space<semaphore_mem>>
        %dma_start3A_649 = arith.constant 0 : i32
        %dma_start3A_650 = tpu.memref_slice %arg3[%add3A_26, %dma_start3A_649] : memref<2500x128xi32, #tpu.memory_space<hbm>> -> memref<13x128xi32, #tpu.memory_space<hbm>>
        %dma_start3A_651 = arith.constant 0 : i32
        %dma_start3A_652 = tpu.memref_slice %arg3[%add3A_26, %dma_start3A_651] : memref<2500x128xi32, #tpu.memory_space<hbm>> -> memref<13x128xi32, #tpu.memory_space<hbm>>
        tpu.enqueue_dma source(%dma_start3A_652 : memref<13x128xi32, #tpu.memory_space<hbm>>) target(%arg9 : memref<13x128xi32, #tpu.memory_space<vmem>>) target_semaphore(%run_scoped3A : memref<!tpu.dma_semaphore, #tpu.memory_space<semaphore_mem>>)
        %dma_wait3A_653 = arith.constant 0 : i32
        %dma_wait3A_654 = tpu.memref_slice %arg3[%add3A_26, %dma_wait3A_653] : memref<2500x128xi32, #tpu.memory_space<hbm>> -> memref<13x128xi32, #tpu.memory_space<hbm>>
        %dma_wait3A_655 = arith.constant 0 : i32
        %dma_wait3A_656 = tpu.memref_slice %arg3[%add3A_26, %dma_wait3A_655] : memref<2500x128xi32, #tpu.memory_space<hbm>> -> memref<13x128xi32, #tpu.memory_space<hbm>>
        tpu.wait_dma2 semaphore(%run_scoped3A : memref<!tpu.dma_semaphore, #tpu.memory_space<semaphore_mem>>) src(%dma_wait3A_656 : memref<13x128xi32, #tpu.memory_space<hbm>>) dst(%arg9 : memref<13x128xi32, #tpu.memory_space<vmem>>)
        tpu.yield
      }) : () -> ()
      "tpu.region"() ({
        %run_scoped3A = tpu.sem_alloc : memref<!tpu.dma_semaphore, #tpu.memory_space<semaphore_mem>>
        %dma_start3A_649 = arith.constant 0 : i32
        %dma_start3A_650 = tpu.memref_slice %arg4[%add3A_26, %dma_start3A_649] : memref<2500x128xi32, #tpu.memory_space<hbm>> -> memref<13x128xi32, #tpu.memory_space<hbm>>
        %dma_start3A_651 = arith.constant 0 : i32
        %dma_start3A_652 = tpu.memref_slice %arg4[%add3A_26, %dma_start3A_651] : memref<2500x128xi32, #tpu.memory_space<hbm>> -> memref<13x128xi32, #tpu.memory_space<hbm>>
        tpu.enqueue_dma source(%dma_start3A_652 : memref<13x128xi32, #tpu.memory_space<hbm>>) target(%arg10 : memref<13x128xi32, #tpu.memory_space<vmem>>) target_semaphore(%run_scoped3A : memref<!tpu.dma_semaphore, #tpu.memory_space<semaphore_mem>>)
        %dma_wait3A_653 = arith.constant 0 : i32
        %dma_wait3A_654 = tpu.memref_slice %arg4[%add3A_26, %dma_wait3A_653] : memref<2500x128xi32, #tpu.memory_space<hbm>> -> memref<13x128xi32, #tpu.memory_space<hbm>>
        %dma_wait3A_655 = arith.constant 0 : i32
        %dma_wait3A_656 = tpu.memref_slice %arg4[%add3A_26, %dma_wait3A_655] : memref<2500x128xi32, #tpu.memory_space<hbm>> -> memref<13x128xi32, #tpu.memory_space<hbm>>
        tpu.wait_dma2 semaphore(%run_scoped3A : memref<!tpu.dma_semaphore, #tpu.memory_space<semaphore_mem>>) src(%dma_wait3A_656 : memref<13x128xi32, #tpu.memory_space<hbm>>) dst(%arg10 : memref<13x128xi32, #tpu.memory_space<vmem>>)
        tpu.yield
      }) : () -> ()
      %dma_start3A = arith.constant 0 : i32
      %dma_start3A_27 = arith.constant 0 : i32
      %dma_start3A_28 = arith.constant 0 : i32
      %dma_start3A_29 = arith.constant 0 : i32
      %dma_start3A_30 = tpu.memref_slice %arg11[%dma_start3A_27, %dma_start3A_28, %dma_start3A_29] : memref<13x128x16xf32, #tpu.memory_space<vmem>> -> memref<1x128x16xf32, #tpu.memory_space<vmem>>
      %dma_start3A_31 = tpu.memref_squeeze %dma_start3A_30 : memref<1x128x16xf32, #tpu.memory_space<vmem>> -> memref<128x16xf32, #tpu.memory_space<vmem>>
      %dma_start3A_32 = arith.constant 0 : i32
      %dma_start3A_33 = tpu.memref_slice %arg9[%dma_start3A, %dma_start3A_32] : memref<13x128xi32, #tpu.memory_space<vmem>> -> memref<1x128xi32, #tpu.memory_space<vmem>>
      %dma_start3A_34 = tpu.memref_squeeze %dma_start3A_33 : memref<1x128xi32, #tpu.memory_space<vmem>> -> memref<128xi32, #tpu.memory_space<vmem>>
      %dma_start3A_35 = arith.constant 0 : i32
      %dma_start3A_36 = arith.constant 0 : i32
      %dma_start3A_37 = tpu.memref_slice %arg8[%dma_start3A_35, %dma_start3A_36] : memref<10000x16xf32, #tpu.memory_space<vmem_shared>> -> memref<10000x16xf32, #tpu.memory_space<vmem_shared>>
      tpu.enqueue_indirect_dma source(%dma_start3A_37 : memref<10000x16xf32, #tpu.memory_space<vmem_shared>>) target(%dma_start3A_31 : memref<128x16xf32, #tpu.memory_space<vmem>>) offsets(%dma_start3A_34 : memref<128xi32, #tpu.memory_space<vmem>>) semaphore(%arg12 : memref<!tpu.dma_semaphore, #tpu.memory_space<semaphore_mem>>)
      %dma_start3A_38 = arith.constant 1 : i32
      %dma_start3A_39 = arith.constant 1 : i32
      %dma_start3A_40 = arith.constant 0 : i32
      %dma_start3A_41 = arith.constant 0 : i32
      %dma_start3A_42 = tpu.memref_slice %arg11[%dma_start3A_39, %dma_start3A_40, %dma_start3A_41] : memref<13x128x16xf32, #tpu.memory_space<vmem>> -> memref<1x128x16xf32, #tpu.memory_space<vmem>>
      %dma_start3A_43 = tpu.memref_squeeze %dma_start3A_42 : memref<1x128x16xf32, #tpu.memory_space<vmem>> -> memref<128x16xf32, #tpu.memory_space<vmem>>
      %dma_start3A_44 = arith.constant 0 : i32
      %dma_start3A_45 = tpu.memref_slice %arg9[%dma_start3A_38, %dma_start3A_44] : memref<13x128xi32, #tpu.memory_space<vmem>> -> memref<1x128xi32, #tpu.memory_space<vmem>>
      %dma_start3A_46 = tpu.memref_squeeze %dma_start3A_45 : memref<1x128xi32, #tpu.memory_space<vmem>> -> memref<128xi32, #tpu.memory_space<vmem>>
      %dma_start3A_47 = arith.constant 0 : i32
      %dma_start3A_48 = arith.constant 0 : i32
      %dma_start3A_49 = tpu.memref_slice %arg8[%dma_start3A_47, %dma_start3A_48] : memref<10000x16xf32, #tpu.memory_space<vmem_shared>> -> memref<10000x16xf32, #tpu.memory_space<vmem_shared>>
      tpu.enqueue_indirect_dma source(%dma_start3A_49 : memref<10000x16xf32, #tpu.memory_space<vmem_shared>>) target(%dma_start3A_43 : memref<128x16xf32, #tpu.memory_space<vmem>>) offsets(%dma_start3A_46 : memref<128xi32, #tpu.memory_space<vmem>>) semaphore(%arg12 : memref<!tpu.dma_semaphore, #tpu.memory_space<semaphore_mem>>)
      %dma_start3A_50 = arith.constant 2 : i32
      %dma_start3A_51 = arith.constant 2 : i32
      %dma_start3A_52 = arith.constant 0 : i32
      %dma_start3A_53 = arith.constant 0 : i32
      %dma_start3A_54 = tpu.memref_slice %arg11[%dma_start3A_51, %dma_start3A_52, %dma_start3A_53] : memref<13x128x16xf32, #tpu.memory_space<vmem>> -> memref<1x128x16xf32, #tpu.memory_space<vmem>>
      %dma_start3A_55 = tpu.memref_squeeze %dma_start3A_54 : memref<1x128x16xf32, #tpu.memory_space<vmem>> -> memref<128x16xf32, #tpu.memory_space<vmem>>
      %dma_start3A_56 = arith.constant 0 : i32
      %dma_start3A_57 = tpu.memref_slice %arg9[%dma_start3A_50, %dma_start3A_56] : memref<13x128xi32, #tpu.memory_space<vmem>> -> memref<1x128xi32, #tpu.memory_space<vmem>>
      %dma_start3A_58 = tpu.memref_squeeze %dma_start3A_57 : memref<1x128xi32, #tpu.memory_space<vmem>> -> memref<128xi32, #tpu.memory_space<vmem>>
      %dma_start3A_59 = arith.constant 0 : i32
      %dma_start3A_60 = arith.constant 0 : i32
      %dma_start3A_61 = tpu.memref_slice %arg8[%dma_start3A_59, %dma_start3A_60] : memref<10000x16xf32, #tpu.memory_space<vmem_shared>> -> memref<10000x16xf32, #tpu.memory_space<vmem_shared>>
      tpu.enqueue_indirect_dma source(%dma_start3A_61 : memref<10000x16xf32, #tpu.memory_space<vmem_shared>>) target(%dma_start3A_55 : memref<128x16xf32, #tpu.memory_space<vmem>>) offsets(%dma_start3A_58 : memref<128xi32, #tpu.memory_space<vmem>>) semaphore(%arg12 : memref<!tpu.dma_semaphore, #tpu.memory_space<semaphore_mem>>)
      %dma_start3A_62 = arith.constant 3 : i32
      %dma_start3A_63 = arith.constant 3 : i32
      %dma_start3A_64 = arith.constant 0 : i32
      %dma_start3A_65 = arith.constant 0 : i32
      %dma_start3A_66 = tpu.memref_slice %arg11[%dma_start3A_63, %dma_start3A_64, %dma_start3A_65] : memref<13x128x16xf32, #tpu.memory_space<vmem>> -> memref<1x128x16xf32, #tpu.memory_space<vmem>>
      %dma_start3A_67 = tpu.memref_squeeze %dma_start3A_66 : memref<1x128x16xf32, #tpu.memory_space<vmem>> -> memref<128x16xf32, #tpu.memory_space<vmem>>
      %dma_start3A_68 = arith.constant 0 : i32
      %dma_start3A_69 = tpu.memref_slice %arg9[%dma_start3A_62, %dma_start3A_68] : memref<13x128xi32, #tpu.memory_space<vmem>> -> memref<1x128xi32, #tpu.memory_space<vmem>>
      %dma_start3A_70 = tpu.memref_squeeze %dma_start3A_69 : memref<1x128xi32, #tpu.memory_space<vmem>> -> memref<128xi32, #tpu.memory_space<vmem>>
      %dma_start3A_71 = arith.constant 0 : i32
      %dma_start3A_72 = arith.constant 0 : i32
      %dma_start3A_73 = tpu.memref_slice %arg8[%dma_start3A_71, %dma_start3A_72] : memref<10000x16xf32, #tpu.memory_space<vmem_shared>> -> memref<10000x16xf32, #tpu.memory_space<vmem_shared>>
      tpu.enqueue_indirect_dma source(%dma_start3A_73 : memref<10000x16xf32, #tpu.memory_space<vmem_shared>>) target(%dma_start3A_67 : memref<128x16xf32, #tpu.memory_space<vmem>>) offsets(%dma_start3A_70 : memref<128xi32, #tpu.memory_space<vmem>>) semaphore(%arg12 : memref<!tpu.dma_semaphore, #tpu.memory_space<semaphore_mem>>)
      %dma_start3A_74 = arith.constant 4 : i32
      %dma_start3A_75 = arith.constant 4 : i32
      %dma_start3A_76 = arith.constant 0 : i32
      %dma_start3A_77 = arith.constant 0 : i32
      %dma_start3A_78 = tpu.memref_slice %arg11[%dma_start3A_75, %dma_start3A_76, %dma_start3A_77] : memref<13x128x16xf32, #tpu.memory_space<vmem>> -> memref<1x128x16xf32, #tpu.memory_space<vmem>>
      %dma_start3A_79 = tpu.memref_squeeze %dma_start3A_78 : memref<1x128x16xf32, #tpu.memory_space<vmem>> -> memref<128x16xf32, #tpu.memory_space<vmem>>
      %dma_start3A_80 = arith.constant 0 : i32
      %dma_start3A_81 = tpu.memref_slice %arg9[%dma_start3A_74, %dma_start3A_80] : memref<13x128xi32, #tpu.memory_space<vmem>> -> memref<1x128xi32, #tpu.memory_space<vmem>>
      %dma_start3A_82 = tpu.memref_squeeze %dma_start3A_81 : memref<1x128xi32, #tpu.memory_space<vmem>> -> memref<128xi32, #tpu.memory_space<vmem>>
      %dma_start3A_83 = arith.constant 0 : i32
      %dma_start3A_84 = arith.constant 0 : i32
      %dma_start3A_85 = tpu.memref_slice %arg8[%dma_start3A_83, %dma_start3A_84] : memref<10000x16xf32, #tpu.memory_space<vmem_shared>> -> memref<10000x16xf32, #tpu.memory_space<vmem_shared>>
      tpu.enqueue_indirect_dma source(%dma_start3A_85 : memref<10000x16xf32, #tpu.memory_space<vmem_shared>>) target(%dma_start3A_79 : memref<128x16xf32, #tpu.memory_space<vmem>>) offsets(%dma_start3A_82 : memref<128xi32, #tpu.memory_space<vmem>>) semaphore(%arg12 : memref<!tpu.dma_semaphore, #tpu.memory_space<semaphore_mem>>)
      %dma_start3A_86 = arith.constant 5 : i32
      %dma_start3A_87 = arith.constant 5 : i32
      %dma_start3A_88 = arith.constant 0 : i32
      %dma_start3A_89 = arith.constant 0 : i32
      %dma_start3A_90 = tpu.memref_slice %arg11[%dma_start3A_87, %dma_start3A_88, %dma_start3A_89] : memref<13x128x16xf32, #tpu.memory_space<vmem>> -> memref<1x128x16xf32, #tpu.memory_space<vmem>>
      %dma_start3A_91 = tpu.memref_squeeze %dma_start3A_90 : memref<1x128x16xf32, #tpu.memory_space<vmem>> -> memref<128x16xf32, #tpu.memory_space<vmem>>
      %dma_start3A_92 = arith.constant 0 : i32
      %dma_start3A_93 = tpu.memref_slice %arg9[%dma_start3A_86, %dma_start3A_92] : memref<13x128xi32, #tpu.memory_space<vmem>> -> memref<1x128xi32, #tpu.memory_space<vmem>>
      %dma_start3A_94 = tpu.memref_squeeze %dma_start3A_93 : memref<1x128xi32, #tpu.memory_space<vmem>> -> memref<128xi32, #tpu.memory_space<vmem>>
      %dma_start3A_95 = arith.constant 0 : i32
      %dma_start3A_96 = arith.constant 0 : i32
      %dma_start3A_97 = tpu.memref_slice %arg8[%dma_start3A_95, %dma_start3A_96] : memref<10000x16xf32, #tpu.memory_space<vmem_shared>> -> memref<10000x16xf32, #tpu.memory_space<vmem_shared>>
      tpu.enqueue_indirect_dma source(%dma_start3A_97 : memref<10000x16xf32, #tpu.memory_space<vmem_shared>>) target(%dma_start3A_91 : memref<128x16xf32, #tpu.memory_space<vmem>>) offsets(%dma_start3A_94 : memref<128xi32, #tpu.memory_space<vmem>>) semaphore(%arg12 : memref<!tpu.dma_semaphore, #tpu.memory_space<semaphore_mem>>)
      %dma_start3A_98 = arith.constant 6 : i32
      %dma_start3A_99 = arith.constant 6 : i32
      %dma_start3A_100 = arith.constant 0 : i32
      %dma_start3A_101 = arith.constant 0 : i32
      %dma_start3A_102 = tpu.memref_slice %arg11[%dma_start3A_99, %dma_start3A_100, %dma_start3A_101] : memref<13x128x16xf32, #tpu.memory_space<vmem>> -> memref<1x128x16xf32, #tpu.memory_space<vmem>>
      %dma_start3A_103 = tpu.memref_squeeze %dma_start3A_102 : memref<1x128x16xf32, #tpu.memory_space<vmem>> -> memref<128x16xf32, #tpu.memory_space<vmem>>
      %dma_start3A_104 = arith.constant 0 : i32
      %dma_start3A_105 = tpu.memref_slice %arg9[%dma_start3A_98, %dma_start3A_104] : memref<13x128xi32, #tpu.memory_space<vmem>> -> memref<1x128xi32, #tpu.memory_space<vmem>>
      %dma_start3A_106 = tpu.memref_squeeze %dma_start3A_105 : memref<1x128xi32, #tpu.memory_space<vmem>> -> memref<128xi32, #tpu.memory_space<vmem>>
      %dma_start3A_107 = arith.constant 0 : i32
      %dma_start3A_108 = arith.constant 0 : i32
      %dma_start3A_109 = tpu.memref_slice %arg8[%dma_start3A_107, %dma_start3A_108] : memref<10000x16xf32, #tpu.memory_space<vmem_shared>> -> memref<10000x16xf32, #tpu.memory_space<vmem_shared>>
      tpu.enqueue_indirect_dma source(%dma_start3A_109 : memref<10000x16xf32, #tpu.memory_space<vmem_shared>>) target(%dma_start3A_103 : memref<128x16xf32, #tpu.memory_space<vmem>>) offsets(%dma_start3A_106 : memref<128xi32, #tpu.memory_space<vmem>>) semaphore(%arg12 : memref<!tpu.dma_semaphore, #tpu.memory_space<semaphore_mem>>)
      %dma_start3A_110 = arith.constant 7 : i32
      %dma_start3A_111 = arith.constant 7 : i32
      %dma_start3A_112 = arith.constant 0 : i32
      %dma_start3A_113 = arith.constant 0 : i32
      %dma_start3A_114 = tpu.memref_slice %arg11[%dma_start3A_111, %dma_start3A_112, %dma_start3A_113] : memref<13x128x16xf32, #tpu.memory_space<vmem>> -> memref<1x128x16xf32, #tpu.memory_space<vmem>>
      %dma_start3A_115 = tpu.memref_squeeze %dma_start3A_114 : memref<1x128x16xf32, #tpu.memory_space<vmem>> -> memref<128x16xf32, #tpu.memory_space<vmem>>
      %dma_start3A_116 = arith.constant 0 : i32
      %dma_start3A_117 = tpu.memref_slice %arg9[%dma_start3A_110, %dma_start3A_116] : memref<13x128xi32, #tpu.memory_space<vmem>> -> memref<1x128xi32, #tpu.memory_space<vmem>>
      %dma_start3A_118 = tpu.memref_squeeze %dma_start3A_117 : memref<1x128xi32, #tpu.memory_space<vmem>> -> memref<128xi32, #tpu.memory_space<vmem>>
      %dma_start3A_119 = arith.constant 0 : i32
      %dma_start3A_120 = arith.constant 0 : i32
      %dma_start3A_121 = tpu.memref_slice %arg8[%dma_start3A_119, %dma_start3A_120] : memref<10000x16xf32, #tpu.memory_space<vmem_shared>> -> memref<10000x16xf32, #tpu.memory_space<vmem_shared>>
      tpu.enqueue_indirect_dma source(%dma_start3A_121 : memref<10000x16xf32, #tpu.memory_space<vmem_shared>>) target(%dma_start3A_115 : memref<128x16xf32, #tpu.memory_space<vmem>>) offsets(%dma_start3A_118 : memref<128xi32, #tpu.memory_space<vmem>>) semaphore(%arg12 : memref<!tpu.dma_semaphore, #tpu.memory_space<semaphore_mem>>)
      %dma_start3A_122 = arith.constant 8 : i32
      %dma_start3A_123 = arith.constant 8 : i32
      %dma_start3A_124 = arith.constant 0 : i32
      %dma_start3A_125 = arith.constant 0 : i32
      %dma_start3A_126 = tpu.memref_slice %arg11[%dma_start3A_123, %dma_start3A_124, %dma_start3A_125] : memref<13x128x16xf32, #tpu.memory_space<vmem>> -> memref<1x128x16xf32, #tpu.memory_space<vmem>>
      %dma_start3A_127 = tpu.memref_squeeze %dma_start3A_126 : memref<1x128x16xf32, #tpu.memory_space<vmem>> -> memref<128x16xf32, #tpu.memory_space<vmem>>
      %dma_start3A_128 = arith.constant 0 : i32
      %dma_start3A_129 = tpu.memref_slice %arg9[%dma_start3A_122, %dma_start3A_128] : memref<13x128xi32, #tpu.memory_space<vmem>> -> memref<1x128xi32, #tpu.memory_space<vmem>>
      %dma_start3A_130 = tpu.memref_squeeze %dma_start3A_129 : memref<1x128xi32, #tpu.memory_space<vmem>> -> memref<128xi32, #tpu.memory_space<vmem>>
      %dma_start3A_131 = arith.constant 0 : i32
      %dma_start3A_132 = arith.constant 0 : i32
      %dma_start3A_133 = tpu.memref_slice %arg8[%dma_start3A_131, %dma_start3A_132] : memref<10000x16xf32, #tpu.memory_space<vmem_shared>> -> memref<10000x16xf32, #tpu.memory_space<vmem_shared>>
      tpu.enqueue_indirect_dma source(%dma_start3A_133 : memref<10000x16xf32, #tpu.memory_space<vmem_shared>>) target(%dma_start3A_127 : memref<128x16xf32, #tpu.memory_space<vmem>>) offsets(%dma_start3A_130 : memref<128xi32, #tpu.memory_space<vmem>>) semaphore(%arg12 : memref<!tpu.dma_semaphore, #tpu.memory_space<semaphore_mem>>)
      %dma_start3A_134 = arith.constant 9 : i32
      %dma_start3A_135 = arith.constant 9 : i32
      %dma_start3A_136 = arith.constant 0 : i32
      %dma_start3A_137 = arith.constant 0 : i32
      %dma_start3A_138 = tpu.memref_slice %arg11[%dma_start3A_135, %dma_start3A_136, %dma_start3A_137] : memref<13x128x16xf32, #tpu.memory_space<vmem>> -> memref<1x128x16xf32, #tpu.memory_space<vmem>>
      %dma_start3A_139 = tpu.memref_squeeze %dma_start3A_138 : memref<1x128x16xf32, #tpu.memory_space<vmem>> -> memref<128x16xf32, #tpu.memory_space<vmem>>
      %dma_start3A_140 = arith.constant 0 : i32
      %dma_start3A_141 = tpu.memref_slice %arg9[%dma_start3A_134, %dma_start3A_140] : memref<13x128xi32, #tpu.memory_space<vmem>> -> memref<1x128xi32, #tpu.memory_space<vmem>>
      %dma_start3A_142 = tpu.memref_squeeze %dma_start3A_141 : memref<1x128xi32, #tpu.memory_space<vmem>> -> memref<128xi32, #tpu.memory_space<vmem>>
      %dma_start3A_143 = arith.constant 0 : i32
      %dma_start3A_144 = arith.constant 0 : i32
      %dma_start3A_145 = tpu.memref_slice %arg8[%dma_start3A_143, %dma_start3A_144] : memref<10000x16xf32, #tpu.memory_space<vmem_shared>> -> memref<10000x16xf32, #tpu.memory_space<vmem_shared>>
      tpu.enqueue_indirect_dma source(%dma_start3A_145 : memref<10000x16xf32, #tpu.memory_space<vmem_shared>>) target(%dma_start3A_139 : memref<128x16xf32, #tpu.memory_space<vmem>>) offsets(%dma_start3A_142 : memref<128xi32, #tpu.memory_space<vmem>>) semaphore(%arg12 : memref<!tpu.dma_semaphore, #tpu.memory_space<semaphore_mem>>)
      %dma_start3A_146 = arith.constant 10 : i32
      %dma_start3A_147 = arith.constant 10 : i32
      %dma_start3A_148 = arith.constant 0 : i32
      %dma_start3A_149 = arith.constant 0 : i32
      %dma_start3A_150 = tpu.memref_slice %arg11[%dma_start3A_147, %dma_start3A_148, %dma_start3A_149] : memref<13x128x16xf32, #tpu.memory_space<vmem>> -> memref<1x128x16xf32, #tpu.memory_space<vmem>>
      %dma_start3A_151 = tpu.memref_squeeze %dma_start3A_150 : memref<1x128x16xf32, #tpu.memory_space<vmem>> -> memref<128x16xf32, #tpu.memory_space<vmem>>
      %dma_start3A_152 = arith.constant 0 : i32
      %dma_start3A_153 = tpu.memref_slice %arg9[%dma_start3A_146, %dma_start3A_152] : memref<13x128xi32, #tpu.memory_space<vmem>> -> memref<1x128xi32, #tpu.memory_space<vmem>>
      %dma_start3A_154 = tpu.memref_squeeze %dma_start3A_153 : memref<1x128xi32, #tpu.memory_space<vmem>> -> memref<128xi32, #tpu.memory_space<vmem>>
      %dma_start3A_155 = arith.constant 0 : i32
      %dma_start3A_156 = arith.constant 0 : i32
      %dma_start3A_157 = tpu.memref_slice %arg8[%dma_start3A_155, %dma_start3A_156] : memref<10000x16xf32, #tpu.memory_space<vmem_shared>> -> memref<10000x16xf32, #tpu.memory_space<vmem_shared>>
      tpu.enqueue_indirect_dma source(%dma_start3A_157 : memref<10000x16xf32, #tpu.memory_space<vmem_shared>>) target(%dma_start3A_151 : memref<128x16xf32, #tpu.memory_space<vmem>>) offsets(%dma_start3A_154 : memref<128xi32, #tpu.memory_space<vmem>>) semaphore(%arg12 : memref<!tpu.dma_semaphore, #tpu.memory_space<semaphore_mem>>)
      %dma_start3A_158 = arith.constant 11 : i32
      %dma_start3A_159 = arith.constant 11 : i32
      %dma_start3A_160 = arith.constant 0 : i32
      %dma_start3A_161 = arith.constant 0 : i32
      %dma_start3A_162 = tpu.memref_slice %arg11[%dma_start3A_159, %dma_start3A_160, %dma_start3A_161] : memref<13x128x16xf32, #tpu.memory_space<vmem>> -> memref<1x128x16xf32, #tpu.memory_space<vmem>>
      %dma_start3A_163 = tpu.memref_squeeze %dma_start3A_162 : memref<1x128x16xf32, #tpu.memory_space<vmem>> -> memref<128x16xf32, #tpu.memory_space<vmem>>
      %dma_start3A_164 = arith.constant 0 : i32
      %dma_start3A_165 = tpu.memref_slice %arg9[%dma_start3A_158, %dma_start3A_164] : memref<13x128xi32, #tpu.memory_space<vmem>> -> memref<1x128xi32, #tpu.memory_space<vmem>>
      %dma_start3A_166 = tpu.memref_squeeze %dma_start3A_165 : memref<1x128xi32, #tpu.memory_space<vmem>> -> memref<128xi32, #tpu.memory_space<vmem>>
      %dma_start3A_167 = arith.constant 0 : i32
      %dma_start3A_168 = arith.constant 0 : i32
      %dma_start3A_169 = tpu.memref_slice %arg8[%dma_start3A_167, %dma_start3A_168] : memref<10000x16xf32, #tpu.memory_space<vmem_shared>> -> memref<10000x16xf32, #tpu.memory_space<vmem_shared>>
      tpu.enqueue_indirect_dma source(%dma_start3A_169 : memref<10000x16xf32, #tpu.memory_space<vmem_shared>>) target(%dma_start3A_163 : memref<128x16xf32, #tpu.memory_space<vmem>>) offsets(%dma_start3A_166 : memref<128xi32, #tpu.memory_space<vmem>>) semaphore(%arg12 : memref<!tpu.dma_semaphore, #tpu.memory_space<semaphore_mem>>)
      %dma_start3A_170 = arith.constant 12 : i32
      %dma_start3A_171 = arith.constant 12 : i32
      %dma_start3A_172 = arith.constant 0 : i32
      %dma_start3A_173 = arith.constant 0 : i32
      %dma_start3A_174 = tpu.memref_slice %arg11[%dma_start3A_171, %dma_start3A_172, %dma_start3A_173] : memref<13x128x16xf32, #tpu.memory_space<vmem>> -> memref<1x128x16xf32, #tpu.memory_space<vmem>>
      %dma_start3A_175 = tpu.memref_squeeze %dma_start3A_174 : memref<1x128x16xf32, #tpu.memory_space<vmem>> -> memref<128x16xf32, #tpu.memory_space<vmem>>
      %dma_start3A_176 = arith.constant 0 : i32
      %dma_start3A_177 = tpu.memref_slice %arg9[%dma_start3A_170, %dma_start3A_176] : memref<13x128xi32, #tpu.memory_space<vmem>> -> memref<1x128xi32, #tpu.memory_space<vmem>>
      %dma_start3A_178 = tpu.memref_squeeze %dma_start3A_177 : memref<1x128xi32, #tpu.memory_space<vmem>> -> memref<128xi32, #tpu.memory_space<vmem>>
      %dma_start3A_179 = arith.constant 0 : i32
      %dma_start3A_180 = arith.constant 0 : i32
      %dma_start3A_181 = tpu.memref_slice %arg8[%dma_start3A_179, %dma_start3A_180] : memref<10000x16xf32, #tpu.memory_space<vmem_shared>> -> memref<10000x16xf32, #tpu.memory_space<vmem_shared>>
      tpu.enqueue_indirect_dma source(%dma_start3A_181 : memref<10000x16xf32, #tpu.memory_space<vmem_shared>>) target(%dma_start3A_175 : memref<128x16xf32, #tpu.memory_space<vmem>>) offsets(%dma_start3A_178 : memref<128xi32, #tpu.memory_space<vmem>>) semaphore(%arg12 : memref<!tpu.dma_semaphore, #tpu.memory_space<semaphore_mem>>)
      %dma_wait3A = arith.constant 0 : i32
      %dma_wait3A_182 = arith.constant 0 : i32
      %dma_wait3A_183 = arith.constant 0 : i32
      %dma_wait3A_184 = arith.constant 0 : i32
      %dma_wait3A_185 = tpu.memref_slice %arg11[%dma_wait3A_182, %dma_wait3A_183, %dma_wait3A_184] : memref<13x128x16xf32, #tpu.memory_space<vmem>> -> memref<1x128x16xf32, #tpu.memory_space<vmem>>
      %dma_wait3A_186 = tpu.memref_squeeze %dma_wait3A_185 : memref<1x128x16xf32, #tpu.memory_space<vmem>> -> memref<128x16xf32, #tpu.memory_space<vmem>>
      %dma_wait3A_187 = arith.constant 0 : i32
      %dma_wait3A_188 = tpu.memref_slice %arg9[%dma_wait3A, %dma_wait3A_187] : memref<13x128xi32, #tpu.memory_space<vmem>> -> memref<1x128xi32, #tpu.memory_space<vmem>>
      %dma_wait3A_189 = tpu.memref_squeeze %dma_wait3A_188 : memref<1x128xi32, #tpu.memory_space<vmem>> -> memref<128xi32, #tpu.memory_space<vmem>>
      %dma_wait3A_190 = arith.constant 0 : i32
      %dma_wait3A_191 = arith.constant 0 : i32
      %dma_wait3A_192 = tpu.memref_slice %arg8[%dma_wait3A_190, %dma_wait3A_191] : memref<10000x16xf32, #tpu.memory_space<vmem_shared>> -> memref<10000x16xf32, #tpu.memory_space<vmem_shared>>
      tpu.wait_indirect_dma semaphore(%arg12 : memref<!tpu.dma_semaphore, #tpu.memory_space<semaphore_mem>>) src(%dma_wait3A_192 : memref<10000x16xf32, #tpu.memory_space<vmem_shared>>) dst(%dma_wait3A_186 : memref<128x16xf32, #tpu.memory_space<vmem>>)
      %dma_wait3A_193 = arith.constant 1 : i32
      %dma_wait3A_194 = arith.constant 1 : i32
      %dma_wait3A_195 = arith.constant 0 : i32
      %dma_wait3A_196 = arith.constant 0 : i32
      %dma_wait3A_197 = tpu.memref_slice %arg11[%dma_wait3A_194, %dma_wait3A_195, %dma_wait3A_196] : memref<13x128x16xf32, #tpu.memory_space<vmem>> -> memref<1x128x16xf32, #tpu.memory_space<vmem>>
      %dma_wait3A_198 = tpu.memref_squeeze %dma_wait3A_197 : memref<1x128x16xf32, #tpu.memory_space<vmem>> -> memref<128x16xf32, #tpu.memory_space<vmem>>
      %dma_wait3A_199 = arith.constant 0 : i32
      %dma_wait3A_200 = tpu.memref_slice %arg9[%dma_wait3A_193, %dma_wait3A_199] : memref<13x128xi32, #tpu.memory_space<vmem>> -> memref<1x128xi32, #tpu.memory_space<vmem>>
      %dma_wait3A_201 = tpu.memref_squeeze %dma_wait3A_200 : memref<1x128xi32, #tpu.memory_space<vmem>> -> memref<128xi32, #tpu.memory_space<vmem>>
      %dma_wait3A_202 = arith.constant 0 : i32
      %dma_wait3A_203 = arith.constant 0 : i32
      %dma_wait3A_204 = tpu.memref_slice %arg8[%dma_wait3A_202, %dma_wait3A_203] : memref<10000x16xf32, #tpu.memory_space<vmem_shared>> -> memref<10000x16xf32, #tpu.memory_space<vmem_shared>>
      tpu.wait_indirect_dma semaphore(%arg12 : memref<!tpu.dma_semaphore, #tpu.memory_space<semaphore_mem>>) src(%dma_wait3A_204 : memref<10000x16xf32, #tpu.memory_space<vmem_shared>>) dst(%dma_wait3A_198 : memref<128x16xf32, #tpu.memory_space<vmem>>)
      %dma_wait3A_205 = arith.constant 2 : i32
      %dma_wait3A_206 = arith.constant 2 : i32
      %dma_wait3A_207 = arith.constant 0 : i32
      %dma_wait3A_208 = arith.constant 0 : i32
      %dma_wait3A_209 = tpu.memref_slice %arg11[%dma_wait3A_206, %dma_wait3A_207, %dma_wait3A_208] : memref<13x128x16xf32, #tpu.memory_space<vmem>> -> memref<1x128x16xf32, #tpu.memory_space<vmem>>
      %dma_wait3A_210 = tpu.memref_squeeze %dma_wait3A_209 : memref<1x128x16xf32, #tpu.memory_space<vmem>> -> memref<128x16xf32, #tpu.memory_space<vmem>>
      %dma_wait3A_211 = arith.constant 0 : i32
      %dma_wait3A_212 = tpu.memref_slice %arg9[%dma_wait3A_205, %dma_wait3A_211] : memref<13x128xi32, #tpu.memory_space<vmem>> -> memref<1x128xi32, #tpu.memory_space<vmem>>
      %dma_wait3A_213 = tpu.memref_squeeze %dma_wait3A_212 : memref<1x128xi32, #tpu.memory_space<vmem>> -> memref<128xi32, #tpu.memory_space<vmem>>
      %dma_wait3A_214 = arith.constant 0 : i32
      %dma_wait3A_215 = arith.constant 0 : i32
      %dma_wait3A_216 = tpu.memref_slice %arg8[%dma_wait3A_214, %dma_wait3A_215] : memref<10000x16xf32, #tpu.memory_space<vmem_shared>> -> memref<10000x16xf32, #tpu.memory_space<vmem_shared>>
      tpu.wait_indirect_dma semaphore(%arg12 : memref<!tpu.dma_semaphore, #tpu.memory_space<semaphore_mem>>) src(%dma_wait3A_216 : memref<10000x16xf32, #tpu.memory_space<vmem_shared>>) dst(%dma_wait3A_210 : memref<128x16xf32, #tpu.memory_space<vmem>>)
      %dma_wait3A_217 = arith.constant 3 : i32
      %dma_wait3A_218 = arith.constant 3 : i32
      %dma_wait3A_219 = arith.constant 0 : i32
      %dma_wait3A_220 = arith.constant 0 : i32
      %dma_wait3A_221 = tpu.memref_slice %arg11[%dma_wait3A_218, %dma_wait3A_219, %dma_wait3A_220] : memref<13x128x16xf32, #tpu.memory_space<vmem>> -> memref<1x128x16xf32, #tpu.memory_space<vmem>>
      %dma_wait3A_222 = tpu.memref_squeeze %dma_wait3A_221 : memref<1x128x16xf32, #tpu.memory_space<vmem>> -> memref<128x16xf32, #tpu.memory_space<vmem>>
      %dma_wait3A_223 = arith.constant 0 : i32
      %dma_wait3A_224 = tpu.memref_slice %arg9[%dma_wait3A_217, %dma_wait3A_223] : memref<13x128xi32, #tpu.memory_space<vmem>> -> memref<1x128xi32, #tpu.memory_space<vmem>>
      %dma_wait3A_225 = tpu.memref_squeeze %dma_wait3A_224 : memref<1x128xi32, #tpu.memory_space<vmem>> -> memref<128xi32, #tpu.memory_space<vmem>>
      %dma_wait3A_226 = arith.constant 0 : i32
      %dma_wait3A_227 = arith.constant 0 : i32
      %dma_wait3A_228 = tpu.memref_slice %arg8[%dma_wait3A_226, %dma_wait3A_227] : memref<10000x16xf32, #tpu.memory_space<vmem_shared>> -> memref<10000x16xf32, #tpu.memory_space<vmem_shared>>
      tpu.wait_indirect_dma semaphore(%arg12 : memref<!tpu.dma_semaphore, #tpu.memory_space<semaphore_mem>>) src(%dma_wait3A_228 : memref<10000x16xf32, #tpu.memory_space<vmem_shared>>) dst(%dma_wait3A_222 : memref<128x16xf32, #tpu.memory_space<vmem>>)
      %dma_wait3A_229 = arith.constant 4 : i32
      %dma_wait3A_230 = arith.constant 4 : i32
      %dma_wait3A_231 = arith.constant 0 : i32
      %dma_wait3A_232 = arith.constant 0 : i32
      %dma_wait3A_233 = tpu.memref_slice %arg11[%dma_wait3A_230, %dma_wait3A_231, %dma_wait3A_232] : memref<13x128x16xf32, #tpu.memory_space<vmem>> -> memref<1x128x16xf32, #tpu.memory_space<vmem>>
      %dma_wait3A_234 = tpu.memref_squeeze %dma_wait3A_233 : memref<1x128x16xf32, #tpu.memory_space<vmem>> -> memref<128x16xf32, #tpu.memory_space<vmem>>
      %dma_wait3A_235 = arith.constant 0 : i32
      %dma_wait3A_236 = tpu.memref_slice %arg9[%dma_wait3A_229, %dma_wait3A_235] : memref<13x128xi32, #tpu.memory_space<vmem>> -> memref<1x128xi32, #tpu.memory_space<vmem>>
      %dma_wait3A_237 = tpu.memref_squeeze %dma_wait3A_236 : memref<1x128xi32, #tpu.memory_space<vmem>> -> memref<128xi32, #tpu.memory_space<vmem>>
      %dma_wait3A_238 = arith.constant 0 : i32
      %dma_wait3A_239 = arith.constant 0 : i32
      %dma_wait3A_240 = tpu.memref_slice %arg8[%dma_wait3A_238, %dma_wait3A_239] : memref<10000x16xf32, #tpu.memory_space<vmem_shared>> -> memref<10000x16xf32, #tpu.memory_space<vmem_shared>>
      tpu.wait_indirect_dma semaphore(%arg12 : memref<!tpu.dma_semaphore, #tpu.memory_space<semaphore_mem>>) src(%dma_wait3A_240 : memref<10000x16xf32, #tpu.memory_space<vmem_shared>>) dst(%dma_wait3A_234 : memref<128x16xf32, #tpu.memory_space<vmem>>)
      %dma_wait3A_241 = arith.constant 5 : i32
      %dma_wait3A_242 = arith.constant 5 : i32
      %dma_wait3A_243 = arith.constant 0 : i32
      %dma_wait3A_244 = arith.constant 0 : i32
      %dma_wait3A_245 = tpu.memref_slice %arg11[%dma_wait3A_242, %dma_wait3A_243, %dma_wait3A_244] : memref<13x128x16xf32, #tpu.memory_space<vmem>> -> memref<1x128x16xf32, #tpu.memory_space<vmem>>
      %dma_wait3A_246 = tpu.memref_squeeze %dma_wait3A_245 : memref<1x128x16xf32, #tpu.memory_space<vmem>> -> memref<128x16xf32, #tpu.memory_space<vmem>>
      %dma_wait3A_247 = arith.constant 0 : i32
      %dma_wait3A_248 = tpu.memref_slice %arg9[%dma_wait3A_241, %dma_wait3A_247] : memref<13x128xi32, #tpu.memory_space<vmem>> -> memref<1x128xi32, #tpu.memory_space<vmem>>
      %dma_wait3A_249 = tpu.memref_squeeze %dma_wait3A_248 : memref<1x128xi32, #tpu.memory_space<vmem>> -> memref<128xi32, #tpu.memory_space<vmem>>
      %dma_wait3A_250 = arith.constant 0 : i32
      %dma_wait3A_251 = arith.constant 0 : i32
      %dma_wait3A_252 = tpu.memref_slice %arg8[%dma_wait3A_250, %dma_wait3A_251] : memref<10000x16xf32, #tpu.memory_space<vmem_shared>> -> memref<10000x16xf32, #tpu.memory_space<vmem_shared>>
      tpu.wait_indirect_dma semaphore(%arg12 : memref<!tpu.dma_semaphore, #tpu.memory_space<semaphore_mem>>) src(%dma_wait3A_252 : memref<10000x16xf32, #tpu.memory_space<vmem_shared>>) dst(%dma_wait3A_246 : memref<128x16xf32, #tpu.memory_space<vmem>>)
      %dma_wait3A_253 = arith.constant 6 : i32
      %dma_wait3A_254 = arith.constant 6 : i32
      %dma_wait3A_255 = arith.constant 0 : i32
      %dma_wait3A_256 = arith.constant 0 : i32
      %dma_wait3A_257 = tpu.memref_slice %arg11[%dma_wait3A_254, %dma_wait3A_255, %dma_wait3A_256] : memref<13x128x16xf32, #tpu.memory_space<vmem>> -> memref<1x128x16xf32, #tpu.memory_space<vmem>>
      %dma_wait3A_258 = tpu.memref_squeeze %dma_wait3A_257 : memref<1x128x16xf32, #tpu.memory_space<vmem>> -> memref<128x16xf32, #tpu.memory_space<vmem>>
      %dma_wait3A_259 = arith.constant 0 : i32
      %dma_wait3A_260 = tpu.memref_slice %arg9[%dma_wait3A_253, %dma_wait3A_259] : memref<13x128xi32, #tpu.memory_space<vmem>> -> memref<1x128xi32, #tpu.memory_space<vmem>>
      %dma_wait3A_261 = tpu.memref_squeeze %dma_wait3A_260 : memref<1x128xi32, #tpu.memory_space<vmem>> -> memref<128xi32, #tpu.memory_space<vmem>>
      %dma_wait3A_262 = arith.constant 0 : i32
      %dma_wait3A_263 = arith.constant 0 : i32
      %dma_wait3A_264 = tpu.memref_slice %arg8[%dma_wait3A_262, %dma_wait3A_263] : memref<10000x16xf32, #tpu.memory_space<vmem_shared>> -> memref<10000x16xf32, #tpu.memory_space<vmem_shared>>
      tpu.wait_indirect_dma semaphore(%arg12 : memref<!tpu.dma_semaphore, #tpu.memory_space<semaphore_mem>>) src(%dma_wait3A_264 : memref<10000x16xf32, #tpu.memory_space<vmem_shared>>) dst(%dma_wait3A_258 : memref<128x16xf32, #tpu.memory_space<vmem>>)
      %dma_wait3A_265 = arith.constant 7 : i32
      %dma_wait3A_266 = arith.constant 7 : i32
      %dma_wait3A_267 = arith.constant 0 : i32
      %dma_wait3A_268 = arith.constant 0 : i32
      %dma_wait3A_269 = tpu.memref_slice %arg11[%dma_wait3A_266, %dma_wait3A_267, %dma_wait3A_268] : memref<13x128x16xf32, #tpu.memory_space<vmem>> -> memref<1x128x16xf32, #tpu.memory_space<vmem>>
      %dma_wait3A_270 = tpu.memref_squeeze %dma_wait3A_269 : memref<1x128x16xf32, #tpu.memory_space<vmem>> -> memref<128x16xf32, #tpu.memory_space<vmem>>
      %dma_wait3A_271 = arith.constant 0 : i32
      %dma_wait3A_272 = tpu.memref_slice %arg9[%dma_wait3A_265, %dma_wait3A_271] : memref<13x128xi32, #tpu.memory_space<vmem>> -> memref<1x128xi32, #tpu.memory_space<vmem>>
      %dma_wait3A_273 = tpu.memref_squeeze %dma_wait3A_272 : memref<1x128xi32, #tpu.memory_space<vmem>> -> memref<128xi32, #tpu.memory_space<vmem>>
      %dma_wait3A_274 = arith.constant 0 : i32
      %dma_wait3A_275 = arith.constant 0 : i32
      %dma_wait3A_276 = tpu.memref_slice %arg8[%dma_wait3A_274, %dma_wait3A_275] : memref<10000x16xf32, #tpu.memory_space<vmem_shared>> -> memref<10000x16xf32, #tpu.memory_space<vmem_shared>>
      tpu.wait_indirect_dma semaphore(%arg12 : memref<!tpu.dma_semaphore, #tpu.memory_space<semaphore_mem>>) src(%dma_wait3A_276 : memref<10000x16xf32, #tpu.memory_space<vmem_shared>>) dst(%dma_wait3A_270 : memref<128x16xf32, #tpu.memory_space<vmem>>)
      %dma_wait3A_277 = arith.constant 8 : i32
      %dma_wait3A_278 = arith.constant 8 : i32
      %dma_wait3A_279 = arith.constant 0 : i32
      %dma_wait3A_280 = arith.constant 0 : i32
      %dma_wait3A_281 = tpu.memref_slice %arg11[%dma_wait3A_278, %dma_wait3A_279, %dma_wait3A_280] : memref<13x128x16xf32, #tpu.memory_space<vmem>> -> memref<1x128x16xf32, #tpu.memory_space<vmem>>
      %dma_wait3A_282 = tpu.memref_squeeze %dma_wait3A_281 : memref<1x128x16xf32, #tpu.memory_space<vmem>> -> memref<128x16xf32, #tpu.memory_space<vmem>>
      %dma_wait3A_283 = arith.constant 0 : i32
      %dma_wait3A_284 = tpu.memref_slice %arg9[%dma_wait3A_277, %dma_wait3A_283] : memref<13x128xi32, #tpu.memory_space<vmem>> -> memref<1x128xi32, #tpu.memory_space<vmem>>
      %dma_wait3A_285 = tpu.memref_squeeze %dma_wait3A_284 : memref<1x128xi32, #tpu.memory_space<vmem>> -> memref<128xi32, #tpu.memory_space<vmem>>
      %dma_wait3A_286 = arith.constant 0 : i32
      %dma_wait3A_287 = arith.constant 0 : i32
      %dma_wait3A_288 = tpu.memref_slice %arg8[%dma_wait3A_286, %dma_wait3A_287] : memref<10000x16xf32, #tpu.memory_space<vmem_shared>> -> memref<10000x16xf32, #tpu.memory_space<vmem_shared>>
      tpu.wait_indirect_dma semaphore(%arg12 : memref<!tpu.dma_semaphore, #tpu.memory_space<semaphore_mem>>) src(%dma_wait3A_288 : memref<10000x16xf32, #tpu.memory_space<vmem_shared>>) dst(%dma_wait3A_282 : memref<128x16xf32, #tpu.memory_space<vmem>>)
      %dma_wait3A_289 = arith.constant 9 : i32
      %dma_wait3A_290 = arith.constant 9 : i32
      %dma_wait3A_291 = arith.constant 0 : i32
      %dma_wait3A_292 = arith.constant 0 : i32
      %dma_wait3A_293 = tpu.memref_slice %arg11[%dma_wait3A_290, %dma_wait3A_291, %dma_wait3A_292] : memref<13x128x16xf32, #tpu.memory_space<vmem>> -> memref<1x128x16xf32, #tpu.memory_space<vmem>>
      %dma_wait3A_294 = tpu.memref_squeeze %dma_wait3A_293 : memref<1x128x16xf32, #tpu.memory_space<vmem>> -> memref<128x16xf32, #tpu.memory_space<vmem>>
      %dma_wait3A_295 = arith.constant 0 : i32
      %dma_wait3A_296 = tpu.memref_slice %arg9[%dma_wait3A_289, %dma_wait3A_295] : memref<13x128xi32, #tpu.memory_space<vmem>> -> memref<1x128xi32, #tpu.memory_space<vmem>>
      %dma_wait3A_297 = tpu.memref_squeeze %dma_wait3A_296 : memref<1x128xi32, #tpu.memory_space<vmem>> -> memref<128xi32, #tpu.memory_space<vmem>>
      %dma_wait3A_298 = arith.constant 0 : i32
      %dma_wait3A_299 = arith.constant 0 : i32
      %dma_wait3A_300 = tpu.memref_slice %arg8[%dma_wait3A_298, %dma_wait3A_299] : memref<10000x16xf32, #tpu.memory_space<vmem_shared>> -> memref<10000x16xf32, #tpu.memory_space<vmem_shared>>
      tpu.wait_indirect_dma semaphore(%arg12 : memref<!tpu.dma_semaphore, #tpu.memory_space<semaphore_mem>>) src(%dma_wait3A_300 : memref<10000x16xf32, #tpu.memory_space<vmem_shared>>) dst(%dma_wait3A_294 : memref<128x16xf32, #tpu.memory_space<vmem>>)
      %dma_wait3A_301 = arith.constant 10 : i32
      %dma_wait3A_302 = arith.constant 10 : i32
      %dma_wait3A_303 = arith.constant 0 : i32
      %dma_wait3A_304 = arith.constant 0 : i32
      %dma_wait3A_305 = tpu.memref_slice %arg11[%dma_wait3A_302, %dma_wait3A_303, %dma_wait3A_304] : memref<13x128x16xf32, #tpu.memory_space<vmem>> -> memref<1x128x16xf32, #tpu.memory_space<vmem>>
      %dma_wait3A_306 = tpu.memref_squeeze %dma_wait3A_305 : memref<1x128x16xf32, #tpu.memory_space<vmem>> -> memref<128x16xf32, #tpu.memory_space<vmem>>
      %dma_wait3A_307 = arith.constant 0 : i32
      %dma_wait3A_308 = tpu.memref_slice %arg9[%dma_wait3A_301, %dma_wait3A_307] : memref<13x128xi32, #tpu.memory_space<vmem>> -> memref<1x128xi32, #tpu.memory_space<vmem>>
      %dma_wait3A_309 = tpu.memref_squeeze %dma_wait3A_308 : memref<1x128xi32, #tpu.memory_space<vmem>> -> memref<128xi32, #tpu.memory_space<vmem>>
      %dma_wait3A_310 = arith.constant 0 : i32
      %dma_wait3A_311 = arith.constant 0 : i32
      %dma_wait3A_312 = tpu.memref_slice %arg8[%dma_wait3A_310, %dma_wait3A_311] : memref<10000x16xf32, #tpu.memory_space<vmem_shared>> -> memref<10000x16xf32, #tpu.memory_space<vmem_shared>>
      tpu.wait_indirect_dma semaphore(%arg12 : memref<!tpu.dma_semaphore, #tpu.memory_space<semaphore_mem>>) src(%dma_wait3A_312 : memref<10000x16xf32, #tpu.memory_space<vmem_shared>>) dst(%dma_wait3A_306 : memref<128x16xf32, #tpu.memory_space<vmem>>)
      %dma_wait3A_313 = arith.constant 11 : i32
      %dma_wait3A_314 = arith.constant 11 : i32
      %dma_wait3A_315 = arith.constant 0 : i32
      %dma_wait3A_316 = arith.constant 0 : i32
      %dma_wait3A_317 = tpu.memref_slice %arg11[%dma_wait3A_314, %dma_wait3A_315, %dma_wait3A_316] : memref<13x128x16xf32, #tpu.memory_space<vmem>> -> memref<1x128x16xf32, #tpu.memory_space<vmem>>
      %dma_wait3A_318 = tpu.memref_squeeze %dma_wait3A_317 : memref<1x128x16xf32, #tpu.memory_space<vmem>> -> memref<128x16xf32, #tpu.memory_space<vmem>>
      %dma_wait3A_319 = arith.constant 0 : i32
      %dma_wait3A_320 = tpu.memref_slice %arg9[%dma_wait3A_313, %dma_wait3A_319] : memref<13x128xi32, #tpu.memory_space<vmem>> -> memref<1x128xi32, #tpu.memory_space<vmem>>
      %dma_wait3A_321 = tpu.memref_squeeze %dma_wait3A_320 : memref<1x128xi32, #tpu.memory_space<vmem>> -> memref<128xi32, #tpu.memory_space<vmem>>
      %dma_wait3A_322 = arith.constant 0 : i32
      %dma_wait3A_323 = arith.constant 0 : i32
      %dma_wait3A_324 = tpu.memref_slice %arg8[%dma_wait3A_322, %dma_wait3A_323] : memref<10000x16xf32, #tpu.memory_space<vmem_shared>> -> memref<10000x16xf32, #tpu.memory_space<vmem_shared>>
      tpu.wait_indirect_dma semaphore(%arg12 : memref<!tpu.dma_semaphore, #tpu.memory_space<semaphore_mem>>) src(%dma_wait3A_324 : memref<10000x16xf32, #tpu.memory_space<vmem_shared>>) dst(%dma_wait3A_318 : memref<128x16xf32, #tpu.memory_space<vmem>>)
      %dma_wait3A_325 = arith.constant 12 : i32
      %dma_wait3A_326 = arith.constant 12 : i32
      %dma_wait3A_327 = arith.constant 0 : i32
      %dma_wait3A_328 = arith.constant 0 : i32
      %dma_wait3A_329 = tpu.memref_slice %arg11[%dma_wait3A_326, %dma_wait3A_327, %dma_wait3A_328] : memref<13x128x16xf32, #tpu.memory_space<vmem>> -> memref<1x128x16xf32, #tpu.memory_space<vmem>>
      %dma_wait3A_330 = tpu.memref_squeeze %dma_wait3A_329 : memref<1x128x16xf32, #tpu.memory_space<vmem>> -> memref<128x16xf32, #tpu.memory_space<vmem>>
      %dma_wait3A_331 = arith.constant 0 : i32
      %dma_wait3A_332 = tpu.memref_slice %arg9[%dma_wait3A_325, %dma_wait3A_331] : memref<13x128xi32, #tpu.memory_space<vmem>> -> memref<1x128xi32, #tpu.memory_space<vmem>>
      %dma_wait3A_333 = tpu.memref_squeeze %dma_wait3A_332 : memref<1x128xi32, #tpu.memory_space<vmem>> -> memref<128xi32, #tpu.memory_space<vmem>>
      %dma_wait3A_334 = arith.constant 0 : i32
      %dma_wait3A_335 = arith.constant 0 : i32
      %dma_wait3A_336 = tpu.memref_slice %arg8[%dma_wait3A_334, %dma_wait3A_335] : memref<10000x16xf32, #tpu.memory_space<vmem_shared>> -> memref<10000x16xf32, #tpu.memory_space<vmem_shared>>
      tpu.wait_indirect_dma semaphore(%arg12 : memref<!tpu.dma_semaphore, #tpu.memory_space<semaphore_mem>>) src(%dma_wait3A_336 : memref<10000x16xf32, #tpu.memory_space<vmem_shared>>) dst(%dma_wait3A_330 : memref<128x16xf32, #tpu.memory_space<vmem>>)
      %dma_start3A_337 = arith.constant 0 : i32
      %dma_start3A_338 = arith.constant 0 : i32
      %dma_start3A_339 = arith.constant 0 : i32
      %dma_start3A_340 = arith.constant 0 : i32
      %dma_start3A_341 = tpu.memref_slice %arg11[%dma_start3A_337, %dma_start3A_339, %dma_start3A_340] : memref<13x128x16xf32, #tpu.memory_space<vmem>> -> memref<1x128x16xf32, #tpu.memory_space<vmem>>
      %dma_start3A_342 = tpu.memref_squeeze %dma_start3A_341 : memref<1x128x16xf32, #tpu.memory_space<vmem>> -> memref<128x16xf32, #tpu.memory_space<vmem>>
      %dma_start3A_343 = arith.constant 0 : i32
      %dma_start3A_344 = tpu.memref_slice %arg10[%dma_start3A_338, %dma_start3A_343] : memref<13x128xi32, #tpu.memory_space<vmem>> -> memref<1x128xi32, #tpu.memory_space<vmem>>
      %dma_start3A_345 = tpu.memref_squeeze %dma_start3A_344 : memref<1x128xi32, #tpu.memory_space<vmem>> -> memref<128xi32, #tpu.memory_space<vmem>>
      %dma_start3A_346 = arith.constant 0 : i32
      %dma_start3A_347 = arith.constant 0 : i32
      %dma_start3A_348 = tpu.memref_slice %arg7[%dma_start3A_346, %dma_start3A_347] : memref<10000x16xf32, #tpu.memory_space<vmem_shared>> -> memref<10000x16xf32, #tpu.memory_space<vmem_shared>>
      tpu.enqueue_indirect_dma source(%dma_start3A_342 : memref<128x16xf32, #tpu.memory_space<vmem>>) target(%dma_start3A_348 : memref<10000x16xf32, #tpu.memory_space<vmem_shared>>) offsets(%dma_start3A_345 : memref<128xi32, #tpu.memory_space<vmem>>) semaphore(%arg13 : memref<!tpu.dma_semaphore, #tpu.memory_space<semaphore_mem>>) {add = true}
      %dma_start3A_349 = arith.constant 1 : i32
      %dma_start3A_350 = arith.constant 1 : i32
      %dma_start3A_351 = arith.constant 0 : i32
      %dma_start3A_352 = arith.constant 0 : i32
      %dma_start3A_353 = tpu.memref_slice %arg11[%dma_start3A_349, %dma_start3A_351, %dma_start3A_352] : memref<13x128x16xf32, #tpu.memory_space<vmem>> -> memref<1x128x16xf32, #tpu.memory_space<vmem>>
      %dma_start3A_354 = tpu.memref_squeeze %dma_start3A_353 : memref<1x128x16xf32, #tpu.memory_space<vmem>> -> memref<128x16xf32, #tpu.memory_space<vmem>>
      %dma_start3A_355 = arith.constant 0 : i32
      %dma_start3A_356 = tpu.memref_slice %arg10[%dma_start3A_350, %dma_start3A_355] : memref<13x128xi32, #tpu.memory_space<vmem>> -> memref<1x128xi32, #tpu.memory_space<vmem>>
      %dma_start3A_357 = tpu.memref_squeeze %dma_start3A_356 : memref<1x128xi32, #tpu.memory_space<vmem>> -> memref<128xi32, #tpu.memory_space<vmem>>
      %dma_start3A_358 = arith.constant 0 : i32
      %dma_start3A_359 = arith.constant 0 : i32
      %dma_start3A_360 = tpu.memref_slice %arg7[%dma_start3A_358, %dma_start3A_359] : memref<10000x16xf32, #tpu.memory_space<vmem_shared>> -> memref<10000x16xf32, #tpu.memory_space<vmem_shared>>
      tpu.enqueue_indirect_dma source(%dma_start3A_354 : memref<128x16xf32, #tpu.memory_space<vmem>>) target(%dma_start3A_360 : memref<10000x16xf32, #tpu.memory_space<vmem_shared>>) offsets(%dma_start3A_357 : memref<128xi32, #tpu.memory_space<vmem>>) semaphore(%arg13 : memref<!tpu.dma_semaphore, #tpu.memory_space<semaphore_mem>>) {add = true}
      %dma_start3A_361 = arith.constant 2 : i32
      %dma_start3A_362 = arith.constant 2 : i32
      %dma_start3A_363 = arith.constant 0 : i32
      %dma_start3A_364 = arith.constant 0 : i32
      %dma_start3A_365 = tpu.memref_slice %arg11[%dma_start3A_361, %dma_start3A_363, %dma_start3A_364] : memref<13x128x16xf32, #tpu.memory_space<vmem>> -> memref<1x128x16xf32, #tpu.memory_space<vmem>>
      %dma_start3A_366 = tpu.memref_squeeze %dma_start3A_365 : memref<1x128x16xf32, #tpu.memory_space<vmem>> -> memref<128x16xf32, #tpu.memory_space<vmem>>
      %dma_start3A_367 = arith.constant 0 : i32
      %dma_start3A_368 = tpu.memref_slice %arg10[%dma_start3A_362, %dma_start3A_367] : memref<13x128xi32, #tpu.memory_space<vmem>> -> memref<1x128xi32, #tpu.memory_space<vmem>>
      %dma_start3A_369 = tpu.memref_squeeze %dma_start3A_368 : memref<1x128xi32, #tpu.memory_space<vmem>> -> memref<128xi32, #tpu.memory_space<vmem>>
      %dma_start3A_370 = arith.constant 0 : i32
      %dma_start3A_371 = arith.constant 0 : i32
      %dma_start3A_372 = tpu.memref_slice %arg7[%dma_start3A_370, %dma_start3A_371] : memref<10000x16xf32, #tpu.memory_space<vmem_shared>> -> memref<10000x16xf32, #tpu.memory_space<vmem_shared>>
      tpu.enqueue_indirect_dma source(%dma_start3A_366 : memref<128x16xf32, #tpu.memory_space<vmem>>) target(%dma_start3A_372 : memref<10000x16xf32, #tpu.memory_space<vmem_shared>>) offsets(%dma_start3A_369 : memref<128xi32, #tpu.memory_space<vmem>>) semaphore(%arg13 : memref<!tpu.dma_semaphore, #tpu.memory_space<semaphore_mem>>) {add = true}
      %dma_start3A_373 = arith.constant 3 : i32
      %dma_start3A_374 = arith.constant 3 : i32
      %dma_start3A_375 = arith.constant 0 : i32
      %dma_start3A_376 = arith.constant 0 : i32
      %dma_start3A_377 = tpu.memref_slice %arg11[%dma_start3A_373, %dma_start3A_375, %dma_start3A_376] : memref<13x128x16xf32, #tpu.memory_space<vmem>> -> memref<1x128x16xf32, #tpu.memory_space<vmem>>
      %dma_start3A_378 = tpu.memref_squeeze %dma_start3A_377 : memref<1x128x16xf32, #tpu.memory_space<vmem>> -> memref<128x16xf32, #tpu.memory_space<vmem>>
      %dma_start3A_379 = arith.constant 0 : i32
      %dma_start3A_380 = tpu.memref_slice %arg10[%dma_start3A_374, %dma_start3A_379] : memref<13x128xi32, #tpu.memory_space<vmem>> -> memref<1x128xi32, #tpu.memory_space<vmem>>
      %dma_start3A_381 = tpu.memref_squeeze %dma_start3A_380 : memref<1x128xi32, #tpu.memory_space<vmem>> -> memref<128xi32, #tpu.memory_space<vmem>>
      %dma_start3A_382 = arith.constant 0 : i32
      %dma_start3A_383 = arith.constant 0 : i32
      %dma_start3A_384 = tpu.memref_slice %arg7[%dma_start3A_382, %dma_start3A_383] : memref<10000x16xf32, #tpu.memory_space<vmem_shared>> -> memref<10000x16xf32, #tpu.memory_space<vmem_shared>>
      tpu.enqueue_indirect_dma source(%dma_start3A_378 : memref<128x16xf32, #tpu.memory_space<vmem>>) target(%dma_start3A_384 : memref<10000x16xf32, #tpu.memory_space<vmem_shared>>) offsets(%dma_start3A_381 : memref<128xi32, #tpu.memory_space<vmem>>) semaphore(%arg13 : memref<!tpu.dma_semaphore, #tpu.memory_space<semaphore_mem>>) {add = true}
      %dma_start3A_385 = arith.constant 4 : i32
      %dma_start3A_386 = arith.constant 4 : i32
      %dma_start3A_387 = arith.constant 0 : i32
      %dma_start3A_388 = arith.constant 0 : i32
      %dma_start3A_389 = tpu.memref_slice %arg11[%dma_start3A_385, %dma_start3A_387, %dma_start3A_388] : memref<13x128x16xf32, #tpu.memory_space<vmem>> -> memref<1x128x16xf32, #tpu.memory_space<vmem>>
      %dma_start3A_390 = tpu.memref_squeeze %dma_start3A_389 : memref<1x128x16xf32, #tpu.memory_space<vmem>> -> memref<128x16xf32, #tpu.memory_space<vmem>>
      %dma_start3A_391 = arith.constant 0 : i32
      %dma_start3A_392 = tpu.memref_slice %arg10[%dma_start3A_386, %dma_start3A_391] : memref<13x128xi32, #tpu.memory_space<vmem>> -> memref<1x128xi32, #tpu.memory_space<vmem>>
      %dma_start3A_393 = tpu.memref_squeeze %dma_start3A_392 : memref<1x128xi32, #tpu.memory_space<vmem>> -> memref<128xi32, #tpu.memory_space<vmem>>
      %dma_start3A_394 = arith.constant 0 : i32
      %dma_start3A_395 = arith.constant 0 : i32
      %dma_start3A_396 = tpu.memref_slice %arg7[%dma_start3A_394, %dma_start3A_395] : memref<10000x16xf32, #tpu.memory_space<vmem_shared>> -> memref<10000x16xf32, #tpu.memory_space<vmem_shared>>
      tpu.enqueue_indirect_dma source(%dma_start3A_390 : memref<128x16xf32, #tpu.memory_space<vmem>>) target(%dma_start3A_396 : memref<10000x16xf32, #tpu.memory_space<vmem_shared>>) offsets(%dma_start3A_393 : memref<128xi32, #tpu.memory_space<vmem>>) semaphore(%arg13 : memref<!tpu.dma_semaphore, #tpu.memory_space<semaphore_mem>>) {add = true}
      %dma_start3A_397 = arith.constant 5 : i32
      %dma_start3A_398 = arith.constant 5 : i32
      %dma_start3A_399 = arith.constant 0 : i32
      %dma_start3A_400 = arith.constant 0 : i32
      %dma_start3A_401 = tpu.memref_slice %arg11[%dma_start3A_397, %dma_start3A_399, %dma_start3A_400] : memref<13x128x16xf32, #tpu.memory_space<vmem>> -> memref<1x128x16xf32, #tpu.memory_space<vmem>>
      %dma_start3A_402 = tpu.memref_squeeze %dma_start3A_401 : memref<1x128x16xf32, #tpu.memory_space<vmem>> -> memref<128x16xf32, #tpu.memory_space<vmem>>
      %dma_start3A_403 = arith.constant 0 : i32
      %dma_start3A_404 = tpu.memref_slice %arg10[%dma_start3A_398, %dma_start3A_403] : memref<13x128xi32, #tpu.memory_space<vmem>> -> memref<1x128xi32, #tpu.memory_space<vmem>>
      %dma_start3A_405 = tpu.memref_squeeze %dma_start3A_404 : memref<1x128xi32, #tpu.memory_space<vmem>> -> memref<128xi32, #tpu.memory_space<vmem>>
      %dma_start3A_406 = arith.constant 0 : i32
      %dma_start3A_407 = arith.constant 0 : i32
      %dma_start3A_408 = tpu.memref_slice %arg7[%dma_start3A_406, %dma_start3A_407] : memref<10000x16xf32, #tpu.memory_space<vmem_shared>> -> memref<10000x16xf32, #tpu.memory_space<vmem_shared>>
      tpu.enqueue_indirect_dma source(%dma_start3A_402 : memref<128x16xf32, #tpu.memory_space<vmem>>) target(%dma_start3A_408 : memref<10000x16xf32, #tpu.memory_space<vmem_shared>>) offsets(%dma_start3A_405 : memref<128xi32, #tpu.memory_space<vmem>>) semaphore(%arg13 : memref<!tpu.dma_semaphore, #tpu.memory_space<semaphore_mem>>) {add = true}
      %dma_start3A_409 = arith.constant 6 : i32
      %dma_start3A_410 = arith.constant 6 : i32
      %dma_start3A_411 = arith.constant 0 : i32
      %dma_start3A_412 = arith.constant 0 : i32
      %dma_start3A_413 = tpu.memref_slice %arg11[%dma_start3A_409, %dma_start3A_411, %dma_start3A_412] : memref<13x128x16xf32, #tpu.memory_space<vmem>> -> memref<1x128x16xf32, #tpu.memory_space<vmem>>
      %dma_start3A_414 = tpu.memref_squeeze %dma_start3A_413 : memref<1x128x16xf32, #tpu.memory_space<vmem>> -> memref<128x16xf32, #tpu.memory_space<vmem>>
      %dma_start3A_415 = arith.constant 0 : i32
      %dma_start3A_416 = tpu.memref_slice %arg10[%dma_start3A_410, %dma_start3A_415] : memref<13x128xi32, #tpu.memory_space<vmem>> -> memref<1x128xi32, #tpu.memory_space<vmem>>
      %dma_start3A_417 = tpu.memref_squeeze %dma_start3A_416 : memref<1x128xi32, #tpu.memory_space<vmem>> -> memref<128xi32, #tpu.memory_space<vmem>>
      %dma_start3A_418 = arith.constant 0 : i32
      %dma_start3A_419 = arith.constant 0 : i32
      %dma_start3A_420 = tpu.memref_slice %arg7[%dma_start3A_418, %dma_start3A_419] : memref<10000x16xf32, #tpu.memory_space<vmem_shared>> -> memref<10000x16xf32, #tpu.memory_space<vmem_shared>>
      tpu.enqueue_indirect_dma source(%dma_start3A_414 : memref<128x16xf32, #tpu.memory_space<vmem>>) target(%dma_start3A_420 : memref<10000x16xf32, #tpu.memory_space<vmem_shared>>) offsets(%dma_start3A_417 : memref<128xi32, #tpu.memory_space<vmem>>) semaphore(%arg13 : memref<!tpu.dma_semaphore, #tpu.memory_space<semaphore_mem>>) {add = true}
      %dma_start3A_421 = arith.constant 7 : i32
      %dma_start3A_422 = arith.constant 7 : i32
      %dma_start3A_423 = arith.constant 0 : i32
      %dma_start3A_424 = arith.constant 0 : i32
      %dma_start3A_425 = tpu.memref_slice %arg11[%dma_start3A_421, %dma_start3A_423, %dma_start3A_424] : memref<13x128x16xf32, #tpu.memory_space<vmem>> -> memref<1x128x16xf32, #tpu.memory_space<vmem>>
      %dma_start3A_426 = tpu.memref_squeeze %dma_start3A_425 : memref<1x128x16xf32, #tpu.memory_space<vmem>> -> memref<128x16xf32, #tpu.memory_space<vmem>>
      %dma_start3A_427 = arith.constant 0 : i32
      %dma_start3A_428 = tpu.memref_slice %arg10[%dma_start3A_422, %dma_start3A_427] : memref<13x128xi32, #tpu.memory_space<vmem>> -> memref<1x128xi32, #tpu.memory_space<vmem>>
      %dma_start3A_429 = tpu.memref_squeeze %dma_start3A_428 : memref<1x128xi32, #tpu.memory_space<vmem>> -> memref<128xi32, #tpu.memory_space<vmem>>
      %dma_start3A_430 = arith.constant 0 : i32
      %dma_start3A_431 = arith.constant 0 : i32
      %dma_start3A_432 = tpu.memref_slice %arg7[%dma_start3A_430, %dma_start3A_431] : memref<10000x16xf32, #tpu.memory_space<vmem_shared>> -> memref<10000x16xf32, #tpu.memory_space<vmem_shared>>
      tpu.enqueue_indirect_dma source(%dma_start3A_426 : memref<128x16xf32, #tpu.memory_space<vmem>>) target(%dma_start3A_432 : memref<10000x16xf32, #tpu.memory_space<vmem_shared>>) offsets(%dma_start3A_429 : memref<128xi32, #tpu.memory_space<vmem>>) semaphore(%arg13 : memref<!tpu.dma_semaphore, #tpu.memory_space<semaphore_mem>>) {add = true}
      %dma_start3A_433 = arith.constant 8 : i32
      %dma_start3A_434 = arith.constant 8 : i32
      %dma_start3A_435 = arith.constant 0 : i32
      %dma_start3A_436 = arith.constant 0 : i32
      %dma_start3A_437 = tpu.memref_slice %arg11[%dma_start3A_433, %dma_start3A_435, %dma_start3A_436] : memref<13x128x16xf32, #tpu.memory_space<vmem>> -> memref<1x128x16xf32, #tpu.memory_space<vmem>>
      %dma_start3A_438 = tpu.memref_squeeze %dma_start3A_437 : memref<1x128x16xf32, #tpu.memory_space<vmem>> -> memref<128x16xf32, #tpu.memory_space<vmem>>
      %dma_start3A_439 = arith.constant 0 : i32
      %dma_start3A_440 = tpu.memref_slice %arg10[%dma_start3A_434, %dma_start3A_439] : memref<13x128xi32, #tpu.memory_space<vmem>> -> memref<1x128xi32, #tpu.memory_space<vmem>>
      %dma_start3A_441 = tpu.memref_squeeze %dma_start3A_440 : memref<1x128xi32, #tpu.memory_space<vmem>> -> memref<128xi32, #tpu.memory_space<vmem>>
      %dma_start3A_442 = arith.constant 0 : i32
      %dma_start3A_443 = arith.constant 0 : i32
      %dma_start3A_444 = tpu.memref_slice %arg7[%dma_start3A_442, %dma_start3A_443] : memref<10000x16xf32, #tpu.memory_space<vmem_shared>> -> memref<10000x16xf32, #tpu.memory_space<vmem_shared>>
      tpu.enqueue_indirect_dma source(%dma_start3A_438 : memref<128x16xf32, #tpu.memory_space<vmem>>) target(%dma_start3A_444 : memref<10000x16xf32, #tpu.memory_space<vmem_shared>>) offsets(%dma_start3A_441 : memref<128xi32, #tpu.memory_space<vmem>>) semaphore(%arg13 : memref<!tpu.dma_semaphore, #tpu.memory_space<semaphore_mem>>) {add = true}
      %dma_start3A_445 = arith.constant 9 : i32
      %dma_start3A_446 = arith.constant 9 : i32
      %dma_start3A_447 = arith.constant 0 : i32
      %dma_start3A_448 = arith.constant 0 : i32
      %dma_start3A_449 = tpu.memref_slice %arg11[%dma_start3A_445, %dma_start3A_447, %dma_start3A_448] : memref<13x128x16xf32, #tpu.memory_space<vmem>> -> memref<1x128x16xf32, #tpu.memory_space<vmem>>
      %dma_start3A_450 = tpu.memref_squeeze %dma_start3A_449 : memref<1x128x16xf32, #tpu.memory_space<vmem>> -> memref<128x16xf32, #tpu.memory_space<vmem>>
      %dma_start3A_451 = arith.constant 0 : i32
      %dma_start3A_452 = tpu.memref_slice %arg10[%dma_start3A_446, %dma_start3A_451] : memref<13x128xi32, #tpu.memory_space<vmem>> -> memref<1x128xi32, #tpu.memory_space<vmem>>
      %dma_start3A_453 = tpu.memref_squeeze %dma_start3A_452 : memref<1x128xi32, #tpu.memory_space<vmem>> -> memref<128xi32, #tpu.memory_space<vmem>>
      %dma_start3A_454 = arith.constant 0 : i32
      %dma_start3A_455 = arith.constant 0 : i32
      %dma_start3A_456 = tpu.memref_slice %arg7[%dma_start3A_454, %dma_start3A_455] : memref<10000x16xf32, #tpu.memory_space<vmem_shared>> -> memref<10000x16xf32, #tpu.memory_space<vmem_shared>>
      tpu.enqueue_indirect_dma source(%dma_start3A_450 : memref<128x16xf32, #tpu.memory_space<vmem>>) target(%dma_start3A_456 : memref<10000x16xf32, #tpu.memory_space<vmem_shared>>) offsets(%dma_start3A_453 : memref<128xi32, #tpu.memory_space<vmem>>) semaphore(%arg13 : memref<!tpu.dma_semaphore, #tpu.memory_space<semaphore_mem>>) {add = true}
      %dma_start3A_457 = arith.constant 10 : i32
      %dma_start3A_458 = arith.constant 10 : i32
      %dma_start3A_459 = arith.constant 0 : i32
      %dma_start3A_460 = arith.constant 0 : i32
      %dma_start3A_461 = tpu.memref_slice %arg11[%dma_start3A_457, %dma_start3A_459, %dma_start3A_460] : memref<13x128x16xf32, #tpu.memory_space<vmem>> -> memref<1x128x16xf32, #tpu.memory_space<vmem>>
      %dma_start3A_462 = tpu.memref_squeeze %dma_start3A_461 : memref<1x128x16xf32, #tpu.memory_space<vmem>> -> memref<128x16xf32, #tpu.memory_space<vmem>>
      %dma_start3A_463 = arith.constant 0 : i32
      %dma_start3A_464 = tpu.memref_slice %arg10[%dma_start3A_458, %dma_start3A_463] : memref<13x128xi32, #tpu.memory_space<vmem>> -> memref<1x128xi32, #tpu.memory_space<vmem>>
      %dma_start3A_465 = tpu.memref_squeeze %dma_start3A_464 : memref<1x128xi32, #tpu.memory_space<vmem>> -> memref<128xi32, #tpu.memory_space<vmem>>
      %dma_start3A_466 = arith.constant 0 : i32
      %dma_start3A_467 = arith.constant 0 : i32
      %dma_start3A_468 = tpu.memref_slice %arg7[%dma_start3A_466, %dma_start3A_467] : memref<10000x16xf32, #tpu.memory_space<vmem_shared>> -> memref<10000x16xf32, #tpu.memory_space<vmem_shared>>
      tpu.enqueue_indirect_dma source(%dma_start3A_462 : memref<128x16xf32, #tpu.memory_space<vmem>>) target(%dma_start3A_468 : memref<10000x16xf32, #tpu.memory_space<vmem_shared>>) offsets(%dma_start3A_465 : memref<128xi32, #tpu.memory_space<vmem>>) semaphore(%arg13 : memref<!tpu.dma_semaphore, #tpu.memory_space<semaphore_mem>>) {add = true}
      %dma_start3A_469 = arith.constant 11 : i32
      %dma_start3A_470 = arith.constant 11 : i32
      %dma_start3A_471 = arith.constant 0 : i32
      %dma_start3A_472 = arith.constant 0 : i32
      %dma_start3A_473 = tpu.memref_slice %arg11[%dma_start3A_469, %dma_start3A_471, %dma_start3A_472] : memref<13x128x16xf32, #tpu.memory_space<vmem>> -> memref<1x128x16xf32, #tpu.memory_space<vmem>>
      %dma_start3A_474 = tpu.memref_squeeze %dma_start3A_473 : memref<1x128x16xf32, #tpu.memory_space<vmem>> -> memref<128x16xf32, #tpu.memory_space<vmem>>
      %dma_start3A_475 = arith.constant 0 : i32
      %dma_start3A_476 = tpu.memref_slice %arg10[%dma_start3A_470, %dma_start3A_475] : memref<13x128xi32, #tpu.memory_space<vmem>> -> memref<1x128xi32, #tpu.memory_space<vmem>>
      %dma_start3A_477 = tpu.memref_squeeze %dma_start3A_476 : memref<1x128xi32, #tpu.memory_space<vmem>> -> memref<128xi32, #tpu.memory_space<vmem>>
      %dma_start3A_478 = arith.constant 0 : i32
      %dma_start3A_479 = arith.constant 0 : i32
      %dma_start3A_480 = tpu.memref_slice %arg7[%dma_start3A_478, %dma_start3A_479] : memref<10000x16xf32, #tpu.memory_space<vmem_shared>> -> memref<10000x16xf32, #tpu.memory_space<vmem_shared>>
      tpu.enqueue_indirect_dma source(%dma_start3A_474 : memref<128x16xf32, #tpu.memory_space<vmem>>) target(%dma_start3A_480 : memref<10000x16xf32, #tpu.memory_space<vmem_shared>>) offsets(%dma_start3A_477 : memref<128xi32, #tpu.memory_space<vmem>>) semaphore(%arg13 : memref<!tpu.dma_semaphore, #tpu.memory_space<semaphore_mem>>) {add = true}
      %dma_start3A_481 = arith.constant 12 : i32
      %dma_start3A_482 = arith.constant 12 : i32
      %dma_start3A_483 = arith.constant 0 : i32
      %dma_start3A_484 = arith.constant 0 : i32
      %dma_start3A_485 = tpu.memref_slice %arg11[%dma_start3A_481, %dma_start3A_483, %dma_start3A_484] : memref<13x128x16xf32, #tpu.memory_space<vmem>> -> memref<1x128x16xf32, #tpu.memory_space<vmem>>
      %dma_start3A_486 = tpu.memref_squeeze %dma_start3A_485 : memref<1x128x16xf32, #tpu.memory_space<vmem>> -> memref<128x16xf32, #tpu.memory_space<vmem>>
      %dma_start3A_487 = arith.constant 0 : i32
      %dma_start3A_488 = tpu.memref_slice %arg10[%dma_start3A_482, %dma_start3A_487] : memref<13x128xi32, #tpu.memory_space<vmem>> -> memref<1x128xi32, #tpu.memory_space<vmem>>
      %dma_start3A_489 = tpu.memref_squeeze %dma_start3A_488 : memref<1x128xi32, #tpu.memory_space<vmem>> -> memref<128xi32, #tpu.memory_space<vmem>>
      %dma_start3A_490 = arith.constant 0 : i32
      %dma_start3A_491 = arith.constant 0 : i32
      %dma_start3A_492 = tpu.memref_slice %arg7[%dma_start3A_490, %dma_start3A_491] : memref<10000x16xf32, #tpu.memory_space<vmem_shared>> -> memref<10000x16xf32, #tpu.memory_space<vmem_shared>>
      tpu.enqueue_indirect_dma source(%dma_start3A_486 : memref<128x16xf32, #tpu.memory_space<vmem>>) target(%dma_start3A_492 : memref<10000x16xf32, #tpu.memory_space<vmem_shared>>) offsets(%dma_start3A_489 : memref<128xi32, #tpu.memory_space<vmem>>) semaphore(%arg13 : memref<!tpu.dma_semaphore, #tpu.memory_space<semaphore_mem>>) {add = true}
      %dma_wait3A_493 = arith.constant 0 : i32
      %dma_wait3A_494 = arith.constant 0 : i32
      %dma_wait3A_495 = arith.constant 0 : i32
      %dma_wait3A_496 = arith.constant 0 : i32
      %dma_wait3A_497 = tpu.memref_slice %arg11[%dma_wait3A_493, %dma_wait3A_495, %dma_wait3A_496] : memref<13x128x16xf32, #tpu.memory_space<vmem>> -> memref<1x128x16xf32, #tpu.memory_space<vmem>>
      %dma_wait3A_498 = tpu.memref_squeeze %dma_wait3A_497 : memref<1x128x16xf32, #tpu.memory_space<vmem>> -> memref<128x16xf32, #tpu.memory_space<vmem>>
      %dma_wait3A_499 = arith.constant 0 : i32
      %dma_wait3A_500 = tpu.memref_slice %arg10[%dma_wait3A_494, %dma_wait3A_499] : memref<13x128xi32, #tpu.memory_space<vmem>> -> memref<1x128xi32, #tpu.memory_space<vmem>>
      %dma_wait3A_501 = tpu.memref_squeeze %dma_wait3A_500 : memref<1x128xi32, #tpu.memory_space<vmem>> -> memref<128xi32, #tpu.memory_space<vmem>>
      %dma_wait3A_502 = arith.constant 0 : i32
      %dma_wait3A_503 = arith.constant 0 : i32
      %dma_wait3A_504 = tpu.memref_slice %arg7[%dma_wait3A_502, %dma_wait3A_503] : memref<10000x16xf32, #tpu.memory_space<vmem_shared>> -> memref<10000x16xf32, #tpu.memory_space<vmem_shared>>
      tpu.wait_indirect_dma semaphore(%arg13 : memref<!tpu.dma_semaphore, #tpu.memory_space<semaphore_mem>>) src(%dma_wait3A_498 : memref<128x16xf32, #tpu.memory_space<vmem>>) dst(%dma_wait3A_504 : memref<10000x16xf32, #tpu.memory_space<vmem_shared>>)
      %dma_wait3A_505 = arith.constant 1 : i32
      %dma_wait3A_506 = arith.constant 1 : i32
      %dma_wait3A_507 = arith.constant 0 : i32
      %dma_wait3A_508 = arith.constant 0 : i32
      %dma_wait3A_509 = tpu.memref_slice %arg11[%dma_wait3A_505, %dma_wait3A_507, %dma_wait3A_508] : memref<13x128x16xf32, #tpu.memory_space<vmem>> -> memref<1x128x16xf32, #tpu.memory_space<vmem>>
      %dma_wait3A_510 = tpu.memref_squeeze %dma_wait3A_509 : memref<1x128x16xf32, #tpu.memory_space<vmem>> -> memref<128x16xf32, #tpu.memory_space<vmem>>
      %dma_wait3A_511 = arith.constant 0 : i32
      %dma_wait3A_512 = tpu.memref_slice %arg10[%dma_wait3A_506, %dma_wait3A_511] : memref<13x128xi32, #tpu.memory_space<vmem>> -> memref<1x128xi32, #tpu.memory_space<vmem>>
      %dma_wait3A_513 = tpu.memref_squeeze %dma_wait3A_512 : memref<1x128xi32, #tpu.memory_space<vmem>> -> memref<128xi32, #tpu.memory_space<vmem>>
      %dma_wait3A_514 = arith.constant 0 : i32
      %dma_wait3A_515 = arith.constant 0 : i32
      %dma_wait3A_516 = tpu.memref_slice %arg7[%dma_wait3A_514, %dma_wait3A_515] : memref<10000x16xf32, #tpu.memory_space<vmem_shared>> -> memref<10000x16xf32, #tpu.memory_space<vmem_shared>>
      tpu.wait_indirect_dma semaphore(%arg13 : memref<!tpu.dma_semaphore, #tpu.memory_space<semaphore_mem>>) src(%dma_wait3A_510 : memref<128x16xf32, #tpu.memory_space<vmem>>) dst(%dma_wait3A_516 : memref<10000x16xf32, #tpu.memory_space<vmem_shared>>)
      %dma_wait3A_517 = arith.constant 2 : i32
      %dma_wait3A_518 = arith.constant 2 : i32
      %dma_wait3A_519 = arith.constant 0 : i32
      %dma_wait3A_520 = arith.constant 0 : i32
      %dma_wait3A_521 = tpu.memref_slice %arg11[%dma_wait3A_517, %dma_wait3A_519, %dma_wait3A_520] : memref<13x128x16xf32, #tpu.memory_space<vmem>> -> memref<1x128x16xf32, #tpu.memory_space<vmem>>
      %dma_wait3A_522 = tpu.memref_squeeze %dma_wait3A_521 : memref<1x128x16xf32, #tpu.memory_space<vmem>> -> memref<128x16xf32, #tpu.memory_space<vmem>>
      %dma_wait3A_523 = arith.constant 0 : i32
      %dma_wait3A_524 = tpu.memref_slice %arg10[%dma_wait3A_518, %dma_wait3A_523] : memref<13x128xi32, #tpu.memory_space<vmem>> -> memref<1x128xi32, #tpu.memory_space<vmem>>
      %dma_wait3A_525 = tpu.memref_squeeze %dma_wait3A_524 : memref<1x128xi32, #tpu.memory_space<vmem>> -> memref<128xi32, #tpu.memory_space<vmem>>
      %dma_wait3A_526 = arith.constant 0 : i32
      %dma_wait3A_527 = arith.constant 0 : i32
      %dma_wait3A_528 = tpu.memref_slice %arg7[%dma_wait3A_526, %dma_wait3A_527] : memref<10000x16xf32, #tpu.memory_space<vmem_shared>> -> memref<10000x16xf32, #tpu.memory_space<vmem_shared>>
      tpu.wait_indirect_dma semaphore(%arg13 : memref<!tpu.dma_semaphore, #tpu.memory_space<semaphore_mem>>) src(%dma_wait3A_522 : memref<128x16xf32, #tpu.memory_space<vmem>>) dst(%dma_wait3A_528 : memref<10000x16xf32, #tpu.memory_space<vmem_shared>>)
      %dma_wait3A_529 = arith.constant 3 : i32
      %dma_wait3A_530 = arith.constant 3 : i32
      %dma_wait3A_531 = arith.constant 0 : i32
      %dma_wait3A_532 = arith.constant 0 : i32
      %dma_wait3A_533 = tpu.memref_slice %arg11[%dma_wait3A_529, %dma_wait3A_531, %dma_wait3A_532] : memref<13x128x16xf32, #tpu.memory_space<vmem>> -> memref<1x128x16xf32, #tpu.memory_space<vmem>>
      %dma_wait3A_534 = tpu.memref_squeeze %dma_wait3A_533 : memref<1x128x16xf32, #tpu.memory_space<vmem>> -> memref<128x16xf32, #tpu.memory_space<vmem>>
      %dma_wait3A_535 = arith.constant 0 : i32
      %dma_wait3A_536 = tpu.memref_slice %arg10[%dma_wait3A_530, %dma_wait3A_535] : memref<13x128xi32, #tpu.memory_space<vmem>> -> memref<1x128xi32, #tpu.memory_space<vmem>>
      %dma_wait3A_537 = tpu.memref_squeeze %dma_wait3A_536 : memref<1x128xi32, #tpu.memory_space<vmem>> -> memref<128xi32, #tpu.memory_space<vmem>>
      %dma_wait3A_538 = arith.constant 0 : i32
      %dma_wait3A_539 = arith.constant 0 : i32
      %dma_wait3A_540 = tpu.memref_slice %arg7[%dma_wait3A_538, %dma_wait3A_539] : memref<10000x16xf32, #tpu.memory_space<vmem_shared>> -> memref<10000x16xf32, #tpu.memory_space<vmem_shared>>
      tpu.wait_indirect_dma semaphore(%arg13 : memref<!tpu.dma_semaphore, #tpu.memory_space<semaphore_mem>>) src(%dma_wait3A_534 : memref<128x16xf32, #tpu.memory_space<vmem>>) dst(%dma_wait3A_540 : memref<10000x16xf32, #tpu.memory_space<vmem_shared>>)
      %dma_wait3A_541 = arith.constant 4 : i32
      %dma_wait3A_542 = arith.constant 4 : i32
      %dma_wait3A_543 = arith.constant 0 : i32
      %dma_wait3A_544 = arith.constant 0 : i32
      %dma_wait3A_545 = tpu.memref_slice %arg11[%dma_wait3A_541, %dma_wait3A_543, %dma_wait3A_544] : memref<13x128x16xf32, #tpu.memory_space<vmem>> -> memref<1x128x16xf32, #tpu.memory_space<vmem>>
      %dma_wait3A_546 = tpu.memref_squeeze %dma_wait3A_545 : memref<1x128x16xf32, #tpu.memory_space<vmem>> -> memref<128x16xf32, #tpu.memory_space<vmem>>
      %dma_wait3A_547 = arith.constant 0 : i32
      %dma_wait3A_548 = tpu.memref_slice %arg10[%dma_wait3A_542, %dma_wait3A_547] : memref<13x128xi32, #tpu.memory_space<vmem>> -> memref<1x128xi32, #tpu.memory_space<vmem>>
      %dma_wait3A_549 = tpu.memref_squeeze %dma_wait3A_548 : memref<1x128xi32, #tpu.memory_space<vmem>> -> memref<128xi32, #tpu.memory_space<vmem>>
      %dma_wait3A_550 = arith.constant 0 : i32
      %dma_wait3A_551 = arith.constant 0 : i32
      %dma_wait3A_552 = tpu.memref_slice %arg7[%dma_wait3A_550, %dma_wait3A_551] : memref<10000x16xf32, #tpu.memory_space<vmem_shared>> -> memref<10000x16xf32, #tpu.memory_space<vmem_shared>>
      tpu.wait_indirect_dma semaphore(%arg13 : memref<!tpu.dma_semaphore, #tpu.memory_space<semaphore_mem>>) src(%dma_wait3A_546 : memref<128x16xf32, #tpu.memory_space<vmem>>) dst(%dma_wait3A_552 : memref<10000x16xf32, #tpu.memory_space<vmem_shared>>)
      %dma_wait3A_553 = arith.constant 5 : i32
      %dma_wait3A_554 = arith.constant 5 : i32
      %dma_wait3A_555 = arith.constant 0 : i32
      %dma_wait3A_556 = arith.constant 0 : i32
      %dma_wait3A_557 = tpu.memref_slice %arg11[%dma_wait3A_553, %dma_wait3A_555, %dma_wait3A_556] : memref<13x128x16xf32, #tpu.memory_space<vmem>> -> memref<1x128x16xf32, #tpu.memory_space<vmem>>
      %dma_wait3A_558 = tpu.memref_squeeze %dma_wait3A_557 : memref<1x128x16xf32, #tpu.memory_space<vmem>> -> memref<128x16xf32, #tpu.memory_space<vmem>>
      %dma_wait3A_559 = arith.constant 0 : i32
      %dma_wait3A_560 = tpu.memref_slice %arg10[%dma_wait3A_554, %dma_wait3A_559] : memref<13x128xi32, #tpu.memory_space<vmem>> -> memref<1x128xi32, #tpu.memory_space<vmem>>
      %dma_wait3A_561 = tpu.memref_squeeze %dma_wait3A_560 : memref<1x128xi32, #tpu.memory_space<vmem>> -> memref<128xi32, #tpu.memory_space<vmem>>
      %dma_wait3A_562 = arith.constant 0 : i32
      %dma_wait3A_563 = arith.constant 0 : i32
      %dma_wait3A_564 = tpu.memref_slice %arg7[%dma_wait3A_562, %dma_wait3A_563] : memref<10000x16xf32, #tpu.memory_space<vmem_shared>> -> memref<10000x16xf32, #tpu.memory_space<vmem_shared>>
      tpu.wait_indirect_dma semaphore(%arg13 : memref<!tpu.dma_semaphore, #tpu.memory_space<semaphore_mem>>) src(%dma_wait3A_558 : memref<128x16xf32, #tpu.memory_space<vmem>>) dst(%dma_wait3A_564 : memref<10000x16xf32, #tpu.memory_space<vmem_shared>>)
      %dma_wait3A_565 = arith.constant 6 : i32
      %dma_wait3A_566 = arith.constant 6 : i32
      %dma_wait3A_567 = arith.constant 0 : i32
      %dma_wait3A_568 = arith.constant 0 : i32
      %dma_wait3A_569 = tpu.memref_slice %arg11[%dma_wait3A_565, %dma_wait3A_567, %dma_wait3A_568] : memref<13x128x16xf32, #tpu.memory_space<vmem>> -> memref<1x128x16xf32, #tpu.memory_space<vmem>>
      %dma_wait3A_570 = tpu.memref_squeeze %dma_wait3A_569 : memref<1x128x16xf32, #tpu.memory_space<vmem>> -> memref<128x16xf32, #tpu.memory_space<vmem>>
      %dma_wait3A_571 = arith.constant 0 : i32
      %dma_wait3A_572 = tpu.memref_slice %arg10[%dma_wait3A_566, %dma_wait3A_571] : memref<13x128xi32, #tpu.memory_space<vmem>> -> memref<1x128xi32, #tpu.memory_space<vmem>>
      %dma_wait3A_573 = tpu.memref_squeeze %dma_wait3A_572 : memref<1x128xi32, #tpu.memory_space<vmem>> -> memref<128xi32, #tpu.memory_space<vmem>>
      %dma_wait3A_574 = arith.constant 0 : i32
      %dma_wait3A_575 = arith.constant 0 : i32
      %dma_wait3A_576 = tpu.memref_slice %arg7[%dma_wait3A_574, %dma_wait3A_575] : memref<10000x16xf32, #tpu.memory_space<vmem_shared>> -> memref<10000x16xf32, #tpu.memory_space<vmem_shared>>
      tpu.wait_indirect_dma semaphore(%arg13 : memref<!tpu.dma_semaphore, #tpu.memory_space<semaphore_mem>>) src(%dma_wait3A_570 : memref<128x16xf32, #tpu.memory_space<vmem>>) dst(%dma_wait3A_576 : memref<10000x16xf32, #tpu.memory_space<vmem_shared>>)
      %dma_wait3A_577 = arith.constant 7 : i32
      %dma_wait3A_578 = arith.constant 7 : i32
      %dma_wait3A_579 = arith.constant 0 : i32
      %dma_wait3A_580 = arith.constant 0 : i32
      %dma_wait3A_581 = tpu.memref_slice %arg11[%dma_wait3A_577, %dma_wait3A_579, %dma_wait3A_580] : memref<13x128x16xf32, #tpu.memory_space<vmem>> -> memref<1x128x16xf32, #tpu.memory_space<vmem>>
      %dma_wait3A_582 = tpu.memref_squeeze %dma_wait3A_581 : memref<1x128x16xf32, #tpu.memory_space<vmem>> -> memref<128x16xf32, #tpu.memory_space<vmem>>
      %dma_wait3A_583 = arith.constant 0 : i32
      %dma_wait3A_584 = tpu.memref_slice %arg10[%dma_wait3A_578, %dma_wait3A_583] : memref<13x128xi32, #tpu.memory_space<vmem>> -> memref<1x128xi32, #tpu.memory_space<vmem>>
      %dma_wait3A_585 = tpu.memref_squeeze %dma_wait3A_584 : memref<1x128xi32, #tpu.memory_space<vmem>> -> memref<128xi32, #tpu.memory_space<vmem>>
      %dma_wait3A_586 = arith.constant 0 : i32
      %dma_wait3A_587 = arith.constant 0 : i32
      %dma_wait3A_588 = tpu.memref_slice %arg7[%dma_wait3A_586, %dma_wait3A_587] : memref<10000x16xf32, #tpu.memory_space<vmem_shared>> -> memref<10000x16xf32, #tpu.memory_space<vmem_shared>>
      tpu.wait_indirect_dma semaphore(%arg13 : memref<!tpu.dma_semaphore, #tpu.memory_space<semaphore_mem>>) src(%dma_wait3A_582 : memref<128x16xf32, #tpu.memory_space<vmem>>) dst(%dma_wait3A_588 : memref<10000x16xf32, #tpu.memory_space<vmem_shared>>)
      %dma_wait3A_589 = arith.constant 8 : i32
      %dma_wait3A_590 = arith.constant 8 : i32
      %dma_wait3A_591 = arith.constant 0 : i32
      %dma_wait3A_592 = arith.constant 0 : i32
      %dma_wait3A_593 = tpu.memref_slice %arg11[%dma_wait3A_589, %dma_wait3A_591, %dma_wait3A_592] : memref<13x128x16xf32, #tpu.memory_space<vmem>> -> memref<1x128x16xf32, #tpu.memory_space<vmem>>
      %dma_wait3A_594 = tpu.memref_squeeze %dma_wait3A_593 : memref<1x128x16xf32, #tpu.memory_space<vmem>> -> memref<128x16xf32, #tpu.memory_space<vmem>>
      %dma_wait3A_595 = arith.constant 0 : i32
      %dma_wait3A_596 = tpu.memref_slice %arg10[%dma_wait3A_590, %dma_wait3A_595] : memref<13x128xi32, #tpu.memory_space<vmem>> -> memref<1x128xi32, #tpu.memory_space<vmem>>
      %dma_wait3A_597 = tpu.memref_squeeze %dma_wait3A_596 : memref<1x128xi32, #tpu.memory_space<vmem>> -> memref<128xi32, #tpu.memory_space<vmem>>
      %dma_wait3A_598 = arith.constant 0 : i32
      %dma_wait3A_599 = arith.constant 0 : i32
      %dma_wait3A_600 = tpu.memref_slice %arg7[%dma_wait3A_598, %dma_wait3A_599] : memref<10000x16xf32, #tpu.memory_space<vmem_shared>> -> memref<10000x16xf32, #tpu.memory_space<vmem_shared>>
      tpu.wait_indirect_dma semaphore(%arg13 : memref<!tpu.dma_semaphore, #tpu.memory_space<semaphore_mem>>) src(%dma_wait3A_594 : memref<128x16xf32, #tpu.memory_space<vmem>>) dst(%dma_wait3A_600 : memref<10000x16xf32, #tpu.memory_space<vmem_shared>>)
      %dma_wait3A_601 = arith.constant 9 : i32
      %dma_wait3A_602 = arith.constant 9 : i32
      %dma_wait3A_603 = arith.constant 0 : i32
      %dma_wait3A_604 = arith.constant 0 : i32
      %dma_wait3A_605 = tpu.memref_slice %arg11[%dma_wait3A_601, %dma_wait3A_603, %dma_wait3A_604] : memref<13x128x16xf32, #tpu.memory_space<vmem>> -> memref<1x128x16xf32, #tpu.memory_space<vmem>>
      %dma_wait3A_606 = tpu.memref_squeeze %dma_wait3A_605 : memref<1x128x16xf32, #tpu.memory_space<vmem>> -> memref<128x16xf32, #tpu.memory_space<vmem>>
      %dma_wait3A_607 = arith.constant 0 : i32
      %dma_wait3A_608 = tpu.memref_slice %arg10[%dma_wait3A_602, %dma_wait3A_607] : memref<13x128xi32, #tpu.memory_space<vmem>> -> memref<1x128xi32, #tpu.memory_space<vmem>>
      %dma_wait3A_609 = tpu.memref_squeeze %dma_wait3A_608 : memref<1x128xi32, #tpu.memory_space<vmem>> -> memref<128xi32, #tpu.memory_space<vmem>>
      %dma_wait3A_610 = arith.constant 0 : i32
      %dma_wait3A_611 = arith.constant 0 : i32
      %dma_wait3A_612 = tpu.memref_slice %arg7[%dma_wait3A_610, %dma_wait3A_611] : memref<10000x16xf32, #tpu.memory_space<vmem_shared>> -> memref<10000x16xf32, #tpu.memory_space<vmem_shared>>
      tpu.wait_indirect_dma semaphore(%arg13 : memref<!tpu.dma_semaphore, #tpu.memory_space<semaphore_mem>>) src(%dma_wait3A_606 : memref<128x16xf32, #tpu.memory_space<vmem>>) dst(%dma_wait3A_612 : memref<10000x16xf32, #tpu.memory_space<vmem_shared>>)
      %dma_wait3A_613 = arith.constant 10 : i32
      %dma_wait3A_614 = arith.constant 10 : i32
      %dma_wait3A_615 = arith.constant 0 : i32
      %dma_wait3A_616 = arith.constant 0 : i32
      %dma_wait3A_617 = tpu.memref_slice %arg11[%dma_wait3A_613, %dma_wait3A_615, %dma_wait3A_616] : memref<13x128x16xf32, #tpu.memory_space<vmem>> -> memref<1x128x16xf32, #tpu.memory_space<vmem>>
      %dma_wait3A_618 = tpu.memref_squeeze %dma_wait3A_617 : memref<1x128x16xf32, #tpu.memory_space<vmem>> -> memref<128x16xf32, #tpu.memory_space<vmem>>
      %dma_wait3A_619 = arith.constant 0 : i32
      %dma_wait3A_620 = tpu.memref_slice %arg10[%dma_wait3A_614, %dma_wait3A_619] : memref<13x128xi32, #tpu.memory_space<vmem>> -> memref<1x128xi32, #tpu.memory_space<vmem>>
      %dma_wait3A_621 = tpu.memref_squeeze %dma_wait3A_620 : memref<1x128xi32, #tpu.memory_space<vmem>> -> memref<128xi32, #tpu.memory_space<vmem>>
      %dma_wait3A_622 = arith.constant 0 : i32
      %dma_wait3A_623 = arith.constant 0 : i32
      %dma_wait3A_624 = tpu.memref_slice %arg7[%dma_wait3A_622, %dma_wait3A_623] : memref<10000x16xf32, #tpu.memory_space<vmem_shared>> -> memref<10000x16xf32, #tpu.memory_space<vmem_shared>>
      tpu.wait_indirect_dma semaphore(%arg13 : memref<!tpu.dma_semaphore, #tpu.memory_space<semaphore_mem>>) src(%dma_wait3A_618 : memref<128x16xf32, #tpu.memory_space<vmem>>) dst(%dma_wait3A_624 : memref<10000x16xf32, #tpu.memory_space<vmem_shared>>)
      %dma_wait3A_625 = arith.constant 11 : i32
      %dma_wait3A_626 = arith.constant 11 : i32
      %dma_wait3A_627 = arith.constant 0 : i32
      %dma_wait3A_628 = arith.constant 0 : i32
      %dma_wait3A_629 = tpu.memref_slice %arg11[%dma_wait3A_625, %dma_wait3A_627, %dma_wait3A_628] : memref<13x128x16xf32, #tpu.memory_space<vmem>> -> memref<1x128x16xf32, #tpu.memory_space<vmem>>
      %dma_wait3A_630 = tpu.memref_squeeze %dma_wait3A_629 : memref<1x128x16xf32, #tpu.memory_space<vmem>> -> memref<128x16xf32, #tpu.memory_space<vmem>>
      %dma_wait3A_631 = arith.constant 0 : i32
      %dma_wait3A_632 = tpu.memref_slice %arg10[%dma_wait3A_626, %dma_wait3A_631] : memref<13x128xi32, #tpu.memory_space<vmem>> -> memref<1x128xi32, #tpu.memory_space<vmem>>
      %dma_wait3A_633 = tpu.memref_squeeze %dma_wait3A_632 : memref<1x128xi32, #tpu.memory_space<vmem>> -> memref<128xi32, #tpu.memory_space<vmem>>
      %dma_wait3A_634 = arith.constant 0 : i32
      %dma_wait3A_635 = arith.constant 0 : i32
      %dma_wait3A_636 = tpu.memref_slice %arg7[%dma_wait3A_634, %dma_wait3A_635] : memref<10000x16xf32, #tpu.memory_space<vmem_shared>> -> memref<10000x16xf32, #tpu.memory_space<vmem_shared>>
      tpu.wait_indirect_dma semaphore(%arg13 : memref<!tpu.dma_semaphore, #tpu.memory_space<semaphore_mem>>) src(%dma_wait3A_630 : memref<128x16xf32, #tpu.memory_space<vmem>>) dst(%dma_wait3A_636 : memref<10000x16xf32, #tpu.memory_space<vmem_shared>>)
      %dma_wait3A_637 = arith.constant 12 : i32
      %dma_wait3A_638 = arith.constant 12 : i32
      %dma_wait3A_639 = arith.constant 0 : i32
      %dma_wait3A_640 = arith.constant 0 : i32
      %dma_wait3A_641 = tpu.memref_slice %arg11[%dma_wait3A_637, %dma_wait3A_639, %dma_wait3A_640] : memref<13x128x16xf32, #tpu.memory_space<vmem>> -> memref<1x128x16xf32, #tpu.memory_space<vmem>>
      %dma_wait3A_642 = tpu.memref_squeeze %dma_wait3A_641 : memref<1x128x16xf32, #tpu.memory_space<vmem>> -> memref<128x16xf32, #tpu.memory_space<vmem>>
      %dma_wait3A_643 = arith.constant 0 : i32
      %dma_wait3A_644 = tpu.memref_slice %arg10[%dma_wait3A_638, %dma_wait3A_643] : memref<13x128xi32, #tpu.memory_space<vmem>> -> memref<1x128xi32, #tpu.memory_space<vmem>>
      %dma_wait3A_645 = tpu.memref_squeeze %dma_wait3A_644 : memref<1x128xi32, #tpu.memory_space<vmem>> -> memref<128xi32, #tpu.memory_space<vmem>>
      %dma_wait3A_646 = arith.constant 0 : i32
      %dma_wait3A_647 = arith.constant 0 : i32
      %dma_wait3A_648 = tpu.memref_slice %arg7[%dma_wait3A_646, %dma_wait3A_647] : memref<10000x16xf32, #tpu.memory_space<vmem_shared>> -> memref<10000x16xf32, #tpu.memory_space<vmem_shared>>
      tpu.wait_indirect_dma semaphore(%arg13 : memref<!tpu.dma_semaphore, #tpu.memory_space<semaphore_mem>>) src(%dma_wait3A_642 : memref<128x16xf32, #tpu.memory_space<vmem>>) dst(%dma_wait3A_648 : memref<10000x16xf32, #tpu.memory_space<vmem_shared>>)
    }
    %scan3A_13 = arith.constant 6 : i32
    %lt3A = arith.constant 4 : i32
    %lt3A_14 = arith.cmpi slt, %add3A, %lt3A : i32
    %convert_element_type3A = arith.extui %lt3A_14 : i1 to i32
    %cond3A = arith.constant 0 : i32
    %cond3A_15 = arith.cmpi ne, %convert_element_type3A, %cond3A : i32
    scf.if %cond3A_15 {
      %add3A_21 = arith.constant 2496 : i32
      %add3A_22 = arith.addi %add3A_21, %add3A : i32
      "tpu.region"() ({
        %run_scoped3A = tpu.sem_alloc : memref<!tpu.dma_semaphore, #tpu.memory_space<semaphore_mem>>
        %dma_start3A_69 = arith.constant 0 : i32
        %dma_start3A_70 = arith.constant 0 : i32
        %dma_start3A_71 = tpu.memref_slice %arg9[%dma_start3A_69, %dma_start3A_70] : memref<13x128xi32, #tpu.memory_space<vmem>> -> memref<1x128xi32, #tpu.memory_space<vmem>>
        %dma_start3A_72 = arith.constant 0 : i32
        %dma_start3A_73 = tpu.memref_slice %arg3[%add3A_22, %dma_start3A_72] : memref<2500x128xi32, #tpu.memory_space<hbm>> -> memref<1x128xi32, #tpu.memory_space<hbm>>
        %dma_start3A_74 = arith.constant 0 : i32
        %dma_start3A_75 = arith.constant 0 : i32
        %dma_start3A_76 = tpu.memref_slice %arg9[%dma_start3A_74, %dma_start3A_75] : memref<13x128xi32, #tpu.memory_space<vmem>> -> memref<1x128xi32, #tpu.memory_space<vmem>>
        %dma_start3A_77 = arith.constant 0 : i32
        %dma_start3A_78 = tpu.memref_slice %arg3[%add3A_22, %dma_start3A_77] : memref<2500x128xi32, #tpu.memory_space<hbm>> -> memref<1x128xi32, #tpu.memory_space<hbm>>
        tpu.enqueue_dma source(%dma_start3A_78 : memref<1x128xi32, #tpu.memory_space<hbm>>) target(%dma_start3A_76 : memref<1x128xi32, #tpu.memory_space<vmem>>) target_semaphore(%run_scoped3A : memref<!tpu.dma_semaphore, #tpu.memory_space<semaphore_mem>>)
        %dma_wait3A_79 = arith.constant 0 : i32
        %dma_wait3A_80 = arith.constant 0 : i32
        %dma_wait3A_81 = tpu.memref_slice %arg9[%dma_wait3A_79, %dma_wait3A_80] : memref<13x128xi32, #tpu.memory_space<vmem>> -> memref<1x128xi32, #tpu.memory_space<vmem>>
        %dma_wait3A_82 = arith.constant 0 : i32
        %dma_wait3A_83 = tpu.memref_slice %arg3[%add3A_22, %dma_wait3A_82] : memref<2500x128xi32, #tpu.memory_space<hbm>> -> memref<1x128xi32, #tpu.memory_space<hbm>>
        %dma_wait3A_84 = arith.constant 0 : i32
        %dma_wait3A_85 = arith.constant 0 : i32
        %dma_wait3A_86 = tpu.memref_slice %arg9[%dma_wait3A_84, %dma_wait3A_85] : memref<13x128xi32, #tpu.memory_space<vmem>> -> memref<1x128xi32, #tpu.memory_space<vmem>>
        %dma_wait3A_87 = arith.constant 0 : i32
        %dma_wait3A_88 = tpu.memref_slice %arg3[%add3A_22, %dma_wait3A_87] : memref<2500x128xi32, #tpu.memory_space<hbm>> -> memref<1x128xi32, #tpu.memory_space<hbm>>
        tpu.wait_dma2 semaphore(%run_scoped3A : memref<!tpu.dma_semaphore, #tpu.memory_space<semaphore_mem>>) src(%dma_wait3A_88 : memref<1x128xi32, #tpu.memory_space<hbm>>) dst(%dma_wait3A_86 : memref<1x128xi32, #tpu.memory_space<vmem>>)
        tpu.yield
      }) : () -> ()
      "tpu.region"() ({
        %run_scoped3A = tpu.sem_alloc : memref<!tpu.dma_semaphore, #tpu.memory_space<semaphore_mem>>
        %dma_start3A_69 = arith.constant 0 : i32
        %dma_start3A_70 = arith.constant 0 : i32
        %dma_start3A_71 = tpu.memref_slice %arg10[%dma_start3A_69, %dma_start3A_70] : memref<13x128xi32, #tpu.memory_space<vmem>> -> memref<1x128xi32, #tpu.memory_space<vmem>>
        %dma_start3A_72 = arith.constant 0 : i32
        %dma_start3A_73 = tpu.memref_slice %arg4[%add3A_22, %dma_start3A_72] : memref<2500x128xi32, #tpu.memory_space<hbm>> -> memref<1x128xi32, #tpu.memory_space<hbm>>
        %dma_start3A_74 = arith.constant 0 : i32
        %dma_start3A_75 = arith.constant 0 : i32
        %dma_start3A_76 = tpu.memref_slice %arg10[%dma_start3A_74, %dma_start3A_75] : memref<13x128xi32, #tpu.memory_space<vmem>> -> memref<1x128xi32, #tpu.memory_space<vmem>>
        %dma_start3A_77 = arith.constant 0 : i32
        %dma_start3A_78 = tpu.memref_slice %arg4[%add3A_22, %dma_start3A_77] : memref<2500x128xi32, #tpu.memory_space<hbm>> -> memref<1x128xi32, #tpu.memory_space<hbm>>
        tpu.enqueue_dma source(%dma_start3A_78 : memref<1x128xi32, #tpu.memory_space<hbm>>) target(%dma_start3A_76 : memref<1x128xi32, #tpu.memory_space<vmem>>) target_semaphore(%run_scoped3A : memref<!tpu.dma_semaphore, #tpu.memory_space<semaphore_mem>>)
        %dma_wait3A_79 = arith.constant 0 : i32
        %dma_wait3A_80 = arith.constant 0 : i32
        %dma_wait3A_81 = tpu.memref_slice %arg10[%dma_wait3A_79, %dma_wait3A_80] : memref<13x128xi32, #tpu.memory_space<vmem>> -> memref<1x128xi32, #tpu.memory_space<vmem>>
        %dma_wait3A_82 = arith.constant 0 : i32
        %dma_wait3A_83 = tpu.memref_slice %arg4[%add3A_22, %dma_wait3A_82] : memref<2500x128xi32, #tpu.memory_space<hbm>> -> memref<1x128xi32, #tpu.memory_space<hbm>>
        %dma_wait3A_84 = arith.constant 0 : i32
        %dma_wait3A_85 = arith.constant 0 : i32
        %dma_wait3A_86 = tpu.memref_slice %arg10[%dma_wait3A_84, %dma_wait3A_85] : memref<13x128xi32, #tpu.memory_space<vmem>> -> memref<1x128xi32, #tpu.memory_space<vmem>>
        %dma_wait3A_87 = arith.constant 0 : i32
        %dma_wait3A_88 = tpu.memref_slice %arg4[%add3A_22, %dma_wait3A_87] : memref<2500x128xi32, #tpu.memory_space<hbm>> -> memref<1x128xi32, #tpu.memory_space<hbm>>
        tpu.wait_dma2 semaphore(%run_scoped3A : memref<!tpu.dma_semaphore, #tpu.memory_space<semaphore_mem>>) src(%dma_wait3A_88 : memref<1x128xi32, #tpu.memory_space<hbm>>) dst(%dma_wait3A_86 : memref<1x128xi32, #tpu.memory_space<vmem>>)
        tpu.yield
      }) : () -> ()
      %dma_start3A = arith.constant 0 : i32
      %dma_start3A_23 = arith.constant 0 : i32
      %dma_start3A_24 = arith.constant 0 : i32
      %dma_start3A_25 = arith.constant 0 : i32
      %dma_start3A_26 = tpu.memref_slice %arg11[%dma_start3A_23, %dma_start3A_24, %dma_start3A_25] : memref<13x128x16xf32, #tpu.memory_space<vmem>> -> memref<1x128x16xf32, #tpu.memory_space<vmem>>
      %dma_start3A_27 = tpu.memref_squeeze %dma_start3A_26 : memref<1x128x16xf32, #tpu.memory_space<vmem>> -> memref<128x16xf32, #tpu.memory_space<vmem>>
      %dma_start3A_28 = arith.constant 0 : i32
      %dma_start3A_29 = tpu.memref_slice %arg9[%dma_start3A, %dma_start3A_28] : memref<13x128xi32, #tpu.memory_space<vmem>> -> memref<1x128xi32, #tpu.memory_space<vmem>>
      %dma_start3A_30 = tpu.memref_squeeze %dma_start3A_29 : memref<1x128xi32, #tpu.memory_space<vmem>> -> memref<128xi32, #tpu.memory_space<vmem>>
      %dma_start3A_31 = arith.constant 0 : i32
      %dma_start3A_32 = arith.constant 0 : i32
      %dma_start3A_33 = tpu.memref_slice %arg8[%dma_start3A_31, %dma_start3A_32] : memref<10000x16xf32, #tpu.memory_space<vmem_shared>> -> memref<10000x16xf32, #tpu.memory_space<vmem_shared>>
      tpu.enqueue_indirect_dma source(%dma_start3A_33 : memref<10000x16xf32, #tpu.memory_space<vmem_shared>>) target(%dma_start3A_27 : memref<128x16xf32, #tpu.memory_space<vmem>>) offsets(%dma_start3A_30 : memref<128xi32, #tpu.memory_space<vmem>>) semaphore(%arg12 : memref<!tpu.dma_semaphore, #tpu.memory_space<semaphore_mem>>)
      %dma_wait3A = arith.constant 0 : i32
      %dma_wait3A_34 = arith.constant 0 : i32
      %dma_wait3A_35 = arith.constant 0 : i32
      %dma_wait3A_36 = arith.constant 0 : i32
      %dma_wait3A_37 = tpu.memref_slice %arg11[%dma_wait3A_34, %dma_wait3A_35, %dma_wait3A_36] : memref<13x128x16xf32, #tpu.memory_space<vmem>> -> memref<1x128x16xf32, #tpu.memory_space<vmem>>
      %dma_wait3A_38 = tpu.memref_squeeze %dma_wait3A_37 : memref<1x128x16xf32, #tpu.memory_space<vmem>> -> memref<128x16xf32, #tpu.memory_space<vmem>>
      %dma_wait3A_39 = arith.constant 0 : i32
      %dma_wait3A_40 = tpu.memref_slice %arg9[%dma_wait3A, %dma_wait3A_39] : memref<13x128xi32, #tpu.memory_space<vmem>> -> memref<1x128xi32, #tpu.memory_space<vmem>>
      %dma_wait3A_41 = tpu.memref_squeeze %dma_wait3A_40 : memref<1x128xi32, #tpu.memory_space<vmem>> -> memref<128xi32, #tpu.memory_space<vmem>>
      %dma_wait3A_42 = arith.constant 0 : i32
      %dma_wait3A_43 = arith.constant 0 : i32
      %dma_wait3A_44 = tpu.memref_slice %arg8[%dma_wait3A_42, %dma_wait3A_43] : memref<10000x16xf32, #tpu.memory_space<vmem_shared>> -> memref<10000x16xf32, #tpu.memory_space<vmem_shared>>
      tpu.wait_indirect_dma semaphore(%arg12 : memref<!tpu.dma_semaphore, #tpu.memory_space<semaphore_mem>>) src(%dma_wait3A_44 : memref<10000x16xf32, #tpu.memory_space<vmem_shared>>) dst(%dma_wait3A_38 : memref<128x16xf32, #tpu.memory_space<vmem>>)
      %dma_start3A_45 = arith.constant 0 : i32
      %dma_start3A_46 = arith.constant 0 : i32
      %dma_start3A_47 = arith.constant 0 : i32
      %dma_start3A_48 = arith.constant 0 : i32
      %dma_start3A_49 = tpu.memref_slice %arg11[%dma_start3A_45, %dma_start3A_47, %dma_start3A_48] : memref<13x128x16xf32, #tpu.memory_space<vmem>> -> memref<1x128x16xf32, #tpu.memory_space<vmem>>
      %dma_start3A_50 = tpu.memref_squeeze %dma_start3A_49 : memref<1x128x16xf32, #tpu.memory_space<vmem>> -> memref<128x16xf32, #tpu.memory_space<vmem>>
      %dma_start3A_51 = arith.constant 0 : i32
      %dma_start3A_52 = tpu.memref_slice %arg10[%dma_start3A_46, %dma_start3A_51] : memref<13x128xi32, #tpu.memory_space<vmem>> -> memref<1x128xi32, #tpu.memory_space<vmem>>
      %dma_start3A_53 = tpu.memref_squeeze %dma_start3A_52 : memref<1x128xi32, #tpu.memory_space<vmem>> -> memref<128xi32, #tpu.memory_space<vmem>>
      %dma_start3A_54 = arith.constant 0 : i32
      %dma_start3A_55 = arith.constant 0 : i32
      %dma_start3A_56 = tpu.memref_slice %arg7[%dma_start3A_54, %dma_start3A_55] : memref<10000x16xf32, #tpu.memory_space<vmem_shared>> -> memref<10000x16xf32, #tpu.memory_space<vmem_shared>>
      tpu.enqueue_indirect_dma source(%dma_start3A_50 : memref<128x16xf32, #tpu.memory_space<vmem>>) target(%dma_start3A_56 : memref<10000x16xf32, #tpu.memory_space<vmem_shared>>) offsets(%dma_start3A_53 : memref<128xi32, #tpu.memory_space<vmem>>) semaphore(%arg13 : memref<!tpu.dma_semaphore, #tpu.memory_space<semaphore_mem>>) {add = true}
      %dma_wait3A_57 = arith.constant 0 : i32
      %dma_wait3A_58 = arith.constant 0 : i32
      %dma_wait3A_59 = arith.constant 0 : i32
      %dma_wait3A_60 = arith.constant 0 : i32
      %dma_wait3A_61 = tpu.memref_slice %arg11[%dma_wait3A_57, %dma_wait3A_59, %dma_wait3A_60] : memref<13x128x16xf32, #tpu.memory_space<vmem>> -> memref<1x128x16xf32, #tpu.memory_space<vmem>>
      %dma_wait3A_62 = tpu.memref_squeeze %dma_wait3A_61 : memref<1x128x16xf32, #tpu.memory_space<vmem>> -> memref<128x16xf32, #tpu.memory_space<vmem>>
      %dma_wait3A_63 = arith.constant 0 : i32
      %dma_wait3A_64 = tpu.memref_slice %arg10[%dma_wait3A_58, %dma_wait3A_63] : memref<13x128xi32, #tpu.memory_space<vmem>> -> memref<1x128xi32, #tpu.memory_space<vmem>>
      %dma_wait3A_65 = tpu.memref_squeeze %dma_wait3A_64 : memref<1x128xi32, #tpu.memory_space<vmem>> -> memref<128xi32, #tpu.memory_space<vmem>>
      %dma_wait3A_66 = arith.constant 0 : i32
      %dma_wait3A_67 = arith.constant 0 : i32
      %dma_wait3A_68 = tpu.memref_slice %arg7[%dma_wait3A_66, %dma_wait3A_67] : memref<10000x16xf32, #tpu.memory_space<vmem_shared>> -> memref<10000x16xf32, #tpu.memory_space<vmem_shared>>
      tpu.wait_indirect_dma semaphore(%arg13 : memref<!tpu.dma_semaphore, #tpu.memory_space<semaphore_mem>>) src(%dma_wait3A_62 : memref<128x16xf32, #tpu.memory_space<vmem>>) dst(%dma_wait3A_68 : memref<10000x16xf32, #tpu.memory_space<vmem_shared>>)
    } else {
    }
    %barrier3A_16 = arith.constant 0 : index
    tpu.barrier barrier_id(%barrier3A_16)
    %mul3A_17 = arith.constant 625 : i32
    %mul3A_18 = arith.muli %arg1, %mul3A_17 : i32
    %mul3A_19 = arith.constant 625 : i32
    %mul3A_20 = arith.muli %arg1, %mul3A_19 : i32
    "tpu.region"() ({
      %run_scoped3A = tpu.sem_alloc : memref<!tpu.dma_semaphore, #tpu.memory_space<semaphore_mem>>
      %dma_start3A = arith.constant 0 : i32
      %dma_start3A_21 = tpu.memref_slice %arg6[%arg0, %mul3A_20, %dma_start3A] : memref<2x10000x16xf32, #tpu.memory_space<hbm>> -> memref<1x625x16xf32, #tpu.memory_space<hbm>>
      %dma_start3A_22 = tpu.memref_squeeze %dma_start3A_21 : memref<1x625x16xf32, #tpu.memory_space<hbm>> -> memref<625x16xf32, #tpu.memory_space<hbm>>
      %dma_start3A_23 = arith.constant 0 : i32
      %dma_start3A_24 = tpu.memref_slice %arg7[%mul3A_18, %dma_start3A_23] : memref<10000x16xf32, #tpu.memory_space<vmem_shared>> -> memref<625x16xf32, #tpu.memory_space<vmem_shared>>
      tpu.enqueue_dma source(%dma_start3A_24 : memref<625x16xf32, #tpu.memory_space<vmem_shared>>) target(%dma_start3A_22 : memref<625x16xf32, #tpu.memory_space<hbm>>) target_semaphore(%run_scoped3A : memref<!tpu.dma_semaphore, #tpu.memory_space<semaphore_mem>>)
      %dma_wait3A = arith.constant 0 : i32
      %dma_wait3A_25 = tpu.memref_slice %arg6[%arg0, %mul3A_20, %dma_wait3A] : memref<2x10000x16xf32, #tpu.memory_space<hbm>> -> memref<1x625x16xf32, #tpu.memory_space<hbm>>
      %dma_wait3A_26 = tpu.memref_squeeze %dma_wait3A_25 : memref<1x625x16xf32, #tpu.memory_space<hbm>> -> memref<625x16xf32, #tpu.memory_space<hbm>>
      %dma_wait3A_27 = arith.constant 0 : i32
      %dma_wait3A_28 = tpu.memref_slice %arg7[%mul3A_18, %dma_wait3A_27] : memref<10000x16xf32, #tpu.memory_space<vmem_shared>> -> memref<625x16xf32, #tpu.memory_space<vmem_shared>>
      tpu.wait_dma2 semaphore(%run_scoped3A : memref<!tpu.dma_semaphore, #tpu.memory_space<semaphore_mem>>) src(%dma_wait3A_28 : memref<625x16xf32, #tpu.memory_space<vmem_shared>>) dst(%dma_wait3A_26 : memref<625x16xf32, #tpu.memory_space<hbm>>)
      tpu.yield
    }) : () -> ()
    return
  }
}

module attributes {stable_mosaic.version = 14 : i64} {
  func.func @_dis_body(%arg0: memref<32x10000xi32, #tpu.memory_space<vmem>>, %arg1: memref<1x10000xf32, #tpu.memory_space<vmem>>) attributes {dimension_semantics = [], scalar_prefetch = 0 : i64, scratch_operands = 0 : i64, tpu.core_type = #tpu.core_type<tc>} {
    %get3A = arith.constant 0 : index
    %get3A_0 = arith.constant 0 : index
    %get3A_1 = vector.load %arg0[%get3A, %get3A_0] : memref<32x10000xi32, #tpu.memory_space<vmem>>, vector<32x10000xi32>
    %reduce_sum3A = arith.constant dense<0> : vector<10000xi32>
    %reduce_sum3A_2 = vector.multi_reduction <add>, %get3A_1, %reduce_sum3A [0] : vector<32x10000xi32> to vector<10000xi32>
    %broadcast_in_dim3A = vector.shape_cast %reduce_sum3A_2 : vector<10000xi32> to vector<1x10000xi32>
    %convert_element_type3A = arith.sitofp %broadcast_in_dim3A : vector<1x10000xi32> to vector<1x10000xf32>
    %add3A = arith.constant 1.000000e+00 : f32
    %add3A_3 = vector.broadcast %add3A : f32 to vector<1x10000xf32>
    %add3A_4 = arith.addf %convert_element_type3A, %add3A_3 : vector<1x10000xf32>
    %rsqrt3A = math.rsqrt %add3A_4 : vector<1x10000xf32>
    %swap3A = arith.constant 0 : index
    %swap3A_5 = arith.constant 0 : index
    %swap3A_6 = vector.load %arg1[%swap3A, %swap3A_5] : memref<1x10000xf32, #tpu.memory_space<vmem>>, vector<1x10000xf32>
    tpu.vector_store %arg1[%swap3A, %swap3A_5], %rsqrt3A {strides = array<i32>} : memref<1x10000xf32, #tpu.memory_space<vmem>>, vector<1x10000xf32>,
    return
  }
}

module attributes {stable_mosaic.version = 14 : i64} {
  func.func @_mm1_body(%arg0: memref<1250x1024xf32, #tpu.memory_space<vmem>>, %arg1: memref<1024x128xf32, #tpu.memory_space<vmem>>, %arg2: memref<1250x8xf32, #tpu.memory_space<vmem>>, %arg3: memref<8x128xf32, #tpu.memory_space<vmem>>, %arg4: memref<1250x128xf32, #tpu.memory_space<vmem>>, %arg5: memref<1250x128xf32, #tpu.memory_space<vmem>>) attributes {dimension_semantics = [], scalar_prefetch = 0 : i64, scratch_operands = 0 : i64, tpu.core_type = #tpu.core_type<tc>} {
    %get3A = arith.constant 0 : index
    %get3A_0 = arith.constant 0 : index
    %get3A_1 = vector.load %arg2[%get3A, %get3A_0] : memref<1250x8xf32, #tpu.memory_space<vmem>>, vector<1250x8xf32>
    %get3A_2 = arith.constant 0 : index
    %get3A_3 = arith.constant 0 : index
    %get3A_4 = vector.load %arg3[%get3A_2, %get3A_3] : memref<8x128xf32, #tpu.memory_space<vmem>>, vector<8x128xf32>
    %dot_general3A = arith.constant dense<0.000000e+00> : vector<1250x128xf32>
    %dot_general3A_5 = tpu.matmul %get3A_1, %get3A_4, %dot_general3A {dimension_numbers = #tpu.dot_dimension_numbers<[1], [0], [0], [1], [0, 0, 1, 1], [], []>, precision = #tpu.contract_precision<fp32>, transpose_lhs_hint = false} : vector<1250x8xf32>, vector<8x128xf32>, vector<1250x128xf32> -> vector<1250x128xf32>
    %swap3A = arith.constant 0 : index
    %swap3A_6 = arith.constant 0 : index
    %swap3A_7 = vector.load %arg5[%swap3A, %swap3A_6] : memref<1250x128xf32, #tpu.memory_space<vmem>>, vector<1250x128xf32>
    tpu.vector_store %arg5[%swap3A, %swap3A_6], %dot_general3A_5 {strides = array<i32>} : memref<1250x128xf32, #tpu.memory_space<vmem>>, vector<1250x128xf32>,
    %get3A_8 = arith.constant 0 : index
    %get3A_9 = arith.constant 0 : index
    %get3A_10 = vector.load %arg0[%get3A_8, %get3A_9] : memref<1250x1024xf32, #tpu.memory_space<vmem>>, vector<1250x1024xf32>
    %get3A_11 = arith.constant 0 : index
    %get3A_12 = arith.constant 0 : index
    %get3A_13 = vector.load %arg1[%get3A_11, %get3A_12] : memref<1024x128xf32, #tpu.memory_space<vmem>>, vector<1024x128xf32>
    %dot_general3A_14 = arith.constant dense<0.000000e+00> : vector<1250x128xf32>
    %dot_general3A_15 = tpu.matmul %get3A_10, %get3A_13, %dot_general3A_14 {dimension_numbers = #tpu.dot_dimension_numbers<[1], [0], [0], [1], [0, 0, 1, 1], [], []>, precision = #tpu.contract_precision<fp32>, transpose_lhs_hint = false} : vector<1250x1024xf32>, vector<1024x128xf32>, vector<1250x128xf32> -> vector<1250x128xf32>
    %mul3A = arith.mulf %dot_general3A_15, %dot_general3A_5 : vector<1250x128xf32>
    %swap3A_16 = arith.constant 0 : index
    %swap3A_17 = arith.constant 0 : index
    %swap3A_18 = vector.load %arg4[%swap3A_16, %swap3A_17] : memref<1250x128xf32, #tpu.memory_space<vmem>>, vector<1250x128xf32>
    tpu.vector_store %arg4[%swap3A_16, %swap3A_17], %mul3A {strides = array<i32>} : memref<1250x128xf32, #tpu.memory_space<vmem>>, vector<1250x128xf32>,
    return
  }
}

module attributes {stable_mosaic.version = 14 : i64} {
  func.func @_act_body(%arg0: memref<2x1250x128xf32, #tpu.memory_space<vmem>>, %arg1: memref<1250x128xf32, #tpu.memory_space<vmem>>, %arg2: memref<1250x128xf32, #tpu.memory_space<vmem>>, %arg3: memref<1x128xf32, #tpu.memory_space<vmem>>, %arg4: memref<1250x128xf32, #tpu.memory_space<vmem>>) attributes {dimension_semantics = [], scalar_prefetch = 0 : i64, scratch_operands = 0 : i64, tpu.core_type = #tpu.core_type<tc>} {
    %get3A = arith.constant 0 : index
    %get3A_0 = arith.constant 0 : index
    %get3A_1 = vector.load %arg2[%get3A, %get3A_0] : memref<1250x128xf32, #tpu.memory_space<vmem>>, vector<1250x128xf32>
    %get3A_2 = arith.constant 0 : index
    %get3A_3 = arith.constant 0 : index
    %get3A_4 = arith.constant 0 : index
    %get3A_5 = vector.load %arg0[%get3A_2, %get3A_3, %get3A_4] : memref<2x1250x128xf32, #tpu.memory_space<vmem>>, vector<1x1250x128xf32>
    %get3A_6 = vector.shape_cast %get3A_5 : vector<1x1250x128xf32> to vector<1250x128xf32>
    %get3A_7 = arith.constant 1 : index
    %get3A_8 = arith.constant 0 : index
    %get3A_9 = arith.constant 0 : index
    %get3A_10 = vector.load %arg0[%get3A_7, %get3A_8, %get3A_9] : memref<2x1250x128xf32, #tpu.memory_space<vmem>>, vector<1x1250x128xf32>
    %get3A_11 = vector.shape_cast %get3A_10 : vector<1x1250x128xf32> to vector<1250x128xf32>
    %add3A = arith.addf %get3A_6, %get3A_11 : vector<1250x128xf32>
    %get3A_12 = arith.constant 0 : index
    %get3A_13 = arith.constant 0 : index
    %get3A_14 = vector.load %arg1[%get3A_12, %get3A_13] : memref<1250x128xf32, #tpu.memory_space<vmem>>, vector<1250x128xf32>
    %add3A_15 = arith.addf %add3A, %get3A_14 : vector<1250x128xf32>
    %mul3A = arith.mulf %add3A_15, %get3A_1 : vector<1250x128xf32>
    %get3A_16 = arith.constant 0 : index
    %get3A_17 = arith.constant 0 : index
    %get3A_18 = vector.load %arg3[%get3A_16, %get3A_17] : memref<1x128xf32, #tpu.memory_space<vmem>>, vector<1x128xf32>
    %add3A_19 = vector.broadcast %get3A_18 : vector<1x128xf32> to vector<1250x128xf32>
    %add3A_20 = arith.addf %mul3A, %add3A_19 : vector<1250x128xf32>
    %max3A = arith.constant 0.000000e+00 : f32
    %max3A_21 = vector.broadcast %max3A : f32 to vector<1250x128xf32>
    %max3A_22 = arith.maximumf %add3A_20, %max3A_21 : vector<1250x128xf32>
    %mul3A_23 = arith.mulf %max3A_22, %get3A_1 : vector<1250x128xf32>
    %swap3A = arith.constant 0 : index
    %swap3A_24 = arith.constant 0 : index
    %swap3A_25 = vector.load %arg4[%swap3A, %swap3A_24] : memref<1250x128xf32, #tpu.memory_space<vmem>>, vector<1250x128xf32>
    tpu.vector_store %arg4[%swap3A, %swap3A_24], %mul3A_23 {strides = array<i32>} : memref<1250x128xf32, #tpu.memory_space<vmem>>, vector<1250x128xf32>,
    return
  }
}

module attributes {stable_mosaic.version = 14 : i64} {
  func.func @_mm2_body(%arg0: memref<2x1250x128xf32, #tpu.memory_space<vmem>>, %arg1: memref<1250x128xf32, #tpu.memory_space<vmem>>, %arg2: memref<1250x128xf32, #tpu.memory_space<vmem>>, %arg3: memref<128x1024xf32, #tpu.memory_space<vmem>>, %arg4: memref<1x1024xf32, #tpu.memory_space<vmem>>, %arg5: memref<1250x1024xf32, #tpu.memory_space<vmem>>) attributes {dimension_semantics = [], scalar_prefetch = 0 : i64, scratch_operands = 0 : i64, tpu.core_type = #tpu.core_type<tc>} {
    %get3A = arith.constant 0 : index
    %get3A_0 = arith.constant 0 : index
    %get3A_1 = arith.constant 0 : index
    %get3A_2 = vector.load %arg0[%get3A, %get3A_0, %get3A_1] : memref<2x1250x128xf32, #tpu.memory_space<vmem>>, vector<1x1250x128xf32>
    %get3A_3 = vector.shape_cast %get3A_2 : vector<1x1250x128xf32> to vector<1250x128xf32>
    %get3A_4 = arith.constant 1 : index
    %get3A_5 = arith.constant 0 : index
    %get3A_6 = arith.constant 0 : index
    %get3A_7 = vector.load %arg0[%get3A_4, %get3A_5, %get3A_6] : memref<2x1250x128xf32, #tpu.memory_space<vmem>>, vector<1x1250x128xf32>
    %get3A_8 = vector.shape_cast %get3A_7 : vector<1x1250x128xf32> to vector<1250x128xf32>
    %add3A = arith.addf %get3A_3, %get3A_8 : vector<1250x128xf32>
    %get3A_9 = arith.constant 0 : index
    %get3A_10 = arith.constant 0 : index
    %get3A_11 = vector.load %arg1[%get3A_9, %get3A_10] : memref<1250x128xf32, #tpu.memory_space<vmem>>, vector<1250x128xf32>
    %add3A_12 = arith.addf %add3A, %get3A_11 : vector<1250x128xf32>
    %get3A_13 = arith.constant 0 : index
    %get3A_14 = arith.constant 0 : index
    %get3A_15 = vector.load %arg2[%get3A_13, %get3A_14] : memref<1250x128xf32, #tpu.memory_space<vmem>>, vector<1250x128xf32>
    %mul3A = arith.mulf %add3A_12, %get3A_15 : vector<1250x128xf32>
    %get3A_16 = arith.constant 0 : index
    %get3A_17 = arith.constant 0 : index
    %get3A_18 = vector.load %arg3[%get3A_16, %get3A_17] : memref<128x1024xf32, #tpu.memory_space<vmem>>, vector<128x1024xf32>
    %dot_general3A = arith.constant dense<0.000000e+00> : vector<1250x1024xf32>
    %dot_general3A_19 = tpu.matmul %mul3A, %get3A_18, %dot_general3A {dimension_numbers = #tpu.dot_dimension_numbers<[1], [0], [0], [1], [0, 0, 1, 1], [], []>, precision = #tpu.contract_precision<fp32>, transpose_lhs_hint = false} : vector<1250x128xf32>, vector<128x1024xf32>, vector<1250x1024xf32> -> vector<1250x1024xf32>
    %get3A_20 = arith.constant 0 : index
    %get3A_21 = arith.constant 0 : index
    %get3A_22 = vector.load %arg4[%get3A_20, %get3A_21] : memref<1x1024xf32, #tpu.memory_space<vmem>>, vector<1x1024xf32>
    %add3A_23 = vector.broadcast %get3A_22 : vector<1x1024xf32> to vector<1250x1024xf32>
    %add3A_24 = arith.addf %dot_general3A_19, %add3A_23 : vector<1250x1024xf32>
    %swap3A = arith.constant 0 : index
    %swap3A_25 = arith.constant 0 : index
    %swap3A_26 = vector.load %arg5[%swap3A, %swap3A_25] : memref<1250x1024xf32, #tpu.memory_space<vmem>>, vector<1250x1024xf32>
    tpu.vector_store %arg5[%swap3A, %swap3A_25], %add3A_24 {strides = array<i32>} : memref<1250x1024xf32, #tpu.memory_space<vmem>>, vector<1250x1024xf32>,
    return
  }
}

</mosaic_0001>

<sc_bundles>
// kernel: kernel.12.cloned.1.call-start
scs
__scs_entry_jumppad:
0x0: {  	(pc) =	sbr.rel $0x88, $3  }
0x1: {  	(tag) =	ssettag $0x0;
	lr =	simm.s32 $0x1  }
0x2: {  	[smem:$0x3F9B] =	sst lr;
	_ =	strace $0xD0000000  }
0x3: {  	_ = 	snop  }
0x4: {  	_ = 	snop  }
0x5: {  	_ = 	snop  }
0x6: {  	_ = 	snop  }
0x7: {  	_ = 	snop  }
__scs_overlays_trampoline_lowered:
0x8: {  	[smem:$0x3FAA] =	sst s0  }
0x9: {  	[smem:$0x3FAB] =	sst s1  }
0xa: {  	[smem:$0x3FAC] =	sst s2  }
0xb: {  	[smem:$0x3FAD] =	sst s3  }
0xc: {  	[smem:$0x3FAE] =	sst s4  }
0xd: {  	[smem:$0x3FAF] =	sst s5  }
0xe: {  	[smem:$0x3FB0] =	sst s6  }
0xf: {  	[smem:$0x3FB1] =	sst s7  }
0x10: {  	[smem:$0x3FB2] =	sst s8  }
0x11: {  	[smem:$0x3FB3] =	sst s9;
	s0 =	simm.s32 @!p0 $0x0  }
0x12: {  	s1 =	sld [smem:$0x3F99];
	s0 =	simm.s32 @p0 $0x1  }
0x13: {  	[smem:$0x3FB4] =	sst s0;
	s0 =	simm.s32 @!p1 $0x0  }
0x14: {  	s2 =	sld [smem:$0x3F98];
	s0 =	simm.s32 @p1 $0x1  }
0x15: {  	[smem:$0x3FB5] =	sst s0;
	s0 =	simm.s32 @!p2 $0x0  }
0x16: {  	s3 =	sld [smem:$0x3FDB];
	s0 =	simm.s32 @p2 $0x1  }
0x17: {  	s4 =	simm.s32 $0x1BF5;
	[smem:$0x3FB7] =	sst s0  }
0x18: {  	s0 =	sld [smem:$0x3F9A];
	_ =	swait.ge [sflag:s4], $0x0  }
0x19: {  	s7 =	sld [smem:$0x3F9B]  }
0x1a: {  	s8 =	sadd.s32 $0xFFFFE003, lr  }
0x1b: {  	s9 =	sadd.s32 $0xFFFFFEF7, lr;
	s5 =	simm.s32 $0xFFFFFFFF;
	p2 =	slt.u32 s8, $0xFFFFF086  }
0x1c: {  	p1 =	slt.u32 s9, $0xF7A;
	s5 =	simm.s32 @!p2 $0x0  }
0x1d: {  	s5 =	simm.s32 @p1 $0x1;
	p0 =	seq.s32 s7, s2  }
0x1e: {  	s7 =	smul.u32 @!p0 $0xF7A, s2;
	p2 =	seq.s32 @!p0 s5, $0x0  }
0x1f: {  	s9 =	smul.u32 $0xF7A, s1;
	s8 =	simm.s32 @!p0 $0x1BF5;
	p2 =	por !p2, p0  }
0x20: {  	[sflag:s8] =	ssyncset.s32 @!p0 $0xFFFFF086;
	s6 =	sadd.s32 @!p0 s3, s7;
	s7 =	simm.s32 @!p0 $0x108  }
0x21: {  	s3 =	sadd.s32 s3, s9;
	s6 =	sadd.s32 @!p0 $0x88, s6;
	s7 =	simm.s32 @p2 $0x1082  }
0x22: {  	[simem:s7], [sflag:s8] =	dma.local @!p0 [hbm:s6], $0xF7A  }
0x23: {  	s9 =	sor.u32 $0xD0000000, s2;
	s6 =	simm.s32 $0x108;
	_ =	swait.ge @!p0 [sflag:s8], $0x0  }
0x24: {  	s3 =	sadd.s32 $0x88, s3;
	s6 =	simm.s32 @!p1 $0x1082;
	[sflag:s4] =	ssyncset.s32 $0xFFFFF086  }
0x25: {  	[simem:s6], [sflag:s4] =	dma.local [hbm:s3], $0xF7A  }
0x26: {  	[smem:$0x3F9B] =	sst s1;
	(tag) =	ssettag s2;
	_ =	strace s9  }
0x27: {  	s1 =	sld [smem:$0x3FAB]  }
0x28: {  	s2 =	sld [smem:$0x3FAC]  }
0x29: {  	s4 =	sld [smem:$0x3FAE]  }
0x2a: {  	p0 =	seq.s32 s5, $0x0;
	s5 =	sld [smem:$0x3FAF]  }
0x2b: {  	s6 =	sld [smem:$0x3FB0]  }
0x2c: {  	s7 =	sld [smem:$0x3FB1]  }
0x2d: {  	s3 =	simm.s32 $0x108;
	s8 =	sld [smem:$0x3FB2]  }
0x2e: {  	s3 =	simm.s32 @!p0 $0x1082;
	s9 =	sld [smem:$0x3FB3]  }
0x2f: {  	lr =	sadd.s32 s0, s3;
	s0 =	sld [smem:$0x3FAA]  }
0x30: {  	s3 =	sld [smem:$0x3FAD]  }
0x31: {  	[smem:$0x3FB6] =	sst s10  }
0x32: {  	s10 =	sld [smem:$0x3FB4];
	_ =	sdelay $0x3  }
0x33: {  	p0 =	seq.s32 s10, $0x1;
	s10 =	sld [smem:$0x3FB6];
	_ =	sdelay $0x3  }
0x34: {  	[smem:$0x3FB6] =	sst s10  }
0x35: {  	s10 =	sld [smem:$0x3FB5];
	_ =	sdelay $0x3  }
0x36: {  	p1 =	seq.s32 s10, $0x1;
	s10 =	sld [smem:$0x3FB6];
	_ =	sdelay $0x3  }
0x37: {  	[smem:$0x3FB6] =	sst s10  }
0x38: {  	s10 =	sld [smem:$0x3FB7]  }
0x39: {  	_ = 	snop;
	(pc) =	sbr.ind lr, $3  }
0x3a: {  	_ = 	snop  }
0x3b: {  	_ = 	snop  }
0x3c: {  	p2 =	seq.s32 s10, $0x1;
	s10 =	sld [smem:$0x3FB6]  }
0x3d: {  	_ =	shalt  }
0x3e: {  	_ =	shalt  }
0x3f: {  	_ =	shalt  }
0x40: {  	_ =	shalt  }
0x41: {  	_ =	shalt  }
0x42: {  	_ =	shalt  }
0x43: {  	_ =	shalt  }
0x44: {  	_ =	shalt  }
0x45: {  	_ =	shalt  }
0x46: {  	_ =	shalt  }
0x47: {  	_ =	shalt  }
0x48: {  	_ =	shalt  }
0x49: {  	_ =	shalt  }
0x4a: {  	_ =	shalt  }
0x4b: {  	_ =	shalt  }
0x4c: {  	_ =	shalt  }
0x4d: {  	_ =	shalt  }
0x4e: {  	_ =	shalt  }
0x4f: {  	_ =	shalt  }
0x50: {  	_ =	shalt  }
0x51: {  	_ =	shalt  }
0x52: {  	_ =	shalt  }
0x53: {  	_ =	shalt  }
0x54: {  	_ =	shalt  }
0x55: {  	_ =	shalt  }
0x56: {  	_ =	shalt  }
0x57: {  	_ =	shalt  }
0x58: {  	_ =	shalt  }
0x59: {  	_ =	shalt  }
0x5a: {  	_ =	shalt  }
0x5b: {  	_ =	shalt  }
0x5c: {  	_ =	shalt  }
0x5d: {  	_ =	shalt  }
0x5e: {  	_ =	shalt  }
0x5f: {  	_ =	shalt  }
0x60: {  	_ =	shalt  }
0x61: {  	_ =	shalt  }
0x62: {  	_ =	shalt  }
0x63: {  	_ =	shalt  }
0x64: {  	_ =	shalt  }
0x65: {  	_ =	shalt  }
0x66: {  	_ =	shalt  }
0x67: {  	_ =	shalt  }
0x68: {  	_ =	shalt  }
0x69: {  	_ =	shalt  }
0x6a: {  	_ =	shalt  }
0x6b: {  	_ =	shalt  }
0x6c: {  	_ =	shalt  }
0x6d: {  	_ =	shalt  }
0x6e: {  	_ =	shalt  }
0x6f: {  	_ =	shalt  }
0x70: {  	_ =	shalt  }
0x71: {  	_ =	shalt  }
0x72: {  	_ =	shalt  }
0x73: {  	_ =	shalt  }
0x74: {  	_ =	shalt  }
0x75: {  	_ =	shalt  }
0x76: {  	_ =	shalt  }
0x77: {  	_ =	shalt  }
0x78: {  	_ =	shalt  }
0x79: {  	_ =	shalt  }
0x7a: {  	_ =	shalt  }
0x7b: {  	_ =	shalt  }
0x7c: {  	_ =	shalt  }
0x7d: {  	_ =	shalt  }
0x7e: {  	_ =	shalt  }
0x7f: {  	_ =	shalt  }
0x80: {  	_ =	shalt  }
0x81: {  	_ =	shalt  }
0x82: {  	_ =	shalt  }
0x83: {  	_ =	shalt  }
0x84: {  	_ =	shalt  }
0x85: {  	_ =	shalt  }
0x86: {  	_ =	shalt  }
0x87: {  	_ =	shalt  }
.Lfunc_end0:
.L_simem_size_0:
called_computation.1_lowered:
.L_overlay_start_0:
0x88: {  	s2 =	sld [smem:$0x3FD9]  }
0x89: {  	s3 =	sld [smem:$0x3FFE];
	_ =	sdelay $0x1  }
0x8a: {  	s1 =	srdreg.scid  }
0x8b: {  	s0 =	sand.u32 $0x1, s1  }
0x8c: {  	s17 =	sshll.u32 s0, $0xA;
	s2 =	sadd.s32 s3, s2  }
0x8d: {  	s2 =	sadd.s32 s2, s17  }
0x8e: {  	[smem:$0x3FC2] =	sst s2  }
0x8f: {  	_ = 	snop  }
0x90: {  	s2 =	sld [smem:$0x3FD0];
	(tm) =	ssettm $0x1  }
0x91: {  	s18 =	sld [smem:$0x3FFB];
	_ =	sdelay $0x3  }
0x92: {  	_ =	strace s18  }
0x93: {  	s3 =	sld [smem:$0x3FFC];
	_ =	sdelay $0x3  }
0x94: {  	_ =	strace s3  }
0x95: {  	s3 =	sld [smem:$0x3FFD];
	_ =	sdelay $0x3  }
0x96: {  	_ =	strace s3  }
0x97: {  	_ =	strace $0x8FFFFFFF  }
0x98: {  	s19 =	sld [smem:$0x3FDB];
	_ =	sdelay $0x1  }
0x99: {  	s4 =	simm.s32 $_scs_section_size  }
0x9a: {  	s5 =	simm.s32 $_size__tile_overlayer_lowered;
	s6 =	simm.s32 $_tile_overlayer_lowered  }
0x9b: {  	s22 =	simm.s32 $0x1BFF;
	s21 =	sshll.u32 s6, $0x1;
	s3 =	sadd.s32 s4, s19  }
0x9c: {  	s7 =	simm.s32 $0x0;
	s20 =	sshll.u32 s5, $0x1;
	s5 =	sadd.s32 s21, s3  }
0x9d: {  	[timem:s7], [sflag:s22] =	dma.local [hbm:s5], s20  }
0x9e: {  	_ =	swait.ge [sflag:s22], s20  }
0x9f: {  	s4 =	ssub.s32 $0x0, s20;
	[sflag:s22] =	ssyncset.done $0x0  }
0xa0: {  	[sflag:s22] =	ssyncadd.s32 s4;
	_ =	sdelay $0x1  }
0xa1: {  	s23 =	simm.s32 $0x1B8B  }
0xa2: {  	_ =	swait.ge [sflag:s23], $0x1  }
0xa3: {  	[sflag:s23] =	ssyncset.done $0x0  }
0xa4: {  	s25 =	simm.s32 $0x1B8E;
	s24 =	sld [smem:$0x3FFE];
	[sflag:s23] =	ssyncadd.s32 $0xFFFFFFFF  }
0xa5: {  	s26 =	simm.s32 $execute0_lowered;
	[smem:$0x3FD2] =	sst s25  }
0xa6: {  	s5 =	sshll.u32 s26, $0x1;
	_ =	strace $0x80000049;
	[dreg:$0x1] =	wrdreg $0xFFFFFFFF  }
0xa7: {  	s28 =	simm.s32 $_size_execute0_lowered;
	s3 =	sadd.s32 s3, s5;
	[dreg:$0x0] =	wrdreg $0x0  }
0xa8: {  	s5 =	sshll.u32 s28, $0x1;
	[dreg:$0x2] =	wrdreg s3  }
0xa9: {  	[dreg:$0x3] =	wrdreg s5  }
0xaa: {  	[dreg:$0x4] =	wrdreg $0xC0  }
0xab: {  	_ =	task [dreg:s7], $0x5FFFF  }
0xac: {  	[dreg:$0x1] =	wrdreg $0xFFFFFFFF  }
0xad: {  	[dreg:$0x0] =	wrdreg $0x60  }
0xae: {  	[dreg:$0x2] =	wrdreg s24  }
0xaf: {  	[dreg:$0x3] =	wrdreg s2  }
0xb0: {  	[dreg:$0x4] =	wrdreg $0x27100  }
0xb1: {  	[dreg:$0x5] =	wrdreg $0x0  }
0xb2: {  	[dreg:$0x6] =	wrdreg $0x9  }
0xb3: {  	_ =	task.clear_ibuf [dreg:s7], $0x7FFFF;
	_ =	strace $0x90000049  }
0xb4: {  	s29 =	simm.s32 $0x9;
	_ =	strace $0x8000004B  }
0xb5: {  	_ =	swait.ge [sflag:s29], $0x1  }
0xb6: {  	[sflag:s29] =	ssyncadd.s32 $0xFFFFFFFF  }
0xb7: {  	_ =	strace $0x9000004B  }
0xb8: {  	_ =	sfence  }
0xb9: {  	s30 =	sld [smem:$0x0];
	_ =	sdelay $0x2  }
0xba: {  	s31 =	sshll.u32 s1, $0xD;
	s1 =	sshrl.u32 s1, $0x2  }
0xbb: {  	s3 =	sand.u32 $0x4000, s31;
	s1 =	sadd.s32 s1, s30  }
0xbc: {  	s0 =	sor.u32 s3, s0;
	s1 =	sshll.u32 s1, $0x11  }
0xbd: {  	s0 =	sor.u32 s1, s0  }
0xbe: {  	s0 =	sadd.s32 $0x8F2B, s0  }
0xbf: {  	[sflag:s0] =	ssyncadd.remote.s32 $0x1  }
0xc0: {  	_ =	sfence.sel $0xFFFF  }
0xc1: {  	[dreg:$0x0] =	wrdreg $0xFFFFFFFF;
	(pc) =	sbr.abs _section_cstart, $3  }
0xc2: {  	[dreg:$0x1] =	wrdreg $0xFFFFFFFF  }
0xc3: {  	_ =	task.clear_ibuf [dreg:s7], $0x2FFFF;
	_ =	strace $0x9FFFFFFF  }
0xc4: {  	(tm) =	ssettm $0x7FFFFFFF  }
0xc5: {  	_ =	shalt  }
tec
execute0_lowered:
.L_overlay_start_1:
0x0: {  	(tag) =	ssettag $0x1  }
0x1: {  	s0 =	rddreg [dreg:$0x0]  }
0x2: {  	s1 =	rddreg [dreg:$0x1]  }
0x3: {  	s2 =	rddreg [dreg:$0x2]  }
0x4: {  	s3 =	rddreg [dreg:$0x3]  }
0x5: {  	s14 =	stileid.u32;
	s5 =	srdreg.scid  }
0x6: {  	s4 =	simm.s32 $0x0;
	s20 =	simm.s32 $0x4EA0;
	s21 =	simm.s32 $0x4F20  }
0x7: {  	s22 =	simm.s32 $0x4FA0;
	s23 =	simm.s32 $0x5020;
	s24 =	simm.s32 $0x50A0  }
0x8: {  	s25 =	simm.s32 $0x5120;
	s28 =	simm.s32 $0xA320;
	s29 =	simm.s32 $0xAB20  }
0x9: {  	s30 =	simm.s32 $0xB320;
	s31 =	simm.s32 $0xBB20;
	s6 =	smul.u32 $0x2710, s14  }
0xa: {  	s5 =	sand.u32 $0x1, s5;
	[smem:$0x7FF] =	sst s4;
	s8 =	sadd.s32 $0x1800, s0  }
0xb: {  	s26 =	smul.u32 $0x9C0, s14;
	_ =	strace $0x8000004A;
	[dreg:$0x7] =	wrdreg s20  }
0xc: {  	s12 =	sshll.u32 s14, $0x6;
	s19 =	sshll.u32 s14, $0x5;
	[dreg:$0x8] =	wrdreg s21  }
0xd: {  	p0 =	sgt.u32 s14, $0x1;
	s7 =	smul.u32 $0x27100, s5;
	[dreg:$0x9] =	wrdreg s22  }
0xe: {  	s10 =	ssub.s32 $0x2, s5;
	s13 =	smul.u32 $0x4E0, s5;
	[dreg:$0xa] =	wrdreg s23  }
0xf: {  	s16 =	sor.u32 $0x1C03, s12;
	s5 =	sshll.u32 s5, $0x4;
	[dreg:$0xb] =	wrdreg s24  }
0x10: {  	[dreg:$0xc] =	wrdreg s25;
	s20 =	simm.s32 $0x5520;
	s21 =	simm.s32 $0x55A0  }
0x11: {  	s22 =	simm.s32 $0x5620;
	s23 =	simm.s32 $0x56A0;
	[dreg:$0x13] =	wrdreg s20  }
0x12: {  	s24 =	simm.s32 $0x5720;
	s25 =	simm.s32 $0x57A0;
	[dreg:$0x14] =	wrdreg s21  }
0x13: {  	s9 =	sshrl.u32 s6, $0x3;
	s11 =	sshrl.u32 s10, $0x1;
	[dreg:$0x15] =	wrdreg s22  }
0x14: {  	s17 =	sadd.s32 s26, s8;
	s5 =	sor.u32 s5, s19;
	[dreg:$0x16] =	wrdreg s23  }
0x15: {  	s19 =	simm.s32 $0x5420;
	s20 =	simm.s32 $0x6B20;
	[dreg:$0x17] =	wrdreg s24  }
0x16: {  	s21 =	simm.s32 $0x7320;
	s22 =	simm.s32 $0x7B20;
	[dreg:$0x18] =	wrdreg s25  }
0x17: {  	s23 =	simm.s32 $0x8320;
	s24 =	simm.s32 $0x8B20;
	s25 =	simm.s32 $0x9320  }
0x18: {  	s7 =	sadd.s32 s6, s7;
	s9 =	sadd.s32 s9, s0;
	s12 =	sadd.s32 s13, s17  }
0x19: {  	s5 =	sor.u32 $0x9C00, s5;
	[dreg:$0x12] =	wrdreg s19;
	s7 =	sshrl.u32 s7, $0x3  }
0x1a: {  	s15 =	sadd.s32 $0xB600, s9;
	s9 =	sadd.s32 $0x10600, s9;
	[dreg:$0x5] =	wrdreg s12  }
0x1b: {  	s0 =	sadd.s32 s7, s0;
	s7 =	ssub.s32 s10, s11;
	[dreg:$0x1a] =	wrdreg s15  }
0x1c: {  	s10 =	sadd.s32 s26, s1;
	[dreg:$0x1c] =	wrdreg s9;
	s1 =	sadd.s32 s1, s5  }
0x1d: {  	s17 =	simm.s32 $0x80;
	s5 =	sadd.s32 s8, s5;
	[dreg:$0x1d] =	wrdreg s1  }
0x1e: {  	s19 =	simm.s32 $0x6320;
	s26 =	simm.s32 $0x51A0;
	[dreg:$0x1e] =	wrdreg s5  }
0x1f: {  	s11 =	sadd.s32 s6, s2;
	s9 =	simm.s32 $0x52A0;
	[dreg:$0xd] =	wrdreg s26  }
0x20: {  	s6 =	sadd.s32 s6, s3;
	s18 =	sadd.s32 s13, s10;
	[dreg:$0xf] =	wrdreg s9  }
0x21: {  	s15 =	simm.s32 $0x4E20;
	s0 =	sadd.s32 $0x15600, s0;
	[dreg:$0x6] =	wrdreg s18  }
0x22: {  	s5 =	smax.u32 s7, $0x1;
	s7 =	simm.s32 $0x5220;
	[dreg:$0x1f] =	wrdreg s0  }
0x23: {  	s8 =	sshrl.u32 s11, $0x3;
	s11 =	smov.u32 s16;
	[smem:$0x7FB] =	sst s5  }
0x24: {  	s13 =	simm.s32 $0x3;
	s10 =	simm.s32 $0x5320;
	[smem:$0x7FC] =	sst s8  }
0x25: {  	s12 =	sshrl.u32 s6, $0x3;
	s16 =	simm.s32 $0x54A0;
	[dreg:$0xe] =	wrdreg s7  }
0x26: {  	s26 =	simm.s32 $0x5820;
	s1 =	simm.s32 $0x58A0;
	[dreg:$0x10] =	wrdreg s10  }
0x27: {  	s9 =	simm.s32 $0x5AA0;
	s18 =	simm.s32 $0x53A0;
	[dreg:$0x19] =	wrdreg s26  }
0x28: {  	s14 =	smov.u32 s12;
	s26 =	simm.s32 $0x9B20;
	s0 =	simm.s32 $0x1  }
0x29: {  	s5 =	simm.s32 $0x5920;
	s7 =	simm.s32 $0x59A0;
	[dreg:$0x1b] =	wrdreg s11  }
0x2a: {  	s8 =	simm.s32 $0x5A20;
	s10 =	simm.s32 $0x2;
	[dreg:$0x11] =	wrdreg s18  }
0x2b: {  	s12 =	simm.s32 $0x0;
	s18 =	simm.s32 $0x5B20;
	[smem:$0x7FD] =	sst s14  }
.LBB2_1:
0x2c: {  	[smem:$0x7FA] =	sst s12  }
0x2d: {  	s12 =	sld [smem:$0x7FC];
	_ =	sdelay $0x1  }
0x2e: {  	s6 =	rddreg [dreg:$0x1a]  }
0x2f: {  	[spmem:s12], [sflag:s11] =	dma.local [hbm:s6], $0x4E2  }
0x30: {  	_ =	swait.ge [sflag:s13], $0x4E2  }
0x31: {  	[sflag:s13] =	ssyncset.done $0x0  }
0x32: {  	s12 =	rddreg [dreg:$0x1c];
	[sflag:s13] =	ssyncadd.s32 $0xFFFFFB1E  }
0x33: {  	[spmem:s14], [sflag:s11] =	dma.local [hbm:s12], $0x4E2  }
0x34: {  	_ =	swait.ge [sflag:s13], $0x4E2  }
0x35: {  	[sflag:s13] =	ssyncset.done $0x0  }
0x36: {  	[sflag:s13] =	ssyncadd.s32 $0xFFFFFB1E  }
0x37: {  	[bflag:$0x0] =	sbarrier.arrive $0xFFFF  }
0x38: {  	s11 =	rddreg [dreg:$0x6]  }
0x39: {  	s6 =	sadd.s32 $0x0, s11  }
0x3a: {  	[tilespmem:s15], [sflag:$0x3] =	stream.linear.gather [hbm4b:s6+s4], $0x680, $0x38;
	[tilespmem:$0xC320] =	vst v63  }
0x3b: {  	_ =	swait.ge [sflag:s13], $0x680  }
0x3c: {  	s12 =	rddreg [dreg:$0x5];
	[sflag:s13] =	ssyncset.done $0x0  }
0x3d: {  	[sflag:s13] =	ssyncadd.s32 $0xFFFFF980;
	s6 =	sadd.s32 $0x0, s12  }
0x3e: {  	[tilespmem:s16], [sflag:$0x3] =	stream.linear.gather [hbm4b:s6+s4], $0x680, $0x38;
	[tilespmem:$0xC320] =	vst v63  }
0x3f: {  	_ =	swait.ge [sflag:s13], $0x680  }
0x40: {  	[sflag:s13] =	ssyncset.done $0x0  }
0x41: {  	[sflag:s13] =	ssyncadd.s32 $0xFFFFF980  }
0x42: {  	[tilespmem:s18], [sflag:$0x1] =	stream.indirect.gather [spmem:s2], $0x10, s15, s17, $0xb8;
	[tilespmem:$0xC320] =	vst v63  }
0x43: {  	s14 =	rddreg [dreg:$0x7]  }
0x44: {  	[tilespmem:s19], [sflag:$0x1] =	stream.indirect.gather [spmem:s2], $0x10, s14, s17, $0xb8;
	[tilespmem:$0xC320] =	vst v63  }
0x45: {  	s11 =	rddreg [dreg:$0x8]  }
0x46: {  	[tilespmem:s20], [sflag:$0x1] =	stream.indirect.gather [spmem:s2], $0x10, s11, s17, $0xb8;
	[tilespmem:$0xC320] =	vst v63  }
0x47: {  	s14 =	rddreg [dreg:$0x9]  }
0x48: {  	[tilespmem:s21], [sflag:$0x1] =	stream.indirect.gather [spmem:s2], $0x10, s14, s17, $0xb8;
	[tilespmem:$0xC320] =	vst v63  }
0x49: {  	s11 =	rddreg [dreg:$0xa]  }
0x4a: {  	[tilespmem:s22], [sflag:$0x1] =	stream.indirect.gather [spmem:s2], $0x10, s11, s17, $0xb8;
	[tilespmem:$0xC320] =	vst v63  }
0x4b: {  	s14 =	rddreg [dreg:$0xb]  }
0x4c: {  	[tilespmem:s23], [sflag:$0x1] =	stream.indirect.gather [spmem:s2], $0x10, s14, s17, $0xb8;
	[tilespmem:$0xC320] =	vst v63  }
0x4d: {  	s11 =	rddreg [dreg:$0xc]  }
0x4e: {  	[tilespmem:s24], [sflag:$0x1] =	stream.indirect.gather [spmem:s2], $0x10, s11, s17, $0xb8;
	[tilespmem:$0xC320] =	vst v63  }
0x4f: {  	s14 =	rddreg [dreg:$0xd]  }
0x50: {  	[tilespmem:s25], [sflag:$0x1] =	stream.indirect.gather [spmem:s2], $0x10, s14, s17, $0xb8;
	[tilespmem:$0xC320] =	vst v63  }
0x51: {  	s11 =	rddreg [dreg:$0xe]  }
0x52: {  	[tilespmem:s26], [sflag:$0x1] =	stream.indirect.gather [spmem:s2], $0x10, s11, s17, $0xb8;
	[tilespmem:$0xC320] =	vst v63  }
0x53: {  	s14 =	rddreg [dreg:$0xf]  }
0x54: {  	[tilespmem:s28], [sflag:$0x1] =	stream.indirect.gather [spmem:s2], $0x10, s14, s17, $0xb8;
	[tilespmem:$0xC320] =	vst v63  }
0x55: {  	s11 =	rddreg [dreg:$0x10]  }
0x56: {  	[tilespmem:s29], [sflag:$0x1] =	stream.indirect.gather [spmem:s2], $0x10, s11, s17, $0xb8;
	[tilespmem:$0xC320] =	vst v63  }
0x57: {  	s14 =	rddreg [dreg:$0x11]  }
0x58: {  	[tilespmem:s30], [sflag:$0x1] =	stream.indirect.gather [spmem:s2], $0x10, s14, s17, $0xb8;
	[tilespmem:$0xC320] =	vst v63  }
0x59: {  	s11 =	rddreg [dreg:$0x12]  }
0x5a: {  	[tilespmem:s31], [sflag:$0x1] =	stream.indirect.gather [spmem:s2], $0x10, s11, s17, $0xb8;
	[tilespmem:$0xC320] =	vst v63  }
0x5b: {  	_ =	swait.ge [sflag:s0], $0x800  }
0x5c: {  	[sflag:s0] =	ssyncset.done $0x0  }
0x5d: {  	[sflag:s0] =	ssyncadd.s32 $0xFFFFF800  }
0x5e: {  	_ =	swait.ge [sflag:s0], $0x800  }
0x5f: {  	[sflag:s0] =	ssyncset.done $0x0  }
0x60: {  	[sflag:s0] =	ssyncadd.s32 $0xFFFFF800  }
0x61: {  	_ =	swait.ge [sflag:s0], $0x800  }
0x62: {  	[sflag:s0] =	ssyncset.done $0x0  }
0x63: {  	[sflag:s0] =	ssyncadd.s32 $0xFFFFF800  }
0x64: {  	_ =	swait.ge [sflag:s0], $0x800  }
0x65: {  	[sflag:s0] =	ssyncset.done $0x0  }
0x66: {  	[sflag:s0] =	ssyncadd.s32 $0xFFFFF800  }
0x67: {  	_ =	swait.ge [sflag:s0], $0x800  }
0x68: {  	[sflag:s0] =	ssyncset.done $0x0  }
0x69: {  	[sflag:s0] =	ssyncadd.s32 $0xFFFFF800  }
0x6a: {  	_ =	swait.ge [sflag:s0], $0x800  }
0x6b: {  	[sflag:s0] =	ssyncset.done $0x0  }
0x6c: {  	[sflag:s0] =	ssyncadd.s32 $0xFFFFF800  }
0x6d: {  	_ =	swait.ge [sflag:s0], $0x800  }
0x6e: {  	[sflag:s0] =	ssyncset.done $0x0  }
0x6f: {  	[sflag:s0] =	ssyncadd.s32 $0xFFFFF800  }
0x70: {  	_ =	swait.ge [sflag:s0], $0x800  }
0x71: {  	[sflag:s0] =	ssyncset.done $0x0  }
0x72: {  	[sflag:s0] =	ssyncadd.s32 $0xFFFFF800  }
0x73: {  	_ =	swait.ge [sflag:s0], $0x800  }
0x74: {  	[sflag:s0] =	ssyncset.done $0x0  }
0x75: {  	[sflag:s0] =	ssyncadd.s32 $0xFFFFF800  }
0x76: {  	_ =	swait.ge [sflag:s0], $0x800  }
0x77: {  	[sflag:s0] =	ssyncset.done $0x0  }
0x78: {  	[sflag:s0] =	ssyncadd.s32 $0xFFFFF800  }
0x79: {  	_ =	swait.ge [sflag:s0], $0x800  }
0x7a: {  	[sflag:s0] =	ssyncset.done $0x0  }
0x7b: {  	[sflag:s0] =	ssyncadd.s32 $0xFFFFF800  }
0x7c: {  	_ =	swait.ge [sflag:s0], $0x800  }
0x7d: {  	[sflag:s0] =	ssyncset.done $0x0  }
0x7e: {  	[sflag:s0] =	ssyncadd.s32 $0xFFFFF800  }
0x7f: {  	_ =	swait.ge [sflag:s0], $0x800  }
0x80: {  	[sflag:s0] =	ssyncset.done $0x0  }
0x81: {  	[sflag:s0] =	ssyncadd.s32 $0xFFFFF800  }
0x82: {  	[spmem:s3] =	stream.indirect.scatter.add.f32 [tilespmem:s18], [sflag:$0x2], $0x10, s16, s17, $0xb8;
	[tilespmem:$0xC320] =	vst v63  }
0x83: {  	s14 =	rddreg [dreg:$0x13]  }
0x84: {  	[spmem:s3] =	stream.indirect.scatter.add.f32 [tilespmem:s19], [sflag:$0x2], $0x10, s14, s17, $0xb8;
	[tilespmem:$0xC320] =	vst v63  }
0x85: {  	s11 =	rddreg [dreg:$0x14]  }
0x86: {  	[spmem:s3] =	stream.indirect.scatter.add.f32 [tilespmem:s20], [sflag:$0x2], $0x10, s11, s17, $0xb8;
	[tilespmem:$0xC320] =	vst v63  }
0x87: {  	s14 =	rddreg [dreg:$0x15]  }
0x88: {  	[spmem:s3] =	stream.indirect.scatter.add.f32 [tilespmem:s21], [sflag:$0x2], $0x10, s14, s17, $0xb8;
	[tilespmem:$0xC320] =	vst v63  }
0x89: {  	s11 =	rddreg [dreg:$0x16]  }
0x8a: {  	[spmem:s3] =	stream.indirect.scatter.add.f32 [tilespmem:s22], [sflag:$0x2], $0x10, s11, s17, $0xb8;
	[tilespmem:$0xC320] =	vst v63  }
0x8b: {  	s14 =	rddreg [dreg:$0x17]  }
0x8c: {  	[spmem:s3] =	stream.indirect.scatter.add.f32 [tilespmem:s23], [sflag:$0x2], $0x10, s14, s17, $0xb8;
	[tilespmem:$0xC320] =	vst v63  }
0x8d: {  	s11 =	rddreg [dreg:$0x18]  }
0x8e: {  	[spmem:s3] =	stream.indirect.scatter.add.f32 [tilespmem:s24], [sflag:$0x2], $0x10, s11, s17, $0xb8;
	[tilespmem:$0xC320] =	vst v63  }
0x8f: {  	s14 =	rddreg [dreg:$0x19]  }
0x90: {  	[spmem:s3] =	stream.indirect.scatter.add.f32 [tilespmem:s25], [sflag:$0x2], $0x10, s14, s17, $0xb8;
	[tilespmem:$0xC320] =	vst v63  }
0x91: {  	_ = 	snop  }
0x92: {  	[spmem:s3] =	stream.indirect.scatter.add.f32 [tilespmem:s26], [sflag:$0x2], $0x10, s1, s17, $0xb8;
	[tilespmem:$0xC320] =	vst v63  }
0x93: {  	_ = 	snop  }
0x94: {  	[spmem:s3] =	stream.indirect.scatter.add.f32 [tilespmem:s28], [sflag:$0x2], $0x10, s5, s17, $0xb8;
	[tilespmem:$0xC320] =	vst v63  }
0x95: {  	_ = 	snop  }
0x96: {  	[spmem:s3] =	stream.indirect.scatter.add.f32 [tilespmem:s29], [sflag:$0x2], $0x10, s7, s17, $0xb8;
	[tilespmem:$0xC320] =	vst v63  }
0x97: {  	_ = 	snop  }
0x98: {  	[spmem:s3] =	stream.indirect.scatter.add.f32 [tilespmem:s30], [sflag:$0x2], $0x10, s8, s17, $0xb8;
	[tilespmem:$0xC320] =	vst v63  }
0x99: {  	_ = 	snop  }
0x9a: {  	[spmem:s3] =	stream.indirect.scatter.add.f32 [tilespmem:s31], [sflag:$0x2], $0x10, s9, s17, $0xb8;
	[tilespmem:$0xC320] =	vst v63  }
0x9b: {  	_ =	swait.ge [sflag:s10], $0x800  }
0x9c: {  	[sflag:s10] =	ssyncset.done $0x0  }
0x9d: {  	[sflag:s10] =	ssyncadd.s32 $0xFFFFF800  }
0x9e: {  	_ =	swait.ge [sflag:s10], $0x800  }
0x9f: {  	[sflag:s10] =	ssyncset.done $0x0  }
0xa0: {  	[sflag:s10] =	ssyncadd.s32 $0xFFFFF800  }
0xa1: {  	_ =	swait.ge [sflag:s10], $0x800  }
0xa2: {  	[sflag:s10] =	ssyncset.done $0x0  }
0xa3: {  	[sflag:s10] =	ssyncadd.s32 $0xFFFFF800  }
0xa4: {  	_ =	swait.ge [sflag:s10], $0x800  }
0xa5: {  	[sflag:s10] =	ssyncset.done $0x0  }
0xa6: {  	[sflag:s10] =	ssyncadd.s32 $0xFFFFF800  }
0xa7: {  	_ =	swait.ge [sflag:s10], $0x800  }
0xa8: {  	[sflag:s10] =	ssyncset.done $0x0  }
0xa9: {  	[sflag:s10] =	ssyncadd.s32 $0xFFFFF800  }
0xaa: {  	_ =	swait.ge [sflag:s10], $0x800  }
0xab: {  	[sflag:s10] =	ssyncset.done $0x0  }
0xac: {  	[sflag:s10] =	ssyncadd.s32 $0xFFFFF800  }
0xad: {  	_ =	swait.ge [sflag:s10], $0x800  }
0xae: {  	[sflag:s10] =	ssyncset.done $0x0  }
0xaf: {  	[sflag:s10] =	ssyncadd.s32 $0xFFFFF800  }
0xb0: {  	_ =	swait.ge [sflag:s10], $0x800  }
0xb1: {  	[sflag:s10] =	ssyncset.done $0x0  }
0xb2: {  	[sflag:s10] =	ssyncadd.s32 $0xFFFFF800  }
0xb3: {  	_ =	swait.ge [sflag:s10], $0x800  }
0xb4: {  	[sflag:s10] =	ssyncset.done $0x0  }
0xb5: {  	[sflag:s10] =	ssyncadd.s32 $0xFFFFF800  }
0xb6: {  	_ =	swait.ge [sflag:s10], $0x800  }
0xb7: {  	[sflag:s10] =	ssyncset.done $0x0  }
0xb8: {  	[sflag:s10] =	ssyncadd.s32 $0xFFFFF800  }
0xb9: {  	_ =	swait.ge [sflag:s10], $0x800  }
0xba: {  	[sflag:s10] =	ssyncset.done $0x0  }
0xbb: {  	[sflag:s10] =	ssyncadd.s32 $0xFFFFF800  }
0xbc: {  	_ =	swait.ge [sflag:s10], $0x800  }
0xbd: {  	[sflag:s10] =	ssyncset.done $0x0  }
0xbe: {  	[sflag:s10] =	ssyncadd.s32 $0xFFFFF800  }
0xbf: {  	s12 =	simm.s32 $0xD0;
	_ =	swait.ge [sflag:s10], $0x800  }
0xc0: {  	s14 =	simm.s32 $0x1A0;
	s6 =	rddreg [dreg:$0x6];
	[sflag:s10] =	ssyncset.done $0x0  }
.LBB2_2:
0xc1: {  	[sflag:s10] =	ssyncadd.s32 $0xFFFFF800;
	s6 =	sadd.s32 s12, s6  }
0xc2: {  	[tilespmem:s15], [sflag:$0x3] =	stream.linear.gather [hbm4b:s6+s4], $0x680, $0x38;
	[tilespmem:$0xC320] =	vst v63  }
0xc3: {  	_ =	swait.ge [sflag:s13], $0x680  }
0xc4: {  	s6 =	rddreg [dreg:$0x5];
	[sflag:s13] =	ssyncset.done $0x0  }
0xc5: {  	[sflag:s13] =	ssyncadd.s32 $0xFFFFF980;
	s6 =	sadd.s32 s12, s6  }
0xc6: {  	[tilespmem:s16], [sflag:$0x3] =	stream.linear.gather [hbm4b:s6+s4], $0x680, $0x38;
	[tilespmem:$0xC320] =	vst v63  }
0xc7: {  	_ =	swait.ge [sflag:s13], $0x680  }
0xc8: {  	[sflag:s13] =	ssyncset.done $0x0  }
0xc9: {  	[sflag:s13] =	ssyncadd.s32 $0xFFFFF980  }
0xca: {  	[tilespmem:s18], [sflag:$0x1] =	stream.indirect.gather [spmem:s2], $0x10, s15, s17, $0xb8;
	[tilespmem:$0xC320] =	vst v63  }
0xcb: {  	s11 =	smov.u32 s14;
	s6 =	rddreg [dreg:$0x7]  }
0xcc: {  	[tilespmem:s19], [sflag:$0x1] =	stream.indirect.gather [spmem:s2], $0x10, s6, s17, $0xb8;
	[tilespmem:$0xC320] =	vst v63  }
0xcd: {  	s12 =	smov.u32 s11;
	s11 =	rddreg [dreg:$0x8]  }
0xce: {  	[tilespmem:s20], [sflag:$0x1] =	stream.indirect.gather [spmem:s2], $0x10, s11, s17, $0xb8;
	[tilespmem:$0xC320] =	vst v63  }
0xcf: {  	s6 =	rddreg [dreg:$0x9]  }
0xd0: {  	[tilespmem:s21], [sflag:$0x1] =	stream.indirect.gather [spmem:s2], $0x10, s6, s17, $0xb8;
	[tilespmem:$0xC320] =	vst v63  }
0xd1: {  	s11 =	rddreg [dreg:$0xa]  }
0xd2: {  	[tilespmem:s22], [sflag:$0x1] =	stream.indirect.gather [spmem:s2], $0x10, s11, s17, $0xb8;
	[tilespmem:$0xC320] =	vst v63  }
0xd3: {  	s6 =	rddreg [dreg:$0xb]  }
0xd4: {  	[tilespmem:s23], [sflag:$0x1] =	stream.indirect.gather [spmem:s2], $0x10, s6, s17, $0xb8;
	[tilespmem:$0xC320] =	vst v63  }
0xd5: {  	s11 =	rddreg [dreg:$0xc]  }
0xd6: {  	[tilespmem:s24], [sflag:$0x1] =	stream.indirect.gather [spmem:s2], $0x10, s11, s17, $0xb8;
	[tilespmem:$0xC320] =	vst v63  }
0xd7: {  	s6 =	rddreg [dreg:$0xd]  }
0xd8: {  	[tilespmem:s25], [sflag:$0x1] =	stream.indirect.gather [spmem:s2], $0x10, s6, s17, $0xb8;
	[tilespmem:$0xC320] =	vst v63  }
0xd9: {  	s11 =	rddreg [dreg:$0xe]  }
0xda: {  	[tilespmem:s26], [sflag:$0x1] =	stream.indirect.gather [spmem:s2], $0x10, s11, s17, $0xb8;
	[tilespmem:$0xC320] =	vst v63  }
0xdb: {  	s6 =	rddreg [dreg:$0xf]  }
0xdc: {  	[tilespmem:s28], [sflag:$0x1] =	stream.indirect.gather [spmem:s2], $0x10, s6, s17, $0xb8;
	[tilespmem:$0xC320] =	vst v63  }
0xdd: {  	s11 =	rddreg [dreg:$0x10]  }
0xde: {  	[tilespmem:s29], [sflag:$0x1] =	stream.indirect.gather [spmem:s2], $0x10, s11, s17, $0xb8;
	[tilespmem:$0xC320] =	vst v63  }
0xdf: {  	s6 =	rddreg [dreg:$0x11]  }
0xe0: {  	[tilespmem:s30], [sflag:$0x1] =	stream.indirect.gather [spmem:s2], $0x10, s6, s17, $0xb8;
	[tilespmem:$0xC320] =	vst v63  }
0xe1: {  	s11 =	rddreg [dreg:$0x12]  }
0xe2: {  	[tilespmem:s31], [sflag:$0x1] =	stream.indirect.gather [spmem:s2], $0x10, s11, s17, $0xb8;
	[tilespmem:$0xC320] =	vst v63  }
0xe3: {  	_ =	swait.ge [sflag:s0], $0x800  }
0xe4: {  	[sflag:s0] =	ssyncset.done $0x0  }
0xe5: {  	[sflag:s0] =	ssyncadd.s32 $0xFFFFF800  }
0xe6: {  	_ =	swait.ge [sflag:s0], $0x800  }
0xe7: {  	[sflag:s0] =	ssyncset.done $0x0  }
0xe8: {  	[sflag:s0] =	ssyncadd.s32 $0xFFFFF800  }
0xe9: {  	_ =	swait.ge [sflag:s0], $0x800  }
0xea: {  	[sflag:s0] =	ssyncset.done $0x0  }
0xeb: {  	[sflag:s0] =	ssyncadd.s32 $0xFFFFF800  }
0xec: {  	_ =	swait.ge [sflag:s0], $0x800  }
0xed: {  	[sflag:s0] =	ssyncset.done $0x0  }
0xee: {  	[sflag:s0] =	ssyncadd.s32 $0xFFFFF800  }
0xef: {  	_ =	swait.ge [sflag:s0], $0x800  }
0xf0: {  	[sflag:s0] =	ssyncset.done $0x0  }
0xf1: {  	[sflag:s0] =	ssyncadd.s32 $0xFFFFF800  }
0xf2: {  	_ =	swait.ge [sflag:s0], $0x800  }
0xf3: {  	[sflag:s0] =	ssyncset.done $0x0  }
0xf4: {  	[sflag:s0] =	ssyncadd.s32 $0xFFFFF800  }
0xf5: {  	_ =	swait.ge [sflag:s0], $0x800  }
0xf6: {  	[sflag:s0] =	ssyncset.done $0x0  }
0xf7: {  	[sflag:s0] =	ssyncadd.s32 $0xFFFFF800  }
0xf8: {  	_ =	swait.ge [sflag:s0], $0x800  }
0xf9: {  	[sflag:s0] =	ssyncset.done $0x0  }
0xfa: {  	[sflag:s0] =	ssyncadd.s32 $0xFFFFF800  }
0xfb: {  	_ =	swait.ge [sflag:s0], $0x800  }
0xfc: {  	[sflag:s0] =	ssyncset.done $0x0  }
0xfd: {  	[sflag:s0] =	ssyncadd.s32 $0xFFFFF800  }
0xfe: {  	_ =	swait.ge [sflag:s0], $0x800  }
0xff: {  	[sflag:s0] =	ssyncset.done $0x0  }
0x100: {  	[sflag:s0] =	ssyncadd.s32 $0xFFFFF800  }
0x101: {  	_ =	swait.ge [sflag:s0], $0x800  }
0x102: {  	[sflag:s0] =	ssyncset.done $0x0  }
0x103: {  	[sflag:s0] =	ssyncadd.s32 $0xFFFFF800  }
0x104: {  	_ =	swait.ge [sflag:s0], $0x800  }
0x105: {  	[sflag:s0] =	ssyncset.done $0x0  }
0x106: {  	[sflag:s0] =	ssyncadd.s32 $0xFFFFF800  }
0x107: {  	_ =	swait.ge [sflag:s0], $0x800  }
0x108: {  	[sflag:s0] =	ssyncset.done $0x0  }
0x109: {  	[sflag:s0] =	ssyncadd.s32 $0xFFFFF800  }
0x10a: {  	[spmem:s3] =	stream.indirect.scatter.add.f32 [tilespmem:s18], [sflag:$0x2], $0x10, s16, s17, $0xb8;
	[tilespmem:$0xC320] =	vst v63  }
0x10b: {  	s6 =	rddreg [dreg:$0x13]  }
0x10c: {  	[spmem:s3] =	stream.indirect.scatter.add.f32 [tilespmem:s19], [sflag:$0x2], $0x10, s6, s17, $0xb8;
	[tilespmem:$0xC320] =	vst v63  }
0x10d: {  	s11 =	rddreg [dreg:$0x14]  }
0x10e: {  	[spmem:s3] =	stream.indirect.scatter.add.f32 [tilespmem:s20], [sflag:$0x2], $0x10, s11, s17, $0xb8;
	[tilespmem:$0xC320] =	vst v63  }
0x10f: {  	s6 =	rddreg [dreg:$0x15]  }
0x110: {  	[spmem:s3] =	stream.indirect.scatter.add.f32 [tilespmem:s21], [sflag:$0x2], $0x10, s6, s17, $0xb8;
	[tilespmem:$0xC320] =	vst v63  }
0x111: {  	s11 =	rddreg [dreg:$0x16]  }
0x112: {  	[spmem:s3] =	stream.indirect.scatter.add.f32 [tilespmem:s22], [sflag:$0x2], $0x10, s11, s17, $0xb8;
	[tilespmem:$0xC320] =	vst v63  }
0x113: {  	s6 =	rddreg [dreg:$0x17]  }
0x114: {  	[spmem:s3] =	stream.indirect.scatter.add.f32 [tilespmem:s23], [sflag:$0x2], $0x10, s6, s17, $0xb8;
	[tilespmem:$0xC320] =	vst v63  }
0x115: {  	s11 =	rddreg [dreg:$0x18]  }
0x116: {  	[spmem:s3] =	stream.indirect.scatter.add.f32 [tilespmem:s24], [sflag:$0x2], $0x10, s11, s17, $0xb8;
	[tilespmem:$0xC320] =	vst v63  }
0x117: {  	s6 =	rddreg [dreg:$0x19]  }
0x118: {  	[spmem:s3] =	stream.indirect.scatter.add.f32 [tilespmem:s25], [sflag:$0x2], $0x10, s6, s17, $0xb8;
	[tilespmem:$0xC320] =	vst v63  }
0x119: {  	_ = 	snop  }
0x11a: {  	[spmem:s3] =	stream.indirect.scatter.add.f32 [tilespmem:s26], [sflag:$0x2], $0x10, s1, s17, $0xb8;
	[tilespmem:$0xC320] =	vst v63  }
0x11b: {  	_ = 	snop  }
0x11c: {  	[spmem:s3] =	stream.indirect.scatter.add.f32 [tilespmem:s28], [sflag:$0x2], $0x10, s5, s17, $0xb8;
	[tilespmem:$0xC320] =	vst v63  }
0x11d: {  	_ = 	snop  }
0x11e: {  	[spmem:s3] =	stream.indirect.scatter.add.f32 [tilespmem:s29], [sflag:$0x2], $0x10, s7, s17, $0xb8;
	[tilespmem:$0xC320] =	vst v63  }
0x11f: {  	_ = 	snop  }
0x120: {  	[spmem:s3] =	stream.indirect.scatter.add.f32 [tilespmem:s30], [sflag:$0x2], $0x10, s8, s17, $0xb8;
	[tilespmem:$0xC320] =	vst v63  }
0x121: {  	_ = 	snop  }
0x122: {  	[spmem:s3] =	stream.indirect.scatter.add.f32 [tilespmem:s31], [sflag:$0x2], $0x10, s9, s17, $0xb8;
	[tilespmem:$0xC320] =	vst v63  }
0x123: {  	_ =	swait.ge [sflag:s10], $0x800  }
0x124: {  	[sflag:s10] =	ssyncset.done $0x0  }
0x125: {  	[sflag:s10] =	ssyncadd.s32 $0xFFFFF800  }
0x126: {  	_ =	swait.ge [sflag:s10], $0x800  }
0x127: {  	[sflag:s10] =	ssyncset.done $0x0  }
0x128: {  	[sflag:s10] =	ssyncadd.s32 $0xFFFFF800  }
0x129: {  	_ =	swait.ge [sflag:s10], $0x800  }
0x12a: {  	[sflag:s10] =	ssyncset.done $0x0  }
0x12b: {  	[sflag:s10] =	ssyncadd.s32 $0xFFFFF800  }
0x12c: {  	_ =	swait.ge [sflag:s10], $0x800  }
0x12d: {  	[sflag:s10] =	ssyncset.done $0x0  }
0x12e: {  	[sflag:s10] =	ssyncadd.s32 $0xFFFFF800  }
0x12f: {  	_ =	swait.ge [sflag:s10], $0x800  }
0x130: {  	[sflag:s10] =	ssyncset.done $0x0  }
0x131: {  	[sflag:s10] =	ssyncadd.s32 $0xFFFFF800  }
0x132: {  	_ =	swait.ge [sflag:s10], $0x800  }
0x133: {  	[sflag:s10] =	ssyncset.done $0x0  }
0x134: {  	[sflag:s10] =	ssyncadd.s32 $0xFFFFF800  }
0x135: {  	_ =	swait.ge [sflag:s10], $0x800  }
0x136: {  	[sflag:s10] =	ssyncset.done $0x0  }
0x137: {  	[sflag:s10] =	ssyncadd.s32 $0xFFFFF800  }
0x138: {  	_ =	swait.ge [sflag:s10], $0x800  }
0x139: {  	[sflag:s10] =	ssyncset.done $0x0  }
0x13a: {  	[sflag:s10] =	ssyncadd.s32 $0xFFFFF800  }
0x13b: {  	_ =	swait.ge [sflag:s10], $0x800  }
0x13c: {  	[sflag:s10] =	ssyncset.done $0x0  }
0x13d: {  	[sflag:s10] =	ssyncadd.s32 $0xFFFFF800  }
0x13e: {  	_ =	swait.ge [sflag:s10], $0x800  }
0x13f: {  	[sflag:s10] =	ssyncset.done $0x0  }
0x140: {  	[sflag:s10] =	ssyncadd.s32 $0xFFFFF800  }
0x141: {  	_ =	swait.ge [sflag:s10], $0x800  }
0x142: {  	[sflag:s10] =	ssyncset.done $0x0  }
0x143: {  	p1 =	sne.s32 s14, $0x410;
	[sflag:s10] =	ssyncadd.s32 $0xFFFFF800  }
.Ltmp0:
0x144: {  	_ =	swait.ge [sflag:s10], $0x800;
	(pc) =	sbr.rel @p1 .LBB2_2-.Ltmp0, $4  }
0x145: {  	[sflag:s10] =	ssyncset.done $0x0  }
0x146: {  	[sflag:s10] =	ssyncadd.s32 $0xFFFFF800  }
0x147: {  	_ =	swait.ge [sflag:s10], $0x800  }
0x148: {  	s14 =	sadd.s32 $0xD0, s14;
	s6 =	rddreg [dreg:$0x6];
	[sflag:s10] =	ssyncset.done $0x0  }
0x149: {  	[sflag:s10] =	ssyncadd.s32 $0xFFFFF800;
	s6 =	sadd.s32 s12, s6  }
0x14a: {  	[tilespmem:s15], [sflag:$0x3] =	stream.linear.gather [hbm4b:s6+s4], $0x680, $0x38;
	[tilespmem:$0xC320] =	vst v63  }
0x14b: {  	_ =	swait.ge [sflag:s13], $0x680  }
0x14c: {  	s11 =	rddreg [dreg:$0x5];
	[sflag:s13] =	ssyncset.done $0x0  }
0x14d: {  	[sflag:s13] =	ssyncadd.s32 $0xFFFFF980;
	s6 =	sadd.s32 s12, s11  }
0x14e: {  	[tilespmem:s16], [sflag:$0x3] =	stream.linear.gather [hbm4b:s6+s4], $0x680, $0x38;
	[tilespmem:$0xC320] =	vst v63  }
0x14f: {  	_ =	swait.ge [sflag:s13], $0x680  }
0x150: {  	[sflag:s13] =	ssyncset.done $0x0  }
0x151: {  	[sflag:s13] =	ssyncadd.s32 $0xFFFFF980  }
0x152: {  	[tilespmem:s18], [sflag:$0x1] =	stream.indirect.gather [spmem:s2], $0x10, s15, s17, $0xb8;
	[tilespmem:$0xC320] =	vst v63  }
0x153: {  	s14 =	rddreg [dreg:$0x7]  }
0x154: {  	[tilespmem:s19], [sflag:$0x1] =	stream.indirect.gather [spmem:s2], $0x10, s14, s17, $0xb8;
	[tilespmem:$0xC320] =	vst v63  }
0x155: {  	s11 =	rddreg [dreg:$0x8]  }
0x156: {  	[tilespmem:s20], [sflag:$0x1] =	stream.indirect.gather [spmem:s2], $0x10, s11, s17, $0xb8;
	[tilespmem:$0xC320] =	vst v63  }
0x157: {  	s12 =	rddreg [dreg:$0x9]  }
0x158: {  	[tilespmem:s21], [sflag:$0x1] =	stream.indirect.gather [spmem:s2], $0x10, s12, s17, $0xb8;
	[tilespmem:$0xC320] =	vst v63  }
0x159: {  	s14 =	rddreg [dreg:$0xa]  }
0x15a: {  	[tilespmem:s22], [sflag:$0x1] =	stream.indirect.gather [spmem:s2], $0x10, s14, s17, $0xb8;
	[tilespmem:$0xC320] =	vst v63  }
0x15b: {  	s12 =	rddreg [dreg:$0xb]  }
0x15c: {  	[tilespmem:s23], [sflag:$0x1] =	stream.indirect.gather [spmem:s2], $0x10, s12, s17, $0xb8;
	[tilespmem:$0xC320] =	vst v63  }
0x15d: {  	s14 =	rddreg [dreg:$0xc]  }
0x15e: {  	[tilespmem:s24], [sflag:$0x1] =	stream.indirect.gather [spmem:s2], $0x10, s14, s17, $0xb8;
	[tilespmem:$0xC320] =	vst v63  }
0x15f: {  	s12 =	rddreg [dreg:$0xd]  }
0x160: {  	[tilespmem:s25], [sflag:$0x1] =	stream.indirect.gather [spmem:s2], $0x10, s12, s17, $0xb8;
	[tilespmem:$0xC320] =	vst v63  }
0x161: {  	s14 =	rddreg [dreg:$0xe]  }
0x162: {  	[tilespmem:s26], [sflag:$0x1] =	stream.indirect.gather [spmem:s2], $0x10, s14, s17, $0xb8;
	[tilespmem:$0xC320] =	vst v63  }
0x163: {  	s12 =	rddreg [dreg:$0xf]  }
0x164: {  	[tilespmem:s28], [sflag:$0x1] =	stream.indirect.gather [spmem:s2], $0x10, s12, s17, $0xb8;
	[tilespmem:$0xC320] =	vst v63  }
0x165: {  	s14 =	rddreg [dreg:$0x10]  }
0x166: {  	[tilespmem:s29], [sflag:$0x1] =	stream.indirect.gather [spmem:s2], $0x10, s14, s17, $0xb8;
	[tilespmem:$0xC320] =	vst v63  }
0x167: {  	s12 =	rddreg [dreg:$0x11]  }
0x168: {  	[tilespmem:s30], [sflag:$0x1] =	stream.indirect.gather [spmem:s2], $0x10, s12, s17, $0xb8;
	[tilespmem:$0xC320] =	vst v63  }
0x169: {  	s14 =	rddreg [dreg:$0x12]  }
0x16a: {  	[tilespmem:s31], [sflag:$0x1] =	stream.indirect.gather [spmem:s2], $0x10, s14, s17, $0xb8;
	[tilespmem:$0xC320] =	vst v63  }
0x16b: {  	_ =	swait.ge [sflag:s0], $0x800  }
0x16c: {  	[sflag:s0] =	ssyncset.done $0x0  }
0x16d: {  	[sflag:s0] =	ssyncadd.s32 $0xFFFFF800  }
0x16e: {  	_ =	swait.ge [sflag:s0], $0x800  }
0x16f: {  	[sflag:s0] =	ssyncset.done $0x0  }
0x170: {  	[sflag:s0] =	ssyncadd.s32 $0xFFFFF800  }
0x171: {  	_ =	swait.ge [sflag:s0], $0x800  }
0x172: {  	[sflag:s0] =	ssyncset.done $0x0  }
0x173: {  	[sflag:s0] =	ssyncadd.s32 $0xFFFFF800  }
0x174: {  	_ =	swait.ge [sflag:s0], $0x800  }
0x175: {  	[sflag:s0] =	ssyncset.done $0x0  }
0x176: {  	[sflag:s0] =	ssyncadd.s32 $0xFFFFF800  }
0x177: {  	_ =	swait.ge [sflag:s0], $0x800  }
0x178: {  	[sflag:s0] =	ssyncset.done $0x0  }
0x179: {  	[sflag:s0] =	ssyncadd.s32 $0xFFFFF800  }
0x17a: {  	_ =	swait.ge [sflag:s0], $0x800  }
0x17b: {  	[sflag:s0] =	ssyncset.done $0x0  }
0x17c: {  	[sflag:s0] =	ssyncadd.s32 $0xFFFFF800  }
0x17d: {  	_ =	swait.ge [sflag:s0], $0x800  }
0x17e: {  	[sflag:s0] =	ssyncset.done $0x0  }
0x17f: {  	[sflag:s0] =	ssyncadd.s32 $0xFFFFF800  }
0x180: {  	_ =	swait.ge [sflag:s0], $0x800  }
0x181: {  	[sflag:s0] =	ssyncset.done $0x0  }
0x182: {  	[sflag:s0] =	ssyncadd.s32 $0xFFFFF800  }
0x183: {  	_ =	swait.ge [sflag:s0], $0x800  }
0x184: {  	[sflag:s0] =	ssyncset.done $0x0  }
0x185: {  	[sflag:s0] =	ssyncadd.s32 $0xFFFFF800  }
0x186: {  	_ =	swait.ge [sflag:s0], $0x800  }
0x187: {  	[sflag:s0] =	ssyncset.done $0x0  }
0x188: {  	[sflag:s0] =	ssyncadd.s32 $0xFFFFF800  }
0x189: {  	_ =	swait.ge [sflag:s0], $0x800  }
0x18a: {  	[sflag:s0] =	ssyncset.done $0x0  }
0x18b: {  	[sflag:s0] =	ssyncadd.s32 $0xFFFFF800  }
0x18c: {  	_ =	swait.ge [sflag:s0], $0x800  }
0x18d: {  	[sflag:s0] =	ssyncset.done $0x0  }
0x18e: {  	[sflag:s0] =	ssyncadd.s32 $0xFFFFF800  }
0x18f: {  	_ =	swait.ge [sflag:s0], $0x800  }
0x190: {  	[sflag:s0] =	ssyncset.done $0x0  }
0x191: {  	[sflag:s0] =	ssyncadd.s32 $0xFFFFF800  }
0x192: {  	[spmem:s3] =	stream.indirect.scatter.add.f32 [tilespmem:s18], [sflag:$0x2], $0x10, s16, s17, $0xb8;
	[tilespmem:$0xC320] =	vst v63  }
0x193: {  	s11 =	rddreg [dreg:$0x13]  }
0x194: {  	[spmem:s3] =	stream.indirect.scatter.add.f32 [tilespmem:s19], [sflag:$0x2], $0x10, s11, s17, $0xb8;
	[tilespmem:$0xC320] =	vst v63  }
0x195: {  	s12 =	rddreg [dreg:$0x14]  }
0x196: {  	[spmem:s3] =	stream.indirect.scatter.add.f32 [tilespmem:s20], [sflag:$0x2], $0x10, s12, s17, $0xb8;
	[tilespmem:$0xC320] =	vst v63  }
0x197: {  	s14 =	rddreg [dreg:$0x15]  }
0x198: {  	[spmem:s3] =	stream.indirect.scatter.add.f32 [tilespmem:s21], [sflag:$0x2], $0x10, s14, s17, $0xb8;
	[tilespmem:$0xC320] =	vst v63  }
0x199: {  	s12 =	rddreg [dreg:$0x16]  }
0x19a: {  	[spmem:s3] =	stream.indirect.scatter.add.f32 [tilespmem:s22], [sflag:$0x2], $0x10, s12, s17, $0xb8;
	[tilespmem:$0xC320] =	vst v63  }
0x19b: {  	s14 =	rddreg [dreg:$0x17]  }
0x19c: {  	[spmem:s3] =	stream.indirect.scatter.add.f32 [tilespmem:s23], [sflag:$0x2], $0x10, s14, s17, $0xb8;
	[tilespmem:$0xC320] =	vst v63  }
0x19d: {  	s12 =	rddreg [dreg:$0x18]  }
0x19e: {  	[spmem:s3] =	stream.indirect.scatter.add.f32 [tilespmem:s24], [sflag:$0x2], $0x10, s12, s17, $0xb8;
	[tilespmem:$0xC320] =	vst v63  }
0x19f: {  	s14 =	rddreg [dreg:$0x19]  }
0x1a0: {  	[spmem:s3] =	stream.indirect.scatter.add.f32 [tilespmem:s25], [sflag:$0x2], $0x10, s14, s17, $0xb8;
	[tilespmem:$0xC320] =	vst v63  }
0x1a1: {  	_ = 	snop  }
0x1a2: {  	[spmem:s3] =	stream.indirect.scatter.add.f32 [tilespmem:s26], [sflag:$0x2], $0x10, s1, s17, $0xb8;
	[tilespmem:$0xC320] =	vst v63  }
0x1a3: {  	_ = 	snop  }
0x1a4: {  	[spmem:s3] =	stream.indirect.scatter.add.f32 [tilespmem:s28], [sflag:$0x2], $0x10, s5, s17, $0xb8;
	[tilespmem:$0xC320] =	vst v63  }
0x1a5: {  	_ = 	snop  }
0x1a6: {  	[spmem:s3] =	stream.indirect.scatter.add.f32 [tilespmem:s29], [sflag:$0x2], $0x10, s7, s17, $0xb8;
	[tilespmem:$0xC320] =	vst v63  }
0x1a7: {  	_ = 	snop  }
0x1a8: {  	[spmem:s3] =	stream.indirect.scatter.add.f32 [tilespmem:s30], [sflag:$0x2], $0x10, s8, s17, $0xb8;
	[tilespmem:$0xC320] =	vst v63  }
0x1a9: {  	_ = 	snop  }
0x1aa: {  	[spmem:s3] =	stream.indirect.scatter.add.f32 [tilespmem:s31], [sflag:$0x2], $0x10, s9, s17, $0xb8;
	[tilespmem:$0xC320] =	vst v63  }
0x1ab: {  	_ =	swait.ge [sflag:s10], $0x800  }
0x1ac: {  	[sflag:s10] =	ssyncset.done $0x0  }
0x1ad: {  	[sflag:s10] =	ssyncadd.s32 $0xFFFFF800  }
0x1ae: {  	_ =	swait.ge [sflag:s10], $0x800  }
0x1af: {  	[sflag:s10] =	ssyncset.done $0x0  }
0x1b0: {  	[sflag:s10] =	ssyncadd.s32 $0xFFFFF800  }
0x1b1: {  	_ =	swait.ge [sflag:s10], $0x800  }
0x1b2: {  	[sflag:s10] =	ssyncset.done $0x0  }
0x1b3: {  	[sflag:s10] =	ssyncadd.s32 $0xFFFFF800  }
0x1b4: {  	_ =	swait.ge [sflag:s10], $0x800  }
0x1b5: {  	[sflag:s10] =	ssyncset.done $0x0  }
0x1b6: {  	[sflag:s10] =	ssyncadd.s32 $0xFFFFF800  }
0x1b7: {  	_ =	swait.ge [sflag:s10], $0x800  }
0x1b8: {  	[sflag:s10] =	ssyncset.done $0x0  }
0x1b9: {  	[sflag:s10] =	ssyncadd.s32 $0xFFFFF800  }
0x1ba: {  	_ =	swait.ge [sflag:s10], $0x800  }
0x1bb: {  	[sflag:s10] =	ssyncset.done $0x0  }
0x1bc: {  	[sflag:s10] =	ssyncadd.s32 $0xFFFFF800  }
0x1bd: {  	_ =	swait.ge [sflag:s10], $0x800  }
0x1be: {  	[sflag:s10] =	ssyncset.done $0x0  }
0x1bf: {  	[sflag:s10] =	ssyncadd.s32 $0xFFFFF800  }
0x1c0: {  	_ =	swait.ge [sflag:s10], $0x800  }
0x1c1: {  	[sflag:s10] =	ssyncset.done $0x0  }
0x1c2: {  	[sflag:s10] =	ssyncadd.s32 $0xFFFFF800  }
0x1c3: {  	_ =	swait.ge [sflag:s10], $0x800  }
0x1c4: {  	[sflag:s10] =	ssyncset.done $0x0  }
0x1c5: {  	[sflag:s10] =	ssyncadd.s32 $0xFFFFF800  }
0x1c6: {  	_ =	swait.ge [sflag:s10], $0x800  }
0x1c7: {  	[sflag:s10] =	ssyncset.done $0x0  }
0x1c8: {  	[sflag:s10] =	ssyncadd.s32 $0xFFFFF800  }
0x1c9: {  	_ =	swait.ge [sflag:s10], $0x800  }
0x1ca: {  	[sflag:s10] =	ssyncset.done $0x0  }
0x1cb: {  	[sflag:s10] =	ssyncadd.s32 $0xFFFFF800  }
0x1cc: {  	_ =	swait.ge [sflag:s10], $0x800  }
0x1cd: {  	[sflag:s10] =	ssyncset.done $0x0  }
0x1ce: {  	[sflag:s10] =	ssyncadd.s32 $0xFFFFF800  }
0x1cf: {  	_ =	swait.ge [sflag:s10], $0x800  }
0x1d0: {  	s6 =	simm.s32 @!p0 $0x0;
	[sflag:s10] =	ssyncset.done $0x0  }
0x1d1: {  	s11 =	simm.s32 @!p0 $0x4E20;
	s12 =	rddreg [dreg:$0x1d];
	[sflag:s10] =	ssyncadd.s32 $0xFFFFF800  }
0x1d2: {  	[tilespmem:s11], [sflag:$0x3] =	stream.linear.gather @!p0 [hbm4b:s12+s6], $0x80, $0x38;
	[tilespmem:$0xC320] =	vst v63  }
0x1d3: {  	s12 =	simm.s32 @!p0 $0x3  }
0x1d4: {  	_ =	swait.ge @!p0 [sflag:s12], $0x80  }
0x1d5: {  	[sflag:s12] =	ssyncset.done @!p0 $0x0  }
0x1d6: {  	s14 =	simm.s32 @!p0 $0x54A0;
	s11 =	rddreg [dreg:$0x1e];
	[sflag:s12] =	ssyncadd.s32 @!p0 $0xFFFFFF80  }
0x1d7: {  	[tilespmem:s14], [sflag:$0x3] =	stream.linear.gather @!p0 [hbm4b:s11+s6], $0x80, $0x38;
	[tilespmem:$0xC320] =	vst v63  }
0x1d8: {  	_ =	swait.ge @!p0 [sflag:s12], $0x80  }
0x1d9: {  	s6 =	simm.s32 @!p0 $0x80;
	[sflag:s12] =	ssyncset.done @!p0 $0x0  }
0x1da: {  	s11 =	simm.s32 @!p0 $0x4E20;
	[sflag:s12] =	ssyncadd.s32 @!p0 $0xFFFFFF80;
	s12 =	simm.s32 @!p0 $0x5B20  }
0x1db: {  	[tilespmem:s12], [sflag:$0x1] =	stream.indirect.gather @!p0 [spmem:s2], $0x10, s11, s6, $0xb8;
	[tilespmem:$0xC320] =	vst v63  }
0x1dc: {  	s11 =	simm.s32 @!p0 $0x1  }
0x1dd: {  	_ =	swait.ge @!p0 [sflag:s11], $0x800  }
0x1de: {  	[sflag:s11] =	ssyncset.done @!p0 $0x0  }
0x1df: {  	[sflag:s11] =	ssyncadd.s32 @!p0 $0xFFFFF800  }
0x1e0: {  	[spmem:s3] =	stream.indirect.scatter.add.f32 @!p0 [tilespmem:s12], [sflag:$0x2], $0x10, s14, s6, $0xb8;
	[tilespmem:$0xC320] =	vst v63  }
0x1e1: {  	s6 =	simm.s32 @!p0 $0x2  }
0x1e2: {  	_ =	swait.ge @!p0 [sflag:s6], $0x800  }
0x1e3: {  	[sflag:s6] =	ssyncset.done @!p0 $0x0  }
0x1e4: {  	[sflag:s6] =	ssyncadd.s32 @!p0 $0xFFFFF800  }
0x1e5: {  	[bflag:$0x0] =	sbarrier.arrive $0xFFFF  }
0x1e6: {  	s14 =	sld [smem:$0x7FD]  }
0x1e7: {  	s11 =	rddreg [dreg:$0x1b]  }
0x1e8: {  	s12 =	rddreg [dreg:$0x1f]  }
0x1e9: {  	[hbm:s12], [sflag:s11] =	dma.local [spmem:s14], $0x4E2  }
0x1ea: {  	_ =	swait.ge [sflag:s13], $0x4E2  }
0x1eb: {  	s6 =	sld [smem:$0x7FA];
	_ =	sdelay $0x2  }
0x1ec: {  	s12 =	sadd.s32 $0x1, s6;
	s6 =	sld [smem:$0x7FB];
	_ =	sdelay $0x2  }
0x1ed: {  	p1 =	sne.s32 s12, s6  }
.Ltmp1:
0x1ee: {  	_ = 	snop;
	(pc) =	sbr.rel @p1 .LBB2_1-.Ltmp1, $3  }
0x1ef: {  	_ =	sdelay $0x1  }
0x1f0: {  	[sflag:s13] =	ssyncset.done $0x0  }
0x1f1: {  	[sflag:s13] =	ssyncadd.s32 $0xFFFFFB1E  }
0x1f2: {  	_ =	sfence.sel $0x180000  }
0x1f3: {  	[bflag:$0x0] =	sbarrier.arrive $0xFFFF  }
0x1f4: {  	_ =	strace $0x9000004A  }
0x1f5: {  	s0 =	stileid.u32;
	[bflag:$0x2] =	sbarrier.arrive $0xFFFF  }
0x1f6: {  	p0 =	sne.s32 s0, $0x0;
	s0 =	rddreg [dreg:$0x4]  }
0x1f7: {  	s0 =	sadd.s32 @!p0 $0x100000, s0  }
0x1f8: {  	[sflag:s0] =	ssyncadd.tile.s32 @!p0 $0x1;
	_ =	shalt  }
.Lfunc_end2:
_tile_overlayer_lowered:
.L_overlay_start_2:
0x1f9: {  	(tag) =	ssettag $0x2  }
0x1fa: {  	s0 =	rddreg [dreg:$0x0];
	s2 =	stileid.u32  }
0x1fb: {  	s1 =	rddreg [dreg:$0x1];
	p0 =	sne.s32 s2, $0x0  }
0x1fc: {  	s3 =	rddreg [dreg:$0x2];
	[bflag:$0x3] =	sbarrier.arrive $0xFFFF;
	s2 =	simm.s32 @!p0 $0x1C03  }
0x1fd: {  	[timem:s3], [sflag:s2] =	dma.local @!p0 [hbm:s0], s1  }
0x1fe: {  	s0 =	simm.s32 @!p0 $0x3  }
0x1ff: {  	_ =	swait.ge @!p0 [sflag:s0], s1  }
0x200: {  	s1 =	ssub.s32 @!p0 $0x0, s1;
	[sflag:s0] =	ssyncset.done @!p0 $0x0  }
0x201: {  	[sflag:s0] =	ssyncadd.s32 @!p0 s1  }
0x202: {  	[bflag:$0x3] =	sbarrier.arrive $0xFFFF  }
0x203: {  	_ =	shalt  }

// kernel: kernel.15.cloned.1.call-start
scs
__scs_entry_jumppad:
0x0: {  	(pc) =	sbr.rel $0x88, $3  }
0x1: {  	(tag) =	ssettag $0x0;
	lr =	simm.s32 $0x1  }
0x2: {  	[smem:$0x3F9B] =	sst lr;
	_ =	strace $0xD0000000  }
0x3: {  	_ = 	snop  }
0x4: {  	_ = 	snop  }
0x5: {  	_ = 	snop  }
0x6: {  	_ = 	snop  }
0x7: {  	_ = 	snop  }
__scs_overlays_trampoline_lowered:
0x8: {  	[smem:$0x3FAA] =	sst s0  }
0x9: {  	[smem:$0x3FAB] =	sst s1  }
0xa: {  	[smem:$0x3FAC] =	sst s2  }
0xb: {  	[smem:$0x3FAD] =	sst s3  }
0xc: {  	[smem:$0x3FAE] =	sst s4  }
0xd: {  	[smem:$0x3FAF] =	sst s5  }
0xe: {  	[smem:$0x3FB0] =	sst s6  }
0xf: {  	[smem:$0x3FB1] =	sst s7  }
0x10: {  	[smem:$0x3FB2] =	sst s8  }
0x11: {  	[smem:$0x3FB3] =	sst s9;
	s0 =	simm.s32 @!p0 $0x0  }
0x12: {  	s1 =	sld [smem:$0x3F99];
	s0 =	simm.s32 @p0 $0x1  }
0x13: {  	[smem:$0x3FB4] =	sst s0;
	s0 =	simm.s32 @!p1 $0x0  }
0x14: {  	s2 =	sld [smem:$0x3F98];
	s0 =	simm.s32 @p1 $0x1  }
0x15: {  	[smem:$0x3FB5] =	sst s0;
	s0 =	simm.s32 @!p2 $0x0  }
0x16: {  	s3 =	sld [smem:$0x3FDB];
	s0 =	simm.s32 @p2 $0x1  }
0x17: {  	s4 =	simm.s32 $0x1BF5;
	[smem:$0x3FB7] =	sst s0  }
0x18: {  	s0 =	sld [smem:$0x3F9A];
	_ =	swait.ge [sflag:s4], $0x0  }
0x19: {  	s7 =	sld [smem:$0x3F9B]  }
0x1a: {  	s8 =	sadd.s32 $0xFFFFE003, lr  }
0x1b: {  	s9 =	sadd.s32 $0xFFFFFEF7, lr;
	s5 =	simm.s32 $0xFFFFFFFF;
	p2 =	slt.u32 s8, $0xFFFFF086  }
0x1c: {  	p1 =	slt.u32 s9, $0xF7A;
	s5 =	simm.s32 @!p2 $0x0  }
0x1d: {  	s5 =	simm.s32 @p1 $0x1;
	p0 =	seq.s32 s7, s2  }
0x1e: {  	s7 =	smul.u32 @!p0 $0xF7A, s2;
	p2 =	seq.s32 @!p0 s5, $0x0  }
0x1f: {  	s9 =	smul.u32 $0xF7A, s1;
	s8 =	simm.s32 @!p0 $0x1BF5;
	p2 =	por !p2, p0  }
0x20: {  	[sflag:s8] =	ssyncset.s32 @!p0 $0xFFFFF086;
	s6 =	sadd.s32 @!p0 s3, s7;
	s7 =	simm.s32 @!p0 $0x108  }
0x21: {  	s3 =	sadd.s32 s3, s9;
	s6 =	sadd.s32 @!p0 $0x88, s6;
	s7 =	simm.s32 @p2 $0x1082  }
0x22: {  	[simem:s7], [sflag:s8] =	dma.local @!p0 [hbm:s6], $0xF7A  }
0x23: {  	s9 =	sor.u32 $0xD0000000, s2;
	s6 =	simm.s32 $0x108;
	_ =	swait.ge @!p0 [sflag:s8], $0x0  }
0x24: {  	s3 =	sadd.s32 $0x88, s3;
	s6 =	simm.s32 @!p1 $0x1082;
	[sflag:s4] =	ssyncset.s32 $0xFFFFF086  }
0x25: {  	[simem:s6], [sflag:s4] =	dma.local [hbm:s3], $0xF7A  }
0x26: {  	[smem:$0x3F9B] =	sst s1;
	(tag) =	ssettag s2;
	_ =	strace s9  }
0x27: {  	s1 =	sld [smem:$0x3FAB]  }
0x28: {  	s2 =	sld [smem:$0x3FAC]  }
0x29: {  	s4 =	sld [smem:$0x3FAE]  }
0x2a: {  	p0 =	seq.s32 s5, $0x0;
	s5 =	sld [smem:$0x3FAF]  }
0x2b: {  	s6 =	sld [smem:$0x3FB0]  }
0x2c: {  	s7 =	sld [smem:$0x3FB1]  }
0x2d: {  	s3 =	simm.s32 $0x108;
	s8 =	sld [smem:$0x3FB2]  }
0x2e: {  	s3 =	simm.s32 @!p0 $0x1082;
	s9 =	sld [smem:$0x3FB3]  }
0x2f: {  	lr =	sadd.s32 s0, s3;
	s0 =	sld [smem:$0x3FAA]  }
0x30: {  	s3 =	sld [smem:$0x3FAD]  }
0x31: {  	[smem:$0x3FB6] =	sst s10  }
0x32: {  	s10 =	sld [smem:$0x3FB4];
	_ =	sdelay $0x3  }
0x33: {  	p0 =	seq.s32 s10, $0x1;
	s10 =	sld [smem:$0x3FB6];
	_ =	sdelay $0x3  }
0x34: {  	[smem:$0x3FB6] =	sst s10  }
0x35: {  	s10 =	sld [smem:$0x3FB5];
	_ =	sdelay $0x3  }
0x36: {  	p1 =	seq.s32 s10, $0x1;
	s10 =	sld [smem:$0x3FB6];
	_ =	sdelay $0x3  }
0x37: {  	[smem:$0x3FB6] =	sst s10  }
0x38: {  	s10 =	sld [smem:$0x3FB7]  }
0x39: {  	_ = 	snop;
	(pc) =	sbr.ind lr, $3  }
0x3a: {  	_ = 	snop  }
0x3b: {  	_ = 	snop  }
0x3c: {  	p2 =	seq.s32 s10, $0x1;
	s10 =	sld [smem:$0x3FB6]  }
0x3d: {  	_ =	shalt  }
0x3e: {  	_ =	shalt  }
0x3f: {  	_ =	shalt  }
0x40: {  	_ =	shalt  }
0x41: {  	_ =	shalt  }
0x42: {  	_ =	shalt  }
0x43: {  	_ =	shalt  }
0x44: {  	_ =	shalt  }
0x45: {  	_ =	shalt  }
0x46: {  	_ =	shalt  }
0x47: {  	_ =	shalt  }
0x48: {  	_ =	shalt  }
0x49: {  	_ =	shalt  }
0x4a: {  	_ =	shalt  }
0x4b: {  	_ =	shalt  }
0x4c: {  	_ =	shalt  }
0x4d: {  	_ =	shalt  }
0x4e: {  	_ =	shalt  }
0x4f: {  	_ =	shalt  }
0x50: {  	_ =	shalt  }
0x51: {  	_ =	shalt  }
0x52: {  	_ =	shalt  }
0x53: {  	_ =	shalt  }
0x54: {  	_ =	shalt  }
0x55: {  	_ =	shalt  }
0x56: {  	_ =	shalt  }
0x57: {  	_ =	shalt  }
0x58: {  	_ =	shalt  }
0x59: {  	_ =	shalt  }
0x5a: {  	_ =	shalt  }
0x5b: {  	_ =	shalt  }
0x5c: {  	_ =	shalt  }
0x5d: {  	_ =	shalt  }
0x5e: {  	_ =	shalt  }
0x5f: {  	_ =	shalt  }
0x60: {  	_ =	shalt  }
0x61: {  	_ =	shalt  }
0x62: {  	_ =	shalt  }
0x63: {  	_ =	shalt  }
0x64: {  	_ =	shalt  }
0x65: {  	_ =	shalt  }
0x66: {  	_ =	shalt  }
0x67: {  	_ =	shalt  }
0x68: {  	_ =	shalt  }
0x69: {  	_ =	shalt  }
0x6a: {  	_ =	shalt  }
0x6b: {  	_ =	shalt  }
0x6c: {  	_ =	shalt  }
0x6d: {  	_ =	shalt  }
0x6e: {  	_ =	shalt  }
0x6f: {  	_ =	shalt  }
0x70: {  	_ =	shalt  }
0x71: {  	_ =	shalt  }
0x72: {  	_ =	shalt  }
0x73: {  	_ =	shalt  }
0x74: {  	_ =	shalt  }
0x75: {  	_ =	shalt  }
0x76: {  	_ =	shalt  }
0x77: {  	_ =	shalt  }
0x78: {  	_ =	shalt  }
0x79: {  	_ =	shalt  }
0x7a: {  	_ =	shalt  }
0x7b: {  	_ =	shalt  }
0x7c: {  	_ =	shalt  }
0x7d: {  	_ =	shalt  }
0x7e: {  	_ =	shalt  }
0x7f: {  	_ =	shalt  }
0x80: {  	_ =	shalt  }
0x81: {  	_ =	shalt  }
0x82: {  	_ =	shalt  }
0x83: {  	_ =	shalt  }
0x84: {  	_ =	shalt  }
0x85: {  	_ =	shalt  }
0x86: {  	_ =	shalt  }
0x87: {  	_ =	shalt  }
.Lfunc_end0:
.L_simem_size_0:
called_computation.2_lowered:
.L_overlay_start_0:
0x88: {  	s2 =	sld [smem:$0x3FD9]  }
0x89: {  	s3 =	sld [smem:$0x3FFE];
	_ =	sdelay $0x1  }
0x8a: {  	s1 =	srdreg.scid  }
0x8b: {  	s0 =	sand.u32 $0x1, s1  }
0x8c: {  	s17 =	sshll.u32 s0, $0xA;
	s2 =	sadd.s32 s3, s2  }
0x8d: {  	s2 =	sadd.s32 s2, s17  }
0x8e: {  	[smem:$0x3FC2] =	sst s2  }
0x8f: {  	_ = 	snop  }
0x90: {  	s2 =	sld [smem:$0x3FD0];
	(tm) =	ssettm $0x1  }
0x91: {  	s18 =	sld [smem:$0x3FFB];
	_ =	sdelay $0x3  }
0x92: {  	_ =	strace s18  }
0x93: {  	s3 =	sld [smem:$0x3FFC];
	_ =	sdelay $0x3  }
0x94: {  	_ =	strace s3  }
0x95: {  	s3 =	sld [smem:$0x3FFD];
	_ =	sdelay $0x3  }
0x96: {  	_ =	strace s3  }
0x97: {  	_ =	strace $0x8FFFFFFF  }
0x98: {  	s19 =	sld [smem:$0x3FDB];
	_ =	sdelay $0x1  }
0x99: {  	s4 =	simm.s32 $_scs_section_size  }
0x9a: {  	s5 =	simm.s32 $_size__tile_overlayer_lowered;
	s6 =	simm.s32 $_tile_overlayer_lowered  }
0x9b: {  	s22 =	simm.s32 $0x1BFF;
	s21 =	sshll.u32 s6, $0x1;
	s3 =	sadd.s32 s4, s19  }
0x9c: {  	s7 =	simm.s32 $0x0;
	s20 =	sshll.u32 s5, $0x1;
	s5 =	sadd.s32 s21, s3  }
0x9d: {  	[timem:s7], [sflag:s22] =	dma.local [hbm:s5], s20  }
0x9e: {  	_ =	swait.ge [sflag:s22], s20  }
0x9f: {  	s4 =	ssub.s32 $0x0, s20;
	[sflag:s22] =	ssyncset.done $0x0  }
0xa0: {  	[sflag:s22] =	ssyncadd.s32 s4;
	_ =	sdelay $0x1  }
0xa1: {  	s23 =	simm.s32 $0x1B8B  }
0xa2: {  	_ =	swait.ge [sflag:s23], $0x1  }
0xa3: {  	[sflag:s23] =	ssyncset.done $0x0  }
0xa4: {  	s25 =	simm.s32 $0x1B8E;
	s24 =	sld [smem:$0x3FFE];
	[sflag:s23] =	ssyncadd.s32 $0xFFFFFFFF  }
0xa5: {  	s26 =	simm.s32 $execute0_lowered;
	[smem:$0x3FD2] =	sst s25  }
0xa6: {  	s5 =	sshll.u32 s26, $0x1;
	_ =	strace $0x8000004C;
	[dreg:$0x1] =	wrdreg $0xFFFFFFFF  }
0xa7: {  	s28 =	simm.s32 $_size_execute0_lowered;
	s3 =	sadd.s32 s3, s5;
	[dreg:$0x0] =	wrdreg $0x0  }
0xa8: {  	s5 =	sshll.u32 s28, $0x1;
	[dreg:$0x2] =	wrdreg s3  }
0xa9: {  	[dreg:$0x3] =	wrdreg s5  }
0xaa: {  	[dreg:$0x4] =	wrdreg $0xC0  }
0xab: {  	_ =	task [dreg:s7], $0x5FFFF  }
0xac: {  	[dreg:$0x1] =	wrdreg $0xFFFFFFFF  }
0xad: {  	[dreg:$0x0] =	wrdreg $0x60  }
0xae: {  	[dreg:$0x2] =	wrdreg s24  }
0xaf: {  	[dreg:$0x3] =	wrdreg s2  }
0xb0: {  	[dreg:$0x4] =	wrdreg $0x27100  }
0xb1: {  	[dreg:$0x5] =	wrdreg $0x0  }
0xb2: {  	[dreg:$0x6] =	wrdreg $0x9  }
0xb3: {  	_ =	task.clear_ibuf [dreg:s7], $0x7FFFF;
	_ =	strace $0x9000004C  }
0xb4: {  	s29 =	simm.s32 $0x9;
	_ =	strace $0x8000004E  }
0xb5: {  	_ =	swait.ge [sflag:s29], $0x1  }
0xb6: {  	[sflag:s29] =	ssyncadd.s32 $0xFFFFFFFF  }
0xb7: {  	_ =	strace $0x9000004E  }
0xb8: {  	_ =	sfence  }
0xb9: {  	s30 =	sld [smem:$0x0];
	_ =	sdelay $0x2  }
0xba: {  	s31 =	sshll.u32 s1, $0xD;
	s1 =	sshrl.u32 s1, $0x2  }
0xbb: {  	s3 =	sand.u32 $0x4000, s31;
	s1 =	sadd.s32 s1, s30  }
0xbc: {  	s0 =	sor.u32 s3, s0;
	s1 =	sshll.u32 s1, $0x11  }
0xbd: {  	s0 =	sor.u32 s1, s0  }
0xbe: {  	s0 =	sadd.s32 $0x8F2B, s0  }
0xbf: {  	[sflag:s0] =	ssyncadd.remote.s32 $0x1  }
0xc0: {  	_ =	sfence.sel $0xFFFF  }
0xc1: {  	[dreg:$0x0] =	wrdreg $0xFFFFFFFF;
	(pc) =	sbr.abs _section_cstart, $3  }
0xc2: {  	[dreg:$0x1] =	wrdreg $0xFFFFFFFF  }
0xc3: {  	_ =	task.clear_ibuf [dreg:s7], $0x2FFFF;
	_ =	strace $0x9FFFFFFF  }
0xc4: {  	(tm) =	ssettm $0x7FFFFFFF  }
0xc5: {  	_ =	shalt  }
tec
execute0_lowered:
.L_overlay_start_1:
0x0: {  	(tag) =	ssettag $0x1  }
0x1: {  	s0 =	rddreg [dreg:$0x0]  }
0x2: {  	s1 =	rddreg [dreg:$0x1]  }
0x3: {  	s2 =	rddreg [dreg:$0x2]  }
0x4: {  	s3 =	rddreg [dreg:$0x3]  }
0x5: {  	s14 =	stileid.u32;
	s5 =	srdreg.scid  }
0x6: {  	s4 =	simm.s32 $0x0;
	s20 =	simm.s32 $0x4EA0;
	s21 =	simm.s32 $0x4F20  }
0x7: {  	s22 =	simm.s32 $0x4FA0;
	s23 =	simm.s32 $0x5020;
	s24 =	simm.s32 $0x50A0  }
0x8: {  	s25 =	simm.s32 $0x5120;
	s28 =	simm.s32 $0xA320;
	s29 =	simm.s32 $0xAB20  }
0x9: {  	s30 =	simm.s32 $0xB320;
	s31 =	simm.s32 $0xBB20;
	s6 =	smul.u32 $0x2710, s14  }
0xa: {  	s5 =	sand.u32 $0x1, s5;
	[smem:$0x7FF] =	sst s4;
	s8 =	sadd.s32 $0x1800, s0  }
0xb: {  	s26 =	smul.u32 $0x9C0, s14;
	_ =	strace $0x8000004D;
	[dreg:$0x7] =	wrdreg s20  }
0xc: {  	s12 =	sshll.u32 s14, $0x6;
	s19 =	sshll.u32 s14, $0x5;
	[dreg:$0x8] =	wrdreg s21  }
0xd: {  	p0 =	sgt.u32 s14, $0x1;
	s7 =	smul.u32 $0x27100, s5;
	[dreg:$0x9] =	wrdreg s22  }
0xe: {  	s10 =	ssub.s32 $0x2, s5;
	s13 =	smul.u32 $0x4E0, s5;
	[dreg:$0xa] =	wrdreg s23  }
0xf: {  	s16 =	sor.u32 $0x1C03, s12;
	s5 =	sshll.u32 s5, $0x4;
	[dreg:$0xb] =	wrdreg s24  }
0x10: {  	[dreg:$0xc] =	wrdreg s25;
	s20 =	simm.s32 $0x5520;
	s21 =	simm.s32 $0x55A0  }
0x11: {  	s22 =	simm.s32 $0x5620;
	s23 =	simm.s32 $0x56A0;
	[dreg:$0x13] =	wrdreg s20  }
0x12: {  	s24 =	simm.s32 $0x5720;
	s25 =	simm.s32 $0x57A0;
	[dreg:$0x14] =	wrdreg s21  }
0x13: {  	s9 =	sshrl.u32 s6, $0x3;
	s11 =	sshrl.u32 s10, $0x1;
	[dreg:$0x15] =	wrdreg s22  }
0x14: {  	s17 =	sadd.s32 s26, s8;
	s5 =	sor.u32 s5, s19;
	[dreg:$0x16] =	wrdreg s23  }
0x15: {  	s19 =	simm.s32 $0x5420;
	s20 =	simm.s32 $0x6B20;
	[dreg:$0x17] =	wrdreg s24  }
0x16: {  	s21 =	simm.s32 $0x7320;
	s22 =	simm.s32 $0x7B20;
	[dreg:$0x18] =	wrdreg s25  }
0x17: {  	s23 =	simm.s32 $0x8320;
	s24 =	simm.s32 $0x8B20;
	s25 =	simm.s32 $0x9320  }
0x18: {  	s7 =	sadd.s32 s6, s7;
	s9 =	sadd.s32 s9, s0;
	s12 =	sadd.s32 s13, s17  }
0x19: {  	s5 =	sor.u32 $0x9C00, s5;
	[dreg:$0x12] =	wrdreg s19;
	s7 =	sshrl.u32 s7, $0x3  }
0x1a: {  	s15 =	sadd.s32 $0xB600, s9;
	s9 =	sadd.s32 $0x10600, s9;
	[dreg:$0x5] =	wrdreg s12  }
0x1b: {  	s0 =	sadd.s32 s7, s0;
	s7 =	ssub.s32 s10, s11;
	[dreg:$0x1a] =	wrdreg s15  }
0x1c: {  	s10 =	sadd.s32 s26, s1;
	[dreg:$0x1c] =	wrdreg s9;
	s1 =	sadd.s32 s1, s5  }
0x1d: {  	s17 =	simm.s32 $0x80;
	s5 =	sadd.s32 s8, s5;
	[dreg:$0x1d] =	wrdreg s1  }
0x1e: {  	s19 =	simm.s32 $0x6320;
	s26 =	simm.s32 $0x51A0;
	[dreg:$0x1e] =	wrdreg s5  }
0x1f: {  	s11 =	sadd.s32 s6, s2;
	s9 =	simm.s32 $0x52A0;
	[dreg:$0xd] =	wrdreg s26  }
0x20: {  	s6 =	sadd.s32 s6, s3;
	s18 =	sadd.s32 s13, s10;
	[dreg:$0xf] =	wrdreg s9  }
0x21: {  	s15 =	simm.s32 $0x4E20;
	s0 =	sadd.s32 $0x15600, s0;
	[dreg:$0x6] =	wrdreg s18  }
0x22: {  	s5 =	smax.u32 s7, $0x1;
	s7 =	simm.s32 $0x5220;
	[dreg:$0x1f] =	wrdreg s0  }
0x23: {  	s8 =	sshrl.u32 s11, $0x3;
	s11 =	smov.u32 s16;
	[smem:$0x7FB] =	sst s5  }
0x24: {  	s13 =	simm.s32 $0x3;
	s10 =	simm.s32 $0x5320;
	[smem:$0x7FC] =	sst s8  }
0x25: {  	s12 =	sshrl.u32 s6, $0x3;
	s16 =	simm.s32 $0x54A0;
	[dreg:$0xe] =	wrdreg s7  }
0x26: {  	s26 =	simm.s32 $0x5820;
	s1 =	simm.s32 $0x58A0;
	[dreg:$0x10] =	wrdreg s10  }
0x27: {  	s9 =	simm.s32 $0x5AA0;
	s18 =	simm.s32 $0x53A0;
	[dreg:$0x19] =	wrdreg s26  }
0x28: {  	s14 =	smov.u32 s12;
	s26 =	simm.s32 $0x9B20;
	s0 =	simm.s32 $0x1  }
0x29: {  	s5 =	simm.s32 $0x5920;
	s7 =	simm.s32 $0x59A0;
	[dreg:$0x1b] =	wrdreg s11  }
0x2a: {  	s8 =	simm.s32 $0x5A20;
	s10 =	simm.s32 $0x2;
	[dreg:$0x11] =	wrdreg s18  }
0x2b: {  	s12 =	simm.s32 $0x0;
	s18 =	simm.s32 $0x5B20;
	[smem:$0x7FD] =	sst s14  }
.LBB2_1:
0x2c: {  	[smem:$0x7FA] =	sst s12  }
0x2d: {  	s12 =	sld [smem:$0x7FC];
	_ =	sdelay $0x1  }
0x2e: {  	s6 =	rddreg [dreg:$0x1a]  }
0x2f: {  	[spmem:s12], [sflag:s11] =	dma.local [hbm:s6], $0x4E2  }
0x30: {  	_ =	swait.ge [sflag:s13], $0x4E2  }
0x31: {  	[sflag:s13] =	ssyncset.done $0x0  }
0x32: {  	s12 =	rddreg [dreg:$0x1c];
	[sflag:s13] =	ssyncadd.s32 $0xFFFFFB1E  }
0x33: {  	[spmem:s14], [sflag:s11] =	dma.local [hbm:s12], $0x4E2  }
0x34: {  	_ =	swait.ge [sflag:s13], $0x4E2  }
0x35: {  	[sflag:s13] =	ssyncset.done $0x0  }
0x36: {  	[sflag:s13] =	ssyncadd.s32 $0xFFFFFB1E  }
0x37: {  	[bflag:$0x0] =	sbarrier.arrive $0xFFFF  }
0x38: {  	s11 =	rddreg [dreg:$0x6]  }
0x39: {  	s6 =	sadd.s32 $0x0, s11  }
0x3a: {  	[tilespmem:s15], [sflag:$0x3] =	stream.linear.gather [hbm4b:s6+s4], $0x680, $0x38;
	[tilespmem:$0xC320] =	vst v63  }
0x3b: {  	_ =	swait.ge [sflag:s13], $0x680  }
0x3c: {  	s12 =	rddreg [dreg:$0x5];
	[sflag:s13] =	ssyncset.done $0x0  }
0x3d: {  	[sflag:s13] =	ssyncadd.s32 $0xFFFFF980;
	s6 =	sadd.s32 $0x0, s12  }
0x3e: {  	[tilespmem:s16], [sflag:$0x3] =	stream.linear.gather [hbm4b:s6+s4], $0x680, $0x38;
	[tilespmem:$0xC320] =	vst v63  }
0x3f: {  	_ =	swait.ge [sflag:s13], $0x680  }
0x40: {  	[sflag:s13] =	ssyncset.done $0x0  }
0x41: {  	[sflag:s13] =	ssyncadd.s32 $0xFFFFF980  }
0x42: {  	[tilespmem:s18], [sflag:$0x1] =	stream.indirect.gather [spmem:s2], $0x10, s15, s17, $0xb8;
	[tilespmem:$0xC320] =	vst v63  }
0x43: {  	s14 =	rddreg [dreg:$0x7]  }
0x44: {  	[tilespmem:s19], [sflag:$0x1] =	stream.indirect.gather [spmem:s2], $0x10, s14, s17, $0xb8;
	[tilespmem:$0xC320] =	vst v63  }
0x45: {  	s11 =	rddreg [dreg:$0x8]  }
0x46: {  	[tilespmem:s20], [sflag:$0x1] =	stream.indirect.gather [spmem:s2], $0x10, s11, s17, $0xb8;
	[tilespmem:$0xC320] =	vst v63  }
0x47: {  	s14 =	rddreg [dreg:$0x9]  }
0x48: {  	[tilespmem:s21], [sflag:$0x1] =	stream.indirect.gather [spmem:s2], $0x10, s14, s17, $0xb8;
	[tilespmem:$0xC320] =	vst v63  }
0x49: {  	s11 =	rddreg [dreg:$0xa]  }
0x4a: {  	[tilespmem:s22], [sflag:$0x1] =	stream.indirect.gather [spmem:s2], $0x10, s11, s17, $0xb8;
	[tilespmem:$0xC320] =	vst v63  }
0x4b: {  	s14 =	rddreg [dreg:$0xb]  }
0x4c: {  	[tilespmem:s23], [sflag:$0x1] =	stream.indirect.gather [spmem:s2], $0x10, s14, s17, $0xb8;
	[tilespmem:$0xC320] =	vst v63  }
0x4d: {  	s11 =	rddreg [dreg:$0xc]  }
0x4e: {  	[tilespmem:s24], [sflag:$0x1] =	stream.indirect.gather [spmem:s2], $0x10, s11, s17, $0xb8;
	[tilespmem:$0xC320] =	vst v63  }
0x4f: {  	s14 =	rddreg [dreg:$0xd]  }
0x50: {  	[tilespmem:s25], [sflag:$0x1] =	stream.indirect.gather [spmem:s2], $0x10, s14, s17, $0xb8;
	[tilespmem:$0xC320] =	vst v63  }
0x51: {  	s11 =	rddreg [dreg:$0xe]  }
0x52: {  	[tilespmem:s26], [sflag:$0x1] =	stream.indirect.gather [spmem:s2], $0x10, s11, s17, $0xb8;
	[tilespmem:$0xC320] =	vst v63  }
0x53: {  	s14 =	rddreg [dreg:$0xf]  }
0x54: {  	[tilespmem:s28], [sflag:$0x1] =	stream.indirect.gather [spmem:s2], $0x10, s14, s17, $0xb8;
	[tilespmem:$0xC320] =	vst v63  }
0x55: {  	s11 =	rddreg [dreg:$0x10]  }
0x56: {  	[tilespmem:s29], [sflag:$0x1] =	stream.indirect.gather [spmem:s2], $0x10, s11, s17, $0xb8;
	[tilespmem:$0xC320] =	vst v63  }
0x57: {  	s14 =	rddreg [dreg:$0x11]  }
0x58: {  	[tilespmem:s30], [sflag:$0x1] =	stream.indirect.gather [spmem:s2], $0x10, s14, s17, $0xb8;
	[tilespmem:$0xC320] =	vst v63  }
0x59: {  	s11 =	rddreg [dreg:$0x12]  }
0x5a: {  	[tilespmem:s31], [sflag:$0x1] =	stream.indirect.gather [spmem:s2], $0x10, s11, s17, $0xb8;
	[tilespmem:$0xC320] =	vst v63  }
0x5b: {  	_ =	swait.ge [sflag:s0], $0x800  }
0x5c: {  	[sflag:s0] =	ssyncset.done $0x0  }
0x5d: {  	[sflag:s0] =	ssyncadd.s32 $0xFFFFF800  }
0x5e: {  	_ =	swait.ge [sflag:s0], $0x800  }
0x5f: {  	[sflag:s0] =	ssyncset.done $0x0  }
0x60: {  	[sflag:s0] =	ssyncadd.s32 $0xFFFFF800  }
0x61: {  	_ =	swait.ge [sflag:s0], $0x800  }
0x62: {  	[sflag:s0] =	ssyncset.done $0x0  }
0x63: {  	[sflag:s0] =	ssyncadd.s32 $0xFFFFF800  }
0x64: {  	_ =	swait.ge [sflag:s0], $0x800  }
0x65: {  	[sflag:s0] =	ssyncset.done $0x0  }
0x66: {  	[sflag:s0] =	ssyncadd.s32 $0xFFFFF800  }
0x67: {  	_ =	swait.ge [sflag:s0], $0x800  }
0x68: {  	[sflag:s0] =	ssyncset.done $0x0  }
0x69: {  	[sflag:s0] =	ssyncadd.s32 $0xFFFFF800  }
0x6a: {  	_ =	swait.ge [sflag:s0], $0x800  }
0x6b: {  	[sflag:s0] =	ssyncset.done $0x0  }
0x6c: {  	[sflag:s0] =	ssyncadd.s32 $0xFFFFF800  }
0x6d: {  	_ =	swait.ge [sflag:s0], $0x800  }
0x6e: {  	[sflag:s0] =	ssyncset.done $0x0  }
0x6f: {  	[sflag:s0] =	ssyncadd.s32 $0xFFFFF800  }
0x70: {  	_ =	swait.ge [sflag:s0], $0x800  }
0x71: {  	[sflag:s0] =	ssyncset.done $0x0  }
0x72: {  	[sflag:s0] =	ssyncadd.s32 $0xFFFFF800  }
0x73: {  	_ =	swait.ge [sflag:s0], $0x800  }
0x74: {  	[sflag:s0] =	ssyncset.done $0x0  }
0x75: {  	[sflag:s0] =	ssyncadd.s32 $0xFFFFF800  }
0x76: {  	_ =	swait.ge [sflag:s0], $0x800  }
0x77: {  	[sflag:s0] =	ssyncset.done $0x0  }
0x78: {  	[sflag:s0] =	ssyncadd.s32 $0xFFFFF800  }
0x79: {  	_ =	swait.ge [sflag:s0], $0x800  }
0x7a: {  	[sflag:s0] =	ssyncset.done $0x0  }
0x7b: {  	[sflag:s0] =	ssyncadd.s32 $0xFFFFF800  }
0x7c: {  	_ =	swait.ge [sflag:s0], $0x800  }
0x7d: {  	[sflag:s0] =	ssyncset.done $0x0  }
0x7e: {  	[sflag:s0] =	ssyncadd.s32 $0xFFFFF800  }
0x7f: {  	_ =	swait.ge [sflag:s0], $0x800  }
0x80: {  	[sflag:s0] =	ssyncset.done $0x0  }
0x81: {  	[sflag:s0] =	ssyncadd.s32 $0xFFFFF800  }
0x82: {  	[spmem:s3] =	stream.indirect.scatter.add.f32 [tilespmem:s18], [sflag:$0x2], $0x10, s16, s17, $0xb8;
	[tilespmem:$0xC320] =	vst v63  }
0x83: {  	s14 =	rddreg [dreg:$0x13]  }
0x84: {  	[spmem:s3] =	stream.indirect.scatter.add.f32 [tilespmem:s19], [sflag:$0x2], $0x10, s14, s17, $0xb8;
	[tilespmem:$0xC320] =	vst v63  }
0x85: {  	s11 =	rddreg [dreg:$0x14]  }
0x86: {  	[spmem:s3] =	stream.indirect.scatter.add.f32 [tilespmem:s20], [sflag:$0x2], $0x10, s11, s17, $0xb8;
	[tilespmem:$0xC320] =	vst v63  }
0x87: {  	s14 =	rddreg [dreg:$0x15]  }
0x88: {  	[spmem:s3] =	stream.indirect.scatter.add.f32 [tilespmem:s21], [sflag:$0x2], $0x10, s14, s17, $0xb8;
	[tilespmem:$0xC320] =	vst v63  }
0x89: {  	s11 =	rddreg [dreg:$0x16]  }
0x8a: {  	[spmem:s3] =	stream.indirect.scatter.add.f32 [tilespmem:s22], [sflag:$0x2], $0x10, s11, s17, $0xb8;
	[tilespmem:$0xC320] =	vst v63  }
0x8b: {  	s14 =	rddreg [dreg:$0x17]  }
0x8c: {  	[spmem:s3] =	stream.indirect.scatter.add.f32 [tilespmem:s23], [sflag:$0x2], $0x10, s14, s17, $0xb8;
	[tilespmem:$0xC320] =	vst v63  }
0x8d: {  	s11 =	rddreg [dreg:$0x18]  }
0x8e: {  	[spmem:s3] =	stream.indirect.scatter.add.f32 [tilespmem:s24], [sflag:$0x2], $0x10, s11, s17, $0xb8;
	[tilespmem:$0xC320] =	vst v63  }
0x8f: {  	s14 =	rddreg [dreg:$0x19]  }
0x90: {  	[spmem:s3] =	stream.indirect.scatter.add.f32 [tilespmem:s25], [sflag:$0x2], $0x10, s14, s17, $0xb8;
	[tilespmem:$0xC320] =	vst v63  }
0x91: {  	_ = 	snop  }
0x92: {  	[spmem:s3] =	stream.indirect.scatter.add.f32 [tilespmem:s26], [sflag:$0x2], $0x10, s1, s17, $0xb8;
	[tilespmem:$0xC320] =	vst v63  }
0x93: {  	_ = 	snop  }
0x94: {  	[spmem:s3] =	stream.indirect.scatter.add.f32 [tilespmem:s28], [sflag:$0x2], $0x10, s5, s17, $0xb8;
	[tilespmem:$0xC320] =	vst v63  }
0x95: {  	_ = 	snop  }
0x96: {  	[spmem:s3] =	stream.indirect.scatter.add.f32 [tilespmem:s29], [sflag:$0x2], $0x10, s7, s17, $0xb8;
	[tilespmem:$0xC320] =	vst v63  }
0x97: {  	_ = 	snop  }
0x98: {  	[spmem:s3] =	stream.indirect.scatter.add.f32 [tilespmem:s30], [sflag:$0x2], $0x10, s8, s17, $0xb8;
	[tilespmem:$0xC320] =	vst v63  }
0x99: {  	_ = 	snop  }
0x9a: {  	[spmem:s3] =	stream.indirect.scatter.add.f32 [tilespmem:s31], [sflag:$0x2], $0x10, s9, s17, $0xb8;
	[tilespmem:$0xC320] =	vst v63  }
0x9b: {  	_ =	swait.ge [sflag:s10], $0x800  }
0x9c: {  	[sflag:s10] =	ssyncset.done $0x0  }
0x9d: {  	[sflag:s10] =	ssyncadd.s32 $0xFFFFF800  }
0x9e: {  	_ =	swait.ge [sflag:s10], $0x800  }
0x9f: {  	[sflag:s10] =	ssyncset.done $0x0  }
0xa0: {  	[sflag:s10] =	ssyncadd.s32 $0xFFFFF800  }
0xa1: {  	_ =	swait.ge [sflag:s10], $0x800  }
0xa2: {  	[sflag:s10] =	ssyncset.done $0x0  }
0xa3: {  	[sflag:s10] =	ssyncadd.s32 $0xFFFFF800  }
0xa4: {  	_ =	swait.ge [sflag:s10], $0x800  }
0xa5: {  	[sflag:s10] =	ssyncset.done $0x0  }
0xa6: {  	[sflag:s10] =	ssyncadd.s32 $0xFFFFF800  }
0xa7: {  	_ =	swait.ge [sflag:s10], $0x800  }
0xa8: {  	[sflag:s10] =	ssyncset.done $0x0  }
0xa9: {  	[sflag:s10] =	ssyncadd.s32 $0xFFFFF800  }
0xaa: {  	_ =	swait.ge [sflag:s10], $0x800  }
0xab: {  	[sflag:s10] =	ssyncset.done $0x0  }
0xac: {  	[sflag:s10] =	ssyncadd.s32 $0xFFFFF800  }
0xad: {  	_ =	swait.ge [sflag:s10], $0x800  }
0xae: {  	[sflag:s10] =	ssyncset.done $0x0  }
0xaf: {  	[sflag:s10] =	ssyncadd.s32 $0xFFFFF800  }
0xb0: {  	_ =	swait.ge [sflag:s10], $0x800  }
0xb1: {  	[sflag:s10] =	ssyncset.done $0x0  }
0xb2: {  	[sflag:s10] =	ssyncadd.s32 $0xFFFFF800  }
0xb3: {  	_ =	swait.ge [sflag:s10], $0x800  }
0xb4: {  	[sflag:s10] =	ssyncset.done $0x0  }
0xb5: {  	[sflag:s10] =	ssyncadd.s32 $0xFFFFF800  }
0xb6: {  	_ =	swait.ge [sflag:s10], $0x800  }
0xb7: {  	[sflag:s10] =	ssyncset.done $0x0  }
0xb8: {  	[sflag:s10] =	ssyncadd.s32 $0xFFFFF800  }
0xb9: {  	_ =	swait.ge [sflag:s10], $0x800  }
0xba: {  	[sflag:s10] =	ssyncset.done $0x0  }
0xbb: {  	[sflag:s10] =	ssyncadd.s32 $0xFFFFF800  }
0xbc: {  	_ =	swait.ge [sflag:s10], $0x800  }
0xbd: {  	[sflag:s10] =	ssyncset.done $0x0  }
0xbe: {  	[sflag:s10] =	ssyncadd.s32 $0xFFFFF800  }
0xbf: {  	s12 =	simm.s32 $0xD0;
	_ =	swait.ge [sflag:s10], $0x800  }
0xc0: {  	s14 =	simm.s32 $0x1A0;
	s6 =	rddreg [dreg:$0x6];
	[sflag:s10] =	ssyncset.done $0x0  }
.LBB2_2:
0xc1: {  	[sflag:s10] =	ssyncadd.s32 $0xFFFFF800;
	s6 =	sadd.s32 s12, s6  }
0xc2: {  	[tilespmem:s15], [sflag:$0x3] =	stream.linear.gather [hbm4b:s6+s4], $0x680, $0x38;
	[tilespmem:$0xC320] =	vst v63  }
0xc3: {  	_ =	swait.ge [sflag:s13], $0x680  }
0xc4: {  	s6 =	rddreg [dreg:$0x5];
	[sflag:s13] =	ssyncset.done $0x0  }
0xc5: {  	[sflag:s13] =	ssyncadd.s32 $0xFFFFF980;
	s6 =	sadd.s32 s12, s6  }
0xc6: {  	[tilespmem:s16], [sflag:$0x3] =	stream.linear.gather [hbm4b:s6+s4], $0x680, $0x38;
	[tilespmem:$0xC320] =	vst v63  }
0xc7: {  	_ =	swait.ge [sflag:s13], $0x680  }
0xc8: {  	[sflag:s13] =	ssyncset.done $0x0  }
0xc9: {  	[sflag:s13] =	ssyncadd.s32 $0xFFFFF980  }
0xca: {  	[tilespmem:s18], [sflag:$0x1] =	stream.indirect.gather [spmem:s2], $0x10, s15, s17, $0xb8;
	[tilespmem:$0xC320] =	vst v63  }
0xcb: {  	s11 =	smov.u32 s14;
	s6 =	rddreg [dreg:$0x7]  }
0xcc: {  	[tilespmem:s19], [sflag:$0x1] =	stream.indirect.gather [spmem:s2], $0x10, s6, s17, $0xb8;
	[tilespmem:$0xC320] =	vst v63  }
0xcd: {  	s12 =	smov.u32 s11;
	s11 =	rddreg [dreg:$0x8]  }
0xce: {  	[tilespmem:s20], [sflag:$0x1] =	stream.indirect.gather [spmem:s2], $0x10, s11, s17, $0xb8;
	[tilespmem:$0xC320] =	vst v63  }
0xcf: {  	s6 =	rddreg [dreg:$0x9]  }
0xd0: {  	[tilespmem:s21], [sflag:$0x1] =	stream.indirect.gather [spmem:s2], $0x10, s6, s17, $0xb8;
	[tilespmem:$0xC320] =	vst v63  }
0xd1: {  	s11 =	rddreg [dreg:$0xa]  }
0xd2: {  	[tilespmem:s22], [sflag:$0x1] =	stream.indirect.gather [spmem:s2], $0x10, s11, s17, $0xb8;
	[tilespmem:$0xC320] =	vst v63  }
0xd3: {  	s6 =	rddreg [dreg:$0xb]  }
0xd4: {  	[tilespmem:s23], [sflag:$0x1] =	stream.indirect.gather [spmem:s2], $0x10, s6, s17, $0xb8;
	[tilespmem:$0xC320] =	vst v63  }
0xd5: {  	s11 =	rddreg [dreg:$0xc]  }
0xd6: {  	[tilespmem:s24], [sflag:$0x1] =	stream.indirect.gather [spmem:s2], $0x10, s11, s17, $0xb8;
	[tilespmem:$0xC320] =	vst v63  }
0xd7: {  	s6 =	rddreg [dreg:$0xd]  }
0xd8: {  	[tilespmem:s25], [sflag:$0x1] =	stream.indirect.gather [spmem:s2], $0x10, s6, s17, $0xb8;
	[tilespmem:$0xC320] =	vst v63  }
0xd9: {  	s11 =	rddreg [dreg:$0xe]  }
0xda: {  	[tilespmem:s26], [sflag:$0x1] =	stream.indirect.gather [spmem:s2], $0x10, s11, s17, $0xb8;
	[tilespmem:$0xC320] =	vst v63  }
0xdb: {  	s6 =	rddreg [dreg:$0xf]  }
0xdc: {  	[tilespmem:s28], [sflag:$0x1] =	stream.indirect.gather [spmem:s2], $0x10, s6, s17, $0xb8;
	[tilespmem:$0xC320] =	vst v63  }
0xdd: {  	s11 =	rddreg [dreg:$0x10]  }
0xde: {  	[tilespmem:s29], [sflag:$0x1] =	stream.indirect.gather [spmem:s2], $0x10, s11, s17, $0xb8;
	[tilespmem:$0xC320] =	vst v63  }
0xdf: {  	s6 =	rddreg [dreg:$0x11]  }
0xe0: {  	[tilespmem:s30], [sflag:$0x1] =	stream.indirect.gather [spmem:s2], $0x10, s6, s17, $0xb8;
	[tilespmem:$0xC320] =	vst v63  }
0xe1: {  	s11 =	rddreg [dreg:$0x12]  }
0xe2: {  	[tilespmem:s31], [sflag:$0x1] =	stream.indirect.gather [spmem:s2], $0x10, s11, s17, $0xb8;
	[tilespmem:$0xC320] =	vst v63  }
0xe3: {  	_ =	swait.ge [sflag:s0], $0x800  }
0xe4: {  	[sflag:s0] =	ssyncset.done $0x0  }
0xe5: {  	[sflag:s0] =	ssyncadd.s32 $0xFFFFF800  }
0xe6: {  	_ =	swait.ge [sflag:s0], $0x800  }
0xe7: {  	[sflag:s0] =	ssyncset.done $0x0  }
0xe8: {  	[sflag:s0] =	ssyncadd.s32 $0xFFFFF800  }
0xe9: {  	_ =	swait.ge [sflag:s0], $0x800  }
0xea: {  	[sflag:s0] =	ssyncset.done $0x0  }
0xeb: {  	[sflag:s0] =	ssyncadd.s32 $0xFFFFF800  }
0xec: {  	_ =	swait.ge [sflag:s0], $0x800  }
0xed: {  	[sflag:s0] =	ssyncset.done $0x0  }
0xee: {  	[sflag:s0] =	ssyncadd.s32 $0xFFFFF800  }
0xef: {  	_ =	swait.ge [sflag:s0], $0x800  }
0xf0: {  	[sflag:s0] =	ssyncset.done $0x0  }
0xf1: {  	[sflag:s0] =	ssyncadd.s32 $0xFFFFF800  }
0xf2: {  	_ =	swait.ge [sflag:s0], $0x800  }
0xf3: {  	[sflag:s0] =	ssyncset.done $0x0  }
0xf4: {  	[sflag:s0] =	ssyncadd.s32 $0xFFFFF800  }
0xf5: {  	_ =	swait.ge [sflag:s0], $0x800  }
0xf6: {  	[sflag:s0] =	ssyncset.done $0x0  }
0xf7: {  	[sflag:s0] =	ssyncadd.s32 $0xFFFFF800  }
0xf8: {  	_ =	swait.ge [sflag:s0], $0x800  }
0xf9: {  	[sflag:s0] =	ssyncset.done $0x0  }
0xfa: {  	[sflag:s0] =	ssyncadd.s32 $0xFFFFF800  }
0xfb: {  	_ =	swait.ge [sflag:s0], $0x800  }
0xfc: {  	[sflag:s0] =	ssyncset.done $0x0  }
0xfd: {  	[sflag:s0] =	ssyncadd.s32 $0xFFFFF800  }
0xfe: {  	_ =	swait.ge [sflag:s0], $0x800  }
0xff: {  	[sflag:s0] =	ssyncset.done $0x0  }
0x100: {  	[sflag:s0] =	ssyncadd.s32 $0xFFFFF800  }
0x101: {  	_ =	swait.ge [sflag:s0], $0x800  }
0x102: {  	[sflag:s0] =	ssyncset.done $0x0  }
0x103: {  	[sflag:s0] =	ssyncadd.s32 $0xFFFFF800  }
0x104: {  	_ =	swait.ge [sflag:s0], $0x800  }
0x105: {  	[sflag:s0] =	ssyncset.done $0x0  }
0x106: {  	[sflag:s0] =	ssyncadd.s32 $0xFFFFF800  }
0x107: {  	_ =	swait.ge [sflag:s0], $0x800  }
0x108: {  	[sflag:s0] =	ssyncset.done $0x0  }
0x109: {  	[sflag:s0] =	ssyncadd.s32 $0xFFFFF800  }
0x10a: {  	[spmem:s3] =	stream.indirect.scatter.add.f32 [tilespmem:s18], [sflag:$0x2], $0x10, s16, s17, $0xb8;
	[tilespmem:$0xC320] =	vst v63  }
0x10b: {  	s6 =	rddreg [dreg:$0x13]  }
0x10c: {  	[spmem:s3] =	stream.indirect.scatter.add.f32 [tilespmem:s19], [sflag:$0x2], $0x10, s6, s17, $0xb8;
	[tilespmem:$0xC320] =	vst v63  }
0x10d: {  	s11 =	rddreg [dreg:$0x14]  }
0x10e: {  	[spmem:s3] =	stream.indirect.scatter.add.f32 [tilespmem:s20], [sflag:$0x2], $0x10, s11, s17, $0xb8;
	[tilespmem:$0xC320] =	vst v63  }
0x10f: {  	s6 =	rddreg [dreg:$0x15]  }
0x110: {  	[spmem:s3] =	stream.indirect.scatter.add.f32 [tilespmem:s21], [sflag:$0x2], $0x10, s6, s17, $0xb8;
	[tilespmem:$0xC320] =	vst v63  }
0x111: {  	s11 =	rddreg [dreg:$0x16]  }
0x112: {  	[spmem:s3] =	stream.indirect.scatter.add.f32 [tilespmem:s22], [sflag:$0x2], $0x10, s11, s17, $0xb8;
	[tilespmem:$0xC320] =	vst v63  }
0x113: {  	s6 =	rddreg [dreg:$0x17]  }
0x114: {  	[spmem:s3] =	stream.indirect.scatter.add.f32 [tilespmem:s23], [sflag:$0x2], $0x10, s6, s17, $0xb8;
	[tilespmem:$0xC320] =	vst v63  }
0x115: {  	s11 =	rddreg [dreg:$0x18]  }
0x116: {  	[spmem:s3] =	stream.indirect.scatter.add.f32 [tilespmem:s24], [sflag:$0x2], $0x10, s11, s17, $0xb8;
	[tilespmem:$0xC320] =	vst v63  }
0x117: {  	s6 =	rddreg [dreg:$0x19]  }
0x118: {  	[spmem:s3] =	stream.indirect.scatter.add.f32 [tilespmem:s25], [sflag:$0x2], $0x10, s6, s17, $0xb8;
	[tilespmem:$0xC320] =	vst v63  }
0x119: {  	_ = 	snop  }
0x11a: {  	[spmem:s3] =	stream.indirect.scatter.add.f32 [tilespmem:s26], [sflag:$0x2], $0x10, s1, s17, $0xb8;
	[tilespmem:$0xC320] =	vst v63  }
0x11b: {  	_ = 	snop  }
0x11c: {  	[spmem:s3] =	stream.indirect.scatter.add.f32 [tilespmem:s28], [sflag:$0x2], $0x10, s5, s17, $0xb8;
	[tilespmem:$0xC320] =	vst v63  }
0x11d: {  	_ = 	snop  }
0x11e: {  	[spmem:s3] =	stream.indirect.scatter.add.f32 [tilespmem:s29], [sflag:$0x2], $0x10, s7, s17, $0xb8;
	[tilespmem:$0xC320] =	vst v63  }
0x11f: {  	_ = 	snop  }
0x120: {  	[spmem:s3] =	stream.indirect.scatter.add.f32 [tilespmem:s30], [sflag:$0x2], $0x10, s8, s17, $0xb8;
	[tilespmem:$0xC320] =	vst v63  }
0x121: {  	_ = 	snop  }
0x122: {  	[spmem:s3] =	stream.indirect.scatter.add.f32 [tilespmem:s31], [sflag:$0x2], $0x10, s9, s17, $0xb8;
	[tilespmem:$0xC320] =	vst v63  }
0x123: {  	_ =	swait.ge [sflag:s10], $0x800  }
0x124: {  	[sflag:s10] =	ssyncset.done $0x0  }
0x125: {  	[sflag:s10] =	ssyncadd.s32 $0xFFFFF800  }
0x126: {  	_ =	swait.ge [sflag:s10], $0x800  }
0x127: {  	[sflag:s10] =	ssyncset.done $0x0  }
0x128: {  	[sflag:s10] =	ssyncadd.s32 $0xFFFFF800  }
0x129: {  	_ =	swait.ge [sflag:s10], $0x800  }
0x12a: {  	[sflag:s10] =	ssyncset.done $0x0  }
0x12b: {  	[sflag:s10] =	ssyncadd.s32 $0xFFFFF800  }
0x12c: {  	_ =	swait.ge [sflag:s10], $0x800  }
0x12d: {  	[sflag:s10] =	ssyncset.done $0x0  }
0x12e: {  	[sflag:s10] =	ssyncadd.s32 $0xFFFFF800  }
0x12f: {  	_ =	swait.ge [sflag:s10], $0x800  }
0x130: {  	[sflag:s10] =	ssyncset.done $0x0  }
0x131: {  	[sflag:s10] =	ssyncadd.s32 $0xFFFFF800  }
0x132: {  	_ =	swait.ge [sflag:s10], $0x800  }
0x133: {  	[sflag:s10] =	ssyncset.done $0x0  }
0x134: {  	[sflag:s10] =	ssyncadd.s32 $0xFFFFF800  }
0x135: {  	_ =	swait.ge [sflag:s10], $0x800  }
0x136: {  	[sflag:s10] =	ssyncset.done $0x0  }
0x137: {  	[sflag:s10] =	ssyncadd.s32 $0xFFFFF800  }
0x138: {  	_ =	swait.ge [sflag:s10], $0x800  }
0x139: {  	[sflag:s10] =	ssyncset.done $0x0  }
0x13a: {  	[sflag:s10] =	ssyncadd.s32 $0xFFFFF800  }
0x13b: {  	_ =	swait.ge [sflag:s10], $0x800  }
0x13c: {  	[sflag:s10] =	ssyncset.done $0x0  }
0x13d: {  	[sflag:s10] =	ssyncadd.s32 $0xFFFFF800  }
0x13e: {  	_ =	swait.ge [sflag:s10], $0x800  }
0x13f: {  	[sflag:s10] =	ssyncset.done $0x0  }
0x140: {  	[sflag:s10] =	ssyncadd.s32 $0xFFFFF800  }
0x141: {  	_ =	swait.ge [sflag:s10], $0x800  }
0x142: {  	[sflag:s10] =	ssyncset.done $0x0  }
0x143: {  	p1 =	sne.s32 s14, $0x410;
	[sflag:s10] =	ssyncadd.s32 $0xFFFFF800  }
.Ltmp0:
0x144: {  	_ =	swait.ge [sflag:s10], $0x800;
	(pc) =	sbr.rel @p1 .LBB2_2-.Ltmp0, $4  }
0x145: {  	[sflag:s10] =	ssyncset.done $0x0  }
0x146: {  	[sflag:s10] =	ssyncadd.s32 $0xFFFFF800  }
0x147: {  	_ =	swait.ge [sflag:s10], $0x800  }
0x148: {  	s14 =	sadd.s32 $0xD0, s14;
	s6 =	rddreg [dreg:$0x6];
	[sflag:s10] =	ssyncset.done $0x0  }
0x149: {  	[sflag:s10] =	ssyncadd.s32 $0xFFFFF800;
	s6 =	sadd.s32 s12, s6  }
0x14a: {  	[tilespmem:s15], [sflag:$0x3] =	stream.linear.gather [hbm4b:s6+s4], $0x680, $0x38;
	[tilespmem:$0xC320] =	vst v63  }
0x14b: {  	_ =	swait.ge [sflag:s13], $0x680  }
0x14c: {  	s11 =	rddreg [dreg:$0x5];
	[sflag:s13] =	ssyncset.done $0x0  }
0x14d: {  	[sflag:s13] =	ssyncadd.s32 $0xFFFFF980;
	s6 =	sadd.s32 s12, s11  }
0x14e: {  	[tilespmem:s16], [sflag:$0x3] =	stream.linear.gather [hbm4b:s6+s4], $0x680, $0x38;
	[tilespmem:$0xC320] =	vst v63  }
0x14f: {  	_ =	swait.ge [sflag:s13], $0x680  }
0x150: {  	[sflag:s13] =	ssyncset.done $0x0  }
0x151: {  	[sflag:s13] =	ssyncadd.s32 $0xFFFFF980  }
0x152: {  	[tilespmem:s18], [sflag:$0x1] =	stream.indirect.gather [spmem:s2], $0x10, s15, s17, $0xb8;
	[tilespmem:$0xC320] =	vst v63  }
0x153: {  	s14 =	rddreg [dreg:$0x7]  }
0x154: {  	[tilespmem:s19], [sflag:$0x1] =	stream.indirect.gather [spmem:s2], $0x10, s14, s17, $0xb8;
	[tilespmem:$0xC320] =	vst v63  }
0x155: {  	s11 =	rddreg [dreg:$0x8]  }
0x156: {  	[tilespmem:s20], [sflag:$0x1] =	stream.indirect.gather [spmem:s2], $0x10, s11, s17, $0xb8;
	[tilespmem:$0xC320] =	vst v63  }
0x157: {  	s12 =	rddreg [dreg:$0x9]  }
0x158: {  	[tilespmem:s21], [sflag:$0x1] =	stream.indirect.gather [spmem:s2], $0x10, s12, s17, $0xb8;
	[tilespmem:$0xC320] =	vst v63  }
0x159: {  	s14 =	rddreg [dreg:$0xa]  }
0x15a: {  	[tilespmem:s22], [sflag:$0x1] =	stream.indirect.gather [spmem:s2], $0x10, s14, s17, $0xb8;
	[tilespmem:$0xC320] =	vst v63  }
0x15b: {  	s12 =	rddreg [dreg:$0xb]  }
0x15c: {  	[tilespmem:s23], [sflag:$0x1] =	stream.indirect.gather [spmem:s2], $0x10, s12, s17, $0xb8;
	[tilespmem:$0xC320] =	vst v63  }
0x15d: {  	s14 =	rddreg [dreg:$0xc]  }
0x15e: {  	[tilespmem:s24], [sflag:$0x1] =	stream.indirect.gather [spmem:s2], $0x10, s14, s17, $0xb8;
	[tilespmem:$0xC320] =	vst v63  }
0x15f: {  	s12 =	rddreg [dreg:$0xd]  }
0x160: {  	[tilespmem:s25], [sflag:$0x1] =	stream.indirect.gather [spmem:s2], $0x10, s12, s17, $0xb8;
	[tilespmem:$0xC320] =	vst v63  }
0x161: {  	s14 =	rddreg [dreg:$0xe]  }
0x162: {  	[tilespmem:s26], [sflag:$0x1] =	stream.indirect.gather [spmem:s2], $0x10, s14, s17, $0xb8;
	[tilespmem:$0xC320] =	vst v63  }
0x163: {  	s12 =	rddreg [dreg:$0xf]  }
0x164: {  	[tilespmem:s28], [sflag:$0x1] =	stream.indirect.gather [spmem:s2], $0x10, s12, s17, $0xb8;
	[tilespmem:$0xC320] =	vst v63  }
0x165: {  	s14 =	rddreg [dreg:$0x10]  }
0x166: {  	[tilespmem:s29], [sflag:$0x1] =	stream.indirect.gather [spmem:s2], $0x10, s14, s17, $0xb8;
	[tilespmem:$0xC320] =	vst v63  }
0x167: {  	s12 =	rddreg [dreg:$0x11]  }
0x168: {  	[tilespmem:s30], [sflag:$0x1] =	stream.indirect.gather [spmem:s2], $0x10, s12, s17, $0xb8;
	[tilespmem:$0xC320] =	vst v63  }
0x169: {  	s14 =	rddreg [dreg:$0x12]  }
0x16a: {  	[tilespmem:s31], [sflag:$0x1] =	stream.indirect.gather [spmem:s2], $0x10, s14, s17, $0xb8;
	[tilespmem:$0xC320] =	vst v63  }
0x16b: {  	_ =	swait.ge [sflag:s0], $0x800  }
0x16c: {  	[sflag:s0] =	ssyncset.done $0x0  }
0x16d: {  	[sflag:s0] =	ssyncadd.s32 $0xFFFFF800  }
0x16e: {  	_ =	swait.ge [sflag:s0], $0x800  }
0x16f: {  	[sflag:s0] =	ssyncset.done $0x0  }
0x170: {  	[sflag:s0] =	ssyncadd.s32 $0xFFFFF800  }
0x171: {  	_ =	swait.ge [sflag:s0], $0x800  }
0x172: {  	[sflag:s0] =	ssyncset.done $0x0  }
0x173: {  	[sflag:s0] =	ssyncadd.s32 $0xFFFFF800  }
0x174: {  	_ =	swait.ge [sflag:s0], $0x800  }
0x175: {  	[sflag:s0] =	ssyncset.done $0x0  }
0x176: {  	[sflag:s0] =	ssyncadd.s32 $0xFFFFF800  }
0x177: {  	_ =	swait.ge [sflag:s0], $0x800  }
0x178: {  	[sflag:s0] =	ssyncset.done $0x0  }
0x179: {  	[sflag:s0] =	ssyncadd.s32 $0xFFFFF800  }
0x17a: {  	_ =	swait.ge [sflag:s0], $0x800  }
0x17b: {  	[sflag:s0] =	ssyncset.done $0x0  }
0x17c: {  	[sflag:s0] =	ssyncadd.s32 $0xFFFFF800  }
0x17d: {  	_ =	swait.ge [sflag:s0], $0x800  }
0x17e: {  	[sflag:s0] =	ssyncset.done $0x0  }
0x17f: {  	[sflag:s0] =	ssyncadd.s32 $0xFFFFF800  }
0x180: {  	_ =	swait.ge [sflag:s0], $0x800  }
0x181: {  	[sflag:s0] =	ssyncset.done $0x0  }
0x182: {  	[sflag:s0] =	ssyncadd.s32 $0xFFFFF800  }
0x183: {  	_ =	swait.ge [sflag:s0], $0x800  }
0x184: {  	[sflag:s0] =	ssyncset.done $0x0  }
0x185: {  	[sflag:s0] =	ssyncadd.s32 $0xFFFFF800  }
0x186: {  	_ =	swait.ge [sflag:s0], $0x800  }
0x187: {  	[sflag:s0] =	ssyncset.done $0x0  }
0x188: {  	[sflag:s0] =	ssyncadd.s32 $0xFFFFF800  }
0x189: {  	_ =	swait.ge [sflag:s0], $0x800  }
0x18a: {  	[sflag:s0] =	ssyncset.done $0x0  }
0x18b: {  	[sflag:s0] =	ssyncadd.s32 $0xFFFFF800  }
0x18c: {  	_ =	swait.ge [sflag:s0], $0x800  }
0x18d: {  	[sflag:s0] =	ssyncset.done $0x0  }
0x18e: {  	[sflag:s0] =	ssyncadd.s32 $0xFFFFF800  }
0x18f: {  	_ =	swait.ge [sflag:s0], $0x800  }
0x190: {  	[sflag:s0] =	ssyncset.done $0x0  }
0x191: {  	[sflag:s0] =	ssyncadd.s32 $0xFFFFF800  }
0x192: {  	[spmem:s3] =	stream.indirect.scatter.add.f32 [tilespmem:s18], [sflag:$0x2], $0x10, s16, s17, $0xb8;
	[tilespmem:$0xC320] =	vst v63  }
0x193: {  	s11 =	rddreg [dreg:$0x13]  }
0x194: {  	[spmem:s3] =	stream.indirect.scatter.add.f32 [tilespmem:s19], [sflag:$0x2], $0x10, s11, s17, $0xb8;
	[tilespmem:$0xC320] =	vst v63  }
0x195: {  	s12 =	rddreg [dreg:$0x14]  }
0x196: {  	[spmem:s3] =	stream.indirect.scatter.add.f32 [tilespmem:s20], [sflag:$0x2], $0x10, s12, s17, $0xb8;
	[tilespmem:$0xC320] =	vst v63  }
0x197: {  	s14 =	rddreg [dreg:$0x15]  }
0x198: {  	[spmem:s3] =	stream.indirect.scatter.add.f32 [tilespmem:s21], [sflag:$0x2], $0x10, s14, s17, $0xb8;
	[tilespmem:$0xC320] =	vst v63  }
0x199: {  	s12 =	rddreg [dreg:$0x16]  }
0x19a: {  	[spmem:s3] =	stream.indirect.scatter.add.f32 [tilespmem:s22], [sflag:$0x2], $0x10, s12, s17, $0xb8;
	[tilespmem:$0xC320] =	vst v63  }
0x19b: {  	s14 =	rddreg [dreg:$0x17]  }
0x19c: {  	[spmem:s3] =	stream.indirect.scatter.add.f32 [tilespmem:s23], [sflag:$0x2], $0x10, s14, s17, $0xb8;
	[tilespmem:$0xC320] =	vst v63  }
0x19d: {  	s12 =	rddreg [dreg:$0x18]  }
0x19e: {  	[spmem:s3] =	stream.indirect.scatter.add.f32 [tilespmem:s24], [sflag:$0x2], $0x10, s12, s17, $0xb8;
	[tilespmem:$0xC320] =	vst v63  }
0x19f: {  	s14 =	rddreg [dreg:$0x19]  }
0x1a0: {  	[spmem:s3] =	stream.indirect.scatter.add.f32 [tilespmem:s25], [sflag:$0x2], $0x10, s14, s17, $0xb8;
	[tilespmem:$0xC320] =	vst v63  }
0x1a1: {  	_ = 	snop  }
0x1a2: {  	[spmem:s3] =	stream.indirect.scatter.add.f32 [tilespmem:s26], [sflag:$0x2], $0x10, s1, s17, $0xb8;
	[tilespmem:$0xC320] =	vst v63  }
0x1a3: {  	_ = 	snop  }
0x1a4: {  	[spmem:s3] =	stream.indirect.scatter.add.f32 [tilespmem:s28], [sflag:$0x2], $0x10, s5, s17, $0xb8;
	[tilespmem:$0xC320] =	vst v63  }
0x1a5: {  	_ = 	snop  }
0x1a6: {  	[spmem:s3] =	stream.indirect.scatter.add.f32 [tilespmem:s29], [sflag:$0x2], $0x10, s7, s17, $0xb8;
	[tilespmem:$0xC320] =	vst v63  }
0x1a7: {  	_ = 	snop  }
0x1a8: {  	[spmem:s3] =	stream.indirect.scatter.add.f32 [tilespmem:s30], [sflag:$0x2], $0x10, s8, s17, $0xb8;
	[tilespmem:$0xC320] =	vst v63  }
0x1a9: {  	_ = 	snop  }
0x1aa: {  	[spmem:s3] =	stream.indirect.scatter.add.f32 [tilespmem:s31], [sflag:$0x2], $0x10, s9, s17, $0xb8;
	[tilespmem:$0xC320] =	vst v63  }
0x1ab: {  	_ =	swait.ge [sflag:s10], $0x800  }
0x1ac: {  	[sflag:s10] =	ssyncset.done $0x0  }
0x1ad: {  	[sflag:s10] =	ssyncadd.s32 $0xFFFFF800  }
0x1ae: {  	_ =	swait.ge [sflag:s10], $0x800  }
0x1af: {  	[sflag:s10] =	ssyncset.done $0x0  }
0x1b0: {  	[sflag:s10] =	ssyncadd.s32 $0xFFFFF800  }
0x1b1: {  	_ =	swait.ge [sflag:s10], $0x800  }
0x1b2: {  	[sflag:s10] =	ssyncset.done $0x0  }
0x1b3: {  	[sflag:s10] =	ssyncadd.s32 $0xFFFFF800  }
0x1b4: {  	_ =	swait.ge [sflag:s10], $0x800  }
0x1b5: {  	[sflag:s10] =	ssyncset.done $0x0  }
0x1b6: {  	[sflag:s10] =	ssyncadd.s32 $0xFFFFF800  }
0x1b7: {  	_ =	swait.ge [sflag:s10], $0x800  }
0x1b8: {  	[sflag:s10] =	ssyncset.done $0x0  }
0x1b9: {  	[sflag:s10] =	ssyncadd.s32 $0xFFFFF800  }
0x1ba: {  	_ =	swait.ge [sflag:s10], $0x800  }
0x1bb: {  	[sflag:s10] =	ssyncset.done $0x0  }
0x1bc: {  	[sflag:s10] =	ssyncadd.s32 $0xFFFFF800  }
0x1bd: {  	_ =	swait.ge [sflag:s10], $0x800  }
0x1be: {  	[sflag:s10] =	ssyncset.done $0x0  }
0x1bf: {  	[sflag:s10] =	ssyncadd.s32 $0xFFFFF800  }
0x1c0: {  	_ =	swait.ge [sflag:s10], $0x800  }
0x1c1: {  	[sflag:s10] =	ssyncset.done $0x0  }
0x1c2: {  	[sflag:s10] =	ssyncadd.s32 $0xFFFFF800  }
0x1c3: {  	_ =	swait.ge [sflag:s10], $0x800  }
0x1c4: {  	[sflag:s10] =	ssyncset.done $0x0  }
0x1c5: {  	[sflag:s10] =	ssyncadd.s32 $0xFFFFF800  }
0x1c6: {  	_ =	swait.ge [sflag:s10], $0x800  }
0x1c7: {  	[sflag:s10] =	ssyncset.done $0x0  }
0x1c8: {  	[sflag:s10] =	ssyncadd.s32 $0xFFFFF800  }
0x1c9: {  	_ =	swait.ge [sflag:s10], $0x800  }
0x1ca: {  	[sflag:s10] =	ssyncset.done $0x0  }
0x1cb: {  	[sflag:s10] =	ssyncadd.s32 $0xFFFFF800  }
0x1cc: {  	_ =	swait.ge [sflag:s10], $0x800  }
0x1cd: {  	[sflag:s10] =	ssyncset.done $0x0  }
0x1ce: {  	[sflag:s10] =	ssyncadd.s32 $0xFFFFF800  }
0x1cf: {  	_ =	swait.ge [sflag:s10], $0x800  }
0x1d0: {  	s6 =	simm.s32 @!p0 $0x0;
	[sflag:s10] =	ssyncset.done $0x0  }
0x1d1: {  	s11 =	simm.s32 @!p0 $0x4E20;
	s12 =	rddreg [dreg:$0x1d];
	[sflag:s10] =	ssyncadd.s32 $0xFFFFF800  }
0x1d2: {  	[tilespmem:s11], [sflag:$0x3] =	stream.linear.gather @!p0 [hbm4b:s12+s6], $0x80, $0x38;
	[tilespmem:$0xC320] =	vst v63  }
0x1d3: {  	s12 =	simm.s32 @!p0 $0x3  }
0x1d4: {  	_ =	swait.ge @!p0 [sflag:s12], $0x80  }
0x1d5: {  	[sflag:s12] =	ssyncset.done @!p0 $0x0  }
0x1d6: {  	s14 =	simm.s32 @!p0 $0x54A0;
	s11 =	rddreg [dreg:$0x1e];
	[sflag:s12] =	ssyncadd.s32 @!p0 $0xFFFFFF80  }
0x1d7: {  	[tilespmem:s14], [sflag:$0x3] =	stream.linear.gather @!p0 [hbm4b:s11+s6], $0x80, $0x38;
	[tilespmem:$0xC320] =	vst v63  }
0x1d8: {  	_ =	swait.ge @!p0 [sflag:s12], $0x80  }
0x1d9: {  	s6 =	simm.s32 @!p0 $0x80;
	[sflag:s12] =	ssyncset.done @!p0 $0x0  }
0x1da: {  	s11 =	simm.s32 @!p0 $0x4E20;
	[sflag:s12] =	ssyncadd.s32 @!p0 $0xFFFFFF80;
	s12 =	simm.s32 @!p0 $0x5B20  }
0x1db: {  	[tilespmem:s12], [sflag:$0x1] =	stream.indirect.gather @!p0 [spmem:s2], $0x10, s11, s6, $0xb8;
	[tilespmem:$0xC320] =	vst v63  }
0x1dc: {  	s11 =	simm.s32 @!p0 $0x1  }
0x1dd: {  	_ =	swait.ge @!p0 [sflag:s11], $0x800  }
0x1de: {  	[sflag:s11] =	ssyncset.done @!p0 $0x0  }
0x1df: {  	[sflag:s11] =	ssyncadd.s32 @!p0 $0xFFFFF800  }
0x1e0: {  	[spmem:s3] =	stream.indirect.scatter.add.f32 @!p0 [tilespmem:s12], [sflag:$0x2], $0x10, s14, s6, $0xb8;
	[tilespmem:$0xC320] =	vst v63  }
0x1e1: {  	s6 =	simm.s32 @!p0 $0x2  }
0x1e2: {  	_ =	swait.ge @!p0 [sflag:s6], $0x800  }
0x1e3: {  	[sflag:s6] =	ssyncset.done @!p0 $0x0  }
0x1e4: {  	[sflag:s6] =	ssyncadd.s32 @!p0 $0xFFFFF800  }
0x1e5: {  	[bflag:$0x0] =	sbarrier.arrive $0xFFFF  }
0x1e6: {  	s14 =	sld [smem:$0x7FD]  }
0x1e7: {  	s11 =	rddreg [dreg:$0x1b]  }
0x1e8: {  	s12 =	rddreg [dreg:$0x1f]  }
0x1e9: {  	[hbm:s12], [sflag:s11] =	dma.local [spmem:s14], $0x4E2  }
0x1ea: {  	_ =	swait.ge [sflag:s13], $0x4E2  }
0x1eb: {  	s6 =	sld [smem:$0x7FA];
	_ =	sdelay $0x2  }
0x1ec: {  	s12 =	sadd.s32 $0x1, s6;
	s6 =	sld [smem:$0x7FB];
	_ =	sdelay $0x2  }
0x1ed: {  	p1 =	sne.s32 s12, s6  }
.Ltmp1:
0x1ee: {  	_ = 	snop;
	(pc) =	sbr.rel @p1 .LBB2_1-.Ltmp1, $3  }
0x1ef: {  	_ =	sdelay $0x1  }
0x1f0: {  	[sflag:s13] =	ssyncset.done $0x0  }
0x1f1: {  	[sflag:s13] =	ssyncadd.s32 $0xFFFFFB1E  }
0x1f2: {  	_ =	sfence.sel $0x180000  }
0x1f3: {  	[bflag:$0x0] =	sbarrier.arrive $0xFFFF  }
0x1f4: {  	_ =	strace $0x9000004D  }
0x1f5: {  	s0 =	stileid.u32;
	[bflag:$0x2] =	sbarrier.arrive $0xFFFF  }
0x1f6: {  	p0 =	sne.s32 s0, $0x0;
	s0 =	rddreg [dreg:$0x4]  }
0x1f7: {  	s0 =	sadd.s32 @!p0 $0x100000, s0  }
0x1f8: {  	[sflag:s0] =	ssyncadd.tile.s32 @!p0 $0x1;
	_ =	shalt  }
.Lfunc_end2:
_tile_overlayer_lowered:
.L_overlay_start_2:
0x1f9: {  	(tag) =	ssettag $0x2  }
0x1fa: {  	s0 =	rddreg [dreg:$0x0];
	s2 =	stileid.u32  }
0x1fb: {  	s1 =	rddreg [dreg:$0x1];
	p0 =	sne.s32 s2, $0x0  }
0x1fc: {  	s3 =	rddreg [dreg:$0x2];
	[bflag:$0x3] =	sbarrier.arrive $0xFFFF;
	s2 =	simm.s32 @!p0 $0x1C03  }
0x1fd: {  	[timem:s3], [sflag:s2] =	dma.local @!p0 [hbm:s0], s1  }
0x1fe: {  	s0 =	simm.s32 @!p0 $0x3  }
0x1ff: {  	_ =	swait.ge @!p0 [sflag:s0], s1  }
0x200: {  	s1 =	ssub.s32 @!p0 $0x0, s1;
	[sflag:s0] =	ssyncset.done @!p0 $0x0  }
0x201: {  	[sflag:s0] =	ssyncadd.s32 @!p0 s1  }
0x202: {  	[bflag:$0x3] =	sbarrier.arrive $0xFFFF  }
0x203: {  	_ =	shalt  }

// kernel: kernel.9.cloned.1.call-start
scs
__scs_entry_jumppad:
0x0: {  	(pc) =	sbr.rel $0x88, $3  }
0x1: {  	(tag) =	ssettag $0x0;
	lr =	simm.s32 $0x1  }
0x2: {  	[smem:$0x3F9B] =	sst lr;
	_ =	strace $0xD0000000  }
0x3: {  	_ = 	snop  }
0x4: {  	_ = 	snop  }
0x5: {  	_ = 	snop  }
0x6: {  	_ = 	snop  }
0x7: {  	_ = 	snop  }
__scs_overlays_trampoline_lowered:
0x8: {  	[smem:$0x3FAA] =	sst s0  }
0x9: {  	[smem:$0x3FAB] =	sst s1  }
0xa: {  	[smem:$0x3FAC] =	sst s2  }
0xb: {  	[smem:$0x3FAD] =	sst s3  }
0xc: {  	[smem:$0x3FAE] =	sst s4  }
0xd: {  	[smem:$0x3FAF] =	sst s5  }
0xe: {  	[smem:$0x3FB0] =	sst s6  }
0xf: {  	[smem:$0x3FB1] =	sst s7  }
0x10: {  	[smem:$0x3FB2] =	sst s8  }
0x11: {  	[smem:$0x3FB3] =	sst s9;
	s0 =	simm.s32 @!p0 $0x0  }
0x12: {  	s1 =	sld [smem:$0x3F99];
	s0 =	simm.s32 @p0 $0x1  }
0x13: {  	[smem:$0x3FB4] =	sst s0;
	s0 =	simm.s32 @!p1 $0x0  }
0x14: {  	s2 =	sld [smem:$0x3F98];
	s0 =	simm.s32 @p1 $0x1  }
0x15: {  	[smem:$0x3FB5] =	sst s0;
	s0 =	simm.s32 @!p2 $0x0  }
0x16: {  	s3 =	sld [smem:$0x3FDB];
	s0 =	simm.s32 @p2 $0x1  }
0x17: {  	s4 =	simm.s32 $0x1BF5;
	[smem:$0x3FB7] =	sst s0  }
0x18: {  	s0 =	sld [smem:$0x3F9A];
	_ =	swait.ge [sflag:s4], $0x0  }
0x19: {  	s7 =	sld [smem:$0x3F9B]  }
0x1a: {  	s8 =	sadd.s32 $0xFFFFE003, lr  }
0x1b: {  	s9 =	sadd.s32 $0xFFFFFEF7, lr;
	s5 =	simm.s32 $0xFFFFFFFF;
	p2 =	slt.u32 s8, $0xFFFFF086  }
0x1c: {  	p1 =	slt.u32 s9, $0xF7A;
	s5 =	simm.s32 @!p2 $0x0  }
0x1d: {  	s5 =	simm.s32 @p1 $0x1;
	p0 =	seq.s32 s7, s2  }
0x1e: {  	s7 =	smul.u32 @!p0 $0xF7A, s2;
	p2 =	seq.s32 @!p0 s5, $0x0  }
0x1f: {  	s9 =	smul.u32 $0xF7A, s1;
	s8 =	simm.s32 @!p0 $0x1BF5;
	p2 =	por !p2, p0  }
0x20: {  	[sflag:s8] =	ssyncset.s32 @!p0 $0xFFFFF086;
	s6 =	sadd.s32 @!p0 s3, s7;
	s7 =	simm.s32 @!p0 $0x108  }
0x21: {  	s3 =	sadd.s32 s3, s9;
	s6 =	sadd.s32 @!p0 $0x88, s6;
	s7 =	simm.s32 @p2 $0x1082  }
0x22: {  	[simem:s7], [sflag:s8] =	dma.local @!p0 [hbm:s6], $0xF7A  }
0x23: {  	s9 =	sor.u32 $0xD0000000, s2;
	s6 =	simm.s32 $0x108;
	_ =	swait.ge @!p0 [sflag:s8], $0x0  }
0x24: {  	s3 =	sadd.s32 $0x88, s3;
	s6 =	simm.s32 @!p1 $0x1082;
	[sflag:s4] =	ssyncset.s32 $0xFFFFF086  }
0x25: {  	[simem:s6], [sflag:s4] =	dma.local [hbm:s3], $0xF7A  }
0x26: {  	[smem:$0x3F9B] =	sst s1;
	(tag) =	ssettag s2;
	_ =	strace s9  }
0x27: {  	s1 =	sld [smem:$0x3FAB]  }
0x28: {  	s2 =	sld [smem:$0x3FAC]  }
0x29: {  	s4 =	sld [smem:$0x3FAE]  }
0x2a: {  	p0 =	seq.s32 s5, $0x0;
	s5 =	sld [smem:$0x3FAF]  }
0x2b: {  	s6 =	sld [smem:$0x3FB0]  }
0x2c: {  	s7 =	sld [smem:$0x3FB1]  }
0x2d: {  	s3 =	simm.s32 $0x108;
	s8 =	sld [smem:$0x3FB2]  }
0x2e: {  	s3 =	simm.s32 @!p0 $0x1082;
	s9 =	sld [smem:$0x3FB3]  }
0x2f: {  	lr =	sadd.s32 s0, s3;
	s0 =	sld [smem:$0x3FAA]  }
0x30: {  	s3 =	sld [smem:$0x3FAD]  }
0x31: {  	[smem:$0x3FB6] =	sst s10  }
0x32: {  	s10 =	sld [smem:$0x3FB4];
	_ =	sdelay $0x3  }
0x33: {  	p0 =	seq.s32 s10, $0x1;
	s10 =	sld [smem:$0x3FB6];
	_ =	sdelay $0x3  }
0x34: {  	[smem:$0x3FB6] =	sst s10  }
0x35: {  	s10 =	sld [smem:$0x3FB5];
	_ =	sdelay $0x3  }
0x36: {  	p1 =	seq.s32 s10, $0x1;
	s10 =	sld [smem:$0x3FB6];
	_ =	sdelay $0x3  }
0x37: {  	[smem:$0x3FB6] =	sst s10  }
0x38: {  	s10 =	sld [smem:$0x3FB7]  }
0x39: {  	_ = 	snop;
	(pc) =	sbr.ind lr, $3  }
0x3a: {  	_ = 	snop  }
0x3b: {  	_ = 	snop  }
0x3c: {  	p2 =	seq.s32 s10, $0x1;
	s10 =	sld [smem:$0x3FB6]  }
0x3d: {  	_ =	shalt  }
0x3e: {  	_ =	shalt  }
0x3f: {  	_ =	shalt  }
0x40: {  	_ =	shalt  }
0x41: {  	_ =	shalt  }
0x42: {  	_ =	shalt  }
0x43: {  	_ =	shalt  }
0x44: {  	_ =	shalt  }
0x45: {  	_ =	shalt  }
0x46: {  	_ =	shalt  }
0x47: {  	_ =	shalt  }
0x48: {  	_ =	shalt  }
0x49: {  	_ =	shalt  }
0x4a: {  	_ =	shalt  }
0x4b: {  	_ =	shalt  }
0x4c: {  	_ =	shalt  }
0x4d: {  	_ =	shalt  }
0x4e: {  	_ =	shalt  }
0x4f: {  	_ =	shalt  }
0x50: {  	_ =	shalt  }
0x51: {  	_ =	shalt  }
0x52: {  	_ =	shalt  }
0x53: {  	_ =	shalt  }
0x54: {  	_ =	shalt  }
0x55: {  	_ =	shalt  }
0x56: {  	_ =	shalt  }
0x57: {  	_ =	shalt  }
0x58: {  	_ =	shalt  }
0x59: {  	_ =	shalt  }
0x5a: {  	_ =	shalt  }
0x5b: {  	_ =	shalt  }
0x5c: {  	_ =	shalt  }
0x5d: {  	_ =	shalt  }
0x5e: {  	_ =	shalt  }
0x5f: {  	_ =	shalt  }
0x60: {  	_ =	shalt  }
0x61: {  	_ =	shalt  }
0x62: {  	_ =	shalt  }
0x63: {  	_ =	shalt  }
0x64: {  	_ =	shalt  }
0x65: {  	_ =	shalt  }
0x66: {  	_ =	shalt  }
0x67: {  	_ =	shalt  }
0x68: {  	_ =	shalt  }
0x69: {  	_ =	shalt  }
0x6a: {  	_ =	shalt  }
0x6b: {  	_ =	shalt  }
0x6c: {  	_ =	shalt  }
0x6d: {  	_ =	shalt  }
0x6e: {  	_ =	shalt  }
0x6f: {  	_ =	shalt  }
0x70: {  	_ =	shalt  }
0x71: {  	_ =	shalt  }
0x72: {  	_ =	shalt  }
0x73: {  	_ =	shalt  }
0x74: {  	_ =	shalt  }
0x75: {  	_ =	shalt  }
0x76: {  	_ =	shalt  }
0x77: {  	_ =	shalt  }
0x78: {  	_ =	shalt  }
0x79: {  	_ =	shalt  }
0x7a: {  	_ =	shalt  }
0x7b: {  	_ =	shalt  }
0x7c: {  	_ =	shalt  }
0x7d: {  	_ =	shalt  }
0x7e: {  	_ =	shalt  }
0x7f: {  	_ =	shalt  }
0x80: {  	_ =	shalt  }
0x81: {  	_ =	shalt  }
0x82: {  	_ =	shalt  }
0x83: {  	_ =	shalt  }
0x84: {  	_ =	shalt  }
0x85: {  	_ =	shalt  }
0x86: {  	_ =	shalt  }
0x87: {  	_ =	shalt  }
.Lfunc_end0:
.L_simem_size_0:
called_computation_lowered:
.L_overlay_start_0:
0x88: {  	s2 =	sld [smem:$0x3FD9]  }
0x89: {  	s3 =	sld [smem:$0x3FFE];
	_ =	sdelay $0x1  }
0x8a: {  	s1 =	srdreg.scid  }
0x8b: {  	s0 =	sand.u32 $0x1, s1  }
0x8c: {  	s16 =	sshll.u32 s0, $0xA;
	s2 =	sadd.s32 s3, s2  }
0x8d: {  	s2 =	sadd.s32 s2, s16  }
0x8e: {  	[smem:$0x3FC2] =	sst s2  }
0x8f: {  	_ = 	snop  }
0x90: {  	(tm) =	ssettm $0x1  }
0x91: {  	s17 =	sld [smem:$0x3FFB];
	_ =	sdelay $0x3  }
0x92: {  	_ =	strace s17  }
0x93: {  	s2 =	sld [smem:$0x3FFC];
	_ =	sdelay $0x3  }
0x94: {  	_ =	strace s2  }
0x95: {  	s2 =	sld [smem:$0x3FFD];
	_ =	sdelay $0x3  }
0x96: {  	_ =	strace s2  }
0x97: {  	_ =	strace $0x8FFFFFFF  }
0x98: {  	s18 =	sld [smem:$0x3FDB];
	_ =	sdelay $0x1  }
0x99: {  	s19 =	simm.s32 $_scs_section_size  }
0x9a: {  	s4 =	simm.s32 $_size__tile_overlayer_lowered;
	s5 =	simm.s32 $_tile_overlayer_lowered  }
0x9b: {  	s22 =	simm.s32 $0x1BFF;
	s21 =	sshll.u32 s5, $0x1;
	s2 =	sadd.s32 s19, s18  }
0x9c: {  	s6 =	simm.s32 $0x0;
	s20 =	sshll.u32 s4, $0x1;
	s4 =	sadd.s32 s21, s2  }
0x9d: {  	[timem:s6], [sflag:s22] =	dma.local [hbm:s4], s20  }
0x9e: {  	_ =	swait.ge [sflag:s22], s20  }
0x9f: {  	s3 =	ssub.s32 $0x0, s20;
	[sflag:s22] =	ssyncset.done $0x0  }
0xa0: {  	[sflag:s22] =	ssyncadd.s32 s3;
	_ =	sdelay $0x1  }
0xa1: {  	s23 =	simm.s32 $0x1B8B  }
0xa2: {  	_ =	swait.ge [sflag:s23], $0x1  }
0xa3: {  	[sflag:s23] =	ssyncset.done $0x0  }
0xa4: {  	s25 =	simm.s32 $0x1B8E;
	s24 =	sld [smem:$0x3FFE];
	[sflag:s23] =	ssyncadd.s32 $0xFFFFFFFF  }
0xa5: {  	s26 =	simm.s32 $execute0_lowered;
	[smem:$0x3FD2] =	sst s25  }
0xa6: {  	s4 =	sshll.u32 s26, $0x1;
	_ =	strace $0x80000046;
	[dreg:$0x1] =	wrdreg $0xFFFFFFFF  }
0xa7: {  	s28 =	simm.s32 $_size_execute0_lowered;
	s2 =	sadd.s32 s2, s4;
	[dreg:$0x0] =	wrdreg $0x0  }
0xa8: {  	s4 =	sshll.u32 s28, $0x1;
	[dreg:$0x2] =	wrdreg s2  }
0xa9: {  	[dreg:$0x3] =	wrdreg s4  }
0xaa: {  	[dreg:$0x4] =	wrdreg $0xC0  }
0xab: {  	_ =	task [dreg:s6], $0x5FFFF  }
0xac: {  	[dreg:$0x1] =	wrdreg $0xFFFFFFFF  }
0xad: {  	[dreg:$0x0] =	wrdreg $0x60  }
0xae: {  	[dreg:$0x2] =	wrdreg s24  }
0xaf: {  	[dreg:$0x3] =	wrdreg $0x9  }
0xb0: {  	_ =	task.clear_ibuf [dreg:s6], $0x4FFFF;
	_ =	strace $0x90000046  }
0xb1: {  	s29 =	simm.s32 $0x9;
	_ =	strace $0x80000048  }
0xb2: {  	_ =	swait.ge [sflag:s29], $0x1  }
0xb3: {  	[sflag:s29] =	ssyncadd.s32 $0xFFFFFFFF  }
0xb4: {  	_ =	strace $0x90000048  }
0xb5: {  	_ =	sfence  }
0xb6: {  	s30 =	sld [smem:$0x0];
	_ =	sdelay $0x2  }
0xb7: {  	s31 =	sshll.u32 s1, $0xD;
	s1 =	sshrl.u32 s1, $0x2  }
0xb8: {  	s3 =	sand.u32 $0x4000, s31;
	s1 =	sadd.s32 s1, s30  }
0xb9: {  	s0 =	sor.u32 s3, s0;
	s1 =	sshll.u32 s1, $0x11  }
0xba: {  	s0 =	sor.u32 s1, s0  }
0xbb: {  	s0 =	sadd.s32 $0x8F2B, s0  }
0xbc: {  	[sflag:s0] =	ssyncadd.remote.s32 $0x1  }
0xbd: {  	_ =	sfence.sel $0xFFFF  }
0xbe: {  	[dreg:$0x0] =	wrdreg $0xFFFFFFFF;
	(pc) =	sbr.abs _section_cstart, $3  }
0xbf: {  	[dreg:$0x1] =	wrdreg $0xFFFFFFFF  }
0xc0: {  	_ =	task.clear_ibuf [dreg:s6], $0x2FFFF;
	_ =	strace $0x9FFFFFFF  }
0xc1: {  	(tm) =	ssettm $0x7FFFFFFF  }
tec
execute0_lowered:
.L_overlay_start_1:
0x0: {  	(tag) =	ssettag $0x1  }
0x1: {  	s4 =	rddreg [dreg:$0x0]  }
0x2: {  	s0 =	rddreg [dreg:$0x1]  }
0x3: {  	s3 =	srdreg.scid;
	s1 =	stileid.u32;
	s2 =	simm.s32 $0x0  }
0x4: {  	s10 =	simm.s32 $0x0;
	s5 =	sand.u32 $0x1, s3;
	s30 =	sshll.u32 s1, $0x1  }
0x5: {  	[smem:$0x7FF] =	sst s2;
	s3 =	sadd.s32 $0x1800, s4;
	s6 =	sor.u32 s5, s30  }
0x6: {  	p0 =	sgt.u32 s1, $0x1;
	s5 =	ssub.s32 $0x2, s5;
	s7 =	smul.u32 $0x4E2, s6  }
0x7: {  	_ =	strace $0x80000047;
	s8 =	sshll.u32 s6, $0x4;
	s31 =	sshrl.u32 s5, $0x1  }
0x8: {  	s8 =	sadd.s32 s8, s3;
	s9 =	ssub.s32 s5, s31;
	s7 =	sadd.s32 s7, s4  }
0x9: {  	s4 =	smul.u32 $0x4E, s6;
	s5 =	sadd.s32 $0x9C00, s8;
	s8 =	simm.s32 $0x2710  }
0xa: {  	v0 =	vimm.s32 $0x0;
	v1 =	vimm.s32 $0x1;
	s6 =	sadd.s32 $0xB600, s7;
	s7 =	smax.u32 s9, $0x1;
	s9 =	simm.s32 $0x1  }
.LBB2_1:
0xb: {  	s11 =	simm.s32 $0x40;
	s12 =	simm.s32 $0x0  }
.LBB2_2:
0xc: {  	p1 =	sne.s32 s11, $0x9C00;
	[tilespmem:s12+$0x0] =	vst v0;
	s12 =	smov.u32 s11;
	s11 =	sadd.s32 $0x40, s11  }
.Ltmp0:
0xd: {  	(pc) =	sbr.rel @p1 .LBB2_2-.Ltmp0, $2  }
0xe: {  	_ =	sdelay $0x2  }
0xf: {  	s12 =	sshra.s32 s12, $0x2  }
0x10: {  	[tilespmem:s12+$0x0] =	vst v0;
	s11 =	simm.s32 $0x0;
	s12 =	simm.s32 $0x0  }
.LBB2_4:
0x11: {  	s13 =	smul.u32 $0xD, s12;
	_ =	sdelay $0x1  }
0x12: {  	s13 =	sadd.s32 s4, s13  }
0x13: {  	s13 =	sshll.u32 s13, $0x4  }
0x14: {  	s13 =	sadd.s32 s3, s13  }
0x15: {  	[tilespmem:s8], [sflag:$0x1] =	stream.linear.gather [hbm4b:s13+s11], $0x680, $0x38;
	[tilespmem:$0x2D90] =	vst v63  }
0x16: {  	_ =	swait.ge [sflag:s9], $0x680  }
0x17: {  	[sflag:s9] =	ssyncset.done $0x0  }
0x18: {  	s13 =	simm.s32 $0x0;
	[sflag:s9] =	ssyncadd.s32 $0xFFFFF980  }
.LBB2_5:
0x19: {  	s14 =	sshra.s32 s13, $0x2  }
0x1a: {  	v2 =	vld [tilespmem:s14+$0x2710];
	_ =	sdelay $0x7  }
0x1b: {  	[tilespmem:v2+s2+$0x0] =	vst.idx.add.s32.msk $0xffff, v1  }
0x1c: {  	v2 =	vld [tilespmem:s14+$0x2720];
	_ =	sdelay $0x7  }
0x1d: {  	[tilespmem:v2+s2+$0x0] =	vst.idx.add.s32.msk $0xffff, v1  }
0x1e: {  	v2 =	vld [tilespmem:s14+$0x2730];
	_ =	sdelay $0x7  }
0x1f: {  	[tilespmem:v2+s2+$0x0] =	vst.idx.add.s32.msk $0xffff, v1  }
0x20: {  	v2 =	vld [tilespmem:s14+$0x2740];
	_ =	sdelay $0x7  }
0x21: {  	[tilespmem:v2+s2+$0x0] =	vst.idx.add.s32.msk $0xffff, v1  }
0x22: {  	v2 =	vld [tilespmem:s14+$0x2750];
	_ =	sdelay $0x7  }
0x23: {  	[tilespmem:v2+s2+$0x0] =	vst.idx.add.s32.msk $0xffff, v1  }
0x24: {  	v2 =	vld [tilespmem:s14+$0x2760];
	_ =	sdelay $0x7  }
0x25: {  	[tilespmem:v2+s2+$0x0] =	vst.idx.add.s32.msk $0xffff, v1  }
0x26: {  	v2 =	vld [tilespmem:s14+$0x2770];
	_ =	sdelay $0x7  }
0x27: {  	[tilespmem:v2+s2+$0x0] =	vst.idx.add.s32.msk $0xffff, v1  }
0x28: {  	v2 =	vld [tilespmem:s14+$0x2780];
	_ =	sdelay $0x2  }
0x29: {  	p1 =	sne.s32 s13, $0x1800  }
.Ltmp1:
0x2a: {  	_ = 	snop;
	(pc) =	sbr.rel @p1 .LBB2_5-.Ltmp1, $2  }
0x2b: {  	_ =	sdelay $0x2  }
0x2c: {  	s13 =	sadd.s32 $0x200, s13;
	[tilespmem:v2+s2+$0x0] =	vst.idx.add.s32.msk $0xffff, v1  }
0x2d: {  	s12 =	sadd.s32 $0x1, s12  }
0x2e: {  	p1 =	sne.s32 s12, $0x6  }
.Ltmp2:
0x2f: {  	_ = 	snop;
	(pc) =	sbr.rel @p1 .LBB2_4-.Ltmp2, $1  }
0x30: {  	_ =	sdelay $0x3  }
0x31: {  	s11 =	simm.s32 @!p0 $0x0;
	s12 =	simm.s32 @!p0 $0x2710  }
0x32: {  	[tilespmem:s12], [sflag:$0x1] =	stream.linear.gather @!p0 [hbm4b:s5+s11], $0x80, $0x38;
	[tilespmem:$0x2D90] =	vst v63  }
0x33: {  	s12 =	simm.s32 @!p0 $0x1  }
0x34: {  	_ =	swait.ge @!p0 [sflag:s12], $0x80  }
0x35: {  	[sflag:s12] =	ssyncset.done @!p0 $0x0  }
0x36: {  	[sflag:s12] =	ssyncadd.s32 @!p0 $0xFFFFFF80  }
0x37: {  	v2 =	vld @!p0 [tilespmem:$0x2710];
	_ =	sdelay $0x6  }
0x38: {  	v3 =	vimm.s32 @!p0 $0x1  }
0x39: {  	[tilespmem:v2+s11+$0x0] =	vst.idx.add.s32.msk @!p0 $0xffff, v3  }
0x3a: {  	v2 =	vld @!p0 [tilespmem:$0x2720];
	_ =	sdelay $0x7  }
0x3b: {  	[tilespmem:v2+s11+$0x0] =	vst.idx.add.s32.msk @!p0 $0xffff, v3  }
0x3c: {  	v2 =	vld @!p0 [tilespmem:$0x2730];
	_ =	sdelay $0x7  }
0x3d: {  	[tilespmem:v2+s11+$0x0] =	vst.idx.add.s32.msk @!p0 $0xffff, v3  }
0x3e: {  	v2 =	vld @!p0 [tilespmem:$0x2740];
	_ =	sdelay $0x7  }
0x3f: {  	[tilespmem:v2+s11+$0x0] =	vst.idx.add.s32.msk @!p0 $0xffff, v3  }
0x40: {  	v2 =	vld @!p0 [tilespmem:$0x2750];
	_ =	sdelay $0x7  }
0x41: {  	[tilespmem:v2+s11+$0x0] =	vst.idx.add.s32.msk @!p0 $0xffff, v3  }
0x42: {  	v2 =	vld @!p0 [tilespmem:$0x2760];
	_ =	sdelay $0x7  }
0x43: {  	[tilespmem:v2+s11+$0x0] =	vst.idx.add.s32.msk @!p0 $0xffff, v3  }
0x44: {  	v2 =	vld @!p0 [tilespmem:$0x2770];
	_ =	sdelay $0x7  }
0x45: {  	[tilespmem:v2+s11+$0x0] =	vst.idx.add.s32.msk @!p0 $0xffff, v3  }
0x46: {  	v2 =	vld @!p0 [tilespmem:$0x2780];
	_ =	sdelay $0x5  }
0x47: {  	s10 =	sadd.s32 $0x1, s10  }
0x48: {  	p1 =	sne.s32 s10, s7  }
.Ltmp3:
0x49: {  	[tilespmem:v2+s11+$0x0] =	vst.idx.add.s32.msk @!p0 $0xffff, v3;
	(pc) =	sbr.rel @p1 .LBB2_1-.Ltmp3, $4  }
0x4a: {  	[hbm4b:s6+s2] =	stream.linear.scatter [tilespmem:s2], [sflag:$0x1], $0x2710, $0x38;
	[tilespmem:$0x2D90] =	vst v63  }
0x4b: {  	_ =	swait.ge [sflag:s9], $0x2710  }
0x4c: {  	[sflag:s9] =	ssyncset.done $0x0  }
0x4d: {  	[sflag:s9] =	ssyncadd.s32 $0xFFFFD8F0  }
0x4e: {  	_ =	sfence.sel $0x180000  }
0x4f: {  	[bflag:$0x0] =	sbarrier.arrive $0xFFFF  }
0x50: {  	p0 =	sne.s32 s1, $0x0;
	_ =	strace $0x90000047  }
0x51: {  	s0 =	sadd.s32 @!p0 $0x100000, s0;
	[bflag:$0x2] =	sbarrier.arrive $0xFFFF  }
0x52: {  	[sflag:s0] =	ssyncadd.tile.s32 @!p0 $0x1;
	_ =	shalt  }
.Lfunc_end2:
_tile_overlayer_lowered:
.L_overlay_start_2:
0x53: {  	(tag) =	ssettag $0x2  }
0x54: {  	s0 =	rddreg [dreg:$0x0];
	s2 =	stileid.u32  }
0x55: {  	s1 =	rddreg [dreg:$0x1];
	p0 =	sne.s32 s2, $0x0  }
0x56: {  	s3 =	rddreg [dreg:$0x2];
	[bflag:$0x3] =	sbarrier.arrive $0xFFFF;
	s2 =	simm.s32 @!p0 $0x1C01  }
0x57: {  	[timem:s3], [sflag:s2] =	dma.local @!p0 [hbm:s0], s1  }
0x58: {  	s0 =	simm.s32 @!p0 $0x1  }
0x59: {  	_ =	swait.ge @!p0 [sflag:s0], s1  }
0x5a: {  	s1 =	ssub.s32 @!p0 $0x0, s1;
	[sflag:s0] =	ssyncset.done @!p0 $0x0  }
0x5b: {  	[sflag:s0] =	ssyncadd.s32 @!p0 s1  }
0x5c: {  	[bflag:$0x3] =	sbarrier.arrive $0xFFFF  }
0x5d: {  	_ =	shalt  }

</sc_bundles>
